<compile_context>
chip_gen: v7x
topology: tpu7x:2x2x1
jax: 0.10.2.dev20260603
libtpu: 0.0.44.dev20260713+nightly
codegen_flags: <defaults>
</compile_context>

<pallas_src>
import functools
import jax
import jax.numpy as jnp
from jax import lax
from jax.experimental import pallas as pl
from jax.experimental.pallas import tpu as pltpu
from jax.experimental.pallas import tpu_sc as plsc

N = 10000
E = 320000
D = 128
H = 8
DH = 16
SEM_HID = 128

NC = 2
NS = 16
EC = 80
E_PER_TILE = E // NS
N_CHUNKS = E_PER_TILE // EC
PP = 80
N_PP_CHUNKS = N // PP


def _dyn_gather(v, idx):
    dn = lax.GatherDimensionNumbers(
        offset_dims=(), collapsed_slice_dims=(0,), start_index_map=(0,))
    return lax.gather(v, idx[:, None], dn, (1,),
                      mode=lax.GatherScatterMode.PROMISE_IN_BOUNDS)



def _prep_body(x_ref, w_ref, p_ref, fb_ref, elr_ref):
    f = jnp.dot(x_ref[...], w_ref[0], preferred_element_type=jnp.float32)
    fb_ref[0] = f.astype(jnp.bfloat16)
    elr_ref[0] = jnp.dot(f, p_ref[0], preferred_element_type=jnp.float32)


def _prep(x, W2, P2):
    blk = 1000
    grid = (2, N // blk)
    return pl.pallas_call(
        _prep_body,
        grid=grid,
        in_specs=[
            pl.BlockSpec((blk, D), lambda p, i: (i, 0)),
            pl.BlockSpec((1, D, D), lambda p, i: (p, 0, 0)),
            pl.BlockSpec((1, D, DH), lambda p, i: (p, 0, 0)),
        ],
        out_specs=[
            pl.BlockSpec((1, blk, D), lambda p, i: (p, i, 0)),
            pl.BlockSpec((1, blk, DH), lambda p, i: (p, i, 0)),
        ],
        out_shape=[
            jax.ShapeDtypeStruct((2, N, D), jnp.bfloat16),
            jax.ShapeDtypeStruct((2, N, DH), jnp.float32),
        ],
    )(x, W2, P2)



def _sc_body(feat_hbm, elr_hbm, srcb_hbm, dstb_hbm, dstr_hbm, z_hbm,
             srci0, srci1, dsti0, dsti1, dstri0, dstri1, sdst0, sdst1,
             rows0, rows1, srows0, srows1,
             elrs0, elrs1, elrd0, elrd1, abuf0, abuf1,
             g0, g1, s0, s1, i0, i1, acc, accd):
    c = lax.axis_index("c")
    s = lax.axis_index("s")
    iota = lax.iota(jnp.int32, 16)
    swap_idx = (iota + 8) & 15
    srci = (srci0, srci1)
    dsti = (dsti0, dsti1)
    dstri = (dstri0, dstri1)
    sdst = (sdst0, sdst1)
    rows = (rows0, rows1)
    srows = (srows0, srows1)
    elrs = (elrs0, elrs1)
    elrd = (elrd0, elrd1)
    abuf = (abuf0, abuf1)
    gsem = (g0, g1)
    ssem = (s0, s1)
    isem = (i0, i1)

    def zero_rows(r, _):
        for j in range(D // 16):
            srows0[r, pl.ds(16 * j, 16)] = jnp.zeros((16,), jnp.float32)
        elrs0[r] = jnp.zeros((16,), jnp.float32)
        return 0

    lax.fori_loop(0, EC, zero_rows, 0)

    n_strided = (N_PP_CHUNKS + NS - 1) // NS

    def strided(body):
        def step(t, _):
            m = s + t * NS
            lax.cond(m < N_PP_CHUNKS, lambda: body(m), lambda: None)
            return 0

        lax.fori_loop(0, n_strided, step, 0)

    def zero_chunk(m):
        pltpu.sync_copy(srows0, acc.at[pl.ds(m * PP, PP)])
        pltpu.sync_copy(elrs0, accd.at[pl.ds(m * PP, PP)])

    strided(zero_chunk)
    plsc.subcore_barrier()

    base_e = c * E + s * E_PER_TILE

    def issue_idx(k, p):
        off = base_e + k * EC
        pltpu.async_copy(srcb_hbm.at[pl.ds(off, EC)], srci[p], isem[p])
        pltpu.async_copy(dstb_hbm.at[pl.ds(off, EC)], dsti[p], isem[p])
        pltpu.async_copy(dstr_hbm.at[pl.ds(off, EC)], dstri[p], isem[p])

    def drain_idx(p):
        for buf in (srci[p], dsti[p], dstri[p]):
            pltpu.make_async_copy(srcb_hbm.at[pl.ds(0, EC)], buf,
                                  isem[p]).wait()

    def issue_gathers(p):
        pltpu.async_copy(feat_hbm.at[srci[p]], rows[p], gsem[p])
        pltpu.async_copy(elr_hbm.at[srci[p]], elrs[p], gsem[p])
        pltpu.async_copy(elr_hbm.at[dsti[p]], elrd[p], gsem[p])

    def drain_gathers(p):
        pltpu.make_async_copy(feat_hbm.at[pl.ds(0, EC)], rows[p],
                              gsem[p]).wait()
        pltpu.make_async_copy(elr_hbm.at[pl.ds(0, EC)], elrs[p],
                              gsem[p]).wait()
        pltpu.make_async_copy(elr_hbm.at[pl.ds(0, EC)], elrd[p],
                              gsem[p]).wait()

    def issue_scatter(p):
        for j in range(EC // 16):
            sdst[p][pl.ds(16 * j, 16)] = dstri[p][pl.ds(16 * j, 16)]
        pltpu.async_copy(srows[p], acc.at[sdst[p]], ssem[p], add=True)
        pltpu.async_copy(abuf[p], accd.at[sdst[p]], ssem[p], add=True)

    def drain_scatter(p):
        pltpu.make_async_copy(z_hbm.at[pl.ds(0, EC)], srows[p],
                              ssem[p]).wait()
        pltpu.make_async_copy(elr_hbm.at[pl.ds(0, EC)], abuf[p],
                              ssem[p]).wait()

    head_idx = [jnp.where(iota < 8, 2 * j, 2 * j + 1) for j in range(4)]
    col_ev = [32 * j + 2 * iota for j in range(4)]
    col_od = [32 * j + 2 * iota + 1 for j in range(4)]

    def compute(p):
        rbf, esp, edp, sap, srp = rows[p], elrs[p], elrd[p], abuf[p], srows[p]

        @plsc.parallel_loop(0, EC, unroll=4)
        def _(i):
            e = esp[i] + _dyn_gather(edp[i], swap_idx)
            e = jnp.where(e > 0, e, 0.2 * e)
            a = jnp.exp(e)
            sap[i] = a
            ivec = jnp.full((16,), i, jnp.int32)
            for j in range(4):
                fij = rbf[i, pl.ds(32 * j, 32)]
                f_ev, f_od = plsc.unpack(
                    fij, format=plsc.PackFormat.INTERLEAVED,
                    preferred_element_type=jnp.float32)
                ah = _dyn_gather(a, head_idx[j])
                plsc.store_scatter(srp, [ivec, col_ev[j]], f_ev * ah)
                plsc.store_scatter(srp, [ivec, col_od[j]], f_od * ah)

    def it(k, kdyn, do_sc_drain, do_idx_issue, do_next_gather):
        p = k % 2
        q = 1 - p
        drain_gathers(p)
        compute(p)
        issue_scatter(p)
        if do_idx_issue:
            issue_idx(kdyn + 2, p)
        if do_sc_drain:
            drain_scatter(q)
        if do_next_gather:
            drain_idx(q)
            issue_gathers(q)

    issue_idx(0, 0)
    issue_idx(1, 1)
    drain_idx(0)
    issue_gathers(0)
    it(0, 0, False, True, True)

    def step(t, _):
        k = 2 * t - 1
        it(1, k, True, True, True)
        it(0, k + 1, True, True, True)
        return 0

    lax.fori_loop(1, 124, step, 0)
    it(1, 247, True, True, True)
    it(0, 248, True, False, True)
    it(1, 249, True, False, False)
    drain_scatter(1)
    plsc.subcore_barrier()

    def pp_chunk(m):
        pltpu.sync_copy(acc.at[pl.ds(m * PP, PP)], srows0)
        pltpu.sync_copy(accd.at[pl.ds(m * PP, PP)], elrs0)

        @plsc.parallel_loop(0, PP, unroll=2)
        def _(r):
            dvec = elrs0[r]
            dvec = jnp.where(dvec == 0.0, 1.0, dvec)
            for h in range(H):
                dh = _dyn_gather(dvec, jnp.full((16,), h, jnp.int32))
                sl = pl.ds(16 * h, 16)
                v = srows0[r, sl] / dh
                v = jnp.where(v > 0, v, jnp.exp(jnp.minimum(v, 0.0)) - 1.0)
                srows0[r, sl] = v
        pltpu.sync_copy(srows0, z_hbm.at[pl.ds(c * N + m * PP, PP)])

    strided(pp_chunk)


def _sc_edges(feat, elr, srcb, dstb, dstr):
    mesh = plsc.VectorSubcoreMesh(core_axis_name="c", subcore_axis_name="s")
    return pl.kernel(
        _sc_body,
        out_type=jax.ShapeDtypeStruct((2 * N, D), jnp.float32),
        mesh=mesh,
        scratch_types=[
            pltpu.VMEM((EC,), jnp.int32),
            pltpu.VMEM((EC,), jnp.int32),
            pltpu.VMEM((EC,), jnp.int32),
            pltpu.VMEM((EC,), jnp.int32),
            pltpu.VMEM((EC,), jnp.int32),
            pltpu.VMEM((EC,), jnp.int32),
            pltpu.VMEM((EC,), jnp.int32),
            pltpu.VMEM((EC,), jnp.int32),
            pltpu.VMEM((EC, D), jnp.bfloat16),
            pltpu.VMEM((EC, D), jnp.bfloat16),
            pltpu.VMEM((EC, D), jnp.float32),
            pltpu.VMEM((EC, D), jnp.float32),
            pltpu.VMEM((EC, 16), jnp.float32),
            pltpu.VMEM((EC, 16), jnp.float32),
            pltpu.VMEM((EC, 16), jnp.float32),
            pltpu.VMEM((EC, 16), jnp.float32),
            pltpu.VMEM((EC, 16), jnp.float32),
            pltpu.VMEM((EC, 16), jnp.float32),
            pltpu.SemaphoreType.DMA,
            pltpu.SemaphoreType.DMA,
            pltpu.SemaphoreType.DMA,
            pltpu.SemaphoreType.DMA,
            pltpu.SemaphoreType.DMA,
            pltpu.SemaphoreType.DMA,
            pltpu.VMEM_SHARED((N, D), jnp.float32),
            pltpu.VMEM_SHARED((N, 16), jnp.float32),
        ],
        compiler_params=pltpu.CompilerParams(use_tc_tiling_on_sc=False, needs_layout_passes=False),
    )(feat, elr, srcb, dstb, dstr)



def _sem_body(z0_ref, z1_ref, w_ref, b_ref, q_ref, out_ref, acc):
    t = pl.program_id(0)
    i = pl.program_id(1)

    @pl.when(jnp.logical_and(t == 0, i == 0))
    def _():
        acc[0] = 0.0
        acc[1] = 0.0

    @pl.when(t == 0)
    def _():
        for p, zref in ((0, z0_ref), (1, z1_ref)):
            hid = jnp.tanh(
                jnp.dot(zref[0], w_ref[...],
                        preferred_element_type=jnp.float32) + b_ref[...])
            w = jnp.dot(hid, q_ref[...], preferred_element_type=jnp.float32)
            acc[p] += jnp.sum(w)

    @pl.when(t == 1)
    def _():
        s0 = acc[0] / N
        s1 = acc[1] / N
        m = jnp.maximum(s0, s1)
        e0 = jnp.exp(s0 - m)
        e1 = jnp.exp(s1 - m)
        b0 = e0 / (e0 + e1)
        b1 = e1 / (e0 + e1)
        out_ref[...] = b0 * z0_ref[0] + b1 * z1_ref[0]


def _semantic(z2, W_sem, b_sem, q_sem):
    blk = 1000
    grid = (2, N // blk)
    return pl.pallas_call(
        _sem_body,
        grid=grid,
        in_specs=[
            pl.BlockSpec((1, blk, D), lambda t, i: (0, i, 0)),
            pl.BlockSpec((1, blk, D), lambda t, i: (1, i, 0)),
            pl.BlockSpec((D, SEM_HID), lambda t, i: (0, 0)),
            pl.BlockSpec((1, SEM_HID), lambda t, i: (0, 0)),
            pl.BlockSpec((SEM_HID, 1), lambda t, i: (0, 0)),
        ],
        out_specs=pl.BlockSpec((blk, D), lambda t, i: (i, 0)),
        out_shape=jax.ShapeDtypeStruct((N, D), jnp.float32),
        scratch_shapes=[pltpu.SMEM((2,), jnp.float32)],
    )(z2, z2, W_sem, b_sem, q_sem)



def kernel(x, edge_index_mp0, edge_index_mp1, W_mp0, attn_l_mp0, attn_r_mp0,
           W_mp1, attn_l_mp1, attn_r_mp1, W_sem, b_sem, q_sem):
    W2 = jnp.stack([W_mp0, W_mp1])
    def mk_p2(al, ar):
        pm = jnp.zeros((D, 2 * H), jnp.float32)
        rows = (jnp.arange(H)[:, None] * DH + jnp.arange(DH)[None, :])
        pm = pm.at[rows.reshape(-1), jnp.repeat(jnp.arange(H), DH)].set(
            al.reshape(-1))
        pm = pm.at[rows.reshape(-1), H + jnp.repeat(jnp.arange(H), DH)].set(
            ar.reshape(-1))
        return pm

    P2 = jnp.stack([mk_p2(attn_l_mp0, attn_r_mp0),
                    mk_p2(attn_l_mp1, attn_r_mp1)])

    feat2, elr2 = _prep(x, W2, P2)
    feat = feat2.reshape(2 * N, D)
    elr = elr2.reshape(2 * N, DH)

    srcb = jnp.concatenate([edge_index_mp0[0], edge_index_mp1[0] + N])
    dstb = jnp.concatenate([edge_index_mp0[1], edge_index_mp1[1] + N])
    dstr = jnp.concatenate([edge_index_mp0[1], edge_index_mp1[1]])

    z = _sc_edges(feat, elr, srcb, dstb, dstr)
    z2 = z.reshape(2, N, D)

    return _semantic(z2, W_sem, jnp.reshape(b_sem, (1, SEM_HID)),
                     jnp.reshape(q_sem, (SEM_HID, 1)))

# --- scband reference (transcript-rebuilt; emitter-appended) ---
"""Pipeline reference for scband-hanlayer-5729486373121 (READ-ONLY COPY).

The authoritative reference and input builder live on the scoring server;
editing this copy changes nothing except your own understanding.
"""

import jax, jax.numpy as jnp
import numpy as np

N = 10000
E = 320000
D_IN = 128
H = 8
D_H = 16
D_OUT = H * D_H  # 128
SEM_HID = 128


def setup_inputs(seed: int = 0) -> dict:
    key = jax.random.key(seed)
    ks = jax.random.split(key, 12)
    inp = {}
    inp["x"] = jax.random.normal(ks[0], (N, D_IN), dtype=jnp.float32)
    inp["edge_index_mp0"] = jax.random.randint(ks[1], (2, E), 0, N, dtype=jnp.int32)
    inp["edge_index_mp1"] = jax.random.randint(ks[2], (2, E), 0, N, dtype=jnp.int32)
    # GATConv params per metapath (DGL GATConv: fc weight + attn_l + attn_r)
    inp["W_mp0"] = jax.random.normal(ks[3], (D_IN, H * D_H), dtype=jnp.float32) * 0.1
    inp["attn_l_mp0"] = jax.random.normal(ks[4], (H, D_H), dtype=jnp.float32) * 0.1
    inp["attn_r_mp0"] = jax.random.normal(ks[5], (H, D_H), dtype=jnp.float32) * 0.1
    inp["W_mp1"] = jax.random.normal(ks[6], (D_IN, H * D_H), dtype=jnp.float32) * 0.1
    inp["attn_l_mp1"] = jax.random.normal(ks[7], (H, D_H), dtype=jnp.float32) * 0.1
    inp["attn_r_mp1"] = jax.random.normal(ks[8], (H, D_H), dtype=jnp.float32) * 0.1
    # SemanticAttention params: Linear(D_OUT, SEM_HID) + tanh + Linear(SEM_HID, 1, bias=False)
    inp["W_sem"] = jax.random.normal(ks[9], (D_OUT, SEM_HID), dtype=jnp.float32) * 0.1
    inp["b_sem"] = jnp.zeros((SEM_HID,), dtype=jnp.float32)
    inp["q_sem"] = jax.random.normal(ks[10], (SEM_HID,), dtype=jnp.float32) * 0.1
    return inp


def _gat_conv(x, edge_index, W, attn_l, attn_r):
    # DGL GATConv math (dropout=0 at inference, allow_zero_in_degree=True, activation=elu)
    n = x.shape[0]
    feat = (x @ W).reshape(n, H, D_H)  # [N, H, D_H]
    el = jnp.sum(feat * attn_l[None, :, :], axis=-1)  # [N, H]
    er = jnp.sum(feat * attn_r[None, :, :], axis=-1)  # [N, H]
    src = edge_index[0]
    dst = edge_index[1]
    e = jax.nn.leaky_relu(el[src] + er[dst], negative_slope=0.2)  # [E, H]
    # edge softmax over incoming edges of each dst node
    m = jax.ops.segment_max(e, dst, num_segments=n)  # [N, H]
    m = jnp.where(jnp.isfinite(m), m, 0.0)  # zero in-degree nodes
    a = jnp.exp(e - m[dst])  # [E, H]
    denom = jax.ops.segment_sum(a, dst, num_segments=n)  # [N, H]
    denom_e = denom[dst]
    alpha = a / jnp.where(denom_e == 0, 1.0, denom_e)  # [E, H]
    msg = feat[src] * alpha[:, :, None]  # [E, H, D_H]
    rst = jax.ops.segment_sum(msg, dst, num_segments=n)  # [N, H, D_H]
    rst = jax.nn.elu(rst)
    return rst.reshape(n, H * D_H)  # flatten heads, as HAN does


def _semantic_attention(z_stack, W_sem, b_sem, q_sem):
    # z_stack: [N, P, D_OUT]
    w = jnp.tanh(z_stack @ W_sem + b_sem) @ q_sem  # [N, P]
    beta = jax.nn.softmax(jnp.mean(w, axis=0))  # [P]
    return jnp.sum(z_stack * beta[None, :, None], axis=1)  # [N, D_OUT]


def reference(x, edge_index_mp0, edge_index_mp1, W_mp0, attn_l_mp0, attn_r_mp0, W_mp1, attn_l_mp1, attn_r_mp1, W_sem, b_sem, q_sem):
    z0 = _gat_conv(x, edge_index_mp0, W_mp0, attn_l_mp0, attn_r_mp0)
    z1 = _gat_conv(x, edge_index_mp1, W_mp1, attn_l_mp1, attn_r_mp1)
    z = jnp.stack([z0, z1], axis=1)  # [N, 2, D_OUT]
    return _semantic_attention(z, W_sem, b_sem, q_sem)

if __name__ == "__main__":
    import jax
    _d = setup_inputs()
    print(jax.jit(kernel)(*tuple(_d.values())))

</pallas_src>

<mosaic_0001>
#map = affine_map<(d0, d1) -> (0, 0)>
#map1 = affine_map<(d0, d1) -> (0)>
module attributes {stable_mosaic.version = 14 : i64} {
  func.func @_sc_body(%arg0: i32, %arg1: i32, %arg2: memref<20000x128xbf16, #tpu.memory_space<hbm>>, %arg3: memref<20000x16xf32, #tpu.memory_space<hbm>>, %arg4: memref<640000xi32, #tpu.memory_space<hbm>>, %arg5: memref<640000xi32, #tpu.memory_space<hbm>>, %arg6: memref<640000xi32, #tpu.memory_space<hbm>>, %arg7: memref<20000x128xf32, #tpu.memory_space<hbm>>, %arg8: memref<80xi32, #tpu.memory_space<vmem>>, %arg9: memref<80xi32, #tpu.memory_space<vmem>>, %arg10: memref<80xi32, #tpu.memory_space<vmem>>, %arg11: memref<80xi32, #tpu.memory_space<vmem>>, %arg12: memref<80xi32, #tpu.memory_space<vmem>>, %arg13: memref<80xi32, #tpu.memory_space<vmem>>, %arg14: memref<80xi32, #tpu.memory_space<vmem>>, %arg15: memref<80xi32, #tpu.memory_space<vmem>>, %arg16: memref<80x128xbf16, #tpu.memory_space<vmem>>, %arg17: memref<80x128xbf16, #tpu.memory_space<vmem>>, %arg18: memref<80x128xf32, #tpu.memory_space<vmem>>, %arg19: memref<80x128xf32, #tpu.memory_space<vmem>>, %arg20: memref<80x16xf32, #tpu.memory_space<vmem>>, %arg21: memref<80x16xf32, #tpu.memory_space<vmem>>, %arg22: memref<80x16xf32, #tpu.memory_space<vmem>>, %arg23: memref<80x16xf32, #tpu.memory_space<vmem>>, %arg24: memref<80x16xf32, #tpu.memory_space<vmem>>, %arg25: memref<80x16xf32, #tpu.memory_space<vmem>>, %arg26: memref<!tpu.dma_semaphore, #tpu.memory_space<semaphore_mem>>, %arg27: memref<!tpu.dma_semaphore, #tpu.memory_space<semaphore_mem>>, %arg28: memref<!tpu.dma_semaphore, #tpu.memory_space<semaphore_mem>>, %arg29: memref<!tpu.dma_semaphore, #tpu.memory_space<semaphore_mem>>, %arg30: memref<!tpu.dma_semaphore, #tpu.memory_space<semaphore_mem>>, %arg31: memref<!tpu.dma_semaphore, #tpu.memory_space<semaphore_mem>>, %arg32: memref<10000x128xf32, #tpu.memory_space<vmem_shared>>, %arg33: memref<10000x16xf32, #tpu.memory_space<vmem_shared>>) attributes {dimension_semantics = [#tpu.dimension_semantics<core_parallel>, #tpu.dimension_semantics<subcore_parallel>], iteration_bounds = array<i64: 2, 16>, scalar_prefetch = 0 : i64, scratch_operands = 26 : i64, tpu.core_type = #tpu.core_type<sc_vector_subcore>, window_params = [{transform_indices = #map}, {transform_indices = #map}, {transform_indices = #map1}, {transform_indices = #map1}, {transform_indices = #map1}, {transform_indices = #map}]} {
    %iota3A = tpu.iota {dimensions = array<i32: 0>} : vector<16xi32>
    %add3A = arith.constant 8 : i32
    %add3A_0 = vector.broadcast %add3A : i32 to vector<16xi32>
    %add3A_1 = arith.addi %iota3A, %add3A_0 : vector<16xi32>
    %and3A = arith.constant 15 : i32
    %and3A_2 = vector.broadcast %and3A : i32 to vector<16xi32>
    %and3A_3 = arith.andi %add3A_1, %and3A_2 : vector<16xi32>
    %scan3A = arith.constant 0 : i32
    %scan3A_4 = arith.constant 0 : i32
    %scan3A_5 = arith.constant 80 : i32
    %scan3A_6 = arith.addi %scan3A_4, %scan3A_5 : i32
    %scan3A_7 = arith.constant 1 : i32
    %scan3A_8 = scf.for %scan3A_471 = %scan3A_4 to %scan3A_6 step %scan3A_7 iter_args(%scan3A_472 = %scan3A) -> (i32)  : i32 {
      %broadcast_in_dim3A_473 = arith.constant 0.000000e+00 : f32
      %broadcast_in_dim3A_474 = vector.broadcast %broadcast_in_dim3A_473 : f32 to vector<16xf32>
      %swap3A_475 = arith.index_cast %scan3A_471 : i32 to index
      %swap3A_476 = arith.constant 0 : index
      %swap3A_477 = tpu.vector_load %arg18[%swap3A_475, %swap3A_476] {strides = array<i32>} : memref<80x128xf32, #tpu.memory_space<vmem>>, vector<16xf32>,
      tpu.vector_store %arg18[%swap3A_475, %swap3A_476], %broadcast_in_dim3A_474 {strides = array<i32>} : memref<80x128xf32, #tpu.memory_space<vmem>>, vector<16xf32>,
      %broadcast_in_dim3A_478 = arith.constant 0.000000e+00 : f32
      %broadcast_in_dim3A_479 = vector.broadcast %broadcast_in_dim3A_478 : f32 to vector<16xf32>
      %swap3A_480 = arith.index_cast %scan3A_471 : i32 to index
      %swap3A_481 = arith.constant 16 : index
      %swap3A_482 = tpu.vector_load %arg18[%swap3A_480, %swap3A_481] {strides = array<i32>} : memref<80x128xf32, #tpu.memory_space<vmem>>, vector<16xf32>,
      tpu.vector_store %arg18[%swap3A_480, %swap3A_481], %broadcast_in_dim3A_479 {strides = array<i32>} : memref<80x128xf32, #tpu.memory_space<vmem>>, vector<16xf32>,
      %broadcast_in_dim3A_483 = arith.constant 0.000000e+00 : f32
      %broadcast_in_dim3A_484 = vector.broadcast %broadcast_in_dim3A_483 : f32 to vector<16xf32>
      %swap3A_485 = arith.index_cast %scan3A_471 : i32 to index
      %swap3A_486 = arith.constant 32 : index
      %swap3A_487 = tpu.vector_load %arg18[%swap3A_485, %swap3A_486] {strides = array<i32>} : memref<80x128xf32, #tpu.memory_space<vmem>>, vector<16xf32>,
      tpu.vector_store %arg18[%swap3A_485, %swap3A_486], %broadcast_in_dim3A_484 {strides = array<i32>} : memref<80x128xf32, #tpu.memory_space<vmem>>, vector<16xf32>,
      %broadcast_in_dim3A_488 = arith.constant 0.000000e+00 : f32
      %broadcast_in_dim3A_489 = vector.broadcast %broadcast_in_dim3A_488 : f32 to vector<16xf32>
      %swap3A_490 = arith.index_cast %scan3A_471 : i32 to index
      %swap3A_491 = arith.constant 48 : index
      %swap3A_492 = tpu.vector_load %arg18[%swap3A_490, %swap3A_491] {strides = array<i32>} : memref<80x128xf32, #tpu.memory_space<vmem>>, vector<16xf32>,
      tpu.vector_store %arg18[%swap3A_490, %swap3A_491], %broadcast_in_dim3A_489 {strides = array<i32>} : memref<80x128xf32, #tpu.memory_space<vmem>>, vector<16xf32>,
      %broadcast_in_dim3A_493 = arith.constant 0.000000e+00 : f32
      %broadcast_in_dim3A_494 = vector.broadcast %broadcast_in_dim3A_493 : f32 to vector<16xf32>
      %swap3A_495 = arith.index_cast %scan3A_471 : i32 to index
      %swap3A_496 = arith.constant 64 : index
      %swap3A_497 = tpu.vector_load %arg18[%swap3A_495, %swap3A_496] {strides = array<i32>} : memref<80x128xf32, #tpu.memory_space<vmem>>, vector<16xf32>,
      tpu.vector_store %arg18[%swap3A_495, %swap3A_496], %broadcast_in_dim3A_494 {strides = array<i32>} : memref<80x128xf32, #tpu.memory_space<vmem>>, vector<16xf32>,
      %broadcast_in_dim3A_498 = arith.constant 0.000000e+00 : f32
      %broadcast_in_dim3A_499 = vector.broadcast %broadcast_in_dim3A_498 : f32 to vector<16xf32>
      %swap3A_500 = arith.index_cast %scan3A_471 : i32 to index
      %swap3A_501 = arith.constant 80 : index
      %swap3A_502 = tpu.vector_load %arg18[%swap3A_500, %swap3A_501] {strides = array<i32>} : memref<80x128xf32, #tpu.memory_space<vmem>>, vector<16xf32>,
      tpu.vector_store %arg18[%swap3A_500, %swap3A_501], %broadcast_in_dim3A_499 {strides = array<i32>} : memref<80x128xf32, #tpu.memory_space<vmem>>, vector<16xf32>,
      %broadcast_in_dim3A_503 = arith.constant 0.000000e+00 : f32
      %broadcast_in_dim3A_504 = vector.broadcast %broadcast_in_dim3A_503 : f32 to vector<16xf32>
      %swap3A_505 = arith.index_cast %scan3A_471 : i32 to index
      %swap3A_506 = arith.constant 96 : index
      %swap3A_507 = tpu.vector_load %arg18[%swap3A_505, %swap3A_506] {strides = array<i32>} : memref<80x128xf32, #tpu.memory_space<vmem>>, vector<16xf32>,
      tpu.vector_store %arg18[%swap3A_505, %swap3A_506], %broadcast_in_dim3A_504 {strides = array<i32>} : memref<80x128xf32, #tpu.memory_space<vmem>>, vector<16xf32>,
      %broadcast_in_dim3A_508 = arith.constant 0.000000e+00 : f32
      %broadcast_in_dim3A_509 = vector.broadcast %broadcast_in_dim3A_508 : f32 to vector<16xf32>
      %swap3A_510 = arith.index_cast %scan3A_471 : i32 to index
      %swap3A_511 = arith.constant 112 : index
      %swap3A_512 = tpu.vector_load %arg18[%swap3A_510, %swap3A_511] {strides = array<i32>} : memref<80x128xf32, #tpu.memory_space<vmem>>, vector<16xf32>,
      tpu.vector_store %arg18[%swap3A_510, %swap3A_511], %broadcast_in_dim3A_509 {strides = array<i32>} : memref<80x128xf32, #tpu.memory_space<vmem>>, vector<16xf32>,
      %broadcast_in_dim3A_513 = arith.constant 0.000000e+00 : f32
      %broadcast_in_dim3A_514 = vector.broadcast %broadcast_in_dim3A_513 : f32 to vector<16xf32>
      %swap3A_515 = arith.index_cast %scan3A_471 : i32 to index
      %swap3A_516 = arith.constant 0 : index
      %swap3A_517 = tpu.vector_load %arg20[%swap3A_515, %swap3A_516] {strides = array<i32>} : memref<80x16xf32, #tpu.memory_space<vmem>>, vector<16xf32>,
      tpu.vector_store %arg20[%swap3A_515, %swap3A_516], %broadcast_in_dim3A_514 {strides = array<i32>} : memref<80x16xf32, #tpu.memory_space<vmem>>, vector<16xf32>,
      %scan3A_518 = arith.constant 0 : i32
      scf.yield %scan3A_518 : i32
    }
    %scan3A_9 = arith.constant 80 : i32
    %scan3A_10 = arith.constant 0 : i32
    %scan3A_11 = arith.constant 0 : i32
    %scan3A_12 = arith.constant 8 : i32
    %scan3A_13 = arith.addi %scan3A_11, %scan3A_12 : i32
    %scan3A_14 = arith.constant 1 : i32
    %scan3A_15 = scf.for %scan3A_471 = %scan3A_11 to %scan3A_13 step %scan3A_14 iter_args(%scan3A_472 = %scan3A_10) -> (i32)  : i32 {
      %mul3A_473 = arith.constant 16 : i32
      %mul3A_474 = arith.muli %scan3A_471, %mul3A_473 : i32
      %add3A_475 = arith.addi %arg1, %mul3A_474 : i32
      %lt3A_476 = arith.constant 125 : i32
      %lt3A_477 = arith.cmpi slt, %add3A_475, %lt3A_476 : i32
      %convert_element_type3A = arith.extui %lt3A_477 : i1 to i32
      %cond3A = arith.constant 0 : i32
      %cond3A_478 = arith.cmpi ne, %convert_element_type3A, %cond3A : i32
      scf.if %cond3A_478 {
        %mul3A_480 = arith.constant 80 : i32
        %mul3A_481 = arith.muli %add3A_475, %mul3A_480 : i32
        "tpu.region"() ({
          %run_scoped3A = tpu.sem_alloc : memref<!tpu.dma_semaphore, #tpu.memory_space<semaphore_mem>>
          %dma_start3A_484 = arith.constant 0 : i32
          %dma_start3A_485 = tpu.memref_slice %arg32[%mul3A_481, %dma_start3A_484] : memref<10000x128xf32, #tpu.memory_space<vmem_shared>> -> memref<80x128xf32, #tpu.memory_space<vmem_shared>>
          %dma_start3A_486 = arith.constant 0 : i32
          %dma_start3A_487 = tpu.memref_slice %arg32[%mul3A_481, %dma_start3A_486] : memref<10000x128xf32, #tpu.memory_space<vmem_shared>> -> memref<80x128xf32, #tpu.memory_space<vmem_shared>>
          tpu.enqueue_dma source(%arg18 : memref<80x128xf32, #tpu.memory_space<vmem>>) target(%dma_start3A_487 : memref<80x128xf32, #tpu.memory_space<vmem_shared>>) target_semaphore(%run_scoped3A : memref<!tpu.dma_semaphore, #tpu.memory_space<semaphore_mem>>)
          %dma_wait3A_488 = arith.constant 0 : i32
          %dma_wait3A_489 = tpu.memref_slice %arg32[%mul3A_481, %dma_wait3A_488] : memref<10000x128xf32, #tpu.memory_space<vmem_shared>> -> memref<80x128xf32, #tpu.memory_space<vmem_shared>>
          %dma_wait3A_490 = arith.constant 0 : i32
          %dma_wait3A_491 = tpu.memref_slice %arg32[%mul3A_481, %dma_wait3A_490] : memref<10000x128xf32, #tpu.memory_space<vmem_shared>> -> memref<80x128xf32, #tpu.memory_space<vmem_shared>>
          tpu.wait_dma2 semaphore(%run_scoped3A : memref<!tpu.dma_semaphore, #tpu.memory_space<semaphore_mem>>) src(%arg18 : memref<80x128xf32, #tpu.memory_space<vmem>>) dst(%dma_wait3A_491 : memref<80x128xf32, #tpu.memory_space<vmem_shared>>)
          tpu.yield
        }) : () -> ()
        %mul3A_482 = arith.constant 80 : i32
        %mul3A_483 = arith.muli %add3A_475, %mul3A_482 : i32
        "tpu.region"() ({
          %run_scoped3A = tpu.sem_alloc : memref<!tpu.dma_semaphore, #tpu.memory_space<semaphore_mem>>
          %dma_start3A_484 = arith.constant 0 : i32
          %dma_start3A_485 = tpu.memref_slice %arg33[%mul3A_483, %dma_start3A_484] : memref<10000x16xf32, #tpu.memory_space<vmem_shared>> -> memref<80x16xf32, #tpu.memory_space<vmem_shared>>
          %dma_start3A_486 = arith.constant 0 : i32
          %dma_start3A_487 = tpu.memref_slice %arg33[%mul3A_483, %dma_start3A_486] : memref<10000x16xf32, #tpu.memory_space<vmem_shared>> -> memref<80x16xf32, #tpu.memory_space<vmem_shared>>
          tpu.enqueue_dma source(%arg20 : memref<80x16xf32, #tpu.memory_space<vmem>>) target(%dma_start3A_487 : memref<80x16xf32, #tpu.memory_space<vmem_shared>>) target_semaphore(%run_scoped3A : memref<!tpu.dma_semaphore, #tpu.memory_space<semaphore_mem>>)
          %dma_wait3A_488 = arith.constant 0 : i32
          %dma_wait3A_489 = tpu.memref_slice %arg33[%mul3A_483, %dma_wait3A_488] : memref<10000x16xf32, #tpu.memory_space<vmem_shared>> -> memref<80x16xf32, #tpu.memory_space<vmem_shared>>
          %dma_wait3A_490 = arith.constant 0 : i32
          %dma_wait3A_491 = tpu.memref_slice %arg33[%mul3A_483, %dma_wait3A_490] : memref<10000x16xf32, #tpu.memory_space<vmem_shared>> -> memref<80x16xf32, #tpu.memory_space<vmem_shared>>
          tpu.wait_dma2 semaphore(%run_scoped3A : memref<!tpu.dma_semaphore, #tpu.memory_space<semaphore_mem>>) src(%arg20 : memref<80x16xf32, #tpu.memory_space<vmem>>) dst(%dma_wait3A_491 : memref<80x16xf32, #tpu.memory_space<vmem_shared>>)
          tpu.yield
        }) : () -> ()
      } else {
      }
      %scan3A_479 = arith.constant 0 : i32
      scf.yield %scan3A_479 : i32
    }
    %scan3A_16 = arith.constant 8 : i32
    %barrier3A = arith.constant 0 : index
    tpu.barrier barrier_id(%barrier3A)
    %mul3A = arith.constant 320000 : i32
    %mul3A_17 = arith.muli %arg0, %mul3A : i32
    %mul3A_18 = arith.constant 20000 : i32
    %mul3A_19 = arith.muli %arg1, %mul3A_18 : i32
    %add3A_20 = arith.addi %mul3A_17, %mul3A_19 : i32
    %lt3A = arith.constant 8 : i32
    %lt3A_21 = vector.broadcast %lt3A : i32 to vector<16xi32>
    %lt3A_22 = arith.cmpi slt, %iota3A, %lt3A_21 : vector<16xi32>
    %jit3A = arith.constant 0 : i32
    %jit3A_23 = arith.constant 1 : i32
    %broadcast_in_dim3A = vector.broadcast %jit3A : i32 to vector<16xi32>
    %broadcast_in_dim3A_24 = vector.broadcast %jit3A_23 : i32 to vector<16xi32>
    %select_n3A = arith.select %lt3A_22, %broadcast_in_dim3A, %broadcast_in_dim3A_24 : vector<16xi1>, vector<16xi32>
    %lt3A_25 = arith.constant 8 : i32
    %lt3A_26 = vector.broadcast %lt3A_25 : i32 to vector<16xi32>
    %lt3A_27 = arith.cmpi slt, %iota3A, %lt3A_26 : vector<16xi32>
    %jit3A_28 = arith.constant 2 : i32
    %jit3A_29 = arith.constant 3 : i32
    %broadcast_in_dim3A_30 = vector.broadcast %jit3A_28 : i32 to vector<16xi32>
    %broadcast_in_dim3A_31 = vector.broadcast %jit3A_29 : i32 to vector<16xi32>
    %select_n3A_32 = arith.select %lt3A_27, %broadcast_in_dim3A_30, %broadcast_in_dim3A_31 : vector<16xi1>, vector<16xi32>
    %lt3A_33 = arith.constant 8 : i32
    %lt3A_34 = vector.broadcast %lt3A_33 : i32 to vector<16xi32>
    %lt3A_35 = arith.cmpi slt, %iota3A, %lt3A_34 : vector<16xi32>
    %jit3A_36 = arith.constant 4 : i32
    %jit3A_37 = arith.constant 5 : i32
    %broadcast_in_dim3A_38 = vector.broadcast %jit3A_36 : i32 to vector<16xi32>
    %broadcast_in_dim3A_39 = vector.broadcast %jit3A_37 : i32 to vector<16xi32>
    %select_n3A_40 = arith.select %lt3A_35, %broadcast_in_dim3A_38, %broadcast_in_dim3A_39 : vector<16xi1>, vector<16xi32>
    %lt3A_41 = arith.constant 8 : i32
    %lt3A_42 = vector.broadcast %lt3A_41 : i32 to vector<16xi32>
    %lt3A_43 = arith.cmpi slt, %iota3A, %lt3A_42 : vector<16xi32>
    %jit3A_44 = arith.constant 6 : i32
    %jit3A_45 = arith.constant 7 : i32
    %broadcast_in_dim3A_46 = vector.broadcast %jit3A_44 : i32 to vector<16xi32>
    %broadcast_in_dim3A_47 = vector.broadcast %jit3A_45 : i32 to vector<16xi32>
    %select_n3A_48 = arith.select %lt3A_43, %broadcast_in_dim3A_46, %broadcast_in_dim3A_47 : vector<16xi1>, vector<16xi32>
    %mul3A_49 = arith.constant 2 : i32
    %mul3A_50 = vector.broadcast %mul3A_49 : i32 to vector<16xi32>
    %mul3A_51 = arith.muli %mul3A_50, %iota3A : vector<16xi32>
    %add3A_52 = arith.constant 0 : i32
    %add3A_53 = vector.broadcast %add3A_52 : i32 to vector<16xi32>
    %add3A_54 = arith.addi %add3A_53, %mul3A_51 : vector<16xi32>
    %mul3A_55 = arith.constant 2 : i32
    %mul3A_56 = vector.broadcast %mul3A_55 : i32 to vector<16xi32>
    %mul3A_57 = arith.muli %mul3A_56, %iota3A : vector<16xi32>
    %add3A_58 = arith.constant 32 : i32
    %add3A_59 = vector.broadcast %add3A_58 : i32 to vector<16xi32>
    %add3A_60 = arith.addi %add3A_59, %mul3A_57 : vector<16xi32>
    %mul3A_61 = arith.constant 2 : i32
    %mul3A_62 = vector.broadcast %mul3A_61 : i32 to vector<16xi32>
    %mul3A_63 = arith.muli %mul3A_62, %iota3A : vector<16xi32>
    %add3A_64 = arith.constant 64 : i32
    %add3A_65 = vector.broadcast %add3A_64 : i32 to vector<16xi32>
    %add3A_66 = arith.addi %add3A_65, %mul3A_63 : vector<16xi32>
    %mul3A_67 = arith.constant 2 : i32
    %mul3A_68 = vector.broadcast %mul3A_67 : i32 to vector<16xi32>
    %mul3A_69 = arith.muli %mul3A_68, %iota3A : vector<16xi32>
    %add3A_70 = arith.constant 96 : i32
    %add3A_71 = vector.broadcast %add3A_70 : i32 to vector<16xi32>
    %add3A_72 = arith.addi %add3A_71, %mul3A_69 : vector<16xi32>
    %mul3A_73 = arith.constant 2 : i32
    %mul3A_74 = vector.broadcast %mul3A_73 : i32 to vector<16xi32>
    %mul3A_75 = arith.muli %mul3A_74, %iota3A : vector<16xi32>
    %add3A_76 = arith.constant 0 : i32
    %add3A_77 = vector.broadcast %add3A_76 : i32 to vector<16xi32>
    %add3A_78 = arith.addi %add3A_77, %mul3A_75 : vector<16xi32>
    %add3A_79 = arith.constant 1 : i32
    %add3A_80 = vector.broadcast %add3A_79 : i32 to vector<16xi32>
    %add3A_81 = arith.addi %add3A_78, %add3A_80 : vector<16xi32>
    %mul3A_82 = arith.constant 2 : i32
    %mul3A_83 = vector.broadcast %mul3A_82 : i32 to vector<16xi32>
    %mul3A_84 = arith.muli %mul3A_83, %iota3A : vector<16xi32>
    %add3A_85 = arith.constant 32 : i32
    %add3A_86 = vector.broadcast %add3A_85 : i32 to vector<16xi32>
    %add3A_87 = arith.addi %add3A_86, %mul3A_84 : vector<16xi32>
    %add3A_88 = arith.constant 1 : i32
    %add3A_89 = vector.broadcast %add3A_88 : i32 to vector<16xi32>
    %add3A_90 = arith.addi %add3A_87, %add3A_89 : vector<16xi32>
    %mul3A_91 = arith.constant 2 : i32
    %mul3A_92 = vector.broadcast %mul3A_91 : i32 to vector<16xi32>
    %mul3A_93 = arith.muli %mul3A_92, %iota3A : vector<16xi32>
    %add3A_94 = arith.constant 64 : i32
    %add3A_95 = vector.broadcast %add3A_94 : i32 to vector<16xi32>
    %add3A_96 = arith.addi %add3A_95, %mul3A_93 : vector<16xi32>
    %add3A_97 = arith.constant 1 : i32
    %add3A_98 = vector.broadcast %add3A_97 : i32 to vector<16xi32>
    %add3A_99 = arith.addi %add3A_96, %add3A_98 : vector<16xi32>
    %mul3A_100 = arith.constant 2 : i32
    %mul3A_101 = vector.broadcast %mul3A_100 : i32 to vector<16xi32>
    %mul3A_102 = arith.muli %mul3A_101, %iota3A : vector<16xi32>
    %add3A_103 = arith.constant 96 : i32
    %add3A_104 = vector.broadcast %add3A_103 : i32 to vector<16xi32>
    %add3A_105 = arith.addi %add3A_104, %mul3A_102 : vector<16xi32>
    %add3A_106 = arith.constant 1 : i32
    %add3A_107 = vector.broadcast %add3A_106 : i32 to vector<16xi32>
    %add3A_108 = arith.addi %add3A_105, %add3A_107 : vector<16xi32>
    %add3A_109 = arith.constant 0 : i32
    %add3A_110 = arith.addi %add3A_20, %add3A_109 : i32
    %dma_start3A = tpu.memref_slice %arg4[%add3A_110] : memref<640000xi32, #tpu.memory_space<hbm>> -> memref<80xi32, #tpu.memory_space<hbm>>
    %dma_start3A_111 = tpu.memref_slice %arg4[%add3A_110] : memref<640000xi32, #tpu.memory_space<hbm>> -> memref<80xi32, #tpu.memory_space<hbm>>
    tpu.enqueue_dma source(%dma_start3A_111 : memref<80xi32, #tpu.memory_space<hbm>>) target(%arg8 : memref<80xi32, #tpu.memory_space<vmem>>) target_semaphore(%arg30 : memref<!tpu.dma_semaphore, #tpu.memory_space<semaphore_mem>>)
    %dma_start3A_112 = tpu.memref_slice %arg5[%add3A_110] : memref<640000xi32, #tpu.memory_space<hbm>> -> memref<80xi32, #tpu.memory_space<hbm>>
    %dma_start3A_113 = tpu.memref_slice %arg5[%add3A_110] : memref<640000xi32, #tpu.memory_space<hbm>> -> memref<80xi32, #tpu.memory_space<hbm>>
    tpu.enqueue_dma source(%dma_start3A_113 : memref<80xi32, #tpu.memory_space<hbm>>) target(%arg10 : memref<80xi32, #tpu.memory_space<vmem>>) target_semaphore(%arg30 : memref<!tpu.dma_semaphore, #tpu.memory_space<semaphore_mem>>)
    %dma_start3A_114 = tpu.memref_slice %arg6[%add3A_110] : memref<640000xi32, #tpu.memory_space<hbm>> -> memref<80xi32, #tpu.memory_space<hbm>>
    %dma_start3A_115 = tpu.memref_slice %arg6[%add3A_110] : memref<640000xi32, #tpu.memory_space<hbm>> -> memref<80xi32, #tpu.memory_space<hbm>>
    tpu.enqueue_dma source(%dma_start3A_115 : memref<80xi32, #tpu.memory_space<hbm>>) target(%arg12 : memref<80xi32, #tpu.memory_space<vmem>>) target_semaphore(%arg30 : memref<!tpu.dma_semaphore, #tpu.memory_space<semaphore_mem>>)
    %add3A_116 = arith.constant 80 : i32
    %add3A_117 = arith.addi %add3A_20, %add3A_116 : i32
    %dma_start3A_118 = tpu.memref_slice %arg4[%add3A_117] : memref<640000xi32, #tpu.memory_space<hbm>> -> memref<80xi32, #tpu.memory_space<hbm>>
    %dma_start3A_119 = tpu.memref_slice %arg4[%add3A_117] : memref<640000xi32, #tpu.memory_space<hbm>> -> memref<80xi32, #tpu.memory_space<hbm>>
    tpu.enqueue_dma source(%dma_start3A_119 : memref<80xi32, #tpu.memory_space<hbm>>) target(%arg9 : memref<80xi32, #tpu.memory_space<vmem>>) target_semaphore(%arg31 : memref<!tpu.dma_semaphore, #tpu.memory_space<semaphore_mem>>)
    %dma_start3A_120 = tpu.memref_slice %arg5[%add3A_117] : memref<640000xi32, #tpu.memory_space<hbm>> -> memref<80xi32, #tpu.memory_space<hbm>>
    %dma_start3A_121 = tpu.memref_slice %arg5[%add3A_117] : memref<640000xi32, #tpu.memory_space<hbm>> -> memref<80xi32, #tpu.memory_space<hbm>>
    tpu.enqueue_dma source(%dma_start3A_121 : memref<80xi32, #tpu.memory_space<hbm>>) target(%arg11 : memref<80xi32, #tpu.memory_space<vmem>>) target_semaphore(%arg31 : memref<!tpu.dma_semaphore, #tpu.memory_space<semaphore_mem>>)
    %dma_start3A_122 = tpu.memref_slice %arg6[%add3A_117] : memref<640000xi32, #tpu.memory_space<hbm>> -> memref<80xi32, #tpu.memory_space<hbm>>
    %dma_start3A_123 = tpu.memref_slice %arg6[%add3A_117] : memref<640000xi32, #tpu.memory_space<hbm>> -> memref<80xi32, #tpu.memory_space<hbm>>
    tpu.enqueue_dma source(%dma_start3A_123 : memref<80xi32, #tpu.memory_space<hbm>>) target(%arg13 : memref<80xi32, #tpu.memory_space<vmem>>) target_semaphore(%arg31 : memref<!tpu.dma_semaphore, #tpu.memory_space<semaphore_mem>>)
    %dma_wait3A = arith.constant 0 : i32
    %dma_wait3A_124 = tpu.memref_slice %arg4[%dma_wait3A] : memref<640000xi32, #tpu.memory_space<hbm>> -> memref<80xi32, #tpu.memory_space<hbm>>
    %dma_wait3A_125 = arith.constant 0 : i32
    %dma_wait3A_126 = tpu.memref_slice %arg4[%dma_wait3A_125] : memref<640000xi32, #tpu.memory_space<hbm>> -> memref<80xi32, #tpu.memory_space<hbm>>
    tpu.wait_dma2 semaphore(%arg30 : memref<!tpu.dma_semaphore, #tpu.memory_space<semaphore_mem>>) src(%dma_wait3A_126 : memref<80xi32, #tpu.memory_space<hbm>>) dst(%arg8 : memref<80xi32, #tpu.memory_space<vmem>>)
    %dma_wait3A_127 = arith.constant 0 : i32
    %dma_wait3A_128 = tpu.memref_slice %arg4[%dma_wait3A_127] : memref<640000xi32, #tpu.memory_space<hbm>> -> memref<80xi32, #tpu.memory_space<hbm>>
    %dma_wait3A_129 = arith.constant 0 : i32
    %dma_wait3A_130 = tpu.memref_slice %arg4[%dma_wait3A_129] : memref<640000xi32, #tpu.memory_space<hbm>> -> memref<80xi32, #tpu.memory_space<hbm>>
    tpu.wait_dma2 semaphore(%arg30 : memref<!tpu.dma_semaphore, #tpu.memory_space<semaphore_mem>>) src(%dma_wait3A_130 : memref<80xi32, #tpu.memory_space<hbm>>) dst(%arg10 : memref<80xi32, #tpu.memory_space<vmem>>)
    %dma_wait3A_131 = arith.constant 0 : i32
    %dma_wait3A_132 = tpu.memref_slice %arg4[%dma_wait3A_131] : memref<640000xi32, #tpu.memory_space<hbm>> -> memref<80xi32, #tpu.memory_space<hbm>>
    %dma_wait3A_133 = arith.constant 0 : i32
    %dma_wait3A_134 = tpu.memref_slice %arg4[%dma_wait3A_133] : memref<640000xi32, #tpu.memory_space<hbm>> -> memref<80xi32, #tpu.memory_space<hbm>>
    tpu.wait_dma2 semaphore(%arg30 : memref<!tpu.dma_semaphore, #tpu.memory_space<semaphore_mem>>) src(%dma_wait3A_134 : memref<80xi32, #tpu.memory_space<hbm>>) dst(%arg12 : memref<80xi32, #tpu.memory_space<vmem>>)
    %dma_start3A_135 = arith.constant 0 : i32
    %dma_start3A_136 = arith.constant 0 : i32
    %dma_start3A_137 = tpu.memref_slice %arg2[%dma_start3A_135, %dma_start3A_136] : memref<20000x128xbf16, #tpu.memory_space<hbm>> -> memref<20000x128xbf16, #tpu.memory_space<hbm>>
    tpu.enqueue_indirect_dma source(%dma_start3A_137 : memref<20000x128xbf16, #tpu.memory_space<hbm>>) target(%arg16 : memref<80x128xbf16, #tpu.memory_space<vmem>>) offsets(%arg8 : memref<80xi32, #tpu.memory_space<vmem>>) semaphore(%arg26 : memref<!tpu.dma_semaphore, #tpu.memory_space<semaphore_mem>>)
    %dma_start3A_138 = arith.constant 0 : i32
    %dma_start3A_139 = arith.constant 0 : i32
    %dma_start3A_140 = tpu.memref_slice %arg3[%dma_start3A_138, %dma_start3A_139] : memref<20000x16xf32, #tpu.memory_space<hbm>> -> memref<20000x16xf32, #tpu.memory_space<hbm>>
    tpu.enqueue_indirect_dma source(%dma_start3A_140 : memref<20000x16xf32, #tpu.memory_space<hbm>>) target(%arg20 : memref<80x16xf32, #tpu.memory_space<vmem>>) offsets(%arg8 : memref<80xi32, #tpu.memory_space<vmem>>) semaphore(%arg26 : memref<!tpu.dma_semaphore, #tpu.memory_space<semaphore_mem>>)
    %dma_start3A_141 = arith.constant 0 : i32
    %dma_start3A_142 = arith.constant 0 : i32
    %dma_start3A_143 = tpu.memref_slice %arg3[%dma_start3A_141, %dma_start3A_142] : memref<20000x16xf32, #tpu.memory_space<hbm>> -> memref<20000x16xf32, #tpu.memory_space<hbm>>
    tpu.enqueue_indirect_dma source(%dma_start3A_143 : memref<20000x16xf32, #tpu.memory_space<hbm>>) target(%arg22 : memref<80x16xf32, #tpu.memory_space<vmem>>) offsets(%arg10 : memref<80xi32, #tpu.memory_space<vmem>>) semaphore(%arg26 : memref<!tpu.dma_semaphore, #tpu.memory_space<semaphore_mem>>)
    %dma_wait3A_144 = arith.constant 0 : i32
    %dma_wait3A_145 = arith.constant 0 : i32
    %dma_wait3A_146 = tpu.memref_slice %arg2[%dma_wait3A_144, %dma_wait3A_145] : memref<20000x128xbf16, #tpu.memory_space<hbm>> -> memref<80x128xbf16, #tpu.memory_space<hbm>>
    %dma_wait3A_147 = arith.constant 0 : i32
    %dma_wait3A_148 = arith.constant 0 : i32
    %dma_wait3A_149 = tpu.memref_slice %arg2[%dma_wait3A_147, %dma_wait3A_148] : memref<20000x128xbf16, #tpu.memory_space<hbm>> -> memref<80x128xbf16, #tpu.memory_space<hbm>>
    tpu.wait_dma2 semaphore(%arg26 : memref<!tpu.dma_semaphore, #tpu.memory_space<semaphore_mem>>) src(%dma_wait3A_149 : memref<80x128xbf16, #tpu.memory_space<hbm>>) dst(%arg16 : memref<80x128xbf16, #tpu.memory_space<vmem>>)
    %dma_wait3A_150 = arith.constant 0 : i32
    %dma_wait3A_151 = arith.constant 0 : i32
    %dma_wait3A_152 = tpu.memref_slice %arg3[%dma_wait3A_150, %dma_wait3A_151] : memref<20000x16xf32, #tpu.memory_space<hbm>> -> memref<80x16xf32, #tpu.memory_space<hbm>>
    %dma_wait3A_153 = arith.constant 0 : i32
    %dma_wait3A_154 = arith.constant 0 : i32
    %dma_wait3A_155 = tpu.memref_slice %arg3[%dma_wait3A_153, %dma_wait3A_154] : memref<20000x16xf32, #tpu.memory_space<hbm>> -> memref<80x16xf32, #tpu.memory_space<hbm>>
    tpu.wait_dma2 semaphore(%arg26 : memref<!tpu.dma_semaphore, #tpu.memory_space<semaphore_mem>>) src(%dma_wait3A_155 : memref<80x16xf32, #tpu.memory_space<hbm>>) dst(%arg20 : memref<80x16xf32, #tpu.memory_space<vmem>>)
    %dma_wait3A_156 = arith.constant 0 : i32
    %dma_wait3A_157 = arith.constant 0 : i32
    %dma_wait3A_158 = tpu.memref_slice %arg3[%dma_wait3A_156, %dma_wait3A_157] : memref<20000x16xf32, #tpu.memory_space<hbm>> -> memref<80x16xf32, #tpu.memory_space<hbm>>
    %dma_wait3A_159 = arith.constant 0 : i32
    %dma_wait3A_160 = arith.constant 0 : i32
    %dma_wait3A_161 = tpu.memref_slice %arg3[%dma_wait3A_159, %dma_wait3A_160] : memref<20000x16xf32, #tpu.memory_space<hbm>> -> memref<80x16xf32, #tpu.memory_space<hbm>>
    tpu.wait_dma2 semaphore(%arg26 : memref<!tpu.dma_semaphore, #tpu.memory_space<semaphore_mem>>) src(%dma_wait3A_161 : memref<80x16xf32, #tpu.memory_space<hbm>>) dst(%arg22 : memref<80x16xf32, #tpu.memory_space<vmem>>)
    %parallel_loop3A = arith.constant 0 : i32
    %parallel_loop3A_162 = arith.constant 80 : i32
    %parallel_loop3A_163 = arith.constant 1 : i32
    scf.for %parallel_loop3A_471 = %parallel_loop3A to %parallel_loop3A_162 step %parallel_loop3A_163  : i32 {
      %parallel_loop3A_472 = arith.index_cast %parallel_loop3A_471 : i32 to index
      %parallel_loop3A_473 = arith.constant 0 : index
      %parallel_loop3A_474 = tpu.vector_load %arg20[%parallel_loop3A_472, %parallel_loop3A_473] {strides = array<i32>} : memref<80x16xf32, #tpu.memory_space<vmem>>, vector<16xf32>,
      %parallel_loop3A_475 = arith.index_cast %parallel_loop3A_471 : i32 to index
      %parallel_loop3A_476 = arith.constant 0 : index
      %parallel_loop3A_477 = tpu.vector_load %arg22[%parallel_loop3A_475, %parallel_loop3A_476] {strides = array<i32>} : memref<80x16xf32, #tpu.memory_space<vmem>>, vector<16xf32>,
      %parallel_loop3A_478 = vector.shape_cast %and3A_3 : vector<16xi32> to vector<16x1xi32>
      %parallel_loop3A_479 = vector.shape_cast %parallel_loop3A_478 : vector<16x1xi32> to vector<16xi32>
      %parallel_loop3A_480 = tpu.dynamic_gather %parallel_loop3A_477[%parallel_loop3A_479] in [0] : vector<16xf32>, vector<16xi32> -> vector<16xf32>
      %parallel_loop3A_481 = arith.addf %parallel_loop3A_474, %parallel_loop3A_480 : vector<16xf32>
      %parallel_loop3A_482 = arith.constant 0.000000e+00 : f32
      %parallel_loop3A_483 = vector.broadcast %parallel_loop3A_482 : f32 to vector<16xf32>
      %parallel_loop3A_484 = arith.cmpf ogt, %parallel_loop3A_481, %parallel_loop3A_483 : vector<16xf32>
      %parallel_loop3A_485 = arith.constant 2.000000e-01 : f32
      %parallel_loop3A_486 = vector.broadcast %parallel_loop3A_485 : f32 to vector<16xf32>
      %parallel_loop3A_487 = arith.mulf %parallel_loop3A_486, %parallel_loop3A_481 : vector<16xf32>
      %parallel_loop3A_488 = arith.select %parallel_loop3A_484, %parallel_loop3A_481, %parallel_loop3A_487 : vector<16xi1>, vector<16xf32>
      %parallel_loop3A_489 = math.exp %parallel_loop3A_488 : vector<16xf32>
      %parallel_loop3A_490 = arith.index_cast %parallel_loop3A_471 : i32 to index
      %parallel_loop3A_491 = arith.constant 0 : index
      %parallel_loop3A_492 = tpu.vector_load %arg24[%parallel_loop3A_490, %parallel_loop3A_491] {strides = array<i32>} : memref<80x16xf32, #tpu.memory_space<vmem>>, vector<16xf32>,
      tpu.vector_store %arg24[%parallel_loop3A_490, %parallel_loop3A_491], %parallel_loop3A_489 {strides = array<i32>} : memref<80x16xf32, #tpu.memory_space<vmem>>, vector<16xf32>,
      %parallel_loop3A_493 = vector.broadcast %parallel_loop3A_471 : i32 to vector<16xi32>
      %parallel_loop3A_494 = arith.index_cast %parallel_loop3A_471 : i32 to index
      %parallel_loop3A_495 = arith.constant 0 : index
      %parallel_loop3A_496 = tpu.vector_load %arg16[%parallel_loop3A_494, %parallel_loop3A_495] {strides = array<i32>} : memref<80x128xbf16, #tpu.memory_space<vmem>>, vector<32xbf16>,
      %parallel_loop3A_497 = tpu.unpack_subelements %parallel_loop3A_496, 0 {pack_format = #tpu.pack_format<interleaved>} : vector<32xbf16> -> vector<16xf32>
      %parallel_loop3A_498 = tpu.unpack_subelements %parallel_loop3A_496, 1 {pack_format = #tpu.pack_format<interleaved>} : vector<32xbf16> -> vector<16xf32>
      %parallel_loop3A_499 = vector.shape_cast %select_n3A : vector<16xi32> to vector<16x1xi32>
      %parallel_loop3A_500 = vector.shape_cast %parallel_loop3A_499 : vector<16x1xi32> to vector<16xi32>
      %parallel_loop3A_501 = tpu.dynamic_gather %parallel_loop3A_489[%parallel_loop3A_500] in [0] : vector<16xf32>, vector<16xi32> -> vector<16xf32>
      %parallel_loop3A_502 = arith.mulf %parallel_loop3A_497, %parallel_loop3A_501 : vector<16xf32>
      tpu.vector_store_idx %arg18[%parallel_loop3A_493, %add3A_54], %parallel_loop3A_502 : memref<80x128xf32, #tpu.memory_space<vmem>>[vector<16xi32>, vector<16xi32>], vector<16xf32>,
      %parallel_loop3A_503 = arith.mulf %parallel_loop3A_498, %parallel_loop3A_501 : vector<16xf32>
      tpu.vector_store_idx %arg18[%parallel_loop3A_493, %add3A_81], %parallel_loop3A_503 : memref<80x128xf32, #tpu.memory_space<vmem>>[vector<16xi32>, vector<16xi32>], vector<16xf32>,
      %parallel_loop3A_504 = arith.index_cast %parallel_loop3A_471 : i32 to index
      %parallel_loop3A_505 = arith.constant 32 : index
      %parallel_loop3A_506 = tpu.vector_load %arg16[%parallel_loop3A_504, %parallel_loop3A_505] {strides = array<i32>} : memref<80x128xbf16, #tpu.memory_space<vmem>>, vector<32xbf16>,
      %parallel_loop3A_507 = tpu.unpack_subelements %parallel_loop3A_506, 0 {pack_format = #tpu.pack_format<interleaved>} : vector<32xbf16> -> vector<16xf32>
      %parallel_loop3A_508 = tpu.unpack_subelements %parallel_loop3A_506, 1 {pack_format = #tpu.pack_format<interleaved>} : vector<32xbf16> -> vector<16xf32>
      %parallel_loop3A_509 = vector.shape_cast %select_n3A_32 : vector<16xi32> to vector<16x1xi32>
      %parallel_loop3A_510 = vector.shape_cast %parallel_loop3A_509 : vector<16x1xi32> to vector<16xi32>
      %parallel_loop3A_511 = tpu.dynamic_gather %parallel_loop3A_489[%parallel_loop3A_510] in [0] : vector<16xf32>, vector<16xi32> -> vector<16xf32>
      %parallel_loop3A_512 = arith.mulf %parallel_loop3A_507, %parallel_loop3A_511 : vector<16xf32>
      tpu.vector_store_idx %arg18[%parallel_loop3A_493, %add3A_60], %parallel_loop3A_512 : memref<80x128xf32, #tpu.memory_space<vmem>>[vector<16xi32>, vector<16xi32>], vector<16xf32>,
      %parallel_loop3A_513 = arith.mulf %parallel_loop3A_508, %parallel_loop3A_511 : vector<16xf32>
      tpu.vector_store_idx %arg18[%parallel_loop3A_493, %add3A_90], %parallel_loop3A_513 : memref<80x128xf32, #tpu.memory_space<vmem>>[vector<16xi32>, vector<16xi32>], vector<16xf32>,
      %parallel_loop3A_514 = arith.index_cast %parallel_loop3A_471 : i32 to index
      %parallel_loop3A_515 = arith.constant 64 : index
      %parallel_loop3A_516 = tpu.vector_load %arg16[%parallel_loop3A_514, %parallel_loop3A_515] {strides = array<i32>} : memref<80x128xbf16, #tpu.memory_space<vmem>>, vector<32xbf16>,
      %parallel_loop3A_517 = tpu.unpack_subelements %parallel_loop3A_516, 0 {pack_format = #tpu.pack_format<interleaved>} : vector<32xbf16> -> vector<16xf32>
      %parallel_loop3A_518 = tpu.unpack_subelements %parallel_loop3A_516, 1 {pack_format = #tpu.pack_format<interleaved>} : vector<32xbf16> -> vector<16xf32>
      %parallel_loop3A_519 = vector.shape_cast %select_n3A_40 : vector<16xi32> to vector<16x1xi32>
      %parallel_loop3A_520 = vector.shape_cast %parallel_loop3A_519 : vector<16x1xi32> to vector<16xi32>
      %parallel_loop3A_521 = tpu.dynamic_gather %parallel_loop3A_489[%parallel_loop3A_520] in [0] : vector<16xf32>, vector<16xi32> -> vector<16xf32>
      %parallel_loop3A_522 = arith.mulf %parallel_loop3A_517, %parallel_loop3A_521 : vector<16xf32>
      tpu.vector_store_idx %arg18[%parallel_loop3A_493, %add3A_66], %parallel_loop3A_522 : memref<80x128xf32, #tpu.memory_space<vmem>>[vector<16xi32>, vector<16xi32>], vector<16xf32>,
      %parallel_loop3A_523 = arith.mulf %parallel_loop3A_518, %parallel_loop3A_521 : vector<16xf32>
      tpu.vector_store_idx %arg18[%parallel_loop3A_493, %add3A_99], %parallel_loop3A_523 : memref<80x128xf32, #tpu.memory_space<vmem>>[vector<16xi32>, vector<16xi32>], vector<16xf32>,
      %parallel_loop3A_524 = arith.index_cast %parallel_loop3A_471 : i32 to index
      %parallel_loop3A_525 = arith.constant 96 : index
      %parallel_loop3A_526 = tpu.vector_load %arg16[%parallel_loop3A_524, %parallel_loop3A_525] {strides = array<i32>} : memref<80x128xbf16, #tpu.memory_space<vmem>>, vector<32xbf16>,
      %parallel_loop3A_527 = tpu.unpack_subelements %parallel_loop3A_526, 0 {pack_format = #tpu.pack_format<interleaved>} : vector<32xbf16> -> vector<16xf32>
      %parallel_loop3A_528 = tpu.unpack_subelements %parallel_loop3A_526, 1 {pack_format = #tpu.pack_format<interleaved>} : vector<32xbf16> -> vector<16xf32>
      %parallel_loop3A_529 = vector.shape_cast %select_n3A_48 : vector<16xi32> to vector<16x1xi32>
      %parallel_loop3A_530 = vector.shape_cast %parallel_loop3A_529 : vector<16x1xi32> to vector<16xi32>
      %parallel_loop3A_531 = tpu.dynamic_gather %parallel_loop3A_489[%parallel_loop3A_530] in [0] : vector<16xf32>, vector<16xi32> -> vector<16xf32>
      %parallel_loop3A_532 = arith.mulf %parallel_loop3A_527, %parallel_loop3A_531 : vector<16xf32>
      tpu.vector_store_idx %arg18[%parallel_loop3A_493, %add3A_72], %parallel_loop3A_532 : memref<80x128xf32, #tpu.memory_space<vmem>>[vector<16xi32>, vector<16xi32>], vector<16xf32>,
      %parallel_loop3A_533 = arith.mulf %parallel_loop3A_528, %parallel_loop3A_531 : vector<16xf32>
      tpu.vector_store_idx %arg18[%parallel_loop3A_493, %add3A_108], %parallel_loop3A_533 : memref<80x128xf32, #tpu.memory_space<vmem>>[vector<16xi32>, vector<16xi32>], vector<16xf32>,
    } {sc.loop_unroll_factor = 4 : i64, sc.parallel_access}
    %get3A = arith.constant 0 : index
    %get3A_164 = tpu.vector_load %arg12[%get3A] {strides = array<i32>} : memref<80xi32, #tpu.memory_space<vmem>>, vector<16xi32>,
    %swap3A = arith.constant 0 : index
    %swap3A_165 = tpu.vector_load %arg14[%swap3A] {strides = array<i32>} : memref<80xi32, #tpu.memory_space<vmem>>, vector<16xi32>,
    tpu.vector_store %arg14[%swap3A], %get3A_164 {strides = array<i32>} : memref<80xi32, #tpu.memory_space<vmem>>, vector<16xi32>,
    %get3A_166 = arith.constant 16 : index
    %get3A_167 = tpu.vector_load %arg12[%get3A_166] {strides = array<i32>} : memref<80xi32, #tpu.memory_space<vmem>>, vector<16xi32>,
    %swap3A_168 = arith.constant 16 : index
    %swap3A_169 = tpu.vector_load %arg14[%swap3A_168] {strides = array<i32>} : memref<80xi32, #tpu.memory_space<vmem>>, vector<16xi32>,
    tpu.vector_store %arg14[%swap3A_168], %get3A_167 {strides = array<i32>} : memref<80xi32, #tpu.memory_space<vmem>>, vector<16xi32>,
    %get3A_170 = arith.constant 32 : index
    %get3A_171 = tpu.vector_load %arg12[%get3A_170] {strides = array<i32>} : memref<80xi32, #tpu.memory_space<vmem>>, vector<16xi32>,
    %swap3A_172 = arith.constant 32 : index
    %swap3A_173 = tpu.vector_load %arg14[%swap3A_172] {strides = array<i32>} : memref<80xi32, #tpu.memory_space<vmem>>, vector<16xi32>,
    tpu.vector_store %arg14[%swap3A_172], %get3A_171 {strides = array<i32>} : memref<80xi32, #tpu.memory_space<vmem>>, vector<16xi32>,
    %get3A_174 = arith.constant 48 : index
    %get3A_175 = tpu.vector_load %arg12[%get3A_174] {strides = array<i32>} : memref<80xi32, #tpu.memory_space<vmem>>, vector<16xi32>,
    %swap3A_176 = arith.constant 48 : index
    %swap3A_177 = tpu.vector_load %arg14[%swap3A_176] {strides = array<i32>} : memref<80xi32, #tpu.memory_space<vmem>>, vector<16xi32>,
    tpu.vector_store %arg14[%swap3A_176], %get3A_175 {strides = array<i32>} : memref<80xi32, #tpu.memory_space<vmem>>, vector<16xi32>,
    %get3A_178 = arith.constant 64 : index
    %get3A_179 = tpu.vector_load %arg12[%get3A_178] {strides = array<i32>} : memref<80xi32, #tpu.memory_space<vmem>>, vector<16xi32>,
    %swap3A_180 = arith.constant 64 : index
    %swap3A_181 = tpu.vector_load %arg14[%swap3A_180] {strides = array<i32>} : memref<80xi32, #tpu.memory_space<vmem>>, vector<16xi32>,
    tpu.vector_store %arg14[%swap3A_180], %get3A_179 {strides = array<i32>} : memref<80xi32, #tpu.memory_space<vmem>>, vector<16xi32>,
    %dma_start3A_182 = arith.constant 0 : i32
    %dma_start3A_183 = arith.constant 0 : i32
    %dma_start3A_184 = tpu.memref_slice %arg32[%dma_start3A_182, %dma_start3A_183] : memref<10000x128xf32, #tpu.memory_space<vmem_shared>> -> memref<10000x128xf32, #tpu.memory_space<vmem_shared>>
    tpu.enqueue_indirect_dma source(%arg18 : memref<80x128xf32, #tpu.memory_space<vmem>>) target(%dma_start3A_184 : memref<10000x128xf32, #tpu.memory_space<vmem_shared>>) offsets(%arg14 : memref<80xi32, #tpu.memory_space<vmem>>) semaphore(%arg28 : memref<!tpu.dma_semaphore, #tpu.memory_space<semaphore_mem>>) {add = true}
    %dma_start3A_185 = arith.constant 0 : i32
    %dma_start3A_186 = arith.constant 0 : i32
    %dma_start3A_187 = tpu.memref_slice %arg33[%dma_start3A_185, %dma_start3A_186] : memref<10000x16xf32, #tpu.memory_space<vmem_shared>> -> memref<10000x16xf32, #tpu.memory_space<vmem_shared>>
    tpu.enqueue_indirect_dma source(%arg24 : memref<80x16xf32, #tpu.memory_space<vmem>>) target(%dma_start3A_187 : memref<10000x16xf32, #tpu.memory_space<vmem_shared>>) offsets(%arg14 : memref<80xi32, #tpu.memory_space<vmem>>) semaphore(%arg28 : memref<!tpu.dma_semaphore, #tpu.memory_space<semaphore_mem>>) {add = true}
    %add3A_188 = arith.constant 160 : i32
    %add3A_189 = arith.addi %add3A_20, %add3A_188 : i32
    %dma_start3A_190 = tpu.memref_slice %arg4[%add3A_189] : memref<640000xi32, #tpu.memory_space<hbm>> -> memref<80xi32, #tpu.memory_space<hbm>>
    %dma_start3A_191 = tpu.memref_slice %arg4[%add3A_189] : memref<640000xi32, #tpu.memory_space<hbm>> -> memref<80xi32, #tpu.memory_space<hbm>>
    tpu.enqueue_dma source(%dma_start3A_191 : memref<80xi32, #tpu.memory_space<hbm>>) target(%arg8 : memref<80xi32, #tpu.memory_space<vmem>>) target_semaphore(%arg30 : memref<!tpu.dma_semaphore, #tpu.memory_space<semaphore_mem>>)
    %dma_start3A_192 = tpu.memref_slice %arg5[%add3A_189] : memref<640000xi32, #tpu.memory_space<hbm>> -> memref<80xi32, #tpu.memory_space<hbm>>
    %dma_start3A_193 = tpu.memref_slice %arg5[%add3A_189] : memref<640000xi32, #tpu.memory_space<hbm>> -> memref<80xi32, #tpu.memory_space<hbm>>
    tpu.enqueue_dma source(%dma_start3A_193 : memref<80xi32, #tpu.memory_space<hbm>>) target(%arg10 : memref<80xi32, #tpu.memory_space<vmem>>) target_semaphore(%arg30 : memref<!tpu.dma_semaphore, #tpu.memory_space<semaphore_mem>>)
    %dma_start3A_194 = tpu.memref_slice %arg6[%add3A_189] : memref<640000xi32, #tpu.memory_space<hbm>> -> memref<80xi32, #tpu.memory_space<hbm>>
    %dma_start3A_195 = tpu.memref_slice %arg6[%add3A_189] : memref<640000xi32, #tpu.memory_space<hbm>> -> memref<80xi32, #tpu.memory_space<hbm>>
    tpu.enqueue_dma source(%dma_start3A_195 : memref<80xi32, #tpu.memory_space<hbm>>) target(%arg12 : memref<80xi32, #tpu.memory_space<vmem>>) target_semaphore(%arg30 : memref<!tpu.dma_semaphore, #tpu.memory_space<semaphore_mem>>)
    %dma_wait3A_196 = arith.constant 0 : i32
    %dma_wait3A_197 = tpu.memref_slice %arg4[%dma_wait3A_196] : memref<640000xi32, #tpu.memory_space<hbm>> -> memref<80xi32, #tpu.memory_space<hbm>>
    %dma_wait3A_198 = arith.constant 0 : i32
    %dma_wait3A_199 = tpu.memref_slice %arg4[%dma_wait3A_198] : memref<640000xi32, #tpu.memory_space<hbm>> -> memref<80xi32, #tpu.memory_space<hbm>>
    tpu.wait_dma2 semaphore(%arg31 : memref<!tpu.dma_semaphore, #tpu.memory_space<semaphore_mem>>) src(%dma_wait3A_199 : memref<80xi32, #tpu.memory_space<hbm>>) dst(%arg9 : memref<80xi32, #tpu.memory_space<vmem>>)
    %dma_wait3A_200 = arith.constant 0 : i32
    %dma_wait3A_201 = tpu.memref_slice %arg4[%dma_wait3A_200] : memref<640000xi32, #tpu.memory_space<hbm>> -> memref<80xi32, #tpu.memory_space<hbm>>
    %dma_wait3A_202 = arith.constant 0 : i32
    %dma_wait3A_203 = tpu.memref_slice %arg4[%dma_wait3A_202] : memref<640000xi32, #tpu.memory_space<hbm>> -> memref<80xi32, #tpu.memory_space<hbm>>
    tpu.wait_dma2 semaphore(%arg31 : memref<!tpu.dma_semaphore, #tpu.memory_space<semaphore_mem>>) src(%dma_wait3A_203 : memref<80xi32, #tpu.memory_space<hbm>>) dst(%arg11 : memref<80xi32, #tpu.memory_space<vmem>>)
    %dma_wait3A_204 = arith.constant 0 : i32
    %dma_wait3A_205 = tpu.memref_slice %arg4[%dma_wait3A_204] : memref<640000xi32, #tpu.memory_space<hbm>> -> memref<80xi32, #tpu.memory_space<hbm>>
    %dma_wait3A_206 = arith.constant 0 : i32
    %dma_wait3A_207 = tpu.memref_slice %arg4[%dma_wait3A_206] : memref<640000xi32, #tpu.memory_space<hbm>> -> memref<80xi32, #tpu.memory_space<hbm>>
    tpu.wait_dma2 semaphore(%arg31 : memref<!tpu.dma_semaphore, #tpu.memory_space<semaphore_mem>>) src(%dma_wait3A_207 : memref<80xi32, #tpu.memory_space<hbm>>) dst(%arg13 : memref<80xi32, #tpu.memory_space<vmem>>)
    %dma_start3A_208 = arith.constant 0 : i32
    %dma_start3A_209 = arith.constant 0 : i32
    %dma_start3A_210 = tpu.memref_slice %arg2[%dma_start3A_208, %dma_start3A_209] : memref<20000x128xbf16, #tpu.memory_space<hbm>> -> memref<20000x128xbf16, #tpu.memory_space<hbm>>
    tpu.enqueue_indirect_dma source(%dma_start3A_210 : memref<20000x128xbf16, #tpu.memory_space<hbm>>) target(%arg17 : memref<80x128xbf16, #tpu.memory_space<vmem>>) offsets(%arg9 : memref<80xi32, #tpu.memory_space<vmem>>) semaphore(%arg27 : memref<!tpu.dma_semaphore, #tpu.memory_space<semaphore_mem>>)
    %dma_start3A_211 = arith.constant 0 : i32
    %dma_start3A_212 = arith.constant 0 : i32
    %dma_start3A_213 = tpu.memref_slice %arg3[%dma_start3A_211, %dma_start3A_212] : memref<20000x16xf32, #tpu.memory_space<hbm>> -> memref<20000x16xf32, #tpu.memory_space<hbm>>
    tpu.enqueue_indirect_dma source(%dma_start3A_213 : memref<20000x16xf32, #tpu.memory_space<hbm>>) target(%arg21 : memref<80x16xf32, #tpu.memory_space<vmem>>) offsets(%arg9 : memref<80xi32, #tpu.memory_space<vmem>>) semaphore(%arg27 : memref<!tpu.dma_semaphore, #tpu.memory_space<semaphore_mem>>)
    %dma_start3A_214 = arith.constant 0 : i32
    %dma_start3A_215 = arith.constant 0 : i32
    %dma_start3A_216 = tpu.memref_slice %arg3[%dma_start3A_214, %dma_start3A_215] : memref<20000x16xf32, #tpu.memory_space<hbm>> -> memref<20000x16xf32, #tpu.memory_space<hbm>>
    tpu.enqueue_indirect_dma source(%dma_start3A_216 : memref<20000x16xf32, #tpu.memory_space<hbm>>) target(%arg23 : memref<80x16xf32, #tpu.memory_space<vmem>>) offsets(%arg11 : memref<80xi32, #tpu.memory_space<vmem>>) semaphore(%arg27 : memref<!tpu.dma_semaphore, #tpu.memory_space<semaphore_mem>>)
    %scan3A_217 = arith.constant 0 : i32
    %scan3A_218 = arith.constant 1 : i32
    %scan3A_219 = arith.constant 123 : i32
    %scan3A_220 = arith.addi %scan3A_218, %scan3A_219 : i32
    %scan3A_221 = arith.constant 1 : i32
    %scan3A_222 = scf.for %scan3A_471 = %scan3A_218 to %scan3A_220 step %scan3A_221 iter_args(%scan3A_472 = %scan3A_217) -> (i32)  : i32 {
      %mul3A_473 = arith.constant 2 : i32
      %mul3A_474 = arith.muli %mul3A_473, %scan3A_471 : i32
      %sub3A = arith.constant 1 : i32
      %sub3A_475 = arith.subi %mul3A_474, %sub3A : i32
      %dma_wait3A_476 = arith.constant 0 : i32
      %dma_wait3A_477 = arith.constant 0 : i32
      %dma_wait3A_478 = tpu.memref_slice %arg2[%dma_wait3A_476, %dma_wait3A_477] : memref<20000x128xbf16, #tpu.memory_space<hbm>> -> memref<80x128xbf16, #tpu.memory_space<hbm>>
      %dma_wait3A_479 = arith.constant 0 : i32
      %dma_wait3A_480 = arith.constant 0 : i32
      %dma_wait3A_481 = tpu.memref_slice %arg2[%dma_wait3A_479, %dma_wait3A_480] : memref<20000x128xbf16, #tpu.memory_space<hbm>> -> memref<80x128xbf16, #tpu.memory_space<hbm>>
      tpu.wait_dma2 semaphore(%arg27 : memref<!tpu.dma_semaphore, #tpu.memory_space<semaphore_mem>>) src(%dma_wait3A_481 : memref<80x128xbf16, #tpu.memory_space<hbm>>) dst(%arg17 : memref<80x128xbf16, #tpu.memory_space<vmem>>)
      %dma_wait3A_482 = arith.constant 0 : i32
      %dma_wait3A_483 = arith.constant 0 : i32
      %dma_wait3A_484 = tpu.memref_slice %arg3[%dma_wait3A_482, %dma_wait3A_483] : memref<20000x16xf32, #tpu.memory_space<hbm>> -> memref<80x16xf32, #tpu.memory_space<hbm>>
      %dma_wait3A_485 = arith.constant 0 : i32
      %dma_wait3A_486 = arith.constant 0 : i32
      %dma_wait3A_487 = tpu.memref_slice %arg3[%dma_wait3A_485, %dma_wait3A_486] : memref<20000x16xf32, #tpu.memory_space<hbm>> -> memref<80x16xf32, #tpu.memory_space<hbm>>
      tpu.wait_dma2 semaphore(%arg27 : memref<!tpu.dma_semaphore, #tpu.memory_space<semaphore_mem>>) src(%dma_wait3A_487 : memref<80x16xf32, #tpu.memory_space<hbm>>) dst(%arg21 : memref<80x16xf32, #tpu.memory_space<vmem>>)
      %dma_wait3A_488 = arith.constant 0 : i32
      %dma_wait3A_489 = arith.constant 0 : i32
      %dma_wait3A_490 = tpu.memref_slice %arg3[%dma_wait3A_488, %dma_wait3A_489] : memref<20000x16xf32, #tpu.memory_space<hbm>> -> memref<80x16xf32, #tpu.memory_space<hbm>>
      %dma_wait3A_491 = arith.constant 0 : i32
      %dma_wait3A_492 = arith.constant 0 : i32
      %dma_wait3A_493 = tpu.memref_slice %arg3[%dma_wait3A_491, %dma_wait3A_492] : memref<20000x16xf32, #tpu.memory_space<hbm>> -> memref<80x16xf32, #tpu.memory_space<hbm>>
      tpu.wait_dma2 semaphore(%arg27 : memref<!tpu.dma_semaphore, #tpu.memory_space<semaphore_mem>>) src(%dma_wait3A_493 : memref<80x16xf32, #tpu.memory_space<hbm>>) dst(%arg23 : memref<80x16xf32, #tpu.memory_space<vmem>>)
      %parallel_loop3A_494 = arith.constant 0 : i32
      %parallel_loop3A_495 = arith.constant 80 : i32
      %parallel_loop3A_496 = arith.constant 1 : i32
      scf.for %parallel_loop3A_661 = %parallel_loop3A_494 to %parallel_loop3A_495 step %parallel_loop3A_496  : i32 {
        %parallel_loop3A_662 = arith.index_cast %parallel_loop3A_661 : i32 to index
        %parallel_loop3A_663 = arith.constant 0 : index
        %parallel_loop3A_664 = tpu.vector_load %arg21[%parallel_loop3A_662, %parallel_loop3A_663] {strides = array<i32>} : memref<80x16xf32, #tpu.memory_space<vmem>>, vector<16xf32>,
        %parallel_loop3A_665 = arith.index_cast %parallel_loop3A_661 : i32 to index
        %parallel_loop3A_666 = arith.constant 0 : index
        %parallel_loop3A_667 = tpu.vector_load %arg23[%parallel_loop3A_665, %parallel_loop3A_666] {strides = array<i32>} : memref<80x16xf32, #tpu.memory_space<vmem>>, vector<16xf32>,
        %parallel_loop3A_668 = vector.shape_cast %and3A_3 : vector<16xi32> to vector<16x1xi32>
        %parallel_loop3A_669 = vector.shape_cast %parallel_loop3A_668 : vector<16x1xi32> to vector<16xi32>
        %parallel_loop3A_670 = tpu.dynamic_gather %parallel_loop3A_667[%parallel_loop3A_669] in [0] : vector<16xf32>, vector<16xi32> -> vector<16xf32>
        %parallel_loop3A_671 = arith.addf %parallel_loop3A_664, %parallel_loop3A_670 : vector<16xf32>
        %parallel_loop3A_672 = arith.constant 0.000000e+00 : f32
        %parallel_loop3A_673 = vector.broadcast %parallel_loop3A_672 : f32 to vector<16xf32>
        %parallel_loop3A_674 = arith.cmpf ogt, %parallel_loop3A_671, %parallel_loop3A_673 : vector<16xf32>
        %parallel_loop3A_675 = arith.constant 2.000000e-01 : f32
        %parallel_loop3A_676 = vector.broadcast %parallel_loop3A_675 : f32 to vector<16xf32>
        %parallel_loop3A_677 = arith.mulf %parallel_loop3A_676, %parallel_loop3A_671 : vector<16xf32>
        %parallel_loop3A_678 = arith.select %parallel_loop3A_674, %parallel_loop3A_671, %parallel_loop3A_677 : vector<16xi1>, vector<16xf32>
        %parallel_loop3A_679 = math.exp %parallel_loop3A_678 : vector<16xf32>
        %parallel_loop3A_680 = arith.index_cast %parallel_loop3A_661 : i32 to index
        %parallel_loop3A_681 = arith.constant 0 : index
        %parallel_loop3A_682 = tpu.vector_load %arg25[%parallel_loop3A_680, %parallel_loop3A_681] {strides = array<i32>} : memref<80x16xf32, #tpu.memory_space<vmem>>, vector<16xf32>,
        tpu.vector_store %arg25[%parallel_loop3A_680, %parallel_loop3A_681], %parallel_loop3A_679 {strides = array<i32>} : memref<80x16xf32, #tpu.memory_space<vmem>>, vector<16xf32>,
        %parallel_loop3A_683 = vector.broadcast %parallel_loop3A_661 : i32 to vector<16xi32>
        %parallel_loop3A_684 = arith.index_cast %parallel_loop3A_661 : i32 to index
        %parallel_loop3A_685 = arith.constant 0 : index
        %parallel_loop3A_686 = tpu.vector_load %arg17[%parallel_loop3A_684, %parallel_loop3A_685] {strides = array<i32>} : memref<80x128xbf16, #tpu.memory_space<vmem>>, vector<32xbf16>,
        %parallel_loop3A_687 = tpu.unpack_subelements %parallel_loop3A_686, 0 {pack_format = #tpu.pack_format<interleaved>} : vector<32xbf16> -> vector<16xf32>
        %parallel_loop3A_688 = tpu.unpack_subelements %parallel_loop3A_686, 1 {pack_format = #tpu.pack_format<interleaved>} : vector<32xbf16> -> vector<16xf32>
        %parallel_loop3A_689 = vector.shape_cast %select_n3A : vector<16xi32> to vector<16x1xi32>
        %parallel_loop3A_690 = vector.shape_cast %parallel_loop3A_689 : vector<16x1xi32> to vector<16xi32>
        %parallel_loop3A_691 = tpu.dynamic_gather %parallel_loop3A_679[%parallel_loop3A_690] in [0] : vector<16xf32>, vector<16xi32> -> vector<16xf32>
        %parallel_loop3A_692 = arith.mulf %parallel_loop3A_687, %parallel_loop3A_691 : vector<16xf32>
        tpu.vector_store_idx %arg19[%parallel_loop3A_683, %add3A_54], %parallel_loop3A_692 : memref<80x128xf32, #tpu.memory_space<vmem>>[vector<16xi32>, vector<16xi32>], vector<16xf32>,
        %parallel_loop3A_693 = arith.mulf %parallel_loop3A_688, %parallel_loop3A_691 : vector<16xf32>
        tpu.vector_store_idx %arg19[%parallel_loop3A_683, %add3A_81], %parallel_loop3A_693 : memref<80x128xf32, #tpu.memory_space<vmem>>[vector<16xi32>, vector<16xi32>], vector<16xf32>,
        %parallel_loop3A_694 = arith.index_cast %parallel_loop3A_661 : i32 to index
        %parallel_loop3A_695 = arith.constant 32 : index
        %parallel_loop3A_696 = tpu.vector_load %arg17[%parallel_loop3A_694, %parallel_loop3A_695] {strides = array<i32>} : memref<80x128xbf16, #tpu.memory_space<vmem>>, vector<32xbf16>,
        %parallel_loop3A_697 = tpu.unpack_subelements %parallel_loop3A_696, 0 {pack_format = #tpu.pack_format<interleaved>} : vector<32xbf16> -> vector<16xf32>
        %parallel_loop3A_698 = tpu.unpack_subelements %parallel_loop3A_696, 1 {pack_format = #tpu.pack_format<interleaved>} : vector<32xbf16> -> vector<16xf32>
        %parallel_loop3A_699 = vector.shape_cast %select_n3A_32 : vector<16xi32> to vector<16x1xi32>
        %parallel_loop3A_700 = vector.shape_cast %parallel_loop3A_699 : vector<16x1xi32> to vector<16xi32>
        %parallel_loop3A_701 = tpu.dynamic_gather %parallel_loop3A_679[%parallel_loop3A_700] in [0] : vector<16xf32>, vector<16xi32> -> vector<16xf32>
        %parallel_loop3A_702 = arith.mulf %parallel_loop3A_697, %parallel_loop3A_701 : vector<16xf32>
        tpu.vector_store_idx %arg19[%parallel_loop3A_683, %add3A_60], %parallel_loop3A_702 : memref<80x128xf32, #tpu.memory_space<vmem>>[vector<16xi32>, vector<16xi32>], vector<16xf32>,
        %parallel_loop3A_703 = arith.mulf %parallel_loop3A_698, %parallel_loop3A_701 : vector<16xf32>
        tpu.vector_store_idx %arg19[%parallel_loop3A_683, %add3A_90], %parallel_loop3A_703 : memref<80x128xf32, #tpu.memory_space<vmem>>[vector<16xi32>, vector<16xi32>], vector<16xf32>,
        %parallel_loop3A_704 = arith.index_cast %parallel_loop3A_661 : i32 to index
        %parallel_loop3A_705 = arith.constant 64 : index
        %parallel_loop3A_706 = tpu.vector_load %arg17[%parallel_loop3A_704, %parallel_loop3A_705] {strides = array<i32>} : memref<80x128xbf16, #tpu.memory_space<vmem>>, vector<32xbf16>,
        %parallel_loop3A_707 = tpu.unpack_subelements %parallel_loop3A_706, 0 {pack_format = #tpu.pack_format<interleaved>} : vector<32xbf16> -> vector<16xf32>
        %parallel_loop3A_708 = tpu.unpack_subelements %parallel_loop3A_706, 1 {pack_format = #tpu.pack_format<interleaved>} : vector<32xbf16> -> vector<16xf32>
        %parallel_loop3A_709 = vector.shape_cast %select_n3A_40 : vector<16xi32> to vector<16x1xi32>
        %parallel_loop3A_710 = vector.shape_cast %parallel_loop3A_709 : vector<16x1xi32> to vector<16xi32>
        %parallel_loop3A_711 = tpu.dynamic_gather %parallel_loop3A_679[%parallel_loop3A_710] in [0] : vector<16xf32>, vector<16xi32> -> vector<16xf32>
        %parallel_loop3A_712 = arith.mulf %parallel_loop3A_707, %parallel_loop3A_711 : vector<16xf32>
        tpu.vector_store_idx %arg19[%parallel_loop3A_683, %add3A_66], %parallel_loop3A_712 : memref<80x128xf32, #tpu.memory_space<vmem>>[vector<16xi32>, vector<16xi32>], vector<16xf32>,
        %parallel_loop3A_713 = arith.mulf %parallel_loop3A_708, %parallel_loop3A_711 : vector<16xf32>
        tpu.vector_store_idx %arg19[%parallel_loop3A_683, %add3A_99], %parallel_loop3A_713 : memref<80x128xf32, #tpu.memory_space<vmem>>[vector<16xi32>, vector<16xi32>], vector<16xf32>,
        %parallel_loop3A_714 = arith.index_cast %parallel_loop3A_661 : i32 to index
        %parallel_loop3A_715 = arith.constant 96 : index
        %parallel_loop3A_716 = tpu.vector_load %arg17[%parallel_loop3A_714, %parallel_loop3A_715] {strides = array<i32>} : memref<80x128xbf16, #tpu.memory_space<vmem>>, vector<32xbf16>,
        %parallel_loop3A_717 = tpu.unpack_subelements %parallel_loop3A_716, 0 {pack_format = #tpu.pack_format<interleaved>} : vector<32xbf16> -> vector<16xf32>
        %parallel_loop3A_718 = tpu.unpack_subelements %parallel_loop3A_716, 1 {pack_format = #tpu.pack_format<interleaved>} : vector<32xbf16> -> vector<16xf32>
        %parallel_loop3A_719 = vector.shape_cast %select_n3A_48 : vector<16xi32> to vector<16x1xi32>
        %parallel_loop3A_720 = vector.shape_cast %parallel_loop3A_719 : vector<16x1xi32> to vector<16xi32>
        %parallel_loop3A_721 = tpu.dynamic_gather %parallel_loop3A_679[%parallel_loop3A_720] in [0] : vector<16xf32>, vector<16xi32> -> vector<16xf32>
        %parallel_loop3A_722 = arith.mulf %parallel_loop3A_717, %parallel_loop3A_721 : vector<16xf32>
        tpu.vector_store_idx %arg19[%parallel_loop3A_683, %add3A_72], %parallel_loop3A_722 : memref<80x128xf32, #tpu.memory_space<vmem>>[vector<16xi32>, vector<16xi32>], vector<16xf32>,
        %parallel_loop3A_723 = arith.mulf %parallel_loop3A_718, %parallel_loop3A_721 : vector<16xf32>
        tpu.vector_store_idx %arg19[%parallel_loop3A_683, %add3A_108], %parallel_loop3A_723 : memref<80x128xf32, #tpu.memory_space<vmem>>[vector<16xi32>, vector<16xi32>], vector<16xf32>,
      } {sc.loop_unroll_factor = 4 : i64, sc.parallel_access}
      %get3A_497 = arith.constant 0 : index
      %get3A_498 = tpu.vector_load %arg13[%get3A_497] {strides = array<i32>} : memref<80xi32, #tpu.memory_space<vmem>>, vector<16xi32>,
      %swap3A_499 = arith.constant 0 : index
      %swap3A_500 = tpu.vector_load %arg15[%swap3A_499] {strides = array<i32>} : memref<80xi32, #tpu.memory_space<vmem>>, vector<16xi32>,
      tpu.vector_store %arg15[%swap3A_499], %get3A_498 {strides = array<i32>} : memref<80xi32, #tpu.memory_space<vmem>>, vector<16xi32>,
      %get3A_501 = arith.constant 16 : index
      %get3A_502 = tpu.vector_load %arg13[%get3A_501] {strides = array<i32>} : memref<80xi32, #tpu.memory_space<vmem>>, vector<16xi32>,
      %swap3A_503 = arith.constant 16 : index
      %swap3A_504 = tpu.vector_load %arg15[%swap3A_503] {strides = array<i32>} : memref<80xi32, #tpu.memory_space<vmem>>, vector<16xi32>,
      tpu.vector_store %arg15[%swap3A_503], %get3A_502 {strides = array<i32>} : memref<80xi32, #tpu.memory_space<vmem>>, vector<16xi32>,
      %get3A_505 = arith.constant 32 : index
      %get3A_506 = tpu.vector_load %arg13[%get3A_505] {strides = array<i32>} : memref<80xi32, #tpu.memory_space<vmem>>, vector<16xi32>,
      %swap3A_507 = arith.constant 32 : index
      %swap3A_508 = tpu.vector_load %arg15[%swap3A_507] {strides = array<i32>} : memref<80xi32, #tpu.memory_space<vmem>>, vector<16xi32>,
      tpu.vector_store %arg15[%swap3A_507], %get3A_506 {strides = array<i32>} : memref<80xi32, #tpu.memory_space<vmem>>, vector<16xi32>,
      %get3A_509 = arith.constant 48 : index
      %get3A_510 = tpu.vector_load %arg13[%get3A_509] {strides = array<i32>} : memref<80xi32, #tpu.memory_space<vmem>>, vector<16xi32>,
      %swap3A_511 = arith.constant 48 : index
      %swap3A_512 = tpu.vector_load %arg15[%swap3A_511] {strides = array<i32>} : memref<80xi32, #tpu.memory_space<vmem>>, vector<16xi32>,
      tpu.vector_store %arg15[%swap3A_511], %get3A_510 {strides = array<i32>} : memref<80xi32, #tpu.memory_space<vmem>>, vector<16xi32>,
      %get3A_513 = arith.constant 64 : index
      %get3A_514 = tpu.vector_load %arg13[%get3A_513] {strides = array<i32>} : memref<80xi32, #tpu.memory_space<vmem>>, vector<16xi32>,
      %swap3A_515 = arith.constant 64 : index
      %swap3A_516 = tpu.vector_load %arg15[%swap3A_515] {strides = array<i32>} : memref<80xi32, #tpu.memory_space<vmem>>, vector<16xi32>,
      tpu.vector_store %arg15[%swap3A_515], %get3A_514 {strides = array<i32>} : memref<80xi32, #tpu.memory_space<vmem>>, vector<16xi32>,
      %dma_start3A_517 = arith.constant 0 : i32
      %dma_start3A_518 = arith.constant 0 : i32
      %dma_start3A_519 = tpu.memref_slice %arg32[%dma_start3A_517, %dma_start3A_518] : memref<10000x128xf32, #tpu.memory_space<vmem_shared>> -> memref<10000x128xf32, #tpu.memory_space<vmem_shared>>
      tpu.enqueue_indirect_dma source(%arg19 : memref<80x128xf32, #tpu.memory_space<vmem>>) target(%dma_start3A_519 : memref<10000x128xf32, #tpu.memory_space<vmem_shared>>) offsets(%arg15 : memref<80xi32, #tpu.memory_space<vmem>>) semaphore(%arg29 : memref<!tpu.dma_semaphore, #tpu.memory_space<semaphore_mem>>) {add = true}
      %dma_start3A_520 = arith.constant 0 : i32
      %dma_start3A_521 = arith.constant 0 : i32
      %dma_start3A_522 = tpu.memref_slice %arg33[%dma_start3A_520, %dma_start3A_521] : memref<10000x16xf32, #tpu.memory_space<vmem_shared>> -> memref<10000x16xf32, #tpu.memory_space<vmem_shared>>
      tpu.enqueue_indirect_dma source(%arg25 : memref<80x16xf32, #tpu.memory_space<vmem>>) target(%dma_start3A_522 : memref<10000x16xf32, #tpu.memory_space<vmem_shared>>) offsets(%arg15 : memref<80xi32, #tpu.memory_space<vmem>>) semaphore(%arg29 : memref<!tpu.dma_semaphore, #tpu.memory_space<semaphore_mem>>) {add = true}
      %add3A_523 = arith.constant 2 : i32
      %add3A_524 = arith.addi %sub3A_475, %add3A_523 : i32
      %mul3A_525 = arith.constant 80 : i32
      %mul3A_526 = arith.muli %add3A_524, %mul3A_525 : i32
      %add3A_527 = arith.addi %add3A_20, %mul3A_526 : i32
      %dma_start3A_528 = tpu.memref_slice %arg4[%add3A_527] : memref<640000xi32, #tpu.memory_space<hbm>> -> memref<80xi32, #tpu.memory_space<hbm>>
      %dma_start3A_529 = tpu.memref_slice %arg4[%add3A_527] : memref<640000xi32, #tpu.memory_space<hbm>> -> memref<80xi32, #tpu.memory_space<hbm>>
      tpu.enqueue_dma source(%dma_start3A_529 : memref<80xi32, #tpu.memory_space<hbm>>) target(%arg9 : memref<80xi32, #tpu.memory_space<vmem>>) target_semaphore(%arg31 : memref<!tpu.dma_semaphore, #tpu.memory_space<semaphore_mem>>)
      %dma_start3A_530 = tpu.memref_slice %arg5[%add3A_527] : memref<640000xi32, #tpu.memory_space<hbm>> -> memref<80xi32, #tpu.memory_space<hbm>>
      %dma_start3A_531 = tpu.memref_slice %arg5[%add3A_527] : memref<640000xi32, #tpu.memory_space<hbm>> -> memref<80xi32, #tpu.memory_space<hbm>>
      tpu.enqueue_dma source(%dma_start3A_531 : memref<80xi32, #tpu.memory_space<hbm>>) target(%arg11 : memref<80xi32, #tpu.memory_space<vmem>>) target_semaphore(%arg31 : memref<!tpu.dma_semaphore, #tpu.memory_space<semaphore_mem>>)
      %dma_start3A_532 = tpu.memref_slice %arg6[%add3A_527] : memref<640000xi32, #tpu.memory_space<hbm>> -> memref<80xi32, #tpu.memory_space<hbm>>
      %dma_start3A_533 = tpu.memref_slice %arg6[%add3A_527] : memref<640000xi32, #tpu.memory_space<hbm>> -> memref<80xi32, #tpu.memory_space<hbm>>
      tpu.enqueue_dma source(%dma_start3A_533 : memref<80xi32, #tpu.memory_space<hbm>>) target(%arg13 : memref<80xi32, #tpu.memory_space<vmem>>) target_semaphore(%arg31 : memref<!tpu.dma_semaphore, #tpu.memory_space<semaphore_mem>>)
      %dma_wait3A_534 = arith.constant 0 : i32
      %dma_wait3A_535 = arith.constant 0 : i32
      %dma_wait3A_536 = tpu.memref_slice %arg7[%dma_wait3A_534, %dma_wait3A_535] : memref<20000x128xf32, #tpu.memory_space<hbm>> -> memref<80x128xf32, #tpu.memory_space<hbm>>
      %dma_wait3A_537 = arith.constant 0 : i32
      %dma_wait3A_538 = arith.constant 0 : i32
      %dma_wait3A_539 = tpu.memref_slice %arg7[%dma_wait3A_537, %dma_wait3A_538] : memref<20000x128xf32, #tpu.memory_space<hbm>> -> memref<80x128xf32, #tpu.memory_space<hbm>>
      tpu.wait_dma2 semaphore(%arg28 : memref<!tpu.dma_semaphore, #tpu.memory_space<semaphore_mem>>) src(%dma_wait3A_539 : memref<80x128xf32, #tpu.memory_space<hbm>>) dst(%arg18 : memref<80x128xf32, #tpu.memory_space<vmem>>)
      %dma_wait3A_540 = arith.constant 0 : i32
      %dma_wait3A_541 = arith.constant 0 : i32
      %dma_wait3A_542 = tpu.memref_slice %arg3[%dma_wait3A_540, %dma_wait3A_541] : memref<20000x16xf32, #tpu.memory_space<hbm>> -> memref<80x16xf32, #tpu.memory_space<hbm>>
      %dma_wait3A_543 = arith.constant 0 : i32
      %dma_wait3A_544 = arith.constant 0 : i32
      %dma_wait3A_545 = tpu.memref_slice %arg3[%dma_wait3A_543, %dma_wait3A_544] : memref<20000x16xf32, #tpu.memory_space<hbm>> -> memref<80x16xf32, #tpu.memory_space<hbm>>
      tpu.wait_dma2 semaphore(%arg28 : memref<!tpu.dma_semaphore, #tpu.memory_space<semaphore_mem>>) src(%dma_wait3A_545 : memref<80x16xf32, #tpu.memory_space<hbm>>) dst(%arg24 : memref<80x16xf32, #tpu.memory_space<vmem>>)
      %dma_wait3A_546 = arith.constant 0 : i32
      %dma_wait3A_547 = tpu.memref_slice %arg4[%dma_wait3A_546] : memref<640000xi32, #tpu.memory_space<hbm>> -> memref<80xi32, #tpu.memory_space<hbm>>
      %dma_wait3A_548 = arith.constant 0 : i32
      %dma_wait3A_549 = tpu.memref_slice %arg4[%dma_wait3A_548] : memref<640000xi32, #tpu.memory_space<hbm>> -> memref<80xi32, #tpu.memory_space<hbm>>
      tpu.wait_dma2 semaphore(%arg30 : memref<!tpu.dma_semaphore, #tpu.memory_space<semaphore_mem>>) src(%dma_wait3A_549 : memref<80xi32, #tpu.memory_space<hbm>>) dst(%arg8 : memref<80xi32, #tpu.memory_space<vmem>>)
      %dma_wait3A_550 = arith.constant 0 : i32
      %dma_wait3A_551 = tpu.memref_slice %arg4[%dma_wait3A_550] : memref<640000xi32, #tpu.memory_space<hbm>> -> memref<80xi32, #tpu.memory_space<hbm>>
      %dma_wait3A_552 = arith.constant 0 : i32
      %dma_wait3A_553 = tpu.memref_slice %arg4[%dma_wait3A_552] : memref<640000xi32, #tpu.memory_space<hbm>> -> memref<80xi32, #tpu.memory_space<hbm>>
      tpu.wait_dma2 semaphore(%arg30 : memref<!tpu.dma_semaphore, #tpu.memory_space<semaphore_mem>>) src(%dma_wait3A_553 : memref<80xi32, #tpu.memory_space<hbm>>) dst(%arg10 : memref<80xi32, #tpu.memory_space<vmem>>)
      %dma_wait3A_554 = arith.constant 0 : i32
      %dma_wait3A_555 = tpu.memref_slice %arg4[%dma_wait3A_554] : memref<640000xi32, #tpu.memory_space<hbm>> -> memref<80xi32, #tpu.memory_space<hbm>>
      %dma_wait3A_556 = arith.constant 0 : i32
      %dma_wait3A_557 = tpu.memref_slice %arg4[%dma_wait3A_556] : memref<640000xi32, #tpu.memory_space<hbm>> -> memref<80xi32, #tpu.memory_space<hbm>>
      tpu.wait_dma2 semaphore(%arg30 : memref<!tpu.dma_semaphore, #tpu.memory_space<semaphore_mem>>) src(%dma_wait3A_557 : memref<80xi32, #tpu.memory_space<hbm>>) dst(%arg12 : memref<80xi32, #tpu.memory_space<vmem>>)
      %dma_start3A_558 = arith.constant 0 : i32
      %dma_start3A_559 = arith.constant 0 : i32
      %dma_start3A_560 = tpu.memref_slice %arg2[%dma_start3A_558, %dma_start3A_559] : memref<20000x128xbf16, #tpu.memory_space<hbm>> -> memref<20000x128xbf16, #tpu.memory_space<hbm>>
      tpu.enqueue_indirect_dma source(%dma_start3A_560 : memref<20000x128xbf16, #tpu.memory_space<hbm>>) target(%arg16 : memref<80x128xbf16, #tpu.memory_space<vmem>>) offsets(%arg8 : memref<80xi32, #tpu.memory_space<vmem>>) semaphore(%arg26 : memref<!tpu.dma_semaphore, #tpu.memory_space<semaphore_mem>>)
      %dma_start3A_561 = arith.constant 0 : i32
      %dma_start3A_562 = arith.constant 0 : i32
      %dma_start3A_563 = tpu.memref_slice %arg3[%dma_start3A_561, %dma_start3A_562] : memref<20000x16xf32, #tpu.memory_space<hbm>> -> memref<20000x16xf32, #tpu.memory_space<hbm>>
      tpu.enqueue_indirect_dma source(%dma_start3A_563 : memref<20000x16xf32, #tpu.memory_space<hbm>>) target(%arg20 : memref<80x16xf32, #tpu.memory_space<vmem>>) offsets(%arg8 : memref<80xi32, #tpu.memory_space<vmem>>) semaphore(%arg26 : memref<!tpu.dma_semaphore, #tpu.memory_space<semaphore_mem>>)
      %dma_start3A_564 = arith.constant 0 : i32
      %dma_start3A_565 = arith.constant 0 : i32
      %dma_start3A_566 = tpu.memref_slice %arg3[%dma_start3A_564, %dma_start3A_565] : memref<20000x16xf32, #tpu.memory_space<hbm>> -> memref<20000x16xf32, #tpu.memory_space<hbm>>
      tpu.enqueue_indirect_dma source(%dma_start3A_566 : memref<20000x16xf32, #tpu.memory_space<hbm>>) target(%arg22 : memref<80x16xf32, #tpu.memory_space<vmem>>) offsets(%arg10 : memref<80xi32, #tpu.memory_space<vmem>>) semaphore(%arg26 : memref<!tpu.dma_semaphore, #tpu.memory_space<semaphore_mem>>)
      %add3A_567 = arith.constant 1 : i32
      %add3A_568 = arith.addi %sub3A_475, %add3A_567 : i32
      %dma_wait3A_569 = arith.constant 0 : i32
      %dma_wait3A_570 = arith.constant 0 : i32
      %dma_wait3A_571 = tpu.memref_slice %arg2[%dma_wait3A_569, %dma_wait3A_570] : memref<20000x128xbf16, #tpu.memory_space<hbm>> -> memref<80x128xbf16, #tpu.memory_space<hbm>>
      %dma_wait3A_572 = arith.constant 0 : i32
      %dma_wait3A_573 = arith.constant 0 : i32
      %dma_wait3A_574 = tpu.memref_slice %arg2[%dma_wait3A_572, %dma_wait3A_573] : memref<20000x128xbf16, #tpu.memory_space<hbm>> -> memref<80x128xbf16, #tpu.memory_space<hbm>>
      tpu.wait_dma2 semaphore(%arg26 : memref<!tpu.dma_semaphore, #tpu.memory_space<semaphore_mem>>) src(%dma_wait3A_574 : memref<80x128xbf16, #tpu.memory_space<hbm>>) dst(%arg16 : memref<80x128xbf16, #tpu.memory_space<vmem>>)
      %dma_wait3A_575 = arith.constant 0 : i32
      %dma_wait3A_576 = arith.constant 0 : i32
      %dma_wait3A_577 = tpu.memref_slice %arg3[%dma_wait3A_575, %dma_wait3A_576] : memref<20000x16xf32, #tpu.memory_space<hbm>> -> memref<80x16xf32, #tpu.memory_space<hbm>>
      %dma_wait3A_578 = arith.constant 0 : i32
      %dma_wait3A_579 = arith.constant 0 : i32
      %dma_wait3A_580 = tpu.memref_slice %arg3[%dma_wait3A_578, %dma_wait3A_579] : memref<20000x16xf32, #tpu.memory_space<hbm>> -> memref<80x16xf32, #tpu.memory_space<hbm>>
      tpu.wait_dma2 semaphore(%arg26 : memref<!tpu.dma_semaphore, #tpu.memory_space<semaphore_mem>>) src(%dma_wait3A_580 : memref<80x16xf32, #tpu.memory_space<hbm>>) dst(%arg20 : memref<80x16xf32, #tpu.memory_space<vmem>>)
      %dma_wait3A_581 = arith.constant 0 : i32
      %dma_wait3A_582 = arith.constant 0 : i32
      %dma_wait3A_583 = tpu.memref_slice %arg3[%dma_wait3A_581, %dma_wait3A_582] : memref<20000x16xf32, #tpu.memory_space<hbm>> -> memref<80x16xf32, #tpu.memory_space<hbm>>
      %dma_wait3A_584 = arith.constant 0 : i32
      %dma_wait3A_585 = arith.constant 0 : i32
      %dma_wait3A_586 = tpu.memref_slice %arg3[%dma_wait3A_584, %dma_wait3A_585] : memref<20000x16xf32, #tpu.memory_space<hbm>> -> memref<80x16xf32, #tpu.memory_space<hbm>>
      tpu.wait_dma2 semaphore(%arg26 : memref<!tpu.dma_semaphore, #tpu.memory_space<semaphore_mem>>) src(%dma_wait3A_586 : memref<80x16xf32, #tpu.memory_space<hbm>>) dst(%arg22 : memref<80x16xf32, #tpu.memory_space<vmem>>)
      %parallel_loop3A_587 = arith.constant 0 : i32
      %parallel_loop3A_588 = arith.constant 80 : i32
      %parallel_loop3A_589 = arith.constant 1 : i32
      scf.for %parallel_loop3A_661 = %parallel_loop3A_587 to %parallel_loop3A_588 step %parallel_loop3A_589  : i32 {
        %parallel_loop3A_662 = arith.index_cast %parallel_loop3A_661 : i32 to index
        %parallel_loop3A_663 = arith.constant 0 : index
        %parallel_loop3A_664 = tpu.vector_load %arg20[%parallel_loop3A_662, %parallel_loop3A_663] {strides = array<i32>} : memref<80x16xf32, #tpu.memory_space<vmem>>, vector<16xf32>,
        %parallel_loop3A_665 = arith.index_cast %parallel_loop3A_661 : i32 to index
        %parallel_loop3A_666 = arith.constant 0 : index
        %parallel_loop3A_667 = tpu.vector_load %arg22[%parallel_loop3A_665, %parallel_loop3A_666] {strides = array<i32>} : memref<80x16xf32, #tpu.memory_space<vmem>>, vector<16xf32>,
        %parallel_loop3A_668 = vector.shape_cast %and3A_3 : vector<16xi32> to vector<16x1xi32>
        %parallel_loop3A_669 = vector.shape_cast %parallel_loop3A_668 : vector<16x1xi32> to vector<16xi32>
        %parallel_loop3A_670 = tpu.dynamic_gather %parallel_loop3A_667[%parallel_loop3A_669] in [0] : vector<16xf32>, vector<16xi32> -> vector<16xf32>
        %parallel_loop3A_671 = arith.addf %parallel_loop3A_664, %parallel_loop3A_670 : vector<16xf32>
        %parallel_loop3A_672 = arith.constant 0.000000e+00 : f32
        %parallel_loop3A_673 = vector.broadcast %parallel_loop3A_672 : f32 to vector<16xf32>
        %parallel_loop3A_674 = arith.cmpf ogt, %parallel_loop3A_671, %parallel_loop3A_673 : vector<16xf32>
        %parallel_loop3A_675 = arith.constant 2.000000e-01 : f32
        %parallel_loop3A_676 = vector.broadcast %parallel_loop3A_675 : f32 to vector<16xf32>
        %parallel_loop3A_677 = arith.mulf %parallel_loop3A_676, %parallel_loop3A_671 : vector<16xf32>
        %parallel_loop3A_678 = arith.select %parallel_loop3A_674, %parallel_loop3A_671, %parallel_loop3A_677 : vector<16xi1>, vector<16xf32>
        %parallel_loop3A_679 = math.exp %parallel_loop3A_678 : vector<16xf32>
        %parallel_loop3A_680 = arith.index_cast %parallel_loop3A_661 : i32 to index
        %parallel_loop3A_681 = arith.constant 0 : index
        %parallel_loop3A_682 = tpu.vector_load %arg24[%parallel_loop3A_680, %parallel_loop3A_681] {strides = array<i32>} : memref<80x16xf32, #tpu.memory_space<vmem>>, vector<16xf32>,
        tpu.vector_store %arg24[%parallel_loop3A_680, %parallel_loop3A_681], %parallel_loop3A_679 {strides = array<i32>} : memref<80x16xf32, #tpu.memory_space<vmem>>, vector<16xf32>,
        %parallel_loop3A_683 = vector.broadcast %parallel_loop3A_661 : i32 to vector<16xi32>
        %parallel_loop3A_684 = arith.index_cast %parallel_loop3A_661 : i32 to index
        %parallel_loop3A_685 = arith.constant 0 : index
        %parallel_loop3A_686 = tpu.vector_load %arg16[%parallel_loop3A_684, %parallel_loop3A_685] {strides = array<i32>} : memref<80x128xbf16, #tpu.memory_space<vmem>>, vector<32xbf16>,
        %parallel_loop3A_687 = tpu.unpack_subelements %parallel_loop3A_686, 0 {pack_format = #tpu.pack_format<interleaved>} : vector<32xbf16> -> vector<16xf32>
        %parallel_loop3A_688 = tpu.unpack_subelements %parallel_loop3A_686, 1 {pack_format = #tpu.pack_format<interleaved>} : vector<32xbf16> -> vector<16xf32>
        %parallel_loop3A_689 = vector.shape_cast %select_n3A : vector<16xi32> to vector<16x1xi32>
        %parallel_loop3A_690 = vector.shape_cast %parallel_loop3A_689 : vector<16x1xi32> to vector<16xi32>
        %parallel_loop3A_691 = tpu.dynamic_gather %parallel_loop3A_679[%parallel_loop3A_690] in [0] : vector<16xf32>, vector<16xi32> -> vector<16xf32>
        %parallel_loop3A_692 = arith.mulf %parallel_loop3A_687, %parallel_loop3A_691 : vector<16xf32>
        tpu.vector_store_idx %arg18[%parallel_loop3A_683, %add3A_54], %parallel_loop3A_692 : memref<80x128xf32, #tpu.memory_space<vmem>>[vector<16xi32>, vector<16xi32>], vector<16xf32>,
        %parallel_loop3A_693 = arith.mulf %parallel_loop3A_688, %parallel_loop3A_691 : vector<16xf32>
        tpu.vector_store_idx %arg18[%parallel_loop3A_683, %add3A_81], %parallel_loop3A_693 : memref<80x128xf32, #tpu.memory_space<vmem>>[vector<16xi32>, vector<16xi32>], vector<16xf32>,
        %parallel_loop3A_694 = arith.index_cast %parallel_loop3A_661 : i32 to index
        %parallel_loop3A_695 = arith.constant 32 : index
        %parallel_loop3A_696 = tpu.vector_load %arg16[%parallel_loop3A_694, %parallel_loop3A_695] {strides = array<i32>} : memref<80x128xbf16, #tpu.memory_space<vmem>>, vector<32xbf16>,
        %parallel_loop3A_697 = tpu.unpack_subelements %parallel_loop3A_696, 0 {pack_format = #tpu.pack_format<interleaved>} : vector<32xbf16> -> vector<16xf32>
        %parallel_loop3A_698 = tpu.unpack_subelements %parallel_loop3A_696, 1 {pack_format = #tpu.pack_format<interleaved>} : vector<32xbf16> -> vector<16xf32>
        %parallel_loop3A_699 = vector.shape_cast %select_n3A_32 : vector<16xi32> to vector<16x1xi32>
        %parallel_loop3A_700 = vector.shape_cast %parallel_loop3A_699 : vector<16x1xi32> to vector<16xi32>
        %parallel_loop3A_701 = tpu.dynamic_gather %parallel_loop3A_679[%parallel_loop3A_700] in [0] : vector<16xf32>, vector<16xi32> -> vector<16xf32>
        %parallel_loop3A_702 = arith.mulf %parallel_loop3A_697, %parallel_loop3A_701 : vector<16xf32>
        tpu.vector_store_idx %arg18[%parallel_loop3A_683, %add3A_60], %parallel_loop3A_702 : memref<80x128xf32, #tpu.memory_space<vmem>>[vector<16xi32>, vector<16xi32>], vector<16xf32>,
        %parallel_loop3A_703 = arith.mulf %parallel_loop3A_698, %parallel_loop3A_701 : vector<16xf32>
        tpu.vector_store_idx %arg18[%parallel_loop3A_683, %add3A_90], %parallel_loop3A_703 : memref<80x128xf32, #tpu.memory_space<vmem>>[vector<16xi32>, vector<16xi32>], vector<16xf32>,
        %parallel_loop3A_704 = arith.index_cast %parallel_loop3A_661 : i32 to index
        %parallel_loop3A_705 = arith.constant 64 : index
        %parallel_loop3A_706 = tpu.vector_load %arg16[%parallel_loop3A_704, %parallel_loop3A_705] {strides = array<i32>} : memref<80x128xbf16, #tpu.memory_space<vmem>>, vector<32xbf16>,
        %parallel_loop3A_707 = tpu.unpack_subelements %parallel_loop3A_706, 0 {pack_format = #tpu.pack_format<interleaved>} : vector<32xbf16> -> vector<16xf32>
        %parallel_loop3A_708 = tpu.unpack_subelements %parallel_loop3A_706, 1 {pack_format = #tpu.pack_format<interleaved>} : vector<32xbf16> -> vector<16xf32>
        %parallel_loop3A_709 = vector.shape_cast %select_n3A_40 : vector<16xi32> to vector<16x1xi32>
        %parallel_loop3A_710 = vector.shape_cast %parallel_loop3A_709 : vector<16x1xi32> to vector<16xi32>
        %parallel_loop3A_711 = tpu.dynamic_gather %parallel_loop3A_679[%parallel_loop3A_710] in [0] : vector<16xf32>, vector<16xi32> -> vector<16xf32>
        %parallel_loop3A_712 = arith.mulf %parallel_loop3A_707, %parallel_loop3A_711 : vector<16xf32>
        tpu.vector_store_idx %arg18[%parallel_loop3A_683, %add3A_66], %parallel_loop3A_712 : memref<80x128xf32, #tpu.memory_space<vmem>>[vector<16xi32>, vector<16xi32>], vector<16xf32>,
        %parallel_loop3A_713 = arith.mulf %parallel_loop3A_708, %parallel_loop3A_711 : vector<16xf32>
        tpu.vector_store_idx %arg18[%parallel_loop3A_683, %add3A_99], %parallel_loop3A_713 : memref<80x128xf32, #tpu.memory_space<vmem>>[vector<16xi32>, vector<16xi32>], vector<16xf32>,
        %parallel_loop3A_714 = arith.index_cast %parallel_loop3A_661 : i32 to index
        %parallel_loop3A_715 = arith.constant 96 : index
        %parallel_loop3A_716 = tpu.vector_load %arg16[%parallel_loop3A_714, %parallel_loop3A_715] {strides = array<i32>} : memref<80x128xbf16, #tpu.memory_space<vmem>>, vector<32xbf16>,
        %parallel_loop3A_717 = tpu.unpack_subelements %parallel_loop3A_716, 0 {pack_format = #tpu.pack_format<interleaved>} : vector<32xbf16> -> vector<16xf32>
        %parallel_loop3A_718 = tpu.unpack_subelements %parallel_loop3A_716, 1 {pack_format = #tpu.pack_format<interleaved>} : vector<32xbf16> -> vector<16xf32>
        %parallel_loop3A_719 = vector.shape_cast %select_n3A_48 : vector<16xi32> to vector<16x1xi32>
        %parallel_loop3A_720 = vector.shape_cast %parallel_loop3A_719 : vector<16x1xi32> to vector<16xi32>
        %parallel_loop3A_721 = tpu.dynamic_gather %parallel_loop3A_679[%parallel_loop3A_720] in [0] : vector<16xf32>, vector<16xi32> -> vector<16xf32>
        %parallel_loop3A_722 = arith.mulf %parallel_loop3A_717, %parallel_loop3A_721 : vector<16xf32>
        tpu.vector_store_idx %arg18[%parallel_loop3A_683, %add3A_72], %parallel_loop3A_722 : memref<80x128xf32, #tpu.memory_space<vmem>>[vector<16xi32>, vector<16xi32>], vector<16xf32>,
        %parallel_loop3A_723 = arith.mulf %parallel_loop3A_718, %parallel_loop3A_721 : vector<16xf32>
        tpu.vector_store_idx %arg18[%parallel_loop3A_683, %add3A_108], %parallel_loop3A_723 : memref<80x128xf32, #tpu.memory_space<vmem>>[vector<16xi32>, vector<16xi32>], vector<16xf32>,
      } {sc.loop_unroll_factor = 4 : i64, sc.parallel_access}
      %get3A_590 = arith.constant 0 : index
      %get3A_591 = tpu.vector_load %arg12[%get3A_590] {strides = array<i32>} : memref<80xi32, #tpu.memory_space<vmem>>, vector<16xi32>,
      %swap3A_592 = arith.constant 0 : index
      %swap3A_593 = tpu.vector_load %arg14[%swap3A_592] {strides = array<i32>} : memref<80xi32, #tpu.memory_space<vmem>>, vector<16xi32>,
      tpu.vector_store %arg14[%swap3A_592], %get3A_591 {strides = array<i32>} : memref<80xi32, #tpu.memory_space<vmem>>, vector<16xi32>,
      %get3A_594 = arith.constant 16 : index
      %get3A_595 = tpu.vector_load %arg12[%get3A_594] {strides = array<i32>} : memref<80xi32, #tpu.memory_space<vmem>>, vector<16xi32>,
      %swap3A_596 = arith.constant 16 : index
      %swap3A_597 = tpu.vector_load %arg14[%swap3A_596] {strides = array<i32>} : memref<80xi32, #tpu.memory_space<vmem>>, vector<16xi32>,
      tpu.vector_store %arg14[%swap3A_596], %get3A_595 {strides = array<i32>} : memref<80xi32, #tpu.memory_space<vmem>>, vector<16xi32>,
      %get3A_598 = arith.constant 32 : index
      %get3A_599 = tpu.vector_load %arg12[%get3A_598] {strides = array<i32>} : memref<80xi32, #tpu.memory_space<vmem>>, vector<16xi32>,
      %swap3A_600 = arith.constant 32 : index
      %swap3A_601 = tpu.vector_load %arg14[%swap3A_600] {strides = array<i32>} : memref<80xi32, #tpu.memory_space<vmem>>, vector<16xi32>,
      tpu.vector_store %arg14[%swap3A_600], %get3A_599 {strides = array<i32>} : memref<80xi32, #tpu.memory_space<vmem>>, vector<16xi32>,
      %get3A_602 = arith.constant 48 : index
      %get3A_603 = tpu.vector_load %arg12[%get3A_602] {strides = array<i32>} : memref<80xi32, #tpu.memory_space<vmem>>, vector<16xi32>,
      %swap3A_604 = arith.constant 48 : index
      %swap3A_605 = tpu.vector_load %arg14[%swap3A_604] {strides = array<i32>} : memref<80xi32, #tpu.memory_space<vmem>>, vector<16xi32>,
      tpu.vector_store %arg14[%swap3A_604], %get3A_603 {strides = array<i32>} : memref<80xi32, #tpu.memory_space<vmem>>, vector<16xi32>,
      %get3A_606 = arith.constant 64 : index
      %get3A_607 = tpu.vector_load %arg12[%get3A_606] {strides = array<i32>} : memref<80xi32, #tpu.memory_space<vmem>>, vector<16xi32>,
      %swap3A_608 = arith.constant 64 : index
      %swap3A_609 = tpu.vector_load %arg14[%swap3A_608] {strides = array<i32>} : memref<80xi32, #tpu.memory_space<vmem>>, vector<16xi32>,
      tpu.vector_store %arg14[%swap3A_608], %get3A_607 {strides = array<i32>} : memref<80xi32, #tpu.memory_space<vmem>>, vector<16xi32>,
      %dma_start3A_610 = arith.constant 0 : i32
      %dma_start3A_611 = arith.constant 0 : i32
      %dma_start3A_612 = tpu.memref_slice %arg32[%dma_start3A_610, %dma_start3A_611] : memref<10000x128xf32, #tpu.memory_space<vmem_shared>> -> memref<10000x128xf32, #tpu.memory_space<vmem_shared>>
      tpu.enqueue_indirect_dma source(%arg18 : memref<80x128xf32, #tpu.memory_space<vmem>>) target(%dma_start3A_612 : memref<10000x128xf32, #tpu.memory_space<vmem_shared>>) offsets(%arg14 : memref<80xi32, #tpu.memory_space<vmem>>) semaphore(%arg28 : memref<!tpu.dma_semaphore, #tpu.memory_space<semaphore_mem>>) {add = true}
      %dma_start3A_613 = arith.constant 0 : i32
      %dma_start3A_614 = arith.constant 0 : i32
      %dma_start3A_615 = tpu.memref_slice %arg33[%dma_start3A_613, %dma_start3A_614] : memref<10000x16xf32, #tpu.memory_space<vmem_shared>> -> memref<10000x16xf32, #tpu.memory_space<vmem_shared>>
      tpu.enqueue_indirect_dma source(%arg24 : memref<80x16xf32, #tpu.memory_space<vmem>>) target(%dma_start3A_615 : memref<10000x16xf32, #tpu.memory_space<vmem_shared>>) offsets(%arg14 : memref<80xi32, #tpu.memory_space<vmem>>) semaphore(%arg28 : memref<!tpu.dma_semaphore, #tpu.memory_space<semaphore_mem>>) {add = true}
      %add3A_616 = arith.constant 2 : i32
      %add3A_617 = arith.addi %add3A_568, %add3A_616 : i32
      %mul3A_618 = arith.constant 80 : i32
      %mul3A_619 = arith.muli %add3A_617, %mul3A_618 : i32
      %add3A_620 = arith.addi %add3A_20, %mul3A_619 : i32
      %dma_start3A_621 = tpu.memref_slice %arg4[%add3A_620] : memref<640000xi32, #tpu.memory_space<hbm>> -> memref<80xi32, #tpu.memory_space<hbm>>
      %dma_start3A_622 = tpu.memref_slice %arg4[%add3A_620] : memref<640000xi32, #tpu.memory_space<hbm>> -> memref<80xi32, #tpu.memory_space<hbm>>
      tpu.enqueue_dma source(%dma_start3A_622 : memref<80xi32, #tpu.memory_space<hbm>>) target(%arg8 : memref<80xi32, #tpu.memory_space<vmem>>) target_semaphore(%arg30 : memref<!tpu.dma_semaphore, #tpu.memory_space<semaphore_mem>>)
      %dma_start3A_623 = tpu.memref_slice %arg5[%add3A_620] : memref<640000xi32, #tpu.memory_space<hbm>> -> memref<80xi32, #tpu.memory_space<hbm>>
      %dma_start3A_624 = tpu.memref_slice %arg5[%add3A_620] : memref<640000xi32, #tpu.memory_space<hbm>> -> memref<80xi32, #tpu.memory_space<hbm>>
      tpu.enqueue_dma source(%dma_start3A_624 : memref<80xi32, #tpu.memory_space<hbm>>) target(%arg10 : memref<80xi32, #tpu.memory_space<vmem>>) target_semaphore(%arg30 : memref<!tpu.dma_semaphore, #tpu.memory_space<semaphore_mem>>)
      %dma_start3A_625 = tpu.memref_slice %arg6[%add3A_620] : memref<640000xi32, #tpu.memory_space<hbm>> -> memref<80xi32, #tpu.memory_space<hbm>>
      %dma_start3A_626 = tpu.memref_slice %arg6[%add3A_620] : memref<640000xi32, #tpu.memory_space<hbm>> -> memref<80xi32, #tpu.memory_space<hbm>>
      tpu.enqueue_dma source(%dma_start3A_626 : memref<80xi32, #tpu.memory_space<hbm>>) target(%arg12 : memref<80xi32, #tpu.memory_space<vmem>>) target_semaphore(%arg30 : memref<!tpu.dma_semaphore, #tpu.memory_space<semaphore_mem>>)
      %dma_wait3A_627 = arith.constant 0 : i32
      %dma_wait3A_628 = arith.constant 0 : i32
      %dma_wait3A_629 = tpu.memref_slice %arg7[%dma_wait3A_627, %dma_wait3A_628] : memref<20000x128xf32, #tpu.memory_space<hbm>> -> memref<80x128xf32, #tpu.memory_space<hbm>>
      %dma_wait3A_630 = arith.constant 0 : i32
      %dma_wait3A_631 = arith.constant 0 : i32
      %dma_wait3A_632 = tpu.memref_slice %arg7[%dma_wait3A_630, %dma_wait3A_631] : memref<20000x128xf32, #tpu.memory_space<hbm>> -> memref<80x128xf32, #tpu.memory_space<hbm>>
      tpu.wait_dma2 semaphore(%arg29 : memref<!tpu.dma_semaphore, #tpu.memory_space<semaphore_mem>>) src(%dma_wait3A_632 : memref<80x128xf32, #tpu.memory_space<hbm>>) dst(%arg19 : memref<80x128xf32, #tpu.memory_space<vmem>>)
      %dma_wait3A_633 = arith.constant 0 : i32
      %dma_wait3A_634 = arith.constant 0 : i32
      %dma_wait3A_635 = tpu.memref_slice %arg3[%dma_wait3A_633, %dma_wait3A_634] : memref<20000x16xf32, #tpu.memory_space<hbm>> -> memref<80x16xf32, #tpu.memory_space<hbm>>
      %dma_wait3A_636 = arith.constant 0 : i32
      %dma_wait3A_637 = arith.constant 0 : i32
      %dma_wait3A_638 = tpu.memref_slice %arg3[%dma_wait3A_636, %dma_wait3A_637] : memref<20000x16xf32, #tpu.memory_space<hbm>> -> memref<80x16xf32, #tpu.memory_space<hbm>>
      tpu.wait_dma2 semaphore(%arg29 : memref<!tpu.dma_semaphore, #tpu.memory_space<semaphore_mem>>) src(%dma_wait3A_638 : memref<80x16xf32, #tpu.memory_space<hbm>>) dst(%arg25 : memref<80x16xf32, #tpu.memory_space<vmem>>)
      %dma_wait3A_639 = arith.constant 0 : i32
      %dma_wait3A_640 = tpu.memref_slice %arg4[%dma_wait3A_639] : memref<640000xi32, #tpu.memory_space<hbm>> -> memref<80xi32, #tpu.memory_space<hbm>>
      %dma_wait3A_641 = arith.constant 0 : i32
      %dma_wait3A_642 = tpu.memref_slice %arg4[%dma_wait3A_641] : memref<640000xi32, #tpu.memory_space<hbm>> -> memref<80xi32, #tpu.memory_space<hbm>>
      tpu.wait_dma2 semaphore(%arg31 : memref<!tpu.dma_semaphore, #tpu.memory_space<semaphore_mem>>) src(%dma_wait3A_642 : memref<80xi32, #tpu.memory_space<hbm>>) dst(%arg9 : memref<80xi32, #tpu.memory_space<vmem>>)
      %dma_wait3A_643 = arith.constant 0 : i32
      %dma_wait3A_644 = tpu.memref_slice %arg4[%dma_wait3A_643] : memref<640000xi32, #tpu.memory_space<hbm>> -> memref<80xi32, #tpu.memory_space<hbm>>
      %dma_wait3A_645 = arith.constant 0 : i32
      %dma_wait3A_646 = tpu.memref_slice %arg4[%dma_wait3A_645] : memref<640000xi32, #tpu.memory_space<hbm>> -> memref<80xi32, #tpu.memory_space<hbm>>
      tpu.wait_dma2 semaphore(%arg31 : memref<!tpu.dma_semaphore, #tpu.memory_space<semaphore_mem>>) src(%dma_wait3A_646 : memref<80xi32, #tpu.memory_space<hbm>>) dst(%arg11 : memref<80xi32, #tpu.memory_space<vmem>>)
      %dma_wait3A_647 = arith.constant 0 : i32
      %dma_wait3A_648 = tpu.memref_slice %arg4[%dma_wait3A_647] : memref<640000xi32, #tpu.memory_space<hbm>> -> memref<80xi32, #tpu.memory_space<hbm>>
      %dma_wait3A_649 = arith.constant 0 : i32
      %dma_wait3A_650 = tpu.memref_slice %arg4[%dma_wait3A_649] : memref<640000xi32, #tpu.memory_space<hbm>> -> memref<80xi32, #tpu.memory_space<hbm>>
      tpu.wait_dma2 semaphore(%arg31 : memref<!tpu.dma_semaphore, #tpu.memory_space<semaphore_mem>>) src(%dma_wait3A_650 : memref<80xi32, #tpu.memory_space<hbm>>) dst(%arg13 : memref<80xi32, #tpu.memory_space<vmem>>)
      %dma_start3A_651 = arith.constant 0 : i32
      %dma_start3A_652 = arith.constant 0 : i32
      %dma_start3A_653 = tpu.memref_slice %arg2[%dma_start3A_651, %dma_start3A_652] : memref<20000x128xbf16, #tpu.memory_space<hbm>> -> memref<20000x128xbf16, #tpu.memory_space<hbm>>
      tpu.enqueue_indirect_dma source(%dma_start3A_653 : memref<20000x128xbf16, #tpu.memory_space<hbm>>) target(%arg17 : memref<80x128xbf16, #tpu.memory_space<vmem>>) offsets(%arg9 : memref<80xi32, #tpu.memory_space<vmem>>) semaphore(%arg27 : memref<!tpu.dma_semaphore, #tpu.memory_space<semaphore_mem>>)
      %dma_start3A_654 = arith.constant 0 : i32
      %dma_start3A_655 = arith.constant 0 : i32
      %dma_start3A_656 = tpu.memref_slice %arg3[%dma_start3A_654, %dma_start3A_655] : memref<20000x16xf32, #tpu.memory_space<hbm>> -> memref<20000x16xf32, #tpu.memory_space<hbm>>
      tpu.enqueue_indirect_dma source(%dma_start3A_656 : memref<20000x16xf32, #tpu.memory_space<hbm>>) target(%arg21 : memref<80x16xf32, #tpu.memory_space<vmem>>) offsets(%arg9 : memref<80xi32, #tpu.memory_space<vmem>>) semaphore(%arg27 : memref<!tpu.dma_semaphore, #tpu.memory_space<semaphore_mem>>)
      %dma_start3A_657 = arith.constant 0 : i32
      %dma_start3A_658 = arith.constant 0 : i32
      %dma_start3A_659 = tpu.memref_slice %arg3[%dma_start3A_657, %dma_start3A_658] : memref<20000x16xf32, #tpu.memory_space<hbm>> -> memref<20000x16xf32, #tpu.memory_space<hbm>>
      tpu.enqueue_indirect_dma source(%dma_start3A_659 : memref<20000x16xf32, #tpu.memory_space<hbm>>) target(%arg23 : memref<80x16xf32, #tpu.memory_space<vmem>>) offsets(%arg11 : memref<80xi32, #tpu.memory_space<vmem>>) semaphore(%arg27 : memref<!tpu.dma_semaphore, #tpu.memory_space<semaphore_mem>>)
      %scan3A_660 = arith.constant 0 : i32
      scf.yield %scan3A_660 : i32
    }
    %scan3A_223 = arith.constant 123 : i32
    %dma_wait3A_224 = arith.constant 0 : i32
    %dma_wait3A_225 = arith.constant 0 : i32
    %dma_wait3A_226 = tpu.memref_slice %arg2[%dma_wait3A_224, %dma_wait3A_225] : memref<20000x128xbf16, #tpu.memory_space<hbm>> -> memref<80x128xbf16, #tpu.memory_space<hbm>>
    %dma_wait3A_227 = arith.constant 0 : i32
    %dma_wait3A_228 = arith.constant 0 : i32
    %dma_wait3A_229 = tpu.memref_slice %arg2[%dma_wait3A_227, %dma_wait3A_228] : memref<20000x128xbf16, #tpu.memory_space<hbm>> -> memref<80x128xbf16, #tpu.memory_space<hbm>>
    tpu.wait_dma2 semaphore(%arg27 : memref<!tpu.dma_semaphore, #tpu.memory_space<semaphore_mem>>) src(%dma_wait3A_229 : memref<80x128xbf16, #tpu.memory_space<hbm>>) dst(%arg17 : memref<80x128xbf16, #tpu.memory_space<vmem>>)
    %dma_wait3A_230 = arith.constant 0 : i32
    %dma_wait3A_231 = arith.constant 0 : i32
    %dma_wait3A_232 = tpu.memref_slice %arg3[%dma_wait3A_230, %dma_wait3A_231] : memref<20000x16xf32, #tpu.memory_space<hbm>> -> memref<80x16xf32, #tpu.memory_space<hbm>>
    %dma_wait3A_233 = arith.constant 0 : i32
    %dma_wait3A_234 = arith.constant 0 : i32
    %dma_wait3A_235 = tpu.memref_slice %arg3[%dma_wait3A_233, %dma_wait3A_234] : memref<20000x16xf32, #tpu.memory_space<hbm>> -> memref<80x16xf32, #tpu.memory_space<hbm>>
    tpu.wait_dma2 semaphore(%arg27 : memref<!tpu.dma_semaphore, #tpu.memory_space<semaphore_mem>>) src(%dma_wait3A_235 : memref<80x16xf32, #tpu.memory_space<hbm>>) dst(%arg21 : memref<80x16xf32, #tpu.memory_space<vmem>>)
    %dma_wait3A_236 = arith.constant 0 : i32
    %dma_wait3A_237 = arith.constant 0 : i32
    %dma_wait3A_238 = tpu.memref_slice %arg3[%dma_wait3A_236, %dma_wait3A_237] : memref<20000x16xf32, #tpu.memory_space<hbm>> -> memref<80x16xf32, #tpu.memory_space<hbm>>
    %dma_wait3A_239 = arith.constant 0 : i32
    %dma_wait3A_240 = arith.constant 0 : i32
    %dma_wait3A_241 = tpu.memref_slice %arg3[%dma_wait3A_239, %dma_wait3A_240] : memref<20000x16xf32, #tpu.memory_space<hbm>> -> memref<80x16xf32, #tpu.memory_space<hbm>>
    tpu.wait_dma2 semaphore(%arg27 : memref<!tpu.dma_semaphore, #tpu.memory_space<semaphore_mem>>) src(%dma_wait3A_241 : memref<80x16xf32, #tpu.memory_space<hbm>>) dst(%arg23 : memref<80x16xf32, #tpu.memory_space<vmem>>)
    %parallel_loop3A_242 = arith.constant 0 : i32
    %parallel_loop3A_243 = arith.constant 80 : i32
    %parallel_loop3A_244 = arith.constant 1 : i32
    scf.for %parallel_loop3A_471 = %parallel_loop3A_242 to %parallel_loop3A_243 step %parallel_loop3A_244  : i32 {
      %parallel_loop3A_472 = arith.index_cast %parallel_loop3A_471 : i32 to index
      %parallel_loop3A_473 = arith.constant 0 : index
      %parallel_loop3A_474 = tpu.vector_load %arg21[%parallel_loop3A_472, %parallel_loop3A_473] {strides = array<i32>} : memref<80x16xf32, #tpu.memory_space<vmem>>, vector<16xf32>,
      %parallel_loop3A_475 = arith.index_cast %parallel_loop3A_471 : i32 to index
      %parallel_loop3A_476 = arith.constant 0 : index
      %parallel_loop3A_477 = tpu.vector_load %arg23[%parallel_loop3A_475, %parallel_loop3A_476] {strides = array<i32>} : memref<80x16xf32, #tpu.memory_space<vmem>>, vector<16xf32>,
      %parallel_loop3A_478 = vector.shape_cast %and3A_3 : vector<16xi32> to vector<16x1xi32>
      %parallel_loop3A_479 = vector.shape_cast %parallel_loop3A_478 : vector<16x1xi32> to vector<16xi32>
      %parallel_loop3A_480 = tpu.dynamic_gather %parallel_loop3A_477[%parallel_loop3A_479] in [0] : vector<16xf32>, vector<16xi32> -> vector<16xf32>
      %parallel_loop3A_481 = arith.addf %parallel_loop3A_474, %parallel_loop3A_480 : vector<16xf32>
      %parallel_loop3A_482 = arith.constant 0.000000e+00 : f32
      %parallel_loop3A_483 = vector.broadcast %parallel_loop3A_482 : f32 to vector<16xf32>
      %parallel_loop3A_484 = arith.cmpf ogt, %parallel_loop3A_481, %parallel_loop3A_483 : vector<16xf32>
      %parallel_loop3A_485 = arith.constant 2.000000e-01 : f32
      %parallel_loop3A_486 = vector.broadcast %parallel_loop3A_485 : f32 to vector<16xf32>
      %parallel_loop3A_487 = arith.mulf %parallel_loop3A_486, %parallel_loop3A_481 : vector<16xf32>
      %parallel_loop3A_488 = arith.select %parallel_loop3A_484, %parallel_loop3A_481, %parallel_loop3A_487 : vector<16xi1>, vector<16xf32>
      %parallel_loop3A_489 = math.exp %parallel_loop3A_488 : vector<16xf32>
      %parallel_loop3A_490 = arith.index_cast %parallel_loop3A_471 : i32 to index
      %parallel_loop3A_491 = arith.constant 0 : index
      %parallel_loop3A_492 = tpu.vector_load %arg25[%parallel_loop3A_490, %parallel_loop3A_491] {strides = array<i32>} : memref<80x16xf32, #tpu.memory_space<vmem>>, vector<16xf32>,
      tpu.vector_store %arg25[%parallel_loop3A_490, %parallel_loop3A_491], %parallel_loop3A_489 {strides = array<i32>} : memref<80x16xf32, #tpu.memory_space<vmem>>, vector<16xf32>,
      %parallel_loop3A_493 = vector.broadcast %parallel_loop3A_471 : i32 to vector<16xi32>
      %parallel_loop3A_494 = arith.index_cast %parallel_loop3A_471 : i32 to index
      %parallel_loop3A_495 = arith.constant 0 : index
      %parallel_loop3A_496 = tpu.vector_load %arg17[%parallel_loop3A_494, %parallel_loop3A_495] {strides = array<i32>} : memref<80x128xbf16, #tpu.memory_space<vmem>>, vector<32xbf16>,
      %parallel_loop3A_497 = tpu.unpack_subelements %parallel_loop3A_496, 0 {pack_format = #tpu.pack_format<interleaved>} : vector<32xbf16> -> vector<16xf32>
      %parallel_loop3A_498 = tpu.unpack_subelements %parallel_loop3A_496, 1 {pack_format = #tpu.pack_format<interleaved>} : vector<32xbf16> -> vector<16xf32>
      %parallel_loop3A_499 = vector.shape_cast %select_n3A : vector<16xi32> to vector<16x1xi32>
      %parallel_loop3A_500 = vector.shape_cast %parallel_loop3A_499 : vector<16x1xi32> to vector<16xi32>
      %parallel_loop3A_501 = tpu.dynamic_gather %parallel_loop3A_489[%parallel_loop3A_500] in [0] : vector<16xf32>, vector<16xi32> -> vector<16xf32>
      %parallel_loop3A_502 = arith.mulf %parallel_loop3A_497, %parallel_loop3A_501 : vector<16xf32>
      tpu.vector_store_idx %arg19[%parallel_loop3A_493, %add3A_54], %parallel_loop3A_502 : memref<80x128xf32, #tpu.memory_space<vmem>>[vector<16xi32>, vector<16xi32>], vector<16xf32>,
      %parallel_loop3A_503 = arith.mulf %parallel_loop3A_498, %parallel_loop3A_501 : vector<16xf32>
      tpu.vector_store_idx %arg19[%parallel_loop3A_493, %add3A_81], %parallel_loop3A_503 : memref<80x128xf32, #tpu.memory_space<vmem>>[vector<16xi32>, vector<16xi32>], vector<16xf32>,
      %parallel_loop3A_504 = arith.index_cast %parallel_loop3A_471 : i32 to index
      %parallel_loop3A_505 = arith.constant 32 : index
      %parallel_loop3A_506 = tpu.vector_load %arg17[%parallel_loop3A_504, %parallel_loop3A_505] {strides = array<i32>} : memref<80x128xbf16, #tpu.memory_space<vmem>>, vector<32xbf16>,
      %parallel_loop3A_507 = tpu.unpack_subelements %parallel_loop3A_506, 0 {pack_format = #tpu.pack_format<interleaved>} : vector<32xbf16> -> vector<16xf32>
      %parallel_loop3A_508 = tpu.unpack_subelements %parallel_loop3A_506, 1 {pack_format = #tpu.pack_format<interleaved>} : vector<32xbf16> -> vector<16xf32>
      %parallel_loop3A_509 = vector.shape_cast %select_n3A_32 : vector<16xi32> to vector<16x1xi32>
      %parallel_loop3A_510 = vector.shape_cast %parallel_loop3A_509 : vector<16x1xi32> to vector<16xi32>
      %parallel_loop3A_511 = tpu.dynamic_gather %parallel_loop3A_489[%parallel_loop3A_510] in [0] : vector<16xf32>, vector<16xi32> -> vector<16xf32>
      %parallel_loop3A_512 = arith.mulf %parallel_loop3A_507, %parallel_loop3A_511 : vector<16xf32>
      tpu.vector_store_idx %arg19[%parallel_loop3A_493, %add3A_60], %parallel_loop3A_512 : memref<80x128xf32, #tpu.memory_space<vmem>>[vector<16xi32>, vector<16xi32>], vector<16xf32>,
      %parallel_loop3A_513 = arith.mulf %parallel_loop3A_508, %parallel_loop3A_511 : vector<16xf32>
      tpu.vector_store_idx %arg19[%parallel_loop3A_493, %add3A_90], %parallel_loop3A_513 : memref<80x128xf32, #tpu.memory_space<vmem>>[vector<16xi32>, vector<16xi32>], vector<16xf32>,
      %parallel_loop3A_514 = arith.index_cast %parallel_loop3A_471 : i32 to index
      %parallel_loop3A_515 = arith.constant 64 : index
      %parallel_loop3A_516 = tpu.vector_load %arg17[%parallel_loop3A_514, %parallel_loop3A_515] {strides = array<i32>} : memref<80x128xbf16, #tpu.memory_space<vmem>>, vector<32xbf16>,
      %parallel_loop3A_517 = tpu.unpack_subelements %parallel_loop3A_516, 0 {pack_format = #tpu.pack_format<interleaved>} : vector<32xbf16> -> vector<16xf32>
      %parallel_loop3A_518 = tpu.unpack_subelements %parallel_loop3A_516, 1 {pack_format = #tpu.pack_format<interleaved>} : vector<32xbf16> -> vector<16xf32>
      %parallel_loop3A_519 = vector.shape_cast %select_n3A_40 : vector<16xi32> to vector<16x1xi32>
      %parallel_loop3A_520 = vector.shape_cast %parallel_loop3A_519 : vector<16x1xi32> to vector<16xi32>
      %parallel_loop3A_521 = tpu.dynamic_gather %parallel_loop3A_489[%parallel_loop3A_520] in [0] : vector<16xf32>, vector<16xi32> -> vector<16xf32>
      %parallel_loop3A_522 = arith.mulf %parallel_loop3A_517, %parallel_loop3A_521 : vector<16xf32>
      tpu.vector_store_idx %arg19[%parallel_loop3A_493, %add3A_66], %parallel_loop3A_522 : memref<80x128xf32, #tpu.memory_space<vmem>>[vector<16xi32>, vector<16xi32>], vector<16xf32>,
      %parallel_loop3A_523 = arith.mulf %parallel_loop3A_518, %parallel_loop3A_521 : vector<16xf32>
      tpu.vector_store_idx %arg19[%parallel_loop3A_493, %add3A_99], %parallel_loop3A_523 : memref<80x128xf32, #tpu.memory_space<vmem>>[vector<16xi32>, vector<16xi32>], vector<16xf32>,
      %parallel_loop3A_524 = arith.index_cast %parallel_loop3A_471 : i32 to index
      %parallel_loop3A_525 = arith.constant 96 : index
      %parallel_loop3A_526 = tpu.vector_load %arg17[%parallel_loop3A_524, %parallel_loop3A_525] {strides = array<i32>} : memref<80x128xbf16, #tpu.memory_space<vmem>>, vector<32xbf16>,
      %parallel_loop3A_527 = tpu.unpack_subelements %parallel_loop3A_526, 0 {pack_format = #tpu.pack_format<interleaved>} : vector<32xbf16> -> vector<16xf32>
      %parallel_loop3A_528 = tpu.unpack_subelements %parallel_loop3A_526, 1 {pack_format = #tpu.pack_format<interleaved>} : vector<32xbf16> -> vector<16xf32>
      %parallel_loop3A_529 = vector.shape_cast %select_n3A_48 : vector<16xi32> to vector<16x1xi32>
      %parallel_loop3A_530 = vector.shape_cast %parallel_loop3A_529 : vector<16x1xi32> to vector<16xi32>
      %parallel_loop3A_531 = tpu.dynamic_gather %parallel_loop3A_489[%parallel_loop3A_530] in [0] : vector<16xf32>, vector<16xi32> -> vector<16xf32>
      %parallel_loop3A_532 = arith.mulf %parallel_loop3A_527, %parallel_loop3A_531 : vector<16xf32>
      tpu.vector_store_idx %arg19[%parallel_loop3A_493, %add3A_72], %parallel_loop3A_532 : memref<80x128xf32, #tpu.memory_space<vmem>>[vector<16xi32>, vector<16xi32>], vector<16xf32>,
      %parallel_loop3A_533 = arith.mulf %parallel_loop3A_528, %parallel_loop3A_531 : vector<16xf32>
      tpu.vector_store_idx %arg19[%parallel_loop3A_493, %add3A_108], %parallel_loop3A_533 : memref<80x128xf32, #tpu.memory_space<vmem>>[vector<16xi32>, vector<16xi32>], vector<16xf32>,
    } {sc.loop_unroll_factor = 4 : i64, sc.parallel_access}
    %get3A_245 = arith.constant 0 : index
    %get3A_246 = tpu.vector_load %arg13[%get3A_245] {strides = array<i32>} : memref<80xi32, #tpu.memory_space<vmem>>, vector<16xi32>,
    %swap3A_247 = arith.constant 0 : index
    %swap3A_248 = tpu.vector_load %arg15[%swap3A_247] {strides = array<i32>} : memref<80xi32, #tpu.memory_space<vmem>>, vector<16xi32>,
    tpu.vector_store %arg15[%swap3A_247], %get3A_246 {strides = array<i32>} : memref<80xi32, #tpu.memory_space<vmem>>, vector<16xi32>,
    %get3A_249 = arith.constant 16 : index
    %get3A_250 = tpu.vector_load %arg13[%get3A_249] {strides = array<i32>} : memref<80xi32, #tpu.memory_space<vmem>>, vector<16xi32>,
    %swap3A_251 = arith.constant 16 : index
    %swap3A_252 = tpu.vector_load %arg15[%swap3A_251] {strides = array<i32>} : memref<80xi32, #tpu.memory_space<vmem>>, vector<16xi32>,
    tpu.vector_store %arg15[%swap3A_251], %get3A_250 {strides = array<i32>} : memref<80xi32, #tpu.memory_space<vmem>>, vector<16xi32>,
    %get3A_253 = arith.constant 32 : index
    %get3A_254 = tpu.vector_load %arg13[%get3A_253] {strides = array<i32>} : memref<80xi32, #tpu.memory_space<vmem>>, vector<16xi32>,
    %swap3A_255 = arith.constant 32 : index
    %swap3A_256 = tpu.vector_load %arg15[%swap3A_255] {strides = array<i32>} : memref<80xi32, #tpu.memory_space<vmem>>, vector<16xi32>,
    tpu.vector_store %arg15[%swap3A_255], %get3A_254 {strides = array<i32>} : memref<80xi32, #tpu.memory_space<vmem>>, vector<16xi32>,
    %get3A_257 = arith.constant 48 : index
    %get3A_258 = tpu.vector_load %arg13[%get3A_257] {strides = array<i32>} : memref<80xi32, #tpu.memory_space<vmem>>, vector<16xi32>,
    %swap3A_259 = arith.constant 48 : index
    %swap3A_260 = tpu.vector_load %arg15[%swap3A_259] {strides = array<i32>} : memref<80xi32, #tpu.memory_space<vmem>>, vector<16xi32>,
    tpu.vector_store %arg15[%swap3A_259], %get3A_258 {strides = array<i32>} : memref<80xi32, #tpu.memory_space<vmem>>, vector<16xi32>,
    %get3A_261 = arith.constant 64 : index
    %get3A_262 = tpu.vector_load %arg13[%get3A_261] {strides = array<i32>} : memref<80xi32, #tpu.memory_space<vmem>>, vector<16xi32>,
    %swap3A_263 = arith.constant 64 : index
    %swap3A_264 = tpu.vector_load %arg15[%swap3A_263] {strides = array<i32>} : memref<80xi32, #tpu.memory_space<vmem>>, vector<16xi32>,
    tpu.vector_store %arg15[%swap3A_263], %get3A_262 {strides = array<i32>} : memref<80xi32, #tpu.memory_space<vmem>>, vector<16xi32>,
    %dma_start3A_265 = arith.constant 0 : i32
    %dma_start3A_266 = arith.constant 0 : i32
    %dma_start3A_267 = tpu.memref_slice %arg32[%dma_start3A_265, %dma_start3A_266] : memref<10000x128xf32, #tpu.memory_space<vmem_shared>> -> memref<10000x128xf32, #tpu.memory_space<vmem_shared>>
    tpu.enqueue_indirect_dma source(%arg19 : memref<80x128xf32, #tpu.memory_space<vmem>>) target(%dma_start3A_267 : memref<10000x128xf32, #tpu.memory_space<vmem_shared>>) offsets(%arg15 : memref<80xi32, #tpu.memory_space<vmem>>) semaphore(%arg29 : memref<!tpu.dma_semaphore, #tpu.memory_space<semaphore_mem>>) {add = true}
    %dma_start3A_268 = arith.constant 0 : i32
    %dma_start3A_269 = arith.constant 0 : i32
    %dma_start3A_270 = tpu.memref_slice %arg33[%dma_start3A_268, %dma_start3A_269] : memref<10000x16xf32, #tpu.memory_space<vmem_shared>> -> memref<10000x16xf32, #tpu.memory_space<vmem_shared>>
    tpu.enqueue_indirect_dma source(%arg25 : memref<80x16xf32, #tpu.memory_space<vmem>>) target(%dma_start3A_270 : memref<10000x16xf32, #tpu.memory_space<vmem_shared>>) offsets(%arg15 : memref<80xi32, #tpu.memory_space<vmem>>) semaphore(%arg29 : memref<!tpu.dma_semaphore, #tpu.memory_space<semaphore_mem>>) {add = true}
    %add3A_271 = arith.constant 19920 : i32
    %add3A_272 = arith.addi %add3A_20, %add3A_271 : i32
    %dma_start3A_273 = tpu.memref_slice %arg4[%add3A_272] : memref<640000xi32, #tpu.memory_space<hbm>> -> memref<80xi32, #tpu.memory_space<hbm>>
    %dma_start3A_274 = tpu.memref_slice %arg4[%add3A_272] : memref<640000xi32, #tpu.memory_space<hbm>> -> memref<80xi32, #tpu.memory_space<hbm>>
    tpu.enqueue_dma source(%dma_start3A_274 : memref<80xi32, #tpu.memory_space<hbm>>) target(%arg9 : memref<80xi32, #tpu.memory_space<vmem>>) target_semaphore(%arg31 : memref<!tpu.dma_semaphore, #tpu.memory_space<semaphore_mem>>)
    %dma_start3A_275 = tpu.memref_slice %arg5[%add3A_272] : memref<640000xi32, #tpu.memory_space<hbm>> -> memref<80xi32, #tpu.memory_space<hbm>>
    %dma_start3A_276 = tpu.memref_slice %arg5[%add3A_272] : memref<640000xi32, #tpu.memory_space<hbm>> -> memref<80xi32, #tpu.memory_space<hbm>>
    tpu.enqueue_dma source(%dma_start3A_276 : memref<80xi32, #tpu.memory_space<hbm>>) target(%arg11 : memref<80xi32, #tpu.memory_space<vmem>>) target_semaphore(%arg31 : memref<!tpu.dma_semaphore, #tpu.memory_space<semaphore_mem>>)
    %dma_start3A_277 = tpu.memref_slice %arg6[%add3A_272] : memref<640000xi32, #tpu.memory_space<hbm>> -> memref<80xi32, #tpu.memory_space<hbm>>
    %dma_start3A_278 = tpu.memref_slice %arg6[%add3A_272] : memref<640000xi32, #tpu.memory_space<hbm>> -> memref<80xi32, #tpu.memory_space<hbm>>
    tpu.enqueue_dma source(%dma_start3A_278 : memref<80xi32, #tpu.memory_space<hbm>>) target(%arg13 : memref<80xi32, #tpu.memory_space<vmem>>) target_semaphore(%arg31 : memref<!tpu.dma_semaphore, #tpu.memory_space<semaphore_mem>>)
    %dma_wait3A_279 = arith.constant 0 : i32
    %dma_wait3A_280 = arith.constant 0 : i32
    %dma_wait3A_281 = tpu.memref_slice %arg7[%dma_wait3A_279, %dma_wait3A_280] : memref<20000x128xf32, #tpu.memory_space<hbm>> -> memref<80x128xf32, #tpu.memory_space<hbm>>
    %dma_wait3A_282 = arith.constant 0 : i32
    %dma_wait3A_283 = arith.constant 0 : i32
    %dma_wait3A_284 = tpu.memref_slice %arg7[%dma_wait3A_282, %dma_wait3A_283] : memref<20000x128xf32, #tpu.memory_space<hbm>> -> memref<80x128xf32, #tpu.memory_space<hbm>>
    tpu.wait_dma2 semaphore(%arg28 : memref<!tpu.dma_semaphore, #tpu.memory_space<semaphore_mem>>) src(%dma_wait3A_284 : memref<80x128xf32, #tpu.memory_space<hbm>>) dst(%arg18 : memref<80x128xf32, #tpu.memory_space<vmem>>)
    %dma_wait3A_285 = arith.constant 0 : i32
    %dma_wait3A_286 = arith.constant 0 : i32
    %dma_wait3A_287 = tpu.memref_slice %arg3[%dma_wait3A_285, %dma_wait3A_286] : memref<20000x16xf32, #tpu.memory_space<hbm>> -> memref<80x16xf32, #tpu.memory_space<hbm>>
    %dma_wait3A_288 = arith.constant 0 : i32
    %dma_wait3A_289 = arith.constant 0 : i32
    %dma_wait3A_290 = tpu.memref_slice %arg3[%dma_wait3A_288, %dma_wait3A_289] : memref<20000x16xf32, #tpu.memory_space<hbm>> -> memref<80x16xf32, #tpu.memory_space<hbm>>
    tpu.wait_dma2 semaphore(%arg28 : memref<!tpu.dma_semaphore, #tpu.memory_space<semaphore_mem>>) src(%dma_wait3A_290 : memref<80x16xf32, #tpu.memory_space<hbm>>) dst(%arg24 : memref<80x16xf32, #tpu.memory_space<vmem>>)
    %dma_wait3A_291 = arith.constant 0 : i32
    %dma_wait3A_292 = tpu.memref_slice %arg4[%dma_wait3A_291] : memref<640000xi32, #tpu.memory_space<hbm>> -> memref<80xi32, #tpu.memory_space<hbm>>
    %dma_wait3A_293 = arith.constant 0 : i32
    %dma_wait3A_294 = tpu.memref_slice %arg4[%dma_wait3A_293] : memref<640000xi32, #tpu.memory_space<hbm>> -> memref<80xi32, #tpu.memory_space<hbm>>
    tpu.wait_dma2 semaphore(%arg30 : memref<!tpu.dma_semaphore, #tpu.memory_space<semaphore_mem>>) src(%dma_wait3A_294 : memref<80xi32, #tpu.memory_space<hbm>>) dst(%arg8 : memref<80xi32, #tpu.memory_space<vmem>>)
    %dma_wait3A_295 = arith.constant 0 : i32
    %dma_wait3A_296 = tpu.memref_slice %arg4[%dma_wait3A_295] : memref<640000xi32, #tpu.memory_space<hbm>> -> memref<80xi32, #tpu.memory_space<hbm>>
    %dma_wait3A_297 = arith.constant 0 : i32
    %dma_wait3A_298 = tpu.memref_slice %arg4[%dma_wait3A_297] : memref<640000xi32, #tpu.memory_space<hbm>> -> memref<80xi32, #tpu.memory_space<hbm>>
    tpu.wait_dma2 semaphore(%arg30 : memref<!tpu.dma_semaphore, #tpu.memory_space<semaphore_mem>>) src(%dma_wait3A_298 : memref<80xi32, #tpu.memory_space<hbm>>) dst(%arg10 : memref<80xi32, #tpu.memory_space<vmem>>)
    %dma_wait3A_299 = arith.constant 0 : i32
    %dma_wait3A_300 = tpu.memref_slice %arg4[%dma_wait3A_299] : memref<640000xi32, #tpu.memory_space<hbm>> -> memref<80xi32, #tpu.memory_space<hbm>>
    %dma_wait3A_301 = arith.constant 0 : i32
    %dma_wait3A_302 = tpu.memref_slice %arg4[%dma_wait3A_301] : memref<640000xi32, #tpu.memory_space<hbm>> -> memref<80xi32, #tpu.memory_space<hbm>>
    tpu.wait_dma2 semaphore(%arg30 : memref<!tpu.dma_semaphore, #tpu.memory_space<semaphore_mem>>) src(%dma_wait3A_302 : memref<80xi32, #tpu.memory_space<hbm>>) dst(%arg12 : memref<80xi32, #tpu.memory_space<vmem>>)
    %dma_start3A_303 = arith.constant 0 : i32
    %dma_start3A_304 = arith.constant 0 : i32
    %dma_start3A_305 = tpu.memref_slice %arg2[%dma_start3A_303, %dma_start3A_304] : memref<20000x128xbf16, #tpu.memory_space<hbm>> -> memref<20000x128xbf16, #tpu.memory_space<hbm>>
    tpu.enqueue_indirect_dma source(%dma_start3A_305 : memref<20000x128xbf16, #tpu.memory_space<hbm>>) target(%arg16 : memref<80x128xbf16, #tpu.memory_space<vmem>>) offsets(%arg8 : memref<80xi32, #tpu.memory_space<vmem>>) semaphore(%arg26 : memref<!tpu.dma_semaphore, #tpu.memory_space<semaphore_mem>>)
    %dma_start3A_306 = arith.constant 0 : i32
    %dma_start3A_307 = arith.constant 0 : i32
    %dma_start3A_308 = tpu.memref_slice %arg3[%dma_start3A_306, %dma_start3A_307] : memref<20000x16xf32, #tpu.memory_space<hbm>> -> memref<20000x16xf32, #tpu.memory_space<hbm>>
    tpu.enqueue_indirect_dma source(%dma_start3A_308 : memref<20000x16xf32, #tpu.memory_space<hbm>>) target(%arg20 : memref<80x16xf32, #tpu.memory_space<vmem>>) offsets(%arg8 : memref<80xi32, #tpu.memory_space<vmem>>) semaphore(%arg26 : memref<!tpu.dma_semaphore, #tpu.memory_space<semaphore_mem>>)
    %dma_start3A_309 = arith.constant 0 : i32
    %dma_start3A_310 = arith.constant 0 : i32
    %dma_start3A_311 = tpu.memref_slice %arg3[%dma_start3A_309, %dma_start3A_310] : memref<20000x16xf32, #tpu.memory_space<hbm>> -> memref<20000x16xf32, #tpu.memory_space<hbm>>
    tpu.enqueue_indirect_dma source(%dma_start3A_311 : memref<20000x16xf32, #tpu.memory_space<hbm>>) target(%arg22 : memref<80x16xf32, #tpu.memory_space<vmem>>) offsets(%arg10 : memref<80xi32, #tpu.memory_space<vmem>>) semaphore(%arg26 : memref<!tpu.dma_semaphore, #tpu.memory_space<semaphore_mem>>)
    %dma_wait3A_312 = arith.constant 0 : i32
    %dma_wait3A_313 = arith.constant 0 : i32
    %dma_wait3A_314 = tpu.memref_slice %arg2[%dma_wait3A_312, %dma_wait3A_313] : memref<20000x128xbf16, #tpu.memory_space<hbm>> -> memref<80x128xbf16, #tpu.memory_space<hbm>>
    %dma_wait3A_315 = arith.constant 0 : i32
    %dma_wait3A_316 = arith.constant 0 : i32
    %dma_wait3A_317 = tpu.memref_slice %arg2[%dma_wait3A_315, %dma_wait3A_316] : memref<20000x128xbf16, #tpu.memory_space<hbm>> -> memref<80x128xbf16, #tpu.memory_space<hbm>>
    tpu.wait_dma2 semaphore(%arg26 : memref<!tpu.dma_semaphore, #tpu.memory_space<semaphore_mem>>) src(%dma_wait3A_317 : memref<80x128xbf16, #tpu.memory_space<hbm>>) dst(%arg16 : memref<80x128xbf16, #tpu.memory_space<vmem>>)
    %dma_wait3A_318 = arith.constant 0 : i32
    %dma_wait3A_319 = arith.constant 0 : i32
    %dma_wait3A_320 = tpu.memref_slice %arg3[%dma_wait3A_318, %dma_wait3A_319] : memref<20000x16xf32, #tpu.memory_space<hbm>> -> memref<80x16xf32, #tpu.memory_space<hbm>>
    %dma_wait3A_321 = arith.constant 0 : i32
    %dma_wait3A_322 = arith.constant 0 : i32
    %dma_wait3A_323 = tpu.memref_slice %arg3[%dma_wait3A_321, %dma_wait3A_322] : memref<20000x16xf32, #tpu.memory_space<hbm>> -> memref<80x16xf32, #tpu.memory_space<hbm>>
    tpu.wait_dma2 semaphore(%arg26 : memref<!tpu.dma_semaphore, #tpu.memory_space<semaphore_mem>>) src(%dma_wait3A_323 : memref<80x16xf32, #tpu.memory_space<hbm>>) dst(%arg20 : memref<80x16xf32, #tpu.memory_space<vmem>>)
    %dma_wait3A_324 = arith.constant 0 : i32
    %dma_wait3A_325 = arith.constant 0 : i32
    %dma_wait3A_326 = tpu.memref_slice %arg3[%dma_wait3A_324, %dma_wait3A_325] : memref<20000x16xf32, #tpu.memory_space<hbm>> -> memref<80x16xf32, #tpu.memory_space<hbm>>
    %dma_wait3A_327 = arith.constant 0 : i32
    %dma_wait3A_328 = arith.constant 0 : i32
    %dma_wait3A_329 = tpu.memref_slice %arg3[%dma_wait3A_327, %dma_wait3A_328] : memref<20000x16xf32, #tpu.memory_space<hbm>> -> memref<80x16xf32, #tpu.memory_space<hbm>>
    tpu.wait_dma2 semaphore(%arg26 : memref<!tpu.dma_semaphore, #tpu.memory_space<semaphore_mem>>) src(%dma_wait3A_329 : memref<80x16xf32, #tpu.memory_space<hbm>>) dst(%arg22 : memref<80x16xf32, #tpu.memory_space<vmem>>)
    %parallel_loop3A_330 = arith.constant 0 : i32
    %parallel_loop3A_331 = arith.constant 80 : i32
    %parallel_loop3A_332 = arith.constant 1 : i32
    scf.for %parallel_loop3A_471 = %parallel_loop3A_330 to %parallel_loop3A_331 step %parallel_loop3A_332  : i32 {
      %parallel_loop3A_472 = arith.index_cast %parallel_loop3A_471 : i32 to index
      %parallel_loop3A_473 = arith.constant 0 : index
      %parallel_loop3A_474 = tpu.vector_load %arg20[%parallel_loop3A_472, %parallel_loop3A_473] {strides = array<i32>} : memref<80x16xf32, #tpu.memory_space<vmem>>, vector<16xf32>,
      %parallel_loop3A_475 = arith.index_cast %parallel_loop3A_471 : i32 to index
      %parallel_loop3A_476 = arith.constant 0 : index
      %parallel_loop3A_477 = tpu.vector_load %arg22[%parallel_loop3A_475, %parallel_loop3A_476] {strides = array<i32>} : memref<80x16xf32, #tpu.memory_space<vmem>>, vector<16xf32>,
      %parallel_loop3A_478 = vector.shape_cast %and3A_3 : vector<16xi32> to vector<16x1xi32>
      %parallel_loop3A_479 = vector.shape_cast %parallel_loop3A_478 : vector<16x1xi32> to vector<16xi32>
      %parallel_loop3A_480 = tpu.dynamic_gather %parallel_loop3A_477[%parallel_loop3A_479] in [0] : vector<16xf32>, vector<16xi32> -> vector<16xf32>
      %parallel_loop3A_481 = arith.addf %parallel_loop3A_474, %parallel_loop3A_480 : vector<16xf32>
      %parallel_loop3A_482 = arith.constant 0.000000e+00 : f32
      %parallel_loop3A_483 = vector.broadcast %parallel_loop3A_482 : f32 to vector<16xf32>
      %parallel_loop3A_484 = arith.cmpf ogt, %parallel_loop3A_481, %parallel_loop3A_483 : vector<16xf32>
      %parallel_loop3A_485 = arith.constant 2.000000e-01 : f32
      %parallel_loop3A_486 = vector.broadcast %parallel_loop3A_485 : f32 to vector<16xf32>
      %parallel_loop3A_487 = arith.mulf %parallel_loop3A_486, %parallel_loop3A_481 : vector<16xf32>
      %parallel_loop3A_488 = arith.select %parallel_loop3A_484, %parallel_loop3A_481, %parallel_loop3A_487 : vector<16xi1>, vector<16xf32>
      %parallel_loop3A_489 = math.exp %parallel_loop3A_488 : vector<16xf32>
      %parallel_loop3A_490 = arith.index_cast %parallel_loop3A_471 : i32 to index
      %parallel_loop3A_491 = arith.constant 0 : index
      %parallel_loop3A_492 = tpu.vector_load %arg24[%parallel_loop3A_490, %parallel_loop3A_491] {strides = array<i32>} : memref<80x16xf32, #tpu.memory_space<vmem>>, vector<16xf32>,
      tpu.vector_store %arg24[%parallel_loop3A_490, %parallel_loop3A_491], %parallel_loop3A_489 {strides = array<i32>} : memref<80x16xf32, #tpu.memory_space<vmem>>, vector<16xf32>,
      %parallel_loop3A_493 = vector.broadcast %parallel_loop3A_471 : i32 to vector<16xi32>
      %parallel_loop3A_494 = arith.index_cast %parallel_loop3A_471 : i32 to index
      %parallel_loop3A_495 = arith.constant 0 : index
      %parallel_loop3A_496 = tpu.vector_load %arg16[%parallel_loop3A_494, %parallel_loop3A_495] {strides = array<i32>} : memref<80x128xbf16, #tpu.memory_space<vmem>>, vector<32xbf16>,
      %parallel_loop3A_497 = tpu.unpack_subelements %parallel_loop3A_496, 0 {pack_format = #tpu.pack_format<interleaved>} : vector<32xbf16> -> vector<16xf32>
      %parallel_loop3A_498 = tpu.unpack_subelements %parallel_loop3A_496, 1 {pack_format = #tpu.pack_format<interleaved>} : vector<32xbf16> -> vector<16xf32>
      %parallel_loop3A_499 = vector.shape_cast %select_n3A : vector<16xi32> to vector<16x1xi32>
      %parallel_loop3A_500 = vector.shape_cast %parallel_loop3A_499 : vector<16x1xi32> to vector<16xi32>
      %parallel_loop3A_501 = tpu.dynamic_gather %parallel_loop3A_489[%parallel_loop3A_500] in [0] : vector<16xf32>, vector<16xi32> -> vector<16xf32>
      %parallel_loop3A_502 = arith.mulf %parallel_loop3A_497, %parallel_loop3A_501 : vector<16xf32>
      tpu.vector_store_idx %arg18[%parallel_loop3A_493, %add3A_54], %parallel_loop3A_502 : memref<80x128xf32, #tpu.memory_space<vmem>>[vector<16xi32>, vector<16xi32>], vector<16xf32>,
      %parallel_loop3A_503 = arith.mulf %parallel_loop3A_498, %parallel_loop3A_501 : vector<16xf32>
      tpu.vector_store_idx %arg18[%parallel_loop3A_493, %add3A_81], %parallel_loop3A_503 : memref<80x128xf32, #tpu.memory_space<vmem>>[vector<16xi32>, vector<16xi32>], vector<16xf32>,
      %parallel_loop3A_504 = arith.index_cast %parallel_loop3A_471 : i32 to index
      %parallel_loop3A_505 = arith.constant 32 : index
      %parallel_loop3A_506 = tpu.vector_load %arg16[%parallel_loop3A_504, %parallel_loop3A_505] {strides = array<i32>} : memref<80x128xbf16, #tpu.memory_space<vmem>>, vector<32xbf16>,
      %parallel_loop3A_507 = tpu.unpack_subelements %parallel_loop3A_506, 0 {pack_format = #tpu.pack_format<interleaved>} : vector<32xbf16> -> vector<16xf32>
      %parallel_loop3A_508 = tpu.unpack_subelements %parallel_loop3A_506, 1 {pack_format = #tpu.pack_format<interleaved>} : vector<32xbf16> -> vector<16xf32>
      %parallel_loop3A_509 = vector.shape_cast %select_n3A_32 : vector<16xi32> to vector<16x1xi32>
      %parallel_loop3A_510 = vector.shape_cast %parallel_loop3A_509 : vector<16x1xi32> to vector<16xi32>
      %parallel_loop3A_511 = tpu.dynamic_gather %parallel_loop3A_489[%parallel_loop3A_510] in [0] : vector<16xf32>, vector<16xi32> -> vector<16xf32>
      %parallel_loop3A_512 = arith.mulf %parallel_loop3A_507, %parallel_loop3A_511 : vector<16xf32>
      tpu.vector_store_idx %arg18[%parallel_loop3A_493, %add3A_60], %parallel_loop3A_512 : memref<80x128xf32, #tpu.memory_space<vmem>>[vector<16xi32>, vector<16xi32>], vector<16xf32>,
      %parallel_loop3A_513 = arith.mulf %parallel_loop3A_508, %parallel_loop3A_511 : vector<16xf32>
      tpu.vector_store_idx %arg18[%parallel_loop3A_493, %add3A_90], %parallel_loop3A_513 : memref<80x128xf32, #tpu.memory_space<vmem>>[vector<16xi32>, vector<16xi32>], vector<16xf32>,
      %parallel_loop3A_514 = arith.index_cast %parallel_loop3A_471 : i32 to index
      %parallel_loop3A_515 = arith.constant 64 : index
      %parallel_loop3A_516 = tpu.vector_load %arg16[%parallel_loop3A_514, %parallel_loop3A_515] {strides = array<i32>} : memref<80x128xbf16, #tpu.memory_space<vmem>>, vector<32xbf16>,
      %parallel_loop3A_517 = tpu.unpack_subelements %parallel_loop3A_516, 0 {pack_format = #tpu.pack_format<interleaved>} : vector<32xbf16> -> vector<16xf32>
      %parallel_loop3A_518 = tpu.unpack_subelements %parallel_loop3A_516, 1 {pack_format = #tpu.pack_format<interleaved>} : vector<32xbf16> -> vector<16xf32>
      %parallel_loop3A_519 = vector.shape_cast %select_n3A_40 : vector<16xi32> to vector<16x1xi32>
      %parallel_loop3A_520 = vector.shape_cast %parallel_loop3A_519 : vector<16x1xi32> to vector<16xi32>
      %parallel_loop3A_521 = tpu.dynamic_gather %parallel_loop3A_489[%parallel_loop3A_520] in [0] : vector<16xf32>, vector<16xi32> -> vector<16xf32>
      %parallel_loop3A_522 = arith.mulf %parallel_loop3A_517, %parallel_loop3A_521 : vector<16xf32>
      tpu.vector_store_idx %arg18[%parallel_loop3A_493, %add3A_66], %parallel_loop3A_522 : memref<80x128xf32, #tpu.memory_space<vmem>>[vector<16xi32>, vector<16xi32>], vector<16xf32>,
      %parallel_loop3A_523 = arith.mulf %parallel_loop3A_518, %parallel_loop3A_521 : vector<16xf32>
      tpu.vector_store_idx %arg18[%parallel_loop3A_493, %add3A_99], %parallel_loop3A_523 : memref<80x128xf32, #tpu.memory_space<vmem>>[vector<16xi32>, vector<16xi32>], vector<16xf32>,
      %parallel_loop3A_524 = arith.index_cast %parallel_loop3A_471 : i32 to index
      %parallel_loop3A_525 = arith.constant 96 : index
      %parallel_loop3A_526 = tpu.vector_load %arg16[%parallel_loop3A_524, %parallel_loop3A_525] {strides = array<i32>} : memref<80x128xbf16, #tpu.memory_space<vmem>>, vector<32xbf16>,
      %parallel_loop3A_527 = tpu.unpack_subelements %parallel_loop3A_526, 0 {pack_format = #tpu.pack_format<interleaved>} : vector<32xbf16> -> vector<16xf32>
      %parallel_loop3A_528 = tpu.unpack_subelements %parallel_loop3A_526, 1 {pack_format = #tpu.pack_format<interleaved>} : vector<32xbf16> -> vector<16xf32>
      %parallel_loop3A_529 = vector.shape_cast %select_n3A_48 : vector<16xi32> to vector<16x1xi32>
      %parallel_loop3A_530 = vector.shape_cast %parallel_loop3A_529 : vector<16x1xi32> to vector<16xi32>
      %parallel_loop3A_531 = tpu.dynamic_gather %parallel_loop3A_489[%parallel_loop3A_530] in [0] : vector<16xf32>, vector<16xi32> -> vector<16xf32>
      %parallel_loop3A_532 = arith.mulf %parallel_loop3A_527, %parallel_loop3A_531 : vector<16xf32>
      tpu.vector_store_idx %arg18[%parallel_loop3A_493, %add3A_72], %parallel_loop3A_532 : memref<80x128xf32, #tpu.memory_space<vmem>>[vector<16xi32>, vector<16xi32>], vector<16xf32>,
      %parallel_loop3A_533 = arith.mulf %parallel_loop3A_528, %parallel_loop3A_531 : vector<16xf32>
      tpu.vector_store_idx %arg18[%parallel_loop3A_493, %add3A_108], %parallel_loop3A_533 : memref<80x128xf32, #tpu.memory_space<vmem>>[vector<16xi32>, vector<16xi32>], vector<16xf32>,
    } {sc.loop_unroll_factor = 4 : i64, sc.parallel_access}
    %get3A_333 = arith.constant 0 : index
    %get3A_334 = tpu.vector_load %arg12[%get3A_333] {strides = array<i32>} : memref<80xi32, #tpu.memory_space<vmem>>, vector<16xi32>,
    %swap3A_335 = arith.constant 0 : index
    %swap3A_336 = tpu.vector_load %arg14[%swap3A_335] {strides = array<i32>} : memref<80xi32, #tpu.memory_space<vmem>>, vector<16xi32>,
    tpu.vector_store %arg14[%swap3A_335], %get3A_334 {strides = array<i32>} : memref<80xi32, #tpu.memory_space<vmem>>, vector<16xi32>,
    %get3A_337 = arith.constant 16 : index
    %get3A_338 = tpu.vector_load %arg12[%get3A_337] {strides = array<i32>} : memref<80xi32, #tpu.memory_space<vmem>>, vector<16xi32>,
    %swap3A_339 = arith.constant 16 : index
    %swap3A_340 = tpu.vector_load %arg14[%swap3A_339] {strides = array<i32>} : memref<80xi32, #tpu.memory_space<vmem>>, vector<16xi32>,
    tpu.vector_store %arg14[%swap3A_339], %get3A_338 {strides = array<i32>} : memref<80xi32, #tpu.memory_space<vmem>>, vector<16xi32>,
    %get3A_341 = arith.constant 32 : index
    %get3A_342 = tpu.vector_load %arg12[%get3A_341] {strides = array<i32>} : memref<80xi32, #tpu.memory_space<vmem>>, vector<16xi32>,
    %swap3A_343 = arith.constant 32 : index
    %swap3A_344 = tpu.vector_load %arg14[%swap3A_343] {strides = array<i32>} : memref<80xi32, #tpu.memory_space<vmem>>, vector<16xi32>,
    tpu.vector_store %arg14[%swap3A_343], %get3A_342 {strides = array<i32>} : memref<80xi32, #tpu.memory_space<vmem>>, vector<16xi32>,
    %get3A_345 = arith.constant 48 : index
    %get3A_346 = tpu.vector_load %arg12[%get3A_345] {strides = array<i32>} : memref<80xi32, #tpu.memory_space<vmem>>, vector<16xi32>,
    %swap3A_347 = arith.constant 48 : index
    %swap3A_348 = tpu.vector_load %arg14[%swap3A_347] {strides = array<i32>} : memref<80xi32, #tpu.memory_space<vmem>>, vector<16xi32>,
    tpu.vector_store %arg14[%swap3A_347], %get3A_346 {strides = array<i32>} : memref<80xi32, #tpu.memory_space<vmem>>, vector<16xi32>,
    %get3A_349 = arith.constant 64 : index
    %get3A_350 = tpu.vector_load %arg12[%get3A_349] {strides = array<i32>} : memref<80xi32, #tpu.memory_space<vmem>>, vector<16xi32>,
    %swap3A_351 = arith.constant 64 : index
    %swap3A_352 = tpu.vector_load %arg14[%swap3A_351] {strides = array<i32>} : memref<80xi32, #tpu.memory_space<vmem>>, vector<16xi32>,
    tpu.vector_store %arg14[%swap3A_351], %get3A_350 {strides = array<i32>} : memref<80xi32, #tpu.memory_space<vmem>>, vector<16xi32>,
    %dma_start3A_353 = arith.constant 0 : i32
    %dma_start3A_354 = arith.constant 0 : i32
    %dma_start3A_355 = tpu.memref_slice %arg32[%dma_start3A_353, %dma_start3A_354] : memref<10000x128xf32, #tpu.memory_space<vmem_shared>> -> memref<10000x128xf32, #tpu.memory_space<vmem_shared>>
    tpu.enqueue_indirect_dma source(%arg18 : memref<80x128xf32, #tpu.memory_space<vmem>>) target(%dma_start3A_355 : memref<10000x128xf32, #tpu.memory_space<vmem_shared>>) offsets(%arg14 : memref<80xi32, #tpu.memory_space<vmem>>) semaphore(%arg28 : memref<!tpu.dma_semaphore, #tpu.memory_space<semaphore_mem>>) {add = true}
    %dma_start3A_356 = arith.constant 0 : i32
    %dma_start3A_357 = arith.constant 0 : i32
    %dma_start3A_358 = tpu.memref_slice %arg33[%dma_start3A_356, %dma_start3A_357] : memref<10000x16xf32, #tpu.memory_space<vmem_shared>> -> memref<10000x16xf32, #tpu.memory_space<vmem_shared>>
    tpu.enqueue_indirect_dma source(%arg24 : memref<80x16xf32, #tpu.memory_space<vmem>>) target(%dma_start3A_358 : memref<10000x16xf32, #tpu.memory_space<vmem_shared>>) offsets(%arg14 : memref<80xi32, #tpu.memory_space<vmem>>) semaphore(%arg28 : memref<!tpu.dma_semaphore, #tpu.memory_space<semaphore_mem>>) {add = true}
    %dma_wait3A_359 = arith.constant 0 : i32
    %dma_wait3A_360 = arith.constant 0 : i32
    %dma_wait3A_361 = tpu.memref_slice %arg7[%dma_wait3A_359, %dma_wait3A_360] : memref<20000x128xf32, #tpu.memory_space<hbm>> -> memref<80x128xf32, #tpu.memory_space<hbm>>
    %dma_wait3A_362 = arith.constant 0 : i32
    %dma_wait3A_363 = arith.constant 0 : i32
    %dma_wait3A_364 = tpu.memref_slice %arg7[%dma_wait3A_362, %dma_wait3A_363] : memref<20000x128xf32, #tpu.memory_space<hbm>> -> memref<80x128xf32, #tpu.memory_space<hbm>>
    tpu.wait_dma2 semaphore(%arg29 : memref<!tpu.dma_semaphore, #tpu.memory_space<semaphore_mem>>) src(%dma_wait3A_364 : memref<80x128xf32, #tpu.memory_space<hbm>>) dst(%arg19 : memref<80x128xf32, #tpu.memory_space<vmem>>)
    %dma_wait3A_365 = arith.constant 0 : i32
    %dma_wait3A_366 = arith.constant 0 : i32
    %dma_wait3A_367 = tpu.memref_slice %arg3[%dma_wait3A_365, %dma_wait3A_366] : memref<20000x16xf32, #tpu.memory_space<hbm>> -> memref<80x16xf32, #tpu.memory_space<hbm>>
    %dma_wait3A_368 = arith.constant 0 : i32
    %dma_wait3A_369 = arith.constant 0 : i32
    %dma_wait3A_370 = tpu.memref_slice %arg3[%dma_wait3A_368, %dma_wait3A_369] : memref<20000x16xf32, #tpu.memory_space<hbm>> -> memref<80x16xf32, #tpu.memory_space<hbm>>
    tpu.wait_dma2 semaphore(%arg29 : memref<!tpu.dma_semaphore, #tpu.memory_space<semaphore_mem>>) src(%dma_wait3A_370 : memref<80x16xf32, #tpu.memory_space<hbm>>) dst(%arg25 : memref<80x16xf32, #tpu.memory_space<vmem>>)
    %dma_wait3A_371 = arith.constant 0 : i32
    %dma_wait3A_372 = tpu.memref_slice %arg4[%dma_wait3A_371] : memref<640000xi32, #tpu.memory_space<hbm>> -> memref<80xi32, #tpu.memory_space<hbm>>
    %dma_wait3A_373 = arith.constant 0 : i32
    %dma_wait3A_374 = tpu.memref_slice %arg4[%dma_wait3A_373] : memref<640000xi32, #tpu.memory_space<hbm>> -> memref<80xi32, #tpu.memory_space<hbm>>
    tpu.wait_dma2 semaphore(%arg31 : memref<!tpu.dma_semaphore, #tpu.memory_space<semaphore_mem>>) src(%dma_wait3A_374 : memref<80xi32, #tpu.memory_space<hbm>>) dst(%arg9 : memref<80xi32, #tpu.memory_space<vmem>>)
    %dma_wait3A_375 = arith.constant 0 : i32
    %dma_wait3A_376 = tpu.memref_slice %arg4[%dma_wait3A_375] : memref<640000xi32, #tpu.memory_space<hbm>> -> memref<80xi32, #tpu.memory_space<hbm>>
    %dma_wait3A_377 = arith.constant 0 : i32
    %dma_wait3A_378 = tpu.memref_slice %arg4[%dma_wait3A_377] : memref<640000xi32, #tpu.memory_space<hbm>> -> memref<80xi32, #tpu.memory_space<hbm>>
    tpu.wait_dma2 semaphore(%arg31 : memref<!tpu.dma_semaphore, #tpu.memory_space<semaphore_mem>>) src(%dma_wait3A_378 : memref<80xi32, #tpu.memory_space<hbm>>) dst(%arg11 : memref<80xi32, #tpu.memory_space<vmem>>)
    %dma_wait3A_379 = arith.constant 0 : i32
    %dma_wait3A_380 = tpu.memref_slice %arg4[%dma_wait3A_379] : memref<640000xi32, #tpu.memory_space<hbm>> -> memref<80xi32, #tpu.memory_space<hbm>>
    %dma_wait3A_381 = arith.constant 0 : i32
    %dma_wait3A_382 = tpu.memref_slice %arg4[%dma_wait3A_381] : memref<640000xi32, #tpu.memory_space<hbm>> -> memref<80xi32, #tpu.memory_space<hbm>>
    tpu.wait_dma2 semaphore(%arg31 : memref<!tpu.dma_semaphore, #tpu.memory_space<semaphore_mem>>) src(%dma_wait3A_382 : memref<80xi32, #tpu.memory_space<hbm>>) dst(%arg13 : memref<80xi32, #tpu.memory_space<vmem>>)
    %dma_start3A_383 = arith.constant 0 : i32
    %dma_start3A_384 = arith.constant 0 : i32
    %dma_start3A_385 = tpu.memref_slice %arg2[%dma_start3A_383, %dma_start3A_384] : memref<20000x128xbf16, #tpu.memory_space<hbm>> -> memref<20000x128xbf16, #tpu.memory_space<hbm>>
    tpu.enqueue_indirect_dma source(%dma_start3A_385 : memref<20000x128xbf16, #tpu.memory_space<hbm>>) target(%arg17 : memref<80x128xbf16, #tpu.memory_space<vmem>>) offsets(%arg9 : memref<80xi32, #tpu.memory_space<vmem>>) semaphore(%arg27 : memref<!tpu.dma_semaphore, #tpu.memory_space<semaphore_mem>>)
    %dma_start3A_386 = arith.constant 0 : i32
    %dma_start3A_387 = arith.constant 0 : i32
    %dma_start3A_388 = tpu.memref_slice %arg3[%dma_start3A_386, %dma_start3A_387] : memref<20000x16xf32, #tpu.memory_space<hbm>> -> memref<20000x16xf32, #tpu.memory_space<hbm>>
    tpu.enqueue_indirect_dma source(%dma_start3A_388 : memref<20000x16xf32, #tpu.memory_space<hbm>>) target(%arg21 : memref<80x16xf32, #tpu.memory_space<vmem>>) offsets(%arg9 : memref<80xi32, #tpu.memory_space<vmem>>) semaphore(%arg27 : memref<!tpu.dma_semaphore, #tpu.memory_space<semaphore_mem>>)
    %dma_start3A_389 = arith.constant 0 : i32
    %dma_start3A_390 = arith.constant 0 : i32
    %dma_start3A_391 = tpu.memref_slice %arg3[%dma_start3A_389, %dma_start3A_390] : memref<20000x16xf32, #tpu.memory_space<hbm>> -> memref<20000x16xf32, #tpu.memory_space<hbm>>
    tpu.enqueue_indirect_dma source(%dma_start3A_391 : memref<20000x16xf32, #tpu.memory_space<hbm>>) target(%arg23 : memref<80x16xf32, #tpu.memory_space<vmem>>) offsets(%arg11 : memref<80xi32, #tpu.memory_space<vmem>>) semaphore(%arg27 : memref<!tpu.dma_semaphore, #tpu.memory_space<semaphore_mem>>)
    %dma_wait3A_392 = arith.constant 0 : i32
    %dma_wait3A_393 = arith.constant 0 : i32
    %dma_wait3A_394 = tpu.memref_slice %arg2[%dma_wait3A_392, %dma_wait3A_393] : memref<20000x128xbf16, #tpu.memory_space<hbm>> -> memref<80x128xbf16, #tpu.memory_space<hbm>>
    %dma_wait3A_395 = arith.constant 0 : i32
    %dma_wait3A_396 = arith.constant 0 : i32
    %dma_wait3A_397 = tpu.memref_slice %arg2[%dma_wait3A_395, %dma_wait3A_396] : memref<20000x128xbf16, #tpu.memory_space<hbm>> -> memref<80x128xbf16, #tpu.memory_space<hbm>>
    tpu.wait_dma2 semaphore(%arg27 : memref<!tpu.dma_semaphore, #tpu.memory_space<semaphore_mem>>) src(%dma_wait3A_397 : memref<80x128xbf16, #tpu.memory_space<hbm>>) dst(%arg17 : memref<80x128xbf16, #tpu.memory_space<vmem>>)
    %dma_wait3A_398 = arith.constant 0 : i32
    %dma_wait3A_399 = arith.constant 0 : i32
    %dma_wait3A_400 = tpu.memref_slice %arg3[%dma_wait3A_398, %dma_wait3A_399] : memref<20000x16xf32, #tpu.memory_space<hbm>> -> memref<80x16xf32, #tpu.memory_space<hbm>>
    %dma_wait3A_401 = arith.constant 0 : i32
    %dma_wait3A_402 = arith.constant 0 : i32
    %dma_wait3A_403 = tpu.memref_slice %arg3[%dma_wait3A_401, %dma_wait3A_402] : memref<20000x16xf32, #tpu.memory_space<hbm>> -> memref<80x16xf32, #tpu.memory_space<hbm>>
    tpu.wait_dma2 semaphore(%arg27 : memref<!tpu.dma_semaphore, #tpu.memory_space<semaphore_mem>>) src(%dma_wait3A_403 : memref<80x16xf32, #tpu.memory_space<hbm>>) dst(%arg21 : memref<80x16xf32, #tpu.memory_space<vmem>>)
    %dma_wait3A_404 = arith.constant 0 : i32
    %dma_wait3A_405 = arith.constant 0 : i32
    %dma_wait3A_406 = tpu.memref_slice %arg3[%dma_wait3A_404, %dma_wait3A_405] : memref<20000x16xf32, #tpu.memory_space<hbm>> -> memref<80x16xf32, #tpu.memory_space<hbm>>
    %dma_wait3A_407 = arith.constant 0 : i32
    %dma_wait3A_408 = arith.constant 0 : i32
    %dma_wait3A_409 = tpu.memref_slice %arg3[%dma_wait3A_407, %dma_wait3A_408] : memref<20000x16xf32, #tpu.memory_space<hbm>> -> memref<80x16xf32, #tpu.memory_space<hbm>>
    tpu.wait_dma2 semaphore(%arg27 : memref<!tpu.dma_semaphore, #tpu.memory_space<semaphore_mem>>) src(%dma_wait3A_409 : memref<80x16xf32, #tpu.memory_space<hbm>>) dst(%arg23 : memref<80x16xf32, #tpu.memory_space<vmem>>)
    %parallel_loop3A_410 = arith.constant 0 : i32
    %parallel_loop3A_411 = arith.constant 80 : i32
    %parallel_loop3A_412 = arith.constant 1 : i32
    scf.for %parallel_loop3A_471 = %parallel_loop3A_410 to %parallel_loop3A_411 step %parallel_loop3A_412  : i32 {
      %parallel_loop3A_472 = arith.index_cast %parallel_loop3A_471 : i32 to index
      %parallel_loop3A_473 = arith.constant 0 : index
      %parallel_loop3A_474 = tpu.vector_load %arg21[%parallel_loop3A_472, %parallel_loop3A_473] {strides = array<i32>} : memref<80x16xf32, #tpu.memory_space<vmem>>, vector<16xf32>,
      %parallel_loop3A_475 = arith.index_cast %parallel_loop3A_471 : i32 to index
      %parallel_loop3A_476 = arith.constant 0 : index
      %parallel_loop3A_477 = tpu.vector_load %arg23[%parallel_loop3A_475, %parallel_loop3A_476] {strides = array<i32>} : memref<80x16xf32, #tpu.memory_space<vmem>>, vector<16xf32>,
      %parallel_loop3A_478 = vector.shape_cast %and3A_3 : vector<16xi32> to vector<16x1xi32>
      %parallel_loop3A_479 = vector.shape_cast %parallel_loop3A_478 : vector<16x1xi32> to vector<16xi32>
      %parallel_loop3A_480 = tpu.dynamic_gather %parallel_loop3A_477[%parallel_loop3A_479] in [0] : vector<16xf32>, vector<16xi32> -> vector<16xf32>
      %parallel_loop3A_481 = arith.addf %parallel_loop3A_474, %parallel_loop3A_480 : vector<16xf32>
      %parallel_loop3A_482 = arith.constant 0.000000e+00 : f32
      %parallel_loop3A_483 = vector.broadcast %parallel_loop3A_482 : f32 to vector<16xf32>
      %parallel_loop3A_484 = arith.cmpf ogt, %parallel_loop3A_481, %parallel_loop3A_483 : vector<16xf32>
      %parallel_loop3A_485 = arith.constant 2.000000e-01 : f32
      %parallel_loop3A_486 = vector.broadcast %parallel_loop3A_485 : f32 to vector<16xf32>
      %parallel_loop3A_487 = arith.mulf %parallel_loop3A_486, %parallel_loop3A_481 : vector<16xf32>
      %parallel_loop3A_488 = arith.select %parallel_loop3A_484, %parallel_loop3A_481, %parallel_loop3A_487 : vector<16xi1>, vector<16xf32>
      %parallel_loop3A_489 = math.exp %parallel_loop3A_488 : vector<16xf32>
      %parallel_loop3A_490 = arith.index_cast %parallel_loop3A_471 : i32 to index
      %parallel_loop3A_491 = arith.constant 0 : index
      %parallel_loop3A_492 = tpu.vector_load %arg25[%parallel_loop3A_490, %parallel_loop3A_491] {strides = array<i32>} : memref<80x16xf32, #tpu.memory_space<vmem>>, vector<16xf32>,
      tpu.vector_store %arg25[%parallel_loop3A_490, %parallel_loop3A_491], %parallel_loop3A_489 {strides = array<i32>} : memref<80x16xf32, #tpu.memory_space<vmem>>, vector<16xf32>,
      %parallel_loop3A_493 = vector.broadcast %parallel_loop3A_471 : i32 to vector<16xi32>
      %parallel_loop3A_494 = arith.index_cast %parallel_loop3A_471 : i32 to index
      %parallel_loop3A_495 = arith.constant 0 : index
      %parallel_loop3A_496 = tpu.vector_load %arg17[%parallel_loop3A_494, %parallel_loop3A_495] {strides = array<i32>} : memref<80x128xbf16, #tpu.memory_space<vmem>>, vector<32xbf16>,
      %parallel_loop3A_497 = tpu.unpack_subelements %parallel_loop3A_496, 0 {pack_format = #tpu.pack_format<interleaved>} : vector<32xbf16> -> vector<16xf32>
      %parallel_loop3A_498 = tpu.unpack_subelements %parallel_loop3A_496, 1 {pack_format = #tpu.pack_format<interleaved>} : vector<32xbf16> -> vector<16xf32>
      %parallel_loop3A_499 = vector.shape_cast %select_n3A : vector<16xi32> to vector<16x1xi32>
      %parallel_loop3A_500 = vector.shape_cast %parallel_loop3A_499 : vector<16x1xi32> to vector<16xi32>
      %parallel_loop3A_501 = tpu.dynamic_gather %parallel_loop3A_489[%parallel_loop3A_500] in [0] : vector<16xf32>, vector<16xi32> -> vector<16xf32>
      %parallel_loop3A_502 = arith.mulf %parallel_loop3A_497, %parallel_loop3A_501 : vector<16xf32>
      tpu.vector_store_idx %arg19[%parallel_loop3A_493, %add3A_54], %parallel_loop3A_502 : memref<80x128xf32, #tpu.memory_space<vmem>>[vector<16xi32>, vector<16xi32>], vector<16xf32>,
      %parallel_loop3A_503 = arith.mulf %parallel_loop3A_498, %parallel_loop3A_501 : vector<16xf32>
      tpu.vector_store_idx %arg19[%parallel_loop3A_493, %add3A_81], %parallel_loop3A_503 : memref<80x128xf32, #tpu.memory_space<vmem>>[vector<16xi32>, vector<16xi32>], vector<16xf32>,
      %parallel_loop3A_504 = arith.index_cast %parallel_loop3A_471 : i32 to index
      %parallel_loop3A_505 = arith.constant 32 : index
      %parallel_loop3A_506 = tpu.vector_load %arg17[%parallel_loop3A_504, %parallel_loop3A_505] {strides = array<i32>} : memref<80x128xbf16, #tpu.memory_space<vmem>>, vector<32xbf16>,
      %parallel_loop3A_507 = tpu.unpack_subelements %parallel_loop3A_506, 0 {pack_format = #tpu.pack_format<interleaved>} : vector<32xbf16> -> vector<16xf32>
      %parallel_loop3A_508 = tpu.unpack_subelements %parallel_loop3A_506, 1 {pack_format = #tpu.pack_format<interleaved>} : vector<32xbf16> -> vector<16xf32>
      %parallel_loop3A_509 = vector.shape_cast %select_n3A_32 : vector<16xi32> to vector<16x1xi32>
      %parallel_loop3A_510 = vector.shape_cast %parallel_loop3A_509 : vector<16x1xi32> to vector<16xi32>
      %parallel_loop3A_511 = tpu.dynamic_gather %parallel_loop3A_489[%parallel_loop3A_510] in [0] : vector<16xf32>, vector<16xi32> -> vector<16xf32>
      %parallel_loop3A_512 = arith.mulf %parallel_loop3A_507, %parallel_loop3A_511 : vector<16xf32>
      tpu.vector_store_idx %arg19[%parallel_loop3A_493, %add3A_60], %parallel_loop3A_512 : memref<80x128xf32, #tpu.memory_space<vmem>>[vector<16xi32>, vector<16xi32>], vector<16xf32>,
      %parallel_loop3A_513 = arith.mulf %parallel_loop3A_508, %parallel_loop3A_511 : vector<16xf32>
      tpu.vector_store_idx %arg19[%parallel_loop3A_493, %add3A_90], %parallel_loop3A_513 : memref<80x128xf32, #tpu.memory_space<vmem>>[vector<16xi32>, vector<16xi32>], vector<16xf32>,
      %parallel_loop3A_514 = arith.index_cast %parallel_loop3A_471 : i32 to index
      %parallel_loop3A_515 = arith.constant 64 : index
      %parallel_loop3A_516 = tpu.vector_load %arg17[%parallel_loop3A_514, %parallel_loop3A_515] {strides = array<i32>} : memref<80x128xbf16, #tpu.memory_space<vmem>>, vector<32xbf16>,
      %parallel_loop3A_517 = tpu.unpack_subelements %parallel_loop3A_516, 0 {pack_format = #tpu.pack_format<interleaved>} : vector<32xbf16> -> vector<16xf32>
      %parallel_loop3A_518 = tpu.unpack_subelements %parallel_loop3A_516, 1 {pack_format = #tpu.pack_format<interleaved>} : vector<32xbf16> -> vector<16xf32>
      %parallel_loop3A_519 = vector.shape_cast %select_n3A_40 : vector<16xi32> to vector<16x1xi32>
      %parallel_loop3A_520 = vector.shape_cast %parallel_loop3A_519 : vector<16x1xi32> to vector<16xi32>
      %parallel_loop3A_521 = tpu.dynamic_gather %parallel_loop3A_489[%parallel_loop3A_520] in [0] : vector<16xf32>, vector<16xi32> -> vector<16xf32>
      %parallel_loop3A_522 = arith.mulf %parallel_loop3A_517, %parallel_loop3A_521 : vector<16xf32>
      tpu.vector_store_idx %arg19[%parallel_loop3A_493, %add3A_66], %parallel_loop3A_522 : memref<80x128xf32, #tpu.memory_space<vmem>>[vector<16xi32>, vector<16xi32>], vector<16xf32>,
      %parallel_loop3A_523 = arith.mulf %parallel_loop3A_518, %parallel_loop3A_521 : vector<16xf32>
      tpu.vector_store_idx %arg19[%parallel_loop3A_493, %add3A_99], %parallel_loop3A_523 : memref<80x128xf32, #tpu.memory_space<vmem>>[vector<16xi32>, vector<16xi32>], vector<16xf32>,
      %parallel_loop3A_524 = arith.index_cast %parallel_loop3A_471 : i32 to index
      %parallel_loop3A_525 = arith.constant 96 : index
      %parallel_loop3A_526 = tpu.vector_load %arg17[%parallel_loop3A_524, %parallel_loop3A_525] {strides = array<i32>} : memref<80x128xbf16, #tpu.memory_space<vmem>>, vector<32xbf16>,
      %parallel_loop3A_527 = tpu.unpack_subelements %parallel_loop3A_526, 0 {pack_format = #tpu.pack_format<interleaved>} : vector<32xbf16> -> vector<16xf32>
      %parallel_loop3A_528 = tpu.unpack_subelements %parallel_loop3A_526, 1 {pack_format = #tpu.pack_format<interleaved>} : vector<32xbf16> -> vector<16xf32>
      %parallel_loop3A_529 = vector.shape_cast %select_n3A_48 : vector<16xi32> to vector<16x1xi32>
      %parallel_loop3A_530 = vector.shape_cast %parallel_loop3A_529 : vector<16x1xi32> to vector<16xi32>
      %parallel_loop3A_531 = tpu.dynamic_gather %parallel_loop3A_489[%parallel_loop3A_530] in [0] : vector<16xf32>, vector<16xi32> -> vector<16xf32>
      %parallel_loop3A_532 = arith.mulf %parallel_loop3A_527, %parallel_loop3A_531 : vector<16xf32>
      tpu.vector_store_idx %arg19[%parallel_loop3A_493, %add3A_72], %parallel_loop3A_532 : memref<80x128xf32, #tpu.memory_space<vmem>>[vector<16xi32>, vector<16xi32>], vector<16xf32>,
      %parallel_loop3A_533 = arith.mulf %parallel_loop3A_528, %parallel_loop3A_531 : vector<16xf32>
      tpu.vector_store_idx %arg19[%parallel_loop3A_493, %add3A_108], %parallel_loop3A_533 : memref<80x128xf32, #tpu.memory_space<vmem>>[vector<16xi32>, vector<16xi32>], vector<16xf32>,
    } {sc.loop_unroll_factor = 4 : i64, sc.parallel_access}
    %get3A_413 = arith.constant 0 : index
    %get3A_414 = tpu.vector_load %arg13[%get3A_413] {strides = array<i32>} : memref<80xi32, #tpu.memory_space<vmem>>, vector<16xi32>,
    %swap3A_415 = arith.constant 0 : index
    %swap3A_416 = tpu.vector_load %arg15[%swap3A_415] {strides = array<i32>} : memref<80xi32, #tpu.memory_space<vmem>>, vector<16xi32>,
    tpu.vector_store %arg15[%swap3A_415], %get3A_414 {strides = array<i32>} : memref<80xi32, #tpu.memory_space<vmem>>, vector<16xi32>,
    %get3A_417 = arith.constant 16 : index
    %get3A_418 = tpu.vector_load %arg13[%get3A_417] {strides = array<i32>} : memref<80xi32, #tpu.memory_space<vmem>>, vector<16xi32>,
    %swap3A_419 = arith.constant 16 : index
    %swap3A_420 = tpu.vector_load %arg15[%swap3A_419] {strides = array<i32>} : memref<80xi32, #tpu.memory_space<vmem>>, vector<16xi32>,
    tpu.vector_store %arg15[%swap3A_419], %get3A_418 {strides = array<i32>} : memref<80xi32, #tpu.memory_space<vmem>>, vector<16xi32>,
    %get3A_421 = arith.constant 32 : index
    %get3A_422 = tpu.vector_load %arg13[%get3A_421] {strides = array<i32>} : memref<80xi32, #tpu.memory_space<vmem>>, vector<16xi32>,
    %swap3A_423 = arith.constant 32 : index
    %swap3A_424 = tpu.vector_load %arg15[%swap3A_423] {strides = array<i32>} : memref<80xi32, #tpu.memory_space<vmem>>, vector<16xi32>,
    tpu.vector_store %arg15[%swap3A_423], %get3A_422 {strides = array<i32>} : memref<80xi32, #tpu.memory_space<vmem>>, vector<16xi32>,
    %get3A_425 = arith.constant 48 : index
    %get3A_426 = tpu.vector_load %arg13[%get3A_425] {strides = array<i32>} : memref<80xi32, #tpu.memory_space<vmem>>, vector<16xi32>,
    %swap3A_427 = arith.constant 48 : index
    %swap3A_428 = tpu.vector_load %arg15[%swap3A_427] {strides = array<i32>} : memref<80xi32, #tpu.memory_space<vmem>>, vector<16xi32>,
    tpu.vector_store %arg15[%swap3A_427], %get3A_426 {strides = array<i32>} : memref<80xi32, #tpu.memory_space<vmem>>, vector<16xi32>,
    %get3A_429 = arith.constant 64 : index
    %get3A_430 = tpu.vector_load %arg13[%get3A_429] {strides = array<i32>} : memref<80xi32, #tpu.memory_space<vmem>>, vector<16xi32>,
    %swap3A_431 = arith.constant 64 : index
    %swap3A_432 = tpu.vector_load %arg15[%swap3A_431] {strides = array<i32>} : memref<80xi32, #tpu.memory_space<vmem>>, vector<16xi32>,
    tpu.vector_store %arg15[%swap3A_431], %get3A_430 {strides = array<i32>} : memref<80xi32, #tpu.memory_space<vmem>>, vector<16xi32>,
    %dma_start3A_433 = arith.constant 0 : i32
    %dma_start3A_434 = arith.constant 0 : i32
    %dma_start3A_435 = tpu.memref_slice %arg32[%dma_start3A_433, %dma_start3A_434] : memref<10000x128xf32, #tpu.memory_space<vmem_shared>> -> memref<10000x128xf32, #tpu.memory_space<vmem_shared>>
    tpu.enqueue_indirect_dma source(%arg19 : memref<80x128xf32, #tpu.memory_space<vmem>>) target(%dma_start3A_435 : memref<10000x128xf32, #tpu.memory_space<vmem_shared>>) offsets(%arg15 : memref<80xi32, #tpu.memory_space<vmem>>) semaphore(%arg29 : memref<!tpu.dma_semaphore, #tpu.memory_space<semaphore_mem>>) {add = true}
    %dma_start3A_436 = arith.constant 0 : i32
    %dma_start3A_437 = arith.constant 0 : i32
    %dma_start3A_438 = tpu.memref_slice %arg33[%dma_start3A_436, %dma_start3A_437] : memref<10000x16xf32, #tpu.memory_space<vmem_shared>> -> memref<10000x16xf32, #tpu.memory_space<vmem_shared>>
    tpu.enqueue_indirect_dma source(%arg25 : memref<80x16xf32, #tpu.memory_space<vmem>>) target(%dma_start3A_438 : memref<10000x16xf32, #tpu.memory_space<vmem_shared>>) offsets(%arg15 : memref<80xi32, #tpu.memory_space<vmem>>) semaphore(%arg29 : memref<!tpu.dma_semaphore, #tpu.memory_space<semaphore_mem>>) {add = true}
    %dma_wait3A_439 = arith.constant 0 : i32
    %dma_wait3A_440 = arith.constant 0 : i32
    %dma_wait3A_441 = tpu.memref_slice %arg7[%dma_wait3A_439, %dma_wait3A_440] : memref<20000x128xf32, #tpu.memory_space<hbm>> -> memref<80x128xf32, #tpu.memory_space<hbm>>
    %dma_wait3A_442 = arith.constant 0 : i32
    %dma_wait3A_443 = arith.constant 0 : i32
    %dma_wait3A_444 = tpu.memref_slice %arg7[%dma_wait3A_442, %dma_wait3A_443] : memref<20000x128xf32, #tpu.memory_space<hbm>> -> memref<80x128xf32, #tpu.memory_space<hbm>>
    tpu.wait_dma2 semaphore(%arg28 : memref<!tpu.dma_semaphore, #tpu.memory_space<semaphore_mem>>) src(%dma_wait3A_444 : memref<80x128xf32, #tpu.memory_space<hbm>>) dst(%arg18 : memref<80x128xf32, #tpu.memory_space<vmem>>)
    %dma_wait3A_445 = arith.constant 0 : i32
    %dma_wait3A_446 = arith.constant 0 : i32
    %dma_wait3A_447 = tpu.memref_slice %arg3[%dma_wait3A_445, %dma_wait3A_446] : memref<20000x16xf32, #tpu.memory_space<hbm>> -> memref<80x16xf32, #tpu.memory_space<hbm>>
    %dma_wait3A_448 = arith.constant 0 : i32
    %dma_wait3A_449 = arith.constant 0 : i32
    %dma_wait3A_450 = tpu.memref_slice %arg3[%dma_wait3A_448, %dma_wait3A_449] : memref<20000x16xf32, #tpu.memory_space<hbm>> -> memref<80x16xf32, #tpu.memory_space<hbm>>
    tpu.wait_dma2 semaphore(%arg28 : memref<!tpu.dma_semaphore, #tpu.memory_space<semaphore_mem>>) src(%dma_wait3A_450 : memref<80x16xf32, #tpu.memory_space<hbm>>) dst(%arg24 : memref<80x16xf32, #tpu.memory_space<vmem>>)
    %dma_wait3A_451 = arith.constant 0 : i32
    %dma_wait3A_452 = arith.constant 0 : i32
    %dma_wait3A_453 = tpu.memref_slice %arg7[%dma_wait3A_451, %dma_wait3A_452] : memref<20000x128xf32, #tpu.memory_space<hbm>> -> memref<80x128xf32, #tpu.memory_space<hbm>>
    %dma_wait3A_454 = arith.constant 0 : i32
    %dma_wait3A_455 = arith.constant 0 : i32
    %dma_wait3A_456 = tpu.memref_slice %arg7[%dma_wait3A_454, %dma_wait3A_455] : memref<20000x128xf32, #tpu.memory_space<hbm>> -> memref<80x128xf32, #tpu.memory_space<hbm>>
    tpu.wait_dma2 semaphore(%arg29 : memref<!tpu.dma_semaphore, #tpu.memory_space<semaphore_mem>>) src(%dma_wait3A_456 : memref<80x128xf32, #tpu.memory_space<hbm>>) dst(%arg19 : memref<80x128xf32, #tpu.memory_space<vmem>>)
    %dma_wait3A_457 = arith.constant 0 : i32
    %dma_wait3A_458 = arith.constant 0 : i32
    %dma_wait3A_459 = tpu.memref_slice %arg3[%dma_wait3A_457, %dma_wait3A_458] : memref<20000x16xf32, #tpu.memory_space<hbm>> -> memref<80x16xf32, #tpu.memory_space<hbm>>
    %dma_wait3A_460 = arith.constant 0 : i32
    %dma_wait3A_461 = arith.constant 0 : i32
    %dma_wait3A_462 = tpu.memref_slice %arg3[%dma_wait3A_460, %dma_wait3A_461] : memref<20000x16xf32, #tpu.memory_space<hbm>> -> memref<80x16xf32, #tpu.memory_space<hbm>>
    tpu.wait_dma2 semaphore(%arg29 : memref<!tpu.dma_semaphore, #tpu.memory_space<semaphore_mem>>) src(%dma_wait3A_462 : memref<80x16xf32, #tpu.memory_space<hbm>>) dst(%arg25 : memref<80x16xf32, #tpu.memory_space<vmem>>)
    %barrier3A_463 = arith.constant 0 : index
    tpu.barrier barrier_id(%barrier3A_463)
    %scan3A_464 = arith.constant 0 : i32
    %scan3A_465 = arith.constant 0 : i32
    %scan3A_466 = arith.constant 8 : i32
    %scan3A_467 = arith.addi %scan3A_465, %scan3A_466 : i32
    %scan3A_468 = arith.constant 1 : i32
    %scan3A_469 = scf.for %scan3A_471 = %scan3A_465 to %scan3A_467 step %scan3A_468 iter_args(%scan3A_472 = %scan3A_464) -> (i32)  : i32 {
      %mul3A_473 = arith.constant 16 : i32
      %mul3A_474 = arith.muli %scan3A_471, %mul3A_473 : i32
      %add3A_475 = arith.addi %arg1, %mul3A_474 : i32
      %lt3A_476 = arith.constant 125 : i32
      %lt3A_477 = arith.cmpi slt, %add3A_475, %lt3A_476 : i32
      %convert_element_type3A = arith.extui %lt3A_477 : i1 to i32
      %cond3A = arith.constant 0 : i32
      %cond3A_478 = arith.cmpi ne, %convert_element_type3A, %cond3A : i32
      scf.if %cond3A_478 {
        %mul3A_480 = arith.constant 80 : i32
        %mul3A_481 = arith.muli %add3A_475, %mul3A_480 : i32
        "tpu.region"() ({
          %run_scoped3A = tpu.sem_alloc : memref<!tpu.dma_semaphore, #tpu.memory_space<semaphore_mem>>
          %dma_start3A_492 = arith.constant 0 : i32
          %dma_start3A_493 = tpu.memref_slice %arg32[%mul3A_481, %dma_start3A_492] : memref<10000x128xf32, #tpu.memory_space<vmem_shared>> -> memref<80x128xf32, #tpu.memory_space<vmem_shared>>
          %dma_start3A_494 = arith.constant 0 : i32
          %dma_start3A_495 = tpu.memref_slice %arg32[%mul3A_481, %dma_start3A_494] : memref<10000x128xf32, #tpu.memory_space<vmem_shared>> -> memref<80x128xf32, #tpu.memory_space<vmem_shared>>
          tpu.enqueue_dma source(%dma_start3A_495 : memref<80x128xf32, #tpu.memory_space<vmem_shared>>) target(%arg18 : memref<80x128xf32, #tpu.memory_space<vmem>>) target_semaphore(%run_scoped3A : memref<!tpu.dma_semaphore, #tpu.memory_space<semaphore_mem>>)
          %dma_wait3A_496 = arith.constant 0 : i32
          %dma_wait3A_497 = tpu.memref_slice %arg32[%mul3A_481, %dma_wait3A_496] : memref<10000x128xf32, #tpu.memory_space<vmem_shared>> -> memref<80x128xf32, #tpu.memory_space<vmem_shared>>
          %dma_wait3A_498 = arith.constant 0 : i32
          %dma_wait3A_499 = tpu.memref_slice %arg32[%mul3A_481, %dma_wait3A_498] : memref<10000x128xf32, #tpu.memory_space<vmem_shared>> -> memref<80x128xf32, #tpu.memory_space<vmem_shared>>
          tpu.wait_dma2 semaphore(%run_scoped3A : memref<!tpu.dma_semaphore, #tpu.memory_space<semaphore_mem>>) src(%dma_wait3A_499 : memref<80x128xf32, #tpu.memory_space<vmem_shared>>) dst(%arg18 : memref<80x128xf32, #tpu.memory_space<vmem>>)
          tpu.yield
        }) : () -> ()
        %mul3A_482 = arith.constant 80 : i32
        %mul3A_483 = arith.muli %add3A_475, %mul3A_482 : i32
        "tpu.region"() ({
          %run_scoped3A = tpu.sem_alloc : memref<!tpu.dma_semaphore, #tpu.memory_space<semaphore_mem>>
          %dma_start3A_492 = arith.constant 0 : i32
          %dma_start3A_493 = tpu.memref_slice %arg33[%mul3A_483, %dma_start3A_492] : memref<10000x16xf32, #tpu.memory_space<vmem_shared>> -> memref<80x16xf32, #tpu.memory_space<vmem_shared>>
          %dma_start3A_494 = arith.constant 0 : i32
          %dma_start3A_495 = tpu.memref_slice %arg33[%mul3A_483, %dma_start3A_494] : memref<10000x16xf32, #tpu.memory_space<vmem_shared>> -> memref<80x16xf32, #tpu.memory_space<vmem_shared>>
          tpu.enqueue_dma source(%dma_start3A_495 : memref<80x16xf32, #tpu.memory_space<vmem_shared>>) target(%arg20 : memref<80x16xf32, #tpu.memory_space<vmem>>) target_semaphore(%run_scoped3A : memref<!tpu.dma_semaphore, #tpu.memory_space<semaphore_mem>>)
          %dma_wait3A_496 = arith.constant 0 : i32
          %dma_wait3A_497 = tpu.memref_slice %arg33[%mul3A_483, %dma_wait3A_496] : memref<10000x16xf32, #tpu.memory_space<vmem_shared>> -> memref<80x16xf32, #tpu.memory_space<vmem_shared>>
          %dma_wait3A_498 = arith.constant 0 : i32
          %dma_wait3A_499 = tpu.memref_slice %arg33[%mul3A_483, %dma_wait3A_498] : memref<10000x16xf32, #tpu.memory_space<vmem_shared>> -> memref<80x16xf32, #tpu.memory_space<vmem_shared>>
          tpu.wait_dma2 semaphore(%run_scoped3A : memref<!tpu.dma_semaphore, #tpu.memory_space<semaphore_mem>>) src(%dma_wait3A_499 : memref<80x16xf32, #tpu.memory_space<vmem_shared>>) dst(%arg20 : memref<80x16xf32, #tpu.memory_space<vmem>>)
          tpu.yield
        }) : () -> ()
        %parallel_loop3A_484 = arith.constant 0 : i32
        %parallel_loop3A_485 = arith.constant 80 : i32
        %parallel_loop3A_486 = arith.constant 1 : i32
        scf.for %parallel_loop3A_492 = %parallel_loop3A_484 to %parallel_loop3A_485 step %parallel_loop3A_486  : i32 {
          %parallel_loop3A_493 = arith.index_cast %parallel_loop3A_492 : i32 to index
          %parallel_loop3A_494 = arith.constant 0 : index
          %parallel_loop3A_495 = tpu.vector_load %arg20[%parallel_loop3A_493, %parallel_loop3A_494] {strides = array<i32>} : memref<80x16xf32, #tpu.memory_space<vmem>>, vector<16xf32>,
          %parallel_loop3A_496 = arith.constant 0.000000e+00 : f32
          %parallel_loop3A_497 = vector.broadcast %parallel_loop3A_496 : f32 to vector<16xf32>
          %parallel_loop3A_498 = arith.cmpf oeq, %parallel_loop3A_495, %parallel_loop3A_497 : vector<16xf32>
          %parallel_loop3A_499 = arith.constant 1.000000e+00 : f32
          %parallel_loop3A_500 = vector.broadcast %parallel_loop3A_499 : f32 to vector<16xf32>
          %parallel_loop3A_501 = arith.select %parallel_loop3A_498, %parallel_loop3A_500, %parallel_loop3A_495 : vector<16xi1>, vector<16xf32>
          %parallel_loop3A_502 = arith.constant 0 : i32
          %parallel_loop3A_503 = vector.broadcast %parallel_loop3A_502 : i32 to vector<16xi32>
          %parallel_loop3A_504 = vector.shape_cast %parallel_loop3A_503 : vector<16xi32> to vector<16x1xi32>
          %parallel_loop3A_505 = vector.shape_cast %parallel_loop3A_504 : vector<16x1xi32> to vector<16xi32>
          %parallel_loop3A_506 = tpu.dynamic_gather %parallel_loop3A_501[%parallel_loop3A_505] in [0] : vector<16xf32>, vector<16xi32> -> vector<16xf32>
          %parallel_loop3A_507 = arith.index_cast %parallel_loop3A_492 : i32 to index
          %parallel_loop3A_508 = arith.constant 0 : index
          %parallel_loop3A_509 = tpu.vector_load %arg18[%parallel_loop3A_507, %parallel_loop3A_508] {strides = array<i32>} : memref<80x128xf32, #tpu.memory_space<vmem>>, vector<16xf32>,
          %parallel_loop3A_510 = arith.divf %parallel_loop3A_509, %parallel_loop3A_506 : vector<16xf32>
          %parallel_loop3A_511 = arith.constant 0.000000e+00 : f32
          %parallel_loop3A_512 = vector.broadcast %parallel_loop3A_511 : f32 to vector<16xf32>
          %parallel_loop3A_513 = arith.cmpf ogt, %parallel_loop3A_510, %parallel_loop3A_512 : vector<16xf32>
          %parallel_loop3A_514 = arith.constant 0.000000e+00 : f32
          %parallel_loop3A_515 = vector.broadcast %parallel_loop3A_514 : f32 to vector<16xf32>
          %parallel_loop3A_516 = arith.minimumf %parallel_loop3A_510, %parallel_loop3A_515 : vector<16xf32>
          %parallel_loop3A_517 = math.exp %parallel_loop3A_516 : vector<16xf32>
          %parallel_loop3A_518 = arith.constant 1.000000e+00 : f32
          %parallel_loop3A_519 = vector.broadcast %parallel_loop3A_518 : f32 to vector<16xf32>
          %parallel_loop3A_520 = arith.subf %parallel_loop3A_517, %parallel_loop3A_519 : vector<16xf32>
          %parallel_loop3A_521 = arith.select %parallel_loop3A_513, %parallel_loop3A_510, %parallel_loop3A_520 : vector<16xi1>, vector<16xf32>
          %parallel_loop3A_522 = arith.index_cast %parallel_loop3A_492 : i32 to index
          %parallel_loop3A_523 = arith.constant 0 : index
          %parallel_loop3A_524 = tpu.vector_load %arg18[%parallel_loop3A_522, %parallel_loop3A_523] {strides = array<i32>} : memref<80x128xf32, #tpu.memory_space<vmem>>, vector<16xf32>,
          tpu.vector_store %arg18[%parallel_loop3A_522, %parallel_loop3A_523], %parallel_loop3A_521 {strides = array<i32>} : memref<80x128xf32, #tpu.memory_space<vmem>>, vector<16xf32>,
          %parallel_loop3A_525 = arith.constant 1 : i32
          %parallel_loop3A_526 = vector.broadcast %parallel_loop3A_525 : i32 to vector<16xi32>
          %parallel_loop3A_527 = vector.shape_cast %parallel_loop3A_526 : vector<16xi32> to vector<16x1xi32>
          %parallel_loop3A_528 = vector.shape_cast %parallel_loop3A_527 : vector<16x1xi32> to vector<16xi32>
          %parallel_loop3A_529 = tpu.dynamic_gather %parallel_loop3A_501[%parallel_loop3A_528] in [0] : vector<16xf32>, vector<16xi32> -> vector<16xf32>
          %parallel_loop3A_530 = arith.index_cast %parallel_loop3A_492 : i32 to index
          %parallel_loop3A_531 = arith.constant 16 : index
          %parallel_loop3A_532 = tpu.vector_load %arg18[%parallel_loop3A_530, %parallel_loop3A_531] {strides = array<i32>} : memref<80x128xf32, #tpu.memory_space<vmem>>, vector<16xf32>,
          %parallel_loop3A_533 = arith.divf %parallel_loop3A_532, %parallel_loop3A_529 : vector<16xf32>
          %parallel_loop3A_534 = arith.constant 0.000000e+00 : f32
          %parallel_loop3A_535 = vector.broadcast %parallel_loop3A_534 : f32 to vector<16xf32>
          %parallel_loop3A_536 = arith.cmpf ogt, %parallel_loop3A_533, %parallel_loop3A_535 : vector<16xf32>
          %parallel_loop3A_537 = arith.constant 0.000000e+00 : f32
          %parallel_loop3A_538 = vector.broadcast %parallel_loop3A_537 : f32 to vector<16xf32>
          %parallel_loop3A_539 = arith.minimumf %parallel_loop3A_533, %parallel_loop3A_538 : vector<16xf32>
          %parallel_loop3A_540 = math.exp %parallel_loop3A_539 : vector<16xf32>
          %parallel_loop3A_541 = arith.constant 1.000000e+00 : f32
          %parallel_loop3A_542 = vector.broadcast %parallel_loop3A_541 : f32 to vector<16xf32>
          %parallel_loop3A_543 = arith.subf %parallel_loop3A_540, %parallel_loop3A_542 : vector<16xf32>
          %parallel_loop3A_544 = arith.select %parallel_loop3A_536, %parallel_loop3A_533, %parallel_loop3A_543 : vector<16xi1>, vector<16xf32>
          %parallel_loop3A_545 = arith.index_cast %parallel_loop3A_492 : i32 to index
          %parallel_loop3A_546 = arith.constant 16 : index
          %parallel_loop3A_547 = tpu.vector_load %arg18[%parallel_loop3A_545, %parallel_loop3A_546] {strides = array<i32>} : memref<80x128xf32, #tpu.memory_space<vmem>>, vector<16xf32>,
          tpu.vector_store %arg18[%parallel_loop3A_545, %parallel_loop3A_546], %parallel_loop3A_544 {strides = array<i32>} : memref<80x128xf32, #tpu.memory_space<vmem>>, vector<16xf32>,
          %parallel_loop3A_548 = arith.constant 2 : i32
          %parallel_loop3A_549 = vector.broadcast %parallel_loop3A_548 : i32 to vector<16xi32>
          %parallel_loop3A_550 = vector.shape_cast %parallel_loop3A_549 : vector<16xi32> to vector<16x1xi32>
          %parallel_loop3A_551 = vector.shape_cast %parallel_loop3A_550 : vector<16x1xi32> to vector<16xi32>
          %parallel_loop3A_552 = tpu.dynamic_gather %parallel_loop3A_501[%parallel_loop3A_551] in [0] : vector<16xf32>, vector<16xi32> -> vector<16xf32>
          %parallel_loop3A_553 = arith.index_cast %parallel_loop3A_492 : i32 to index
          %parallel_loop3A_554 = arith.constant 32 : index
          %parallel_loop3A_555 = tpu.vector_load %arg18[%parallel_loop3A_553, %parallel_loop3A_554] {strides = array<i32>} : memref<80x128xf32, #tpu.memory_space<vmem>>, vector<16xf32>,
          %parallel_loop3A_556 = arith.divf %parallel_loop3A_555, %parallel_loop3A_552 : vector<16xf32>
          %parallel_loop3A_557 = arith.constant 0.000000e+00 : f32
          %parallel_loop3A_558 = vector.broadcast %parallel_loop3A_557 : f32 to vector<16xf32>
          %parallel_loop3A_559 = arith.cmpf ogt, %parallel_loop3A_556, %parallel_loop3A_558 : vector<16xf32>
          %parallel_loop3A_560 = arith.constant 0.000000e+00 : f32
          %parallel_loop3A_561 = vector.broadcast %parallel_loop3A_560 : f32 to vector<16xf32>
          %parallel_loop3A_562 = arith.minimumf %parallel_loop3A_556, %parallel_loop3A_561 : vector<16xf32>
          %parallel_loop3A_563 = math.exp %parallel_loop3A_562 : vector<16xf32>
          %parallel_loop3A_564 = arith.constant 1.000000e+00 : f32
          %parallel_loop3A_565 = vector.broadcast %parallel_loop3A_564 : f32 to vector<16xf32>
          %parallel_loop3A_566 = arith.subf %parallel_loop3A_563, %parallel_loop3A_565 : vector<16xf32>
          %parallel_loop3A_567 = arith.select %parallel_loop3A_559, %parallel_loop3A_556, %parallel_loop3A_566 : vector<16xi1>, vector<16xf32>
          %parallel_loop3A_568 = arith.index_cast %parallel_loop3A_492 : i32 to index
          %parallel_loop3A_569 = arith.constant 32 : index
          %parallel_loop3A_570 = tpu.vector_load %arg18[%parallel_loop3A_568, %parallel_loop3A_569] {strides = array<i32>} : memref<80x128xf32, #tpu.memory_space<vmem>>, vector<16xf32>,
          tpu.vector_store %arg18[%parallel_loop3A_568, %parallel_loop3A_569], %parallel_loop3A_567 {strides = array<i32>} : memref<80x128xf32, #tpu.memory_space<vmem>>, vector<16xf32>,
          %parallel_loop3A_571 = arith.constant 3 : i32
          %parallel_loop3A_572 = vector.broadcast %parallel_loop3A_571 : i32 to vector<16xi32>
          %parallel_loop3A_573 = vector.shape_cast %parallel_loop3A_572 : vector<16xi32> to vector<16x1xi32>
          %parallel_loop3A_574 = vector.shape_cast %parallel_loop3A_573 : vector<16x1xi32> to vector<16xi32>
          %parallel_loop3A_575 = tpu.dynamic_gather %parallel_loop3A_501[%parallel_loop3A_574] in [0] : vector<16xf32>, vector<16xi32> -> vector<16xf32>
          %parallel_loop3A_576 = arith.index_cast %parallel_loop3A_492 : i32 to index
          %parallel_loop3A_577 = arith.constant 48 : index
          %parallel_loop3A_578 = tpu.vector_load %arg18[%parallel_loop3A_576, %parallel_loop3A_577] {strides = array<i32>} : memref<80x128xf32, #tpu.memory_space<vmem>>, vector<16xf32>,
          %parallel_loop3A_579 = arith.divf %parallel_loop3A_578, %parallel_loop3A_575 : vector<16xf32>
          %parallel_loop3A_580 = arith.constant 0.000000e+00 : f32
          %parallel_loop3A_581 = vector.broadcast %parallel_loop3A_580 : f32 to vector<16xf32>
          %parallel_loop3A_582 = arith.cmpf ogt, %parallel_loop3A_579, %parallel_loop3A_581 : vector<16xf32>
          %parallel_loop3A_583 = arith.constant 0.000000e+00 : f32
          %parallel_loop3A_584 = vector.broadcast %parallel_loop3A_583 : f32 to vector<16xf32>
          %parallel_loop3A_585 = arith.minimumf %parallel_loop3A_579, %parallel_loop3A_584 : vector<16xf32>
          %parallel_loop3A_586 = math.exp %parallel_loop3A_585 : vector<16xf32>
          %parallel_loop3A_587 = arith.constant 1.000000e+00 : f32
          %parallel_loop3A_588 = vector.broadcast %parallel_loop3A_587 : f32 to vector<16xf32>
          %parallel_loop3A_589 = arith.subf %parallel_loop3A_586, %parallel_loop3A_588 : vector<16xf32>
          %parallel_loop3A_590 = arith.select %parallel_loop3A_582, %parallel_loop3A_579, %parallel_loop3A_589 : vector<16xi1>, vector<16xf32>
          %parallel_loop3A_591 = arith.index_cast %parallel_loop3A_492 : i32 to index
          %parallel_loop3A_592 = arith.constant 48 : index
          %parallel_loop3A_593 = tpu.vector_load %arg18[%parallel_loop3A_591, %parallel_loop3A_592] {strides = array<i32>} : memref<80x128xf32, #tpu.memory_space<vmem>>, vector<16xf32>,
          tpu.vector_store %arg18[%parallel_loop3A_591, %parallel_loop3A_592], %parallel_loop3A_590 {strides = array<i32>} : memref<80x128xf32, #tpu.memory_space<vmem>>, vector<16xf32>,
          %parallel_loop3A_594 = arith.constant 4 : i32
          %parallel_loop3A_595 = vector.broadcast %parallel_loop3A_594 : i32 to vector<16xi32>
          %parallel_loop3A_596 = vector.shape_cast %parallel_loop3A_595 : vector<16xi32> to vector<16x1xi32>
          %parallel_loop3A_597 = vector.shape_cast %parallel_loop3A_596 : vector<16x1xi32> to vector<16xi32>
          %parallel_loop3A_598 = tpu.dynamic_gather %parallel_loop3A_501[%parallel_loop3A_597] in [0] : vector<16xf32>, vector<16xi32> -> vector<16xf32>
          %parallel_loop3A_599 = arith.index_cast %parallel_loop3A_492 : i32 to index
          %parallel_loop3A_600 = arith.constant 64 : index
          %parallel_loop3A_601 = tpu.vector_load %arg18[%parallel_loop3A_599, %parallel_loop3A_600] {strides = array<i32>} : memref<80x128xf32, #tpu.memory_space<vmem>>, vector<16xf32>,
          %parallel_loop3A_602 = arith.divf %parallel_loop3A_601, %parallel_loop3A_598 : vector<16xf32>
          %parallel_loop3A_603 = arith.constant 0.000000e+00 : f32
          %parallel_loop3A_604 = vector.broadcast %parallel_loop3A_603 : f32 to vector<16xf32>
          %parallel_loop3A_605 = arith.cmpf ogt, %parallel_loop3A_602, %parallel_loop3A_604 : vector<16xf32>
          %parallel_loop3A_606 = arith.constant 0.000000e+00 : f32
          %parallel_loop3A_607 = vector.broadcast %parallel_loop3A_606 : f32 to vector<16xf32>
          %parallel_loop3A_608 = arith.minimumf %parallel_loop3A_602, %parallel_loop3A_607 : vector<16xf32>
          %parallel_loop3A_609 = math.exp %parallel_loop3A_608 : vector<16xf32>
          %parallel_loop3A_610 = arith.constant 1.000000e+00 : f32
          %parallel_loop3A_611 = vector.broadcast %parallel_loop3A_610 : f32 to vector<16xf32>
          %parallel_loop3A_612 = arith.subf %parallel_loop3A_609, %parallel_loop3A_611 : vector<16xf32>
          %parallel_loop3A_613 = arith.select %parallel_loop3A_605, %parallel_loop3A_602, %parallel_loop3A_612 : vector<16xi1>, vector<16xf32>
          %parallel_loop3A_614 = arith.index_cast %parallel_loop3A_492 : i32 to index
          %parallel_loop3A_615 = arith.constant 64 : index
          %parallel_loop3A_616 = tpu.vector_load %arg18[%parallel_loop3A_614, %parallel_loop3A_615] {strides = array<i32>} : memref<80x128xf32, #tpu.memory_space<vmem>>, vector<16xf32>,
          tpu.vector_store %arg18[%parallel_loop3A_614, %parallel_loop3A_615], %parallel_loop3A_613 {strides = array<i32>} : memref<80x128xf32, #tpu.memory_space<vmem>>, vector<16xf32>,
          %parallel_loop3A_617 = arith.constant 5 : i32
          %parallel_loop3A_618 = vector.broadcast %parallel_loop3A_617 : i32 to vector<16xi32>
          %parallel_loop3A_619 = vector.shape_cast %parallel_loop3A_618 : vector<16xi32> to vector<16x1xi32>
          %parallel_loop3A_620 = vector.shape_cast %parallel_loop3A_619 : vector<16x1xi32> to vector<16xi32>
          %parallel_loop3A_621 = tpu.dynamic_gather %parallel_loop3A_501[%parallel_loop3A_620] in [0] : vector<16xf32>, vector<16xi32> -> vector<16xf32>
          %parallel_loop3A_622 = arith.index_cast %parallel_loop3A_492 : i32 to index
          %parallel_loop3A_623 = arith.constant 80 : index
          %parallel_loop3A_624 = tpu.vector_load %arg18[%parallel_loop3A_622, %parallel_loop3A_623] {strides = array<i32>} : memref<80x128xf32, #tpu.memory_space<vmem>>, vector<16xf32>,
          %parallel_loop3A_625 = arith.divf %parallel_loop3A_624, %parallel_loop3A_621 : vector<16xf32>
          %parallel_loop3A_626 = arith.constant 0.000000e+00 : f32
          %parallel_loop3A_627 = vector.broadcast %parallel_loop3A_626 : f32 to vector<16xf32>
          %parallel_loop3A_628 = arith.cmpf ogt, %parallel_loop3A_625, %parallel_loop3A_627 : vector<16xf32>
          %parallel_loop3A_629 = arith.constant 0.000000e+00 : f32
          %parallel_loop3A_630 = vector.broadcast %parallel_loop3A_629 : f32 to vector<16xf32>
          %parallel_loop3A_631 = arith.minimumf %parallel_loop3A_625, %parallel_loop3A_630 : vector<16xf32>
          %parallel_loop3A_632 = math.exp %parallel_loop3A_631 : vector<16xf32>
          %parallel_loop3A_633 = arith.constant 1.000000e+00 : f32
          %parallel_loop3A_634 = vector.broadcast %parallel_loop3A_633 : f32 to vector<16xf32>
          %parallel_loop3A_635 = arith.subf %parallel_loop3A_632, %parallel_loop3A_634 : vector<16xf32>
          %parallel_loop3A_636 = arith.select %parallel_loop3A_628, %parallel_loop3A_625, %parallel_loop3A_635 : vector<16xi1>, vector<16xf32>
          %parallel_loop3A_637 = arith.index_cast %parallel_loop3A_492 : i32 to index
          %parallel_loop3A_638 = arith.constant 80 : index
          %parallel_loop3A_639 = tpu.vector_load %arg18[%parallel_loop3A_637, %parallel_loop3A_638] {strides = array<i32>} : memref<80x128xf32, #tpu.memory_space<vmem>>, vector<16xf32>,
          tpu.vector_store %arg18[%parallel_loop3A_637, %parallel_loop3A_638], %parallel_loop3A_636 {strides = array<i32>} : memref<80x128xf32, #tpu.memory_space<vmem>>, vector<16xf32>,
          %parallel_loop3A_640 = arith.constant 6 : i32
          %parallel_loop3A_641 = vector.broadcast %parallel_loop3A_640 : i32 to vector<16xi32>
          %parallel_loop3A_642 = vector.shape_cast %parallel_loop3A_641 : vector<16xi32> to vector<16x1xi32>
          %parallel_loop3A_643 = vector.shape_cast %parallel_loop3A_642 : vector<16x1xi32> to vector<16xi32>
          %parallel_loop3A_644 = tpu.dynamic_gather %parallel_loop3A_501[%parallel_loop3A_643] in [0] : vector<16xf32>, vector<16xi32> -> vector<16xf32>
          %parallel_loop3A_645 = arith.index_cast %parallel_loop3A_492 : i32 to index
          %parallel_loop3A_646 = arith.constant 96 : index
          %parallel_loop3A_647 = tpu.vector_load %arg18[%parallel_loop3A_645, %parallel_loop3A_646] {strides = array<i32>} : memref<80x128xf32, #tpu.memory_space<vmem>>, vector<16xf32>,
          %parallel_loop3A_648 = arith.divf %parallel_loop3A_647, %parallel_loop3A_644 : vector<16xf32>
          %parallel_loop3A_649 = arith.constant 0.000000e+00 : f32
          %parallel_loop3A_650 = vector.broadcast %parallel_loop3A_649 : f32 to vector<16xf32>
          %parallel_loop3A_651 = arith.cmpf ogt, %parallel_loop3A_648, %parallel_loop3A_650 : vector<16xf32>
          %parallel_loop3A_652 = arith.constant 0.000000e+00 : f32
          %parallel_loop3A_653 = vector.broadcast %parallel_loop3A_652 : f32 to vector<16xf32>
          %parallel_loop3A_654 = arith.minimumf %parallel_loop3A_648, %parallel_loop3A_653 : vector<16xf32>
          %parallel_loop3A_655 = math.exp %parallel_loop3A_654 : vector<16xf32>
          %parallel_loop3A_656 = arith.constant 1.000000e+00 : f32
          %parallel_loop3A_657 = vector.broadcast %parallel_loop3A_656 : f32 to vector<16xf32>
          %parallel_loop3A_658 = arith.subf %parallel_loop3A_655, %parallel_loop3A_657 : vector<16xf32>
          %parallel_loop3A_659 = arith.select %parallel_loop3A_651, %parallel_loop3A_648, %parallel_loop3A_658 : vector<16xi1>, vector<16xf32>
          %parallel_loop3A_660 = arith.index_cast %parallel_loop3A_492 : i32 to index
          %parallel_loop3A_661 = arith.constant 96 : index
          %parallel_loop3A_662 = tpu.vector_load %arg18[%parallel_loop3A_660, %parallel_loop3A_661] {strides = array<i32>} : memref<80x128xf32, #tpu.memory_space<vmem>>, vector<16xf32>,
          tpu.vector_store %arg18[%parallel_loop3A_660, %parallel_loop3A_661], %parallel_loop3A_659 {strides = array<i32>} : memref<80x128xf32, #tpu.memory_space<vmem>>, vector<16xf32>,
          %parallel_loop3A_663 = arith.constant 7 : i32
          %parallel_loop3A_664 = vector.broadcast %parallel_loop3A_663 : i32 to vector<16xi32>
          %parallel_loop3A_665 = vector.shape_cast %parallel_loop3A_664 : vector<16xi32> to vector<16x1xi32>
          %parallel_loop3A_666 = vector.shape_cast %parallel_loop3A_665 : vector<16x1xi32> to vector<16xi32>
          %parallel_loop3A_667 = tpu.dynamic_gather %parallel_loop3A_501[%parallel_loop3A_666] in [0] : vector<16xf32>, vector<16xi32> -> vector<16xf32>
          %parallel_loop3A_668 = arith.index_cast %parallel_loop3A_492 : i32 to index
          %parallel_loop3A_669 = arith.constant 112 : index
          %parallel_loop3A_670 = tpu.vector_load %arg18[%parallel_loop3A_668, %parallel_loop3A_669] {strides = array<i32>} : memref<80x128xf32, #tpu.memory_space<vmem>>, vector<16xf32>,
          %parallel_loop3A_671 = arith.divf %parallel_loop3A_670, %parallel_loop3A_667 : vector<16xf32>
          %parallel_loop3A_672 = arith.constant 0.000000e+00 : f32
          %parallel_loop3A_673 = vector.broadcast %parallel_loop3A_672 : f32 to vector<16xf32>
          %parallel_loop3A_674 = arith.cmpf ogt, %parallel_loop3A_671, %parallel_loop3A_673 : vector<16xf32>
          %parallel_loop3A_675 = arith.constant 0.000000e+00 : f32
          %parallel_loop3A_676 = vector.broadcast %parallel_loop3A_675 : f32 to vector<16xf32>
          %parallel_loop3A_677 = arith.minimumf %parallel_loop3A_671, %parallel_loop3A_676 : vector<16xf32>
          %parallel_loop3A_678 = math.exp %parallel_loop3A_677 : vector<16xf32>
          %parallel_loop3A_679 = arith.constant 1.000000e+00 : f32
          %parallel_loop3A_680 = vector.broadcast %parallel_loop3A_679 : f32 to vector<16xf32>
          %parallel_loop3A_681 = arith.subf %parallel_loop3A_678, %parallel_loop3A_680 : vector<16xf32>
          %parallel_loop3A_682 = arith.select %parallel_loop3A_674, %parallel_loop3A_671, %parallel_loop3A_681 : vector<16xi1>, vector<16xf32>
          %parallel_loop3A_683 = arith.index_cast %parallel_loop3A_492 : i32 to index
          %parallel_loop3A_684 = arith.constant 112 : index
          %parallel_loop3A_685 = tpu.vector_load %arg18[%parallel_loop3A_683, %parallel_loop3A_684] {strides = array<i32>} : memref<80x128xf32, #tpu.memory_space<vmem>>, vector<16xf32>,
          tpu.vector_store %arg18[%parallel_loop3A_683, %parallel_loop3A_684], %parallel_loop3A_682 {strides = array<i32>} : memref<80x128xf32, #tpu.memory_space<vmem>>, vector<16xf32>,
        } {sc.loop_unroll_factor = 2 : i64, sc.parallel_access}
        %mul3A_487 = arith.constant 10000 : i32
        %mul3A_488 = arith.muli %arg0, %mul3A_487 : i32
        %mul3A_489 = arith.constant 80 : i32
        %mul3A_490 = arith.muli %add3A_475, %mul3A_489 : i32
        %add3A_491 = arith.addi %mul3A_488, %mul3A_490 : i32
        "tpu.region"() ({
          %run_scoped3A = tpu.sem_alloc : memref<!tpu.dma_semaphore, #tpu.memory_space<semaphore_mem>>
          %dma_start3A_492 = arith.constant 0 : i32
          %dma_start3A_493 = tpu.memref_slice %arg7[%add3A_491, %dma_start3A_492] : memref<20000x128xf32, #tpu.memory_space<hbm>> -> memref<80x128xf32, #tpu.memory_space<hbm>>
          %dma_start3A_494 = arith.constant 0 : i32
          %dma_start3A_495 = tpu.memref_slice %arg7[%add3A_491, %dma_start3A_494] : memref<20000x128xf32, #tpu.memory_space<hbm>> -> memref<80x128xf32, #tpu.memory_space<hbm>>
          tpu.enqueue_dma source(%arg18 : memref<80x128xf32, #tpu.memory_space<vmem>>) target(%dma_start3A_495 : memref<80x128xf32, #tpu.memory_space<hbm>>) target_semaphore(%run_scoped3A : memref<!tpu.dma_semaphore, #tpu.memory_space<semaphore_mem>>)
          %dma_wait3A_496 = arith.constant 0 : i32
          %dma_wait3A_497 = tpu.memref_slice %arg7[%add3A_491, %dma_wait3A_496] : memref<20000x128xf32, #tpu.memory_space<hbm>> -> memref<80x128xf32, #tpu.memory_space<hbm>>
          %dma_wait3A_498 = arith.constant 0 : i32
          %dma_wait3A_499 = tpu.memref_slice %arg7[%add3A_491, %dma_wait3A_498] : memref<20000x128xf32, #tpu.memory_space<hbm>> -> memref<80x128xf32, #tpu.memory_space<hbm>>
          tpu.wait_dma2 semaphore(%run_scoped3A : memref<!tpu.dma_semaphore, #tpu.memory_space<semaphore_mem>>) src(%arg18 : memref<80x128xf32, #tpu.memory_space<vmem>>) dst(%dma_wait3A_499 : memref<80x128xf32, #tpu.memory_space<hbm>>)
          tpu.yield
        }) : () -> ()
      } else {
      }
      %scan3A_479 = arith.constant 0 : i32
      scf.yield %scan3A_479 : i32
    }
    %scan3A_470 = arith.constant 8 : i32
    return
  }
}

module attributes {stable_mosaic.version = 14 : i64} {
  func.func @_prep_body(%arg0: i32, %arg1: i32, %arg2: memref<1000x128xf32, #tpu.memory_space<vmem>>, %arg3: memref<1x128x128xf32, #tpu.memory_space<vmem>>, %arg4: memref<1x128x16xf32, #tpu.memory_space<vmem>>, %arg5: memref<1x1000x128xbf16, #tpu.memory_space<vmem>>, %arg6: memref<1x1000x16xf32, #tpu.memory_space<vmem>>) attributes {dimension_semantics = [#tpu.dimension_semantics<arbitrary>, #tpu.dimension_semantics<arbitrary>], iteration_bounds = array<i64: 2, 10>, scalar_prefetch = 0 : i64, scratch_operands = 0 : i64, tpu.core_type = #tpu.core_type<tc>, window_params = [{transform_indices = @transform_0, window_bounds = array<i64: 1000, 128>}, {transform_indices = @transform_1, window_bounds = array<i64: 1, 128, 128>}, {transform_indices = @transform_2, window_bounds = array<i64: 1, 128, 16>}, {transform_indices = @transform_3, window_bounds = array<i64: 1, 1000, 128>}, {transform_indices = @transform_4, window_bounds = array<i64: 1, 1000, 16>}]} {
    %get3A = arith.constant 0 : index
    %get3A_0 = arith.constant 0 : index
    %get3A_1 = vector.load %arg2[%get3A, %get3A_0] : memref<1000x128xf32, #tpu.memory_space<vmem>>, vector<1000x128xf32>
    %get3A_2 = arith.constant 0 : index
    %get3A_3 = arith.constant 0 : index
    %get3A_4 = arith.constant 0 : index
    %get3A_5 = vector.load %arg3[%get3A_2, %get3A_3, %get3A_4] : memref<1x128x128xf32, #tpu.memory_space<vmem>>, vector<1x128x128xf32>
    %get3A_6 = vector.shape_cast %get3A_5 : vector<1x128x128xf32> to vector<128x128xf32>
    %dot_general3A = arith.constant dense<0.000000e+00> : vector<1000x128xf32>
    %dot_general3A_7 = tpu.matmul %get3A_1, %get3A_6, %dot_general3A {dimension_numbers = #tpu.dot_dimension_numbers<[1], [0], [0], [1], [0, 0, 1, 1], [], []>, transpose_lhs_hint = false} : vector<1000x128xf32>, vector<128x128xf32>, vector<1000x128xf32> -> vector<1000x128xf32>
    %convert_element_type3A = arith.truncf %dot_general3A_7 : vector<1000x128xf32> to vector<1000x128xbf16>
    %swap3A = arith.constant 0 : index
    %swap3A_8 = arith.constant 0 : index
    %swap3A_9 = arith.constant 0 : index
    %swap3A_10 = vector.load %arg5[%swap3A, %swap3A_8, %swap3A_9] : memref<1x1000x128xbf16, #tpu.memory_space<vmem>>, vector<1x1000x128xbf16>
    %swap3A_11 = vector.shape_cast %swap3A_10 : vector<1x1000x128xbf16> to vector<1000x128xbf16>
    %swap3A_12 = vector.shape_cast %convert_element_type3A : vector<1000x128xbf16> to vector<1x1000x128xbf16>
    tpu.vector_store %arg5[%swap3A, %swap3A_8, %swap3A_9], %swap3A_12 {strides = array<i32>} : memref<1x1000x128xbf16, #tpu.memory_space<vmem>>, vector<1x1000x128xbf16>,
    %get3A_13 = arith.constant 0 : index
    %get3A_14 = arith.constant 0 : index
    %get3A_15 = arith.constant 0 : index
    %get3A_16 = vector.load %arg4[%get3A_13, %get3A_14, %get3A_15] : memref<1x128x16xf32, #tpu.memory_space<vmem>>, vector<1x128x16xf32>
    %get3A_17 = vector.shape_cast %get3A_16 : vector<1x128x16xf32> to vector<128x16xf32>
    %dot_general3A_18 = arith.constant dense<0.000000e+00> : vector<1000x16xf32>
    %dot_general3A_19 = tpu.matmul %dot_general3A_7, %get3A_17, %dot_general3A_18 {dimension_numbers = #tpu.dot_dimension_numbers<[1], [0], [0], [1], [0, 0, 1, 1], [], []>, transpose_lhs_hint = false} : vector<1000x128xf32>, vector<128x16xf32>, vector<1000x16xf32> -> vector<1000x16xf32>
    %swap3A_20 = arith.constant 0 : index
    %swap3A_21 = arith.constant 0 : index
    %swap3A_22 = arith.constant 0 : index
    %swap3A_23 = vector.load %arg6[%swap3A_20, %swap3A_21, %swap3A_22] : memref<1x1000x16xf32, #tpu.memory_space<vmem>>, vector<1x1000x16xf32>
    %swap3A_24 = vector.shape_cast %swap3A_23 : vector<1x1000x16xf32> to vector<1000x16xf32>
    %swap3A_25 = vector.shape_cast %dot_general3A_19 : vector<1000x16xf32> to vector<1x1000x16xf32>
    tpu.vector_store %arg6[%swap3A_20, %swap3A_21, %swap3A_22], %swap3A_25 {strides = array<i32>} : memref<1x1000x16xf32, #tpu.memory_space<vmem>>, vector<1x1000x16xf32>,
    return
  }
  func.func @transform_0(%arg0: i32, %arg1: i32) -> (i32, i32) {
    %c0_i32 = arith.constant 0 : i32
    %c0_i32_0 = arith.constant 0 : i32
    return %arg1, %c0_i32 : i32, i32
  }
  func.func @transform_1(%arg0: i32, %arg1: i32) -> (i32, i32, i32) {
    %c0_i32 = arith.constant 0 : i32
    %c0_i32_0 = arith.constant 0 : i32
    %c0_i32_1 = arith.constant 0 : i32
    return %arg0, %c0_i32, %c0_i32_0 : i32, i32, i32
  }
  func.func @transform_2(%arg0: i32, %arg1: i32) -> (i32, i32, i32) {
    %c0_i32 = arith.constant 0 : i32
    %c0_i32_0 = arith.constant 0 : i32
    %c0_i32_1 = arith.constant 0 : i32
    return %arg0, %c0_i32, %c0_i32_0 : i32, i32, i32
  }
  func.func @transform_3(%arg0: i32, %arg1: i32) -> (i32, i32, i32) {
    %c0_i32 = arith.constant 0 : i32
    %c0_i32_0 = arith.constant 0 : i32
    return %arg0, %arg1, %c0_i32 : i32, i32, i32
  }
  func.func @transform_4(%arg0: i32, %arg1: i32) -> (i32, i32, i32) {
    %c0_i32 = arith.constant 0 : i32
    %c0_i32_0 = arith.constant 0 : i32
    return %arg0, %arg1, %c0_i32 : i32, i32, i32
  }
}

module attributes {stable_mosaic.version = 14 : i64} {
  func.func @_sem_body(%arg0: i32, %arg1: i32, %arg2: memref<1x1000x128xf32, #tpu.memory_space<vmem>>, %arg3: memref<1x1000x128xf32, #tpu.memory_space<vmem>>, %arg4: memref<128x128xf32, #tpu.memory_space<vmem>>, %arg5: memref<1x128xf32, #tpu.memory_space<vmem>>, %arg6: memref<128x1xf32, #tpu.memory_space<vmem>>, %arg7: memref<1000x128xf32, #tpu.memory_space<vmem>>, %arg8: memref<2xf32, #tpu.memory_space<smem>>) attributes {dimension_semantics = [#tpu.dimension_semantics<arbitrary>, #tpu.dimension_semantics<arbitrary>], iteration_bounds = array<i64: 2, 10>, scalar_prefetch = 0 : i64, scratch_operands = 1 : i64, tpu.core_type = #tpu.core_type<tc>, window_params = [{transform_indices = @transform_0, window_bounds = array<i64: 1, 1000, 128>}, {transform_indices = @transform_1, window_bounds = array<i64: 1, 1000, 128>}, {pipeline_mode = #tpu.pipeline_mode<synchronous>, transform_indices = @transform_2, window_bounds = array<i64: 128, 128>}, {pipeline_mode = #tpu.pipeline_mode<synchronous>, transform_indices = @transform_3, window_bounds = array<i64: 1, 128>}, {pipeline_mode = #tpu.pipeline_mode<synchronous>, transform_indices = @transform_4, window_bounds = array<i64: 128, 1>}, {transform_indices = @transform_5, window_bounds = array<i64: 1000, 128>}]} {
    %eq3A = arith.constant 0 : i32
    %eq3A_0 = arith.cmpi eq, %arg0, %eq3A : i32
    %eq3A_1 = arith.constant 0 : i32
    %eq3A_2 = arith.cmpi eq, %arg1, %eq3A_1 : i32
    %and3A = arith.andi %eq3A_0, %eq3A_2 : i1
    %convert_element_type3A = arith.extui %and3A : i1 to i32
    %cond3A = arith.constant 0 : i32
    %cond3A_3 = arith.cmpi ne, %convert_element_type3A, %cond3A : i32
    scf.if %cond3A_3 {
      %swap3A = arith.constant 0.000000e+00 : f32
      %swap3A_14 = arith.constant 0 : index
      %swap3A_15 = memref.load %arg8[%swap3A_14] : memref<2xf32, #tpu.memory_space<smem>>
      memref.store %swap3A, %arg8[%swap3A_14] : memref<2xf32, #tpu.memory_space<smem>>
      %swap3A_16 = arith.constant 0.000000e+00 : f32
      %swap3A_17 = arith.constant 1 : index
      %swap3A_18 = memref.load %arg8[%swap3A_17] : memref<2xf32, #tpu.memory_space<smem>>
      memref.store %swap3A_16, %arg8[%swap3A_17] : memref<2xf32, #tpu.memory_space<smem>>
    } else {
    }
    %eq3A_4 = arith.constant 0 : i32
    %eq3A_5 = arith.cmpi eq, %arg0, %eq3A_4 : i32
    %convert_element_type3A_6 = arith.extui %eq3A_5 : i1 to i32
    %cond3A_7 = arith.constant 0 : i32
    %cond3A_8 = arith.cmpi ne, %convert_element_type3A_6, %cond3A_7 : i32
    scf.if %cond3A_8 {
      %get3A = arith.constant 0 : index
      %get3A_14 = arith.constant 0 : index
      %get3A_15 = arith.constant 0 : index
      %get3A_16 = vector.load %arg2[%get3A, %get3A_14, %get3A_15] : memref<1x1000x128xf32, #tpu.memory_space<vmem>>, vector<1x1000x128xf32>
      %get3A_17 = vector.shape_cast %get3A_16 : vector<1x1000x128xf32> to vector<1000x128xf32>
      %get3A_18 = arith.constant 0 : index
      %get3A_19 = arith.constant 0 : index
      %get3A_20 = vector.load %arg4[%get3A_18, %get3A_19] : memref<128x128xf32, #tpu.memory_space<vmem>>, vector<128x128xf32>
      %dot_general3A = arith.constant dense<0.000000e+00> : vector<1000x128xf32>
      %dot_general3A_21 = tpu.matmul %get3A_17, %get3A_20, %dot_general3A {dimension_numbers = #tpu.dot_dimension_numbers<[1], [0], [0], [1], [0, 0, 1, 1], [], []>, transpose_lhs_hint = false} : vector<1000x128xf32>, vector<128x128xf32>, vector<1000x128xf32> -> vector<1000x128xf32>
      %get3A_22 = arith.constant 0 : index
      %get3A_23 = arith.constant 0 : index
      %get3A_24 = vector.load %arg5[%get3A_22, %get3A_23] : memref<1x128xf32, #tpu.memory_space<vmem>>, vector<1x128xf32>
      %add3A = vector.broadcast %get3A_24 : vector<1x128xf32> to vector<1000x128xf32>
      %add3A_25 = arith.addf %dot_general3A_21, %add3A : vector<1000x128xf32>
      %tanh3A = math.tanh %add3A_25 : vector<1000x128xf32>
      %get3A_26 = arith.constant 0 : index
      %get3A_27 = arith.constant 0 : index
      %get3A_28 = vector.load %arg6[%get3A_26, %get3A_27] : memref<128x1xf32, #tpu.memory_space<vmem>>, vector<128x1xf32>
      %dot_general3A_29 = arith.constant dense<0.000000e+00> : vector<1000x1xf32>
      %dot_general3A_30 = tpu.matmul %tanh3A, %get3A_28, %dot_general3A_29 {dimension_numbers = #tpu.dot_dimension_numbers<[1], [0], [0], [1], [0, 0, 1, 1], [], []>, transpose_lhs_hint = false} : vector<1000x128xf32>, vector<128x1xf32>, vector<1000x1xf32> -> vector<1000x1xf32>
      %get3A_31 = arith.constant 0 : index
      %get3A_32 = memref.load %arg8[%get3A_31] : memref<2xf32, #tpu.memory_space<smem>>
      %reduce_sum3A = vector.shape_cast %dot_general3A_30 : vector<1000x1xf32> to vector<1x1000x1xf32>
      %reduce_sum3A_33 = arith.constant dense<0.000000e+00> : vector<1xf32>
      %reduce_sum3A_34 = vector.multi_reduction <add>, %reduce_sum3A, %reduce_sum3A_33 [1, 2] : vector<1x1000x1xf32> to vector<1xf32>
      %reduce_sum3A_35 = vector.shape_cast %reduce_sum3A_34 : vector<1xf32> to vector<1x1x1xf32>
      %reduce_sum3A_36 = vector.extract %reduce_sum3A_35[0, 0, 0] : f32 from vector<1x1x1xf32>
      %add3A_37 = arith.addf %get3A_32, %reduce_sum3A_36 : f32
      %swap3A = arith.constant 0 : index
      %swap3A_38 = memref.load %arg8[%swap3A] : memref<2xf32, #tpu.memory_space<smem>>
      memref.store %add3A_37, %arg8[%swap3A] : memref<2xf32, #tpu.memory_space<smem>>
      %get3A_39 = arith.constant 0 : index
      %get3A_40 = arith.constant 0 : index
      %get3A_41 = arith.constant 0 : index
      %get3A_42 = vector.load %arg3[%get3A_39, %get3A_40, %get3A_41] : memref<1x1000x128xf32, #tpu.memory_space<vmem>>, vector<1x1000x128xf32>
      %get3A_43 = vector.shape_cast %get3A_42 : vector<1x1000x128xf32> to vector<1000x128xf32>
      %get3A_44 = arith.constant 0 : index
      %get3A_45 = arith.constant 0 : index
      %get3A_46 = vector.load %arg4[%get3A_44, %get3A_45] : memref<128x128xf32, #tpu.memory_space<vmem>>, vector<128x128xf32>
      %dot_general3A_47 = arith.constant dense<0.000000e+00> : vector<1000x128xf32>
      %dot_general3A_48 = tpu.matmul %get3A_43, %get3A_46, %dot_general3A_47 {dimension_numbers = #tpu.dot_dimension_numbers<[1], [0], [0], [1], [0, 0, 1, 1], [], []>, transpose_lhs_hint = false} : vector<1000x128xf32>, vector<128x128xf32>, vector<1000x128xf32> -> vector<1000x128xf32>
      %get3A_49 = arith.constant 0 : index
      %get3A_50 = arith.constant 0 : index
      %get3A_51 = vector.load %arg5[%get3A_49, %get3A_50] : memref<1x128xf32, #tpu.memory_space<vmem>>, vector<1x128xf32>
      %add3A_52 = vector.broadcast %get3A_51 : vector<1x128xf32> to vector<1000x128xf32>
      %add3A_53 = arith.addf %dot_general3A_48, %add3A_52 : vector<1000x128xf32>
      %tanh3A_54 = math.tanh %add3A_53 : vector<1000x128xf32>
      %get3A_55 = arith.constant 0 : index
      %get3A_56 = arith.constant 0 : index
      %get3A_57 = vector.load %arg6[%get3A_55, %get3A_56] : memref<128x1xf32, #tpu.memory_space<vmem>>, vector<128x1xf32>
      %dot_general3A_58 = arith.constant dense<0.000000e+00> : vector<1000x1xf32>
      %dot_general3A_59 = tpu.matmul %tanh3A_54, %get3A_57, %dot_general3A_58 {dimension_numbers = #tpu.dot_dimension_numbers<[1], [0], [0], [1], [0, 0, 1, 1], [], []>, transpose_lhs_hint = false} : vector<1000x128xf32>, vector<128x1xf32>, vector<1000x1xf32> -> vector<1000x1xf32>
      %get3A_60 = arith.constant 1 : index
      %get3A_61 = memref.load %arg8[%get3A_60] : memref<2xf32, #tpu.memory_space<smem>>
      %reduce_sum3A_62 = vector.shape_cast %dot_general3A_59 : vector<1000x1xf32> to vector<1x1000x1xf32>
      %reduce_sum3A_63 = arith.constant dense<0.000000e+00> : vector<1xf32>
      %reduce_sum3A_64 = vector.multi_reduction <add>, %reduce_sum3A_62, %reduce_sum3A_63 [1, 2] : vector<1x1000x1xf32> to vector<1xf32>
      %reduce_sum3A_65 = vector.shape_cast %reduce_sum3A_64 : vector<1xf32> to vector<1x1x1xf32>
      %reduce_sum3A_66 = vector.extract %reduce_sum3A_65[0, 0, 0] : f32 from vector<1x1x1xf32>
      %add3A_67 = arith.addf %get3A_61, %reduce_sum3A_66 : f32
      %swap3A_68 = arith.constant 1 : index
      %swap3A_69 = memref.load %arg8[%swap3A_68] : memref<2xf32, #tpu.memory_space<smem>>
      memref.store %add3A_67, %arg8[%swap3A_68] : memref<2xf32, #tpu.memory_space<smem>>
    } else {
    }
    %eq3A_9 = arith.constant 1 : i32
    %eq3A_10 = arith.cmpi eq, %arg0, %eq3A_9 : i32
    %convert_element_type3A_11 = arith.extui %eq3A_10 : i1 to i32
    %cond3A_12 = arith.constant 0 : i32
    %cond3A_13 = arith.cmpi ne, %convert_element_type3A_11, %cond3A_12 : i32
    scf.if %cond3A_13 {
      %get3A = arith.constant 0 : index
      %get3A_14 = memref.load %arg8[%get3A] : memref<2xf32, #tpu.memory_space<smem>>
      %div3A = arith.constant 1.000000e+04 : f32
      %div3A_15 = arith.divf %get3A_14, %div3A : f32
      %get3A_16 = arith.constant 1 : index
      %get3A_17 = memref.load %arg8[%get3A_16] : memref<2xf32, #tpu.memory_space<smem>>
      %div3A_18 = arith.constant 1.000000e+04 : f32
      %div3A_19 = arith.divf %get3A_17, %div3A_18 : f32
      %max3A = arith.maximumf %div3A_15, %div3A_19 : f32
      %sub3A = arith.subf %div3A_15, %max3A : f32
      %exp3A = math.exp %sub3A : f32
      %sub3A_20 = arith.subf %div3A_19, %max3A : f32
      %exp3A_21 = math.exp %sub3A_20 : f32
      %add3A = arith.addf %exp3A, %exp3A_21 : f32
      %div3A_22 = arith.divf %exp3A, %add3A : f32
      %add3A_23 = arith.addf %exp3A, %exp3A_21 : f32
      %div3A_24 = arith.divf %exp3A_21, %add3A_23 : f32
      %get3A_25 = arith.constant 0 : index
      %get3A_26 = arith.constant 0 : index
      %get3A_27 = arith.constant 0 : index
      %get3A_28 = vector.load %arg2[%get3A_25, %get3A_26, %get3A_27] : memref<1x1000x128xf32, #tpu.memory_space<vmem>>, vector<1x1000x128xf32>
      %get3A_29 = vector.shape_cast %get3A_28 : vector<1x1000x128xf32> to vector<1000x128xf32>
      %mul3A = vector.broadcast %div3A_22 : f32 to vector<1000x128xf32>
      %mul3A_30 = arith.mulf %mul3A, %get3A_29 : vector<1000x128xf32>
      %get3A_31 = arith.constant 0 : index
      %get3A_32 = arith.constant 0 : index
      %get3A_33 = arith.constant 0 : index
      %get3A_34 = vector.load %arg3[%get3A_31, %get3A_32, %get3A_33] : memref<1x1000x128xf32, #tpu.memory_space<vmem>>, vector<1x1000x128xf32>
      %get3A_35 = vector.shape_cast %get3A_34 : vector<1x1000x128xf32> to vector<1000x128xf32>
      %mul3A_36 = vector.broadcast %div3A_24 : f32 to vector<1000x128xf32>
      %mul3A_37 = arith.mulf %mul3A_36, %get3A_35 : vector<1000x128xf32>
      %add3A_38 = arith.addf %mul3A_30, %mul3A_37 : vector<1000x128xf32>
      %swap3A = arith.constant 0 : index
      %swap3A_39 = arith.constant 0 : index
      %swap3A_40 = vector.load %arg7[%swap3A, %swap3A_39] : memref<1000x128xf32, #tpu.memory_space<vmem>>, vector<1000x128xf32>
      tpu.vector_store %arg7[%swap3A, %swap3A_39], %add3A_38 {strides = array<i32>} : memref<1000x128xf32, #tpu.memory_space<vmem>>, vector<1000x128xf32>,
    } else {
    }
    return
  }
  func.func @transform_0(%arg0: i32, %arg1: i32) -> (i32, i32, i32) {
    %c0_i32 = arith.constant 0 : i32
    %c0_i32_0 = arith.constant 0 : i32
    %c0_i32_1 = arith.constant 0 : i32
    return %c0_i32, %arg1, %c0_i32_0 : i32, i32, i32
  }
  func.func @transform_1(%arg0: i32, %arg1: i32) -> (i32, i32, i32) {
    %c1_i32 = arith.constant 1 : i32
    %c0_i32 = arith.constant 0 : i32
    %c0_i32_0 = arith.constant 0 : i32
    return %c1_i32, %arg1, %c0_i32 : i32, i32, i32
  }
  func.func @transform_2(%arg0: i32, %arg1: i32) -> (i32, i32) {
    %c0_i32 = arith.constant 0 : i32
    %c0_i32_0 = arith.constant 0 : i32
    %c0_i32_1 = arith.constant 0 : i32
    return %c0_i32, %c0_i32_0 : i32, i32
  }
  func.func @transform_3(%arg0: i32, %arg1: i32) -> (i32, i32) {
    %c0_i32 = arith.constant 0 : i32
    %c0_i32_0 = arith.constant 0 : i32
    %c0_i32_1 = arith.constant 0 : i32
    return %c0_i32, %c0_i32_0 : i32, i32
  }
  func.func @transform_4(%arg0: i32, %arg1: i32) -> (i32, i32) {
    %c0_i32 = arith.constant 0 : i32
    %c0_i32_0 = arith.constant 0 : i32
    %c0_i32_1 = arith.constant 0 : i32
    return %c0_i32, %c0_i32_0 : i32, i32
  }
  func.func @transform_5(%arg0: i32, %arg1: i32) -> (i32, i32) {
    %c0_i32 = arith.constant 0 : i32
    %c0_i32_0 = arith.constant 0 : i32
    return %arg1, %c0_i32 : i32, i32
  }
}

</mosaic_0001>

<sc_bundles>
// kernel: kernel.5.cloned.1.call-start
scs
__scs_entry_jumppad:
0x0: {  	(pc) =	sbr.rel $0x88, $3  }
0x1: {  	(tag) =	ssettag $0x0;
	lr =	simm.s32 $0x1  }
0x2: {  	[smem:$0x3F95] =	sst lr;
	_ =	strace $0xD0000000  }
0x3: {  	_ = 	snop  }
0x4: {  	_ = 	snop  }
0x5: {  	_ = 	snop  }
0x6: {  	_ = 	snop  }
0x7: {  	_ = 	snop  }
__scs_overlays_trampoline_lowered:
0x8: {  	[smem:$0x3FA4] =	sst s0  }
0x9: {  	[smem:$0x3FA5] =	sst s1  }
0xa: {  	[smem:$0x3FA6] =	sst s2  }
0xb: {  	[smem:$0x3FA7] =	sst s3  }
0xc: {  	[smem:$0x3FA8] =	sst s4  }
0xd: {  	[smem:$0x3FA9] =	sst s5  }
0xe: {  	[smem:$0x3FAA] =	sst s6  }
0xf: {  	[smem:$0x3FAB] =	sst s7  }
0x10: {  	[smem:$0x3FAC] =	sst s8  }
0x11: {  	[smem:$0x3FAD] =	sst s9;
	s0 =	simm.s32 @!p0 $0x0  }
0x12: {  	s1 =	sld [smem:$0x3F93];
	s0 =	simm.s32 @p0 $0x1  }
0x13: {  	[smem:$0x3FAE] =	sst s0;
	s0 =	simm.s32 @!p1 $0x0  }
0x14: {  	s2 =	sld [smem:$0x3F92];
	s0 =	simm.s32 @p1 $0x1  }
0x15: {  	[smem:$0x3FAF] =	sst s0;
	s0 =	simm.s32 @!p2 $0x0  }
0x16: {  	s3 =	sld [smem:$0x3FDB];
	s0 =	simm.s32 @p2 $0x1  }
0x17: {  	s4 =	simm.s32 $0x1BF5;
	[smem:$0x3FB1] =	sst s0  }
0x18: {  	s0 =	sld [smem:$0x3F94];
	_ =	swait.ge [sflag:s4], $0x0  }
0x19: {  	s7 =	sld [smem:$0x3F95]  }
0x1a: {  	s8 =	sadd.s32 $0xFFFFE003, lr  }
0x1b: {  	s9 =	sadd.s32 $0xFFFFFEF7, lr;
	s5 =	simm.s32 $0xFFFFFFFF;
	p2 =	slt.u32 s8, $0xFFFFF086  }
0x1c: {  	p1 =	slt.u32 s9, $0xF7A;
	s5 =	simm.s32 @!p2 $0x0  }
0x1d: {  	s5 =	simm.s32 @p1 $0x1;
	p0 =	seq.s32 s7, s2  }
0x1e: {  	s7 =	smul.u32 @!p0 $0xF7A, s2;
	p2 =	seq.s32 @!p0 s5, $0x0  }
0x1f: {  	s9 =	smul.u32 $0xF7A, s1;
	s8 =	simm.s32 @!p0 $0x1BF5;
	p2 =	por !p2, p0  }
0x20: {  	[sflag:s8] =	ssyncset.s32 @!p0 $0xFFFFF086;
	s6 =	sadd.s32 @!p0 s3, s7;
	s7 =	simm.s32 @!p0 $0x108  }
0x21: {  	s3 =	sadd.s32 s3, s9;
	s6 =	sadd.s32 @!p0 $0x88, s6;
	s7 =	simm.s32 @p2 $0x1082  }
0x22: {  	[simem:s7], [sflag:s8] =	dma.local @!p0 [hbm:s6], $0xF7A  }
0x23: {  	s9 =	sor.u32 $0xD0000000, s2;
	s6 =	simm.s32 $0x108;
	_ =	swait.ge @!p0 [sflag:s8], $0x0  }
0x24: {  	s3 =	sadd.s32 $0x88, s3;
	s6 =	simm.s32 @!p1 $0x1082;
	[sflag:s4] =	ssyncset.s32 $0xFFFFF086  }
0x25: {  	[simem:s6], [sflag:s4] =	dma.local [hbm:s3], $0xF7A  }
0x26: {  	[smem:$0x3F95] =	sst s1;
	(tag) =	ssettag s2;
	_ =	strace s9  }
0x27: {  	s1 =	sld [smem:$0x3FA5]  }
0x28: {  	s2 =	sld [smem:$0x3FA6]  }
0x29: {  	s4 =	sld [smem:$0x3FA8]  }
0x2a: {  	p0 =	seq.s32 s5, $0x0;
	s5 =	sld [smem:$0x3FA9]  }
0x2b: {  	s6 =	sld [smem:$0x3FAA]  }
0x2c: {  	s7 =	sld [smem:$0x3FAB]  }
0x2d: {  	s3 =	simm.s32 $0x108;
	s8 =	sld [smem:$0x3FAC]  }
0x2e: {  	s3 =	simm.s32 @!p0 $0x1082;
	s9 =	sld [smem:$0x3FAD]  }
0x2f: {  	lr =	sadd.s32 s0, s3;
	s0 =	sld [smem:$0x3FA4]  }
0x30: {  	s3 =	sld [smem:$0x3FA7]  }
0x31: {  	[smem:$0x3FB0] =	sst s10  }
0x32: {  	s10 =	sld [smem:$0x3FAE];
	_ =	sdelay $0x3  }
0x33: {  	p0 =	seq.s32 s10, $0x1;
	s10 =	sld [smem:$0x3FB0];
	_ =	sdelay $0x3  }
0x34: {  	[smem:$0x3FB0] =	sst s10  }
0x35: {  	s10 =	sld [smem:$0x3FAF];
	_ =	sdelay $0x3  }
0x36: {  	p1 =	seq.s32 s10, $0x1;
	s10 =	sld [smem:$0x3FB0];
	_ =	sdelay $0x3  }
0x37: {  	[smem:$0x3FB0] =	sst s10  }
0x38: {  	s10 =	sld [smem:$0x3FB1]  }
0x39: {  	_ = 	snop;
	(pc) =	sbr.ind lr, $3  }
0x3a: {  	_ = 	snop  }
0x3b: {  	_ = 	snop  }
0x3c: {  	p2 =	seq.s32 s10, $0x1;
	s10 =	sld [smem:$0x3FB0]  }
0x3d: {  	_ =	shalt  }
0x3e: {  	_ =	shalt  }
0x3f: {  	_ =	shalt  }
0x40: {  	_ =	shalt  }
0x41: {  	_ =	shalt  }
0x42: {  	_ =	shalt  }
0x43: {  	_ =	shalt  }
0x44: {  	_ =	shalt  }
0x45: {  	_ =	shalt  }
0x46: {  	_ =	shalt  }
0x47: {  	_ =	shalt  }
0x48: {  	_ =	shalt  }
0x49: {  	_ =	shalt  }
0x4a: {  	_ =	shalt  }
0x4b: {  	_ =	shalt  }
0x4c: {  	_ =	shalt  }
0x4d: {  	_ =	shalt  }
0x4e: {  	_ =	shalt  }
0x4f: {  	_ =	shalt  }
0x50: {  	_ =	shalt  }
0x51: {  	_ =	shalt  }
0x52: {  	_ =	shalt  }
0x53: {  	_ =	shalt  }
0x54: {  	_ =	shalt  }
0x55: {  	_ =	shalt  }
0x56: {  	_ =	shalt  }
0x57: {  	_ =	shalt  }
0x58: {  	_ =	shalt  }
0x59: {  	_ =	shalt  }
0x5a: {  	_ =	shalt  }
0x5b: {  	_ =	shalt  }
0x5c: {  	_ =	shalt  }
0x5d: {  	_ =	shalt  }
0x5e: {  	_ =	shalt  }
0x5f: {  	_ =	shalt  }
0x60: {  	_ =	shalt  }
0x61: {  	_ =	shalt  }
0x62: {  	_ =	shalt  }
0x63: {  	_ =	shalt  }
0x64: {  	_ =	shalt  }
0x65: {  	_ =	shalt  }
0x66: {  	_ =	shalt  }
0x67: {  	_ =	shalt  }
0x68: {  	_ =	shalt  }
0x69: {  	_ =	shalt  }
0x6a: {  	_ =	shalt  }
0x6b: {  	_ =	shalt  }
0x6c: {  	_ =	shalt  }
0x6d: {  	_ =	shalt  }
0x6e: {  	_ =	shalt  }
0x6f: {  	_ =	shalt  }
0x70: {  	_ =	shalt  }
0x71: {  	_ =	shalt  }
0x72: {  	_ =	shalt  }
0x73: {  	_ =	shalt  }
0x74: {  	_ =	shalt  }
0x75: {  	_ =	shalt  }
0x76: {  	_ =	shalt  }
0x77: {  	_ =	shalt  }
0x78: {  	_ =	shalt  }
0x79: {  	_ =	shalt  }
0x7a: {  	_ =	shalt  }
0x7b: {  	_ =	shalt  }
0x7c: {  	_ =	shalt  }
0x7d: {  	_ =	shalt  }
0x7e: {  	_ =	shalt  }
0x7f: {  	_ =	shalt  }
0x80: {  	_ =	shalt  }
0x81: {  	_ =	shalt  }
0x82: {  	_ =	shalt  }
0x83: {  	_ =	shalt  }
0x84: {  	_ =	shalt  }
0x85: {  	_ =	shalt  }
0x86: {  	_ =	shalt  }
0x87: {  	_ =	shalt  }
.Lfunc_end0:
.L_simem_size_0:
called_computation_lowered:
.L_overlay_start_0:
0x88: {  	s2 =	sld [smem:$0x3FD9]  }
0x89: {  	s3 =	sld [smem:$0x3FFE];
	_ =	sdelay $0x1  }
0x8a: {  	s1 =	srdreg.scid  }
0x8b: {  	s0 =	sand.u32 $0x1, s1  }
0x8c: {  	s17 =	sshll.u32 s0, $0xA;
	s2 =	sadd.s32 s3, s2  }
0x8d: {  	s2 =	sadd.s32 s2, s17  }
0x8e: {  	[smem:$0x3FBC] =	sst s2  }
0x8f: {  	_ = 	snop  }
0x90: {  	s2 =	sld [smem:$0x3FD0];
	(tm) =	ssettm $0x1  }
0x91: {  	s18 =	sld [smem:$0x3FFB];
	_ =	sdelay $0x3  }
0x92: {  	_ =	strace s18  }
0x93: {  	s3 =	sld [smem:$0x3FFC];
	_ =	sdelay $0x3  }
0x94: {  	_ =	strace s3  }
0x95: {  	s3 =	sld [smem:$0x3FFD];
	_ =	sdelay $0x3  }
0x96: {  	_ =	strace s3  }
0x97: {  	_ =	strace $0x8FFFFFFF  }
0x98: {  	s19 =	sld [smem:$0x3FDB];
	_ =	sdelay $0x1  }
0x99: {  	s4 =	simm.s32 $_scs_section_size  }
0x9a: {  	s5 =	simm.s32 $_size__tile_overlayer_lowered;
	s6 =	simm.s32 $_tile_overlayer_lowered  }
0x9b: {  	s22 =	simm.s32 $0x1BFF;
	s21 =	sshll.u32 s6, $0x1;
	s3 =	sadd.s32 s4, s19  }
0x9c: {  	s7 =	simm.s32 $0x0;
	s20 =	sshll.u32 s5, $0x1;
	s5 =	sadd.s32 s21, s3  }
0x9d: {  	[timem:s7], [sflag:s22] =	dma.local [hbm:s5], s20  }
0x9e: {  	_ =	swait.ge [sflag:s22], s20  }
0x9f: {  	s4 =	ssub.s32 $0x0, s20;
	[sflag:s22] =	ssyncset.done $0x0  }
0xa0: {  	[sflag:s22] =	ssyncadd.s32 s4;
	_ =	sdelay $0x1  }
0xa1: {  	s23 =	simm.s32 $0x1B8B  }
0xa2: {  	_ =	swait.ge [sflag:s23], $0x1  }
0xa3: {  	[sflag:s23] =	ssyncset.done $0x0  }
0xa4: {  	s25 =	simm.s32 $0x1B8E;
	s24 =	sld [smem:$0x3FFE];
	[sflag:s23] =	ssyncadd.s32 $0xFFFFFFFF  }
0xa5: {  	s26 =	simm.s32 $execute0_lowered;
	[smem:$0x3FD2] =	sst s25  }
0xa6: {  	s5 =	sshll.u32 s26, $0x1;
	_ =	strace $0x80000046;
	[dreg:$0x1] =	wrdreg $0xFFFFFFFF  }
0xa7: {  	s28 =	simm.s32 $_size_execute0_lowered;
	s3 =	sadd.s32 s3, s5;
	[dreg:$0x0] =	wrdreg $0x0  }
0xa8: {  	s5 =	sshll.u32 s28, $0x1;
	[dreg:$0x2] =	wrdreg s3  }
0xa9: {  	[dreg:$0x3] =	wrdreg s5  }
0xaa: {  	[dreg:$0x4] =	wrdreg $0xC0  }
0xab: {  	_ =	task [dreg:s7], $0x5FFFF  }
0xac: {  	[dreg:$0x1] =	wrdreg $0xFFFFFFFF  }
0xad: {  	[dreg:$0x0] =	wrdreg $0x60  }
0xae: {  	[dreg:$0x2] =	wrdreg s2  }
0xaf: {  	[dreg:$0x3] =	wrdreg s24  }
0xb0: {  	[dreg:$0x4] =	wrdreg $0x98800  }
0xb1: {  	[dreg:$0x5] =	wrdreg $0x1D1000  }
0xb2: {  	[dreg:$0x6] =	wrdreg $0x9  }
0xb3: {  	_ =	task.clear_ibuf [dreg:s7], $0x7FFFF;
	_ =	strace $0x90000046  }
0xb4: {  	s29 =	simm.s32 $0x9;
	_ =	strace $0x80000048  }
0xb5: {  	_ =	swait.ge [sflag:s29], $0x1  }
0xb6: {  	[sflag:s29] =	ssyncadd.s32 $0xFFFFFFFF  }
0xb7: {  	_ =	strace $0x90000048  }
0xb8: {  	_ =	sfence  }
0xb9: {  	s30 =	sld [smem:$0x0];
	_ =	sdelay $0x2  }
0xba: {  	s31 =	sshll.u32 s1, $0xD;
	s1 =	sshrl.u32 s1, $0x2  }
0xbb: {  	s3 =	sand.u32 $0x4000, s31;
	s1 =	sadd.s32 s1, s30  }
0xbc: {  	s0 =	sor.u32 s3, s0;
	s1 =	sshll.u32 s1, $0x11  }
0xbd: {  	s0 =	sor.u32 s1, s0  }
0xbe: {  	s0 =	sadd.s32 $0x8F2B, s0  }
0xbf: {  	[sflag:s0] =	ssyncadd.remote.s32 $0x1  }
0xc0: {  	_ =	sfence.sel $0xFFFF  }
0xc1: {  	[dreg:$0x0] =	wrdreg $0xFFFFFFFF;
	(pc) =	sbr.abs _section_cstart, $3  }
0xc2: {  	[dreg:$0x1] =	wrdreg $0xFFFFFFFF  }
0xc3: {  	_ =	task.clear_ibuf [dreg:s7], $0x2FFFF;
	_ =	strace $0x9FFFFFFF  }
0xc4: {  	(tm) =	ssettm $0x7FFFFFFF  }
0xc5: {  	_ =	shalt  }
tec
execute0_lowered:
.L_overlay_start_1:
0x0: {  	(tag) =	ssettag $0x1  }
0x1: {  	s29 =	rddreg [dreg:$0x0]  }
0x2: {  	s2 =	rddreg [dreg:$0x1]  }
0x3: {  	s4 =	rddreg [dreg:$0x2]  }
0x4: {  	s3 =	rddreg [dreg:$0x3]  }
0x5: {  	s0 =	srdreg.scid;
	s12 =	stileid.u32  }
0x6: {  	s6 =	simm.s32 $0x0;
	s0 =	sand.u32 $0x1, s0;
	s5 =	smul.u32 $0x4E20, s12  }
0x7: {  	s30 =	simm.s32 $0x50;
	[smem:$0x7FF] =	sst s6;
	s1 =	smul.u32 $0x4E200, s0  }
0x8: {  	s7 =	sadd.s32 $0x9E00, s2;
	s10 =	smul.u32 $0x27100, s0;
	s0 =	ssub.s32 $0x2, s0  }
0x9: {  	s8 =	sadd.s32 $0x31200, s2;
	s15 =	sshrl.u32 s0, $0x1;
	s1 =	sadd.s32 s5, s1  }
0xa: {  	_ =	strace $0x80000047;
	s0 =	ssub.s32 s0, s15;
	s17 =	sadd.s32 $0x50, s1  }
0xb: {  	s11 =	sshrl.u32 s1, $0x3;
	s1 =	sadd.s32 $0xA0, s1;
	[dreg:$0x6] =	wrdreg s17  }
0xc: {  	s9 =	sadd.s32 $0x1D800, s2;
	s0 =	smax.u32 s0, $0x1;
	[dreg:$0x8] =	wrdreg s1  }
0xd: {  	s28 =	smul.u32 $0x1400, s12;
	s16 =	sadd.s32 s7, s11;
	[dreg:$0x14] =	wrdreg s0  }
0xe: {  	s14 =	sadd.s32 s10, s2;
	s13 =	sadd.s32 s8, s11;
	[dreg:$0x5] =	wrdreg s16  }
0xf: {  	s15 =	sshrl.u32 s28, $0x2;
	s18 =	sadd.s32 s9, s11;
	[dreg:$0x7] =	wrdreg s13  }
0x10: {  	s10 =	sshrl.u32 s17, $0x3;
	s0 =	sadd.s32 s15, s3;
	[dreg:$0x9] =	wrdreg s18  }
0x11: {  	s26 =	smul.u32 $0xA000, s12;
	s19 =	sadd.s32 s7, s10;
	[dreg:$0x16] =	wrdreg s0  }
0x12: {  	s31 =	sor.u32 $0x10, s12;
	s20 =	sadd.s32 s8, s10;
	[dreg:$0xa] =	wrdreg s19  }
0x13: {  	s1 =	sshrl.u32 s1, $0x3;
	s10 =	sadd.s32 s9, s10;
	[dreg:$0xb] =	wrdreg s20  }
0x14: {  	s28 =	sor.u32 $0x40, s12;
	s21 =	sadd.s32 s7, s1;
	[dreg:$0xc] =	wrdreg s10  }
0x15: {  	s23 =	sadd.s32 $0x9BA, s11;
	s22 =	sadd.s32 s8, s1;
	[dreg:$0xd] =	wrdreg s21  }
0x16: {  	s17 =	smul.u32 $0x1400, s31;
	s1 =	sadd.s32 s9, s1;
	[dreg:$0xe] =	wrdreg s22  }
0x17: {  	s15 =	sor.u32 $0x50, s12;
	s24 =	sadd.s32 s7, s23;
	[dreg:$0xf] =	wrdreg s1  }
0x18: {  	s25 =	sadd.s32 s8, s23;
	s13 =	smul.u32 $0xA000, s31;
	[dreg:$0x10] =	wrdreg s24  }
0x19: {  	s18 =	sor.u32 $0x20, s12;
	s31 =	smul.u32 $0xA000, s28;
	[dreg:$0x11] =	wrdreg s25  }
0x1a: {  	s1 =	sadd.s32 s9, s23;
	s20 =	sadd.s32 $0x44C00, s14;
	s21 =	smul.u32 $0xA000, s18  }
0x1b: {  	s10 =	sshrl.u32 s26, $0x2;
	s22 =	sshrl.u32 s17, $0x2;
	s23 =	smul.u32 $0x1400, s18  }
0x1c: {  	s24 =	sor.u32 $0x30, s12;
	s17 =	smul.u32 $0xA000, s15;
	[dreg:$0x12] =	wrdreg s1  }
0x1d: {  	s14 =	sadd.s32 s10, s4;
	s16 =	sshrl.u32 s13, $0x2;
	s25 =	smul.u32 $0xA000, s24  }
0x1e: {  	s1 =	sadd.s32 s22, s3;
	s26 =	smul.u32 $0x1400, s24;
	[dreg:$0x13] =	wrdreg s20  }
0x1f: {  	s13 =	sshrl.u32 s31, $0x2;
	[dreg:$0x15] =	wrdreg s14;
	s19 =	sadd.s32 s16, s4  }
0x20: {  	[dreg:$0x18] =	wrdreg s1;
	s0 =	sshrl.u32 s21, $0x2;
	s5 =	sshrl.u32 s23, $0x2  }
0x21: {  	s14 =	smul.u32 $0x1400, s28;
	s16 =	sadd.s32 s13, s4;
	s21 =	sor.u32 $0x60, s12  }
0x22: {  	s23 =	sor.u32 $0x70, s12;
	[dreg:$0x17] =	wrdreg s19;
	s19 =	smul.u32 $0x1400, s15  }
0x23: {  	s12 =	simm.s32 $0x3;
	s0 =	sadd.s32 s0, s4;
	s22 =	smul.u32 $0xA000, s21  }
0x24: {  	s1 =	sshrl.u32 s25, $0x2;
	s5 =	sadd.s32 s5, s3;
	s10 =	smul.u32 $0x1400, s21  }
0x25: {  	[dreg:$0x1d] =	wrdreg s16;
	s25 =	smul.u32 $0xA000, s23;
	p0 =	sgt.u32 s23, $0x7C  }
0x26: {  	s21 =	simm.s32 $0x7;
	s15 =	simm.s32 $0x1;
	[dreg:$0x19] =	wrdreg s0  }
0x27: {  	[dreg:$0x1a] =	wrdreg s5;
	s1 =	sadd.s32 s1, s4;
	s0 =	sshrl.u32 s26, $0x2  }
0x28: {  	s18 =	sshrl.u32 s14, $0x2;
	s26 =	smul.u32 $0x1400, s23;
	s23 =	simm.s32 $0x8  }
0x29: {  	s14 =	simm.s32 $0x4;
	[dreg:$0x1b] =	wrdreg s1;
	s0 =	sadd.s32 s0, s3  }
0x2a: {  	v0 =	vimm.s32 $0xFEDCBA98;
	s1 =	sadd.s32 s18, s3;
	s5 =	sshrl.u32 s19, $0x2;
	s28 =	sshrl.u32 s10, $0x2  }
0x2b: {  	v1 =	vimm.s32 $0x76543210;
	v0 =	vunpack.c.l.s4.s8 v0;
	s10 =	simm.s32 $0x5;
	s18 =	simm.s32 $0x6;
	[dreg:$0x1c] =	wrdreg s0  }
0x2c: {  	v1 =	vunpack.c.l.s4.s8 v1;
	[dreg:$0x1e] =	wrdreg s1;
	s0 =	sshrl.u32 s17, $0x2;
	s24 =	sadd.s32 s5, s3  }
0x2d: {  	v0 =	vunpack.c.0.s8.s32 v0;
	s1 =	sshrl.u32 s22, $0x2;
	s31 =	sshrl.u32 s26, $0x2;
	s22 =	simm.s32 $0x2A80  }
0x2e: {  	v3 =	vlaneseq.u32;
	v1 =	vunpack.c.0.s8.s32 v1;
	s26 =	simm.s32 $0xF0;
	s0 =	sadd.s32 s0, s4;
	[smem:$0x7F9] =	sst s24  }
.Ltmp0:
0x2f: {  	v2 =	vand.u32 $0xF, v0;
	v0 =	vmul.u32 $0x2, v3;
	v3 =	vshrl.u32 v3, $0x3;
	s1 =	sadd.s32 s1, s4;
	[dreg:$0x1f] =	wrdreg s0;
	(pc) =	sbr.rel .LBB2_1-.Ltmp0, $4  }
0x30: {  	v46 =	vimm.f32 $0.0e+00;
	v2 =	vcombine.low v2, v1;
	v5 =	vor.u32 $0x2, v3;
	[smem:$0x7FA] =	sst s1;
	s0 =	sshrl.u32 s25, $0x2;
	s1 =	sadd.s32 s28, s3  }
0x31: {  	v8 =	vor.u32 $0x4, v3;
	v11 =	vor.u32 $0x6, v3;
	v4 =	vor.u32 $0x1, v0;
	s5 =	simm.s32 $0x5280;
	[smem:$0x7FB] =	sst s1;
	s0 =	sadd.s32 s0, s4  }
0x32: {  	v6 =	vor.u32 $0x20, v0;
	v7 =	vor.u32 $0x21, v0;
	v9 =	vor.u32 $0x40, v0;
	s24 =	simm.s32 $0x2;
	[smem:$0x7FC] =	sst s0;
	s0 =	sadd.s32 s31, s3  }
0x33: {  	v10 =	vor.u32 $0x41, v0;
	v12 =	vor.u32 $0x60, v0;
	v13 =	vor.u32 $0x61, v0;
	s4 =	smov.u32 s3;
	s1 =	simm.s32 $0x0;
	[smem:$0x7FD] =	sst s0  }
.LBB2_23:
0x34: {  	s1 =	sld [smem:$0x7F8];
	_ =	sdelay $0x2  }
0x35: {  	s0 =	rddreg [dreg:$0x14];
	s1 =	sadd.s32 $0x1, s1  }
0x36: {  	p1 =	sne.s32 s1, s0  }
.Ltmp1:
0x37: {  	_ = 	snop;
	(pc) =	sbr.rel @!p1 .LBB2_24-.Ltmp1, $1  }
0x38: {  	_ =	sdelay $0x3  }
.LBB2_1:
0x39: {  	s0 =	simm.s32 $0x2AC0  }
0x3a: {  	[tilespmem:s0+$0xFFFFFFD0] =	vst v46  }
0x3b: {  	[tilespmem:s0+$0xFFFFFFE0] =	vst v46  }
0x3c: {  	[tilespmem:s0+$0xFFFFFFF0] =	vst v46  }
0x3d: {  	[tilespmem:s0+$0x0] =	vst v46  }
0x3e: {  	[tilespmem:s0+$0x10] =	vst v46  }
0x3f: {  	[tilespmem:s0+$0x20] =	vst v46  }
0x40: {  	[tilespmem:s0+$0x30] =	vst v46  }
0x41: {  	[smem:$0x7F8] =	sst s1;
	s11 =	simm.s32 $0x0;
	s1 =	simm.s32 $0x40;
	[tilespmem:s0+$0xFFFFFFC0] =	vst v46  }
.LBB2_2:
0x42: {  	p1 =	sne.s32 s1, $0x13C0;
	[tilespmem:s11+$0x7A80] =	vst v46;
	s0 =	sadd.s32 $0x80, s0  }
0x43: {  	[tilespmem:s0+$0xFFFFFFD0] =	vst v46  }
0x44: {  	[tilespmem:s0+$0xFFFFFFE0] =	vst v46  }
0x45: {  	[tilespmem:s0+$0xFFFFFFF0] =	vst v46  }
.Ltmp2:
0x46: {  	[tilespmem:s0+$0x0] =	vst v46;
	(pc) =	sbr.rel @p1 .LBB2_2-.Ltmp2, $4  }
0x47: {  	[tilespmem:s0+$0x10] =	vst v46  }
0x48: {  	[tilespmem:s0+$0x20] =	vst v46  }
0x49: {  	[tilespmem:s0+$0x30] =	vst v46  }
0x4a: {  	s11 =	sshra.s32 s1, $0x2;
	s1 =	sadd.s32 $0x40, s1;
	[tilespmem:s0+$0xFFFFFFC0] =	vst v46  }
0x4b: {  	[tilespmem:s11+$0x7A80] =	vst v46;
	s0 =	rddreg [dreg:$0x15]  }
0x4c: {  	[spmem:s0] =	stream.linear.scatter [tilespmem:s22], [sflag:$0x8], $0x2800, $0x38;
	[tilespmem:$0x1F810] =	vst v63  }
0x4d: {  	_ =	swait.ge [sflag:s23], $0x2800  }
0x4e: {  	[sflag:s23] =	ssyncset.done $0x0  }
0x4f: {  	s11 =	simm.s32 $0x7A80;
	s16 =	rddreg [dreg:$0x16];
	[sflag:s23] =	ssyncadd.s32 $0xFFFFD800  }
0x50: {  	[spmem:s16] =	stream.linear.scatter [tilespmem:s11], [sflag:$0x7], $0x500, $0x38;
	[tilespmem:$0x1F810] =	vst v63  }
0x51: {  	_ =	swait.ge [sflag:s21], $0x500  }
0x52: {  	[sflag:s21] =	ssyncset.done $0x0  }
0x53: {  	s17 =	rddreg [dreg:$0x17];
	[sflag:s21] =	ssyncadd.s32 $0xFFFFFB00  }
0x54: {  	[spmem:s17] =	stream.linear.scatter [tilespmem:s22], [sflag:$0x8], $0x2800, $0x38;
	[tilespmem:$0x1F810] =	vst v63  }
0x55: {  	_ =	swait.ge [sflag:s23], $0x2800  }
0x56: {  	[sflag:s23] =	ssyncset.done $0x0  }
0x57: {  	s19 =	rddreg [dreg:$0x18];
	[sflag:s23] =	ssyncadd.s32 $0xFFFFD800  }
0x58: {  	[spmem:s19] =	stream.linear.scatter [tilespmem:s11], [sflag:$0x7], $0x500, $0x38;
	[tilespmem:$0x1F810] =	vst v63  }
0x59: {  	_ =	swait.ge [sflag:s21], $0x500  }
0x5a: {  	[sflag:s21] =	ssyncset.done $0x0  }
0x5b: {  	s20 =	rddreg [dreg:$0x19];
	[sflag:s21] =	ssyncadd.s32 $0xFFFFFB00  }
0x5c: {  	[spmem:s20] =	stream.linear.scatter [tilespmem:s22], [sflag:$0x8], $0x2800, $0x38;
	[tilespmem:$0x1F810] =	vst v63  }
0x5d: {  	_ =	swait.ge [sflag:s23], $0x2800  }
0x5e: {  	[sflag:s23] =	ssyncset.done $0x0  }
0x5f: {  	s25 =	rddreg [dreg:$0x1a];
	[sflag:s23] =	ssyncadd.s32 $0xFFFFD800  }
0x60: {  	[spmem:s25] =	stream.linear.scatter [tilespmem:s11], [sflag:$0x7], $0x500, $0x38;
	[tilespmem:$0x1F810] =	vst v63  }
0x61: {  	_ =	swait.ge [sflag:s21], $0x500  }
0x62: {  	[sflag:s21] =	ssyncset.done $0x0  }
0x63: {  	s31 =	rddreg [dreg:$0x1b];
	[sflag:s21] =	ssyncadd.s32 $0xFFFFFB00  }
0x64: {  	[spmem:s31] =	stream.linear.scatter [tilespmem:s22], [sflag:$0x8], $0x2800, $0x38;
	[tilespmem:$0x1F810] =	vst v63  }
0x65: {  	_ =	swait.ge [sflag:s23], $0x2800  }
0x66: {  	[sflag:s23] =	ssyncset.done $0x0  }
0x67: {  	s1 =	rddreg [dreg:$0x1c];
	[sflag:s23] =	ssyncadd.s32 $0xFFFFD800  }
0x68: {  	[spmem:s1] =	stream.linear.scatter [tilespmem:s11], [sflag:$0x7], $0x500, $0x38;
	[tilespmem:$0x1F810] =	vst v63  }
0x69: {  	_ =	swait.ge [sflag:s21], $0x500  }
0x6a: {  	[sflag:s21] =	ssyncset.done $0x0  }
0x6b: {  	s3 =	rddreg [dreg:$0x1d];
	[sflag:s21] =	ssyncadd.s32 $0xFFFFFB00  }
0x6c: {  	[spmem:s3] =	stream.linear.scatter [tilespmem:s22], [sflag:$0x8], $0x2800, $0x38;
	[tilespmem:$0x1F810] =	vst v63  }
0x6d: {  	_ =	swait.ge [sflag:s23], $0x2800  }
0x6e: {  	[sflag:s23] =	ssyncset.done $0x0  }
0x6f: {  	s13 =	rddreg [dreg:$0x1e];
	[sflag:s23] =	ssyncadd.s32 $0xFFFFD800  }
0x70: {  	[spmem:s13] =	stream.linear.scatter [tilespmem:s11], [sflag:$0x7], $0x500, $0x38;
	[tilespmem:$0x1F810] =	vst v63  }
0x71: {  	_ =	swait.ge [sflag:s21], $0x500  }
0x72: {  	[sflag:s21] =	ssyncset.done $0x0  }
0x73: {  	s16 =	rddreg [dreg:$0x1f];
	[sflag:s21] =	ssyncadd.s32 $0xFFFFFB00  }
0x74: {  	[spmem:s16] =	stream.linear.scatter [tilespmem:s22], [sflag:$0x8], $0x2800, $0x38;
	[tilespmem:$0x1F810] =	vst v63  }
0x75: {  	_ =	swait.ge [sflag:s23], $0x2800  }
0x76: {  	s17 =	sld [smem:$0x7F9]  }
0x77: {  	[sflag:s23] =	ssyncset.done $0x0  }
0x78: {  	[sflag:s23] =	ssyncadd.s32 $0xFFFFD800  }
0x79: {  	[spmem:s17] =	stream.linear.scatter [tilespmem:s11], [sflag:$0x7], $0x500, $0x38;
	[tilespmem:$0x1F810] =	vst v63  }
0x7a: {  	_ =	swait.ge [sflag:s21], $0x500  }
0x7b: {  	s19 =	sld [smem:$0x7FA]  }
0x7c: {  	[sflag:s21] =	ssyncset.done $0x0  }
0x7d: {  	[sflag:s21] =	ssyncadd.s32 $0xFFFFFB00  }
0x7e: {  	[spmem:s19] =	stream.linear.scatter [tilespmem:s22], [sflag:$0x8], $0x2800, $0x38;
	[tilespmem:$0x1F810] =	vst v63  }
0x7f: {  	_ =	swait.ge [sflag:s23], $0x2800  }
0x80: {  	s20 =	sld [smem:$0x7FB]  }
0x81: {  	[sflag:s23] =	ssyncset.done $0x0  }
0x82: {  	[sflag:s23] =	ssyncadd.s32 $0xFFFFD800  }
0x83: {  	[spmem:s20] =	stream.linear.scatter [tilespmem:s11], [sflag:$0x7], $0x500, $0x38;
	[tilespmem:$0x1F810] =	vst v63  }
0x84: {  	_ =	swait.ge [sflag:s21], $0x500  }
0x85: {  	s1 =	sld [smem:$0x7FC]  }
0x86: {  	[sflag:s21] =	ssyncset.done $0x0  }
0x87: {  	s0 =	simm.s32 @!p0 $0x2A80;
	[sflag:s21] =	ssyncadd.s32 $0xFFFFFB00  }
0x88: {  	[spmem:s1] =	stream.linear.scatter @!p0 [tilespmem:s0], [sflag:$0x8], $0x2800, $0x38;
	[tilespmem:$0x1F810] =	vst v63  }
0x89: {  	s0 =	simm.s32 @!p0 $0x8  }
0x8a: {  	_ =	swait.ge @!p0 [sflag:s0], $0x2800  }
0x8b: {  	s1 =	sld [smem:$0x7FD]  }
0x8c: {  	[sflag:s0] =	ssyncset.done @!p0 $0x0  }
0x8d: {  	[sflag:s0] =	ssyncadd.s32 @!p0 $0xFFFFD800;
	s0 =	simm.s32 @!p0 $0x7A80  }
0x8e: {  	[spmem:s1] =	stream.linear.scatter @!p0 [tilespmem:s0], [sflag:$0x7], $0x500, $0x38;
	[tilespmem:$0x1F810] =	vst v63  }
0x8f: {  	s0 =	simm.s32 @!p0 $0x7  }
0x90: {  	_ =	swait.ge @!p0 [sflag:s0], $0x500  }
0x91: {  	[sflag:s0] =	ssyncset.done @!p0 $0x0  }
0x92: {  	[sflag:s0] =	ssyncadd.s32 @!p0 $0xFFFFFB00  }
0x93: {  	[bflag:$0x0] =	sbarrier.arrive $0xFFFF  }
0x94: {  	s0 =	simm.s32 $0x0;
	s21 =	rddreg [dreg:$0x5]  }
0x95: {  	[tilespmem:s0], [sflag:$0x5] =	stream.linear.gather [hbm4b:s21+s0], $0x50, $0x38;
	[tilespmem:$0x1F810] =	vst v63  }
0x96: {  	s13 =	simm.s32 $0xA0;
	s25 =	rddreg [dreg:$0x7]  }
0x97: {  	[tilespmem:s13], [sflag:$0x5] =	stream.linear.gather [hbm4b:s25+s0], $0x50, $0x38;
	[tilespmem:$0x1F810] =	vst v63  }
0x98: {  	s3 =	simm.s32 $0x140;
	s31 =	rddreg [dreg:$0x9]  }
0x99: {  	[tilespmem:s3], [sflag:$0x5] =	stream.linear.gather [hbm4b:s31+s0], $0x50, $0x38;
	[tilespmem:$0x1F810] =	vst v63  }
0x9a: {  	s3 =	rddreg [dreg:$0xa]  }
0x9b: {  	[tilespmem:s30], [sflag:$0x6] =	stream.linear.gather [hbm4b:s3+s0], $0x50, $0x38;
	[tilespmem:$0x1F810] =	vst v63  }
0x9c: {  	s16 =	rddreg [dreg:$0xb]  }
0x9d: {  	[tilespmem:s26], [sflag:$0x6] =	stream.linear.gather [hbm4b:s16+s0], $0x50, $0x38;
	[tilespmem:$0x1F810] =	vst v63  }
0x9e: {  	s19 =	simm.s32 $0x190;
	s17 =	rddreg [dreg:$0xc]  }
0x9f: {  	[tilespmem:s19], [sflag:$0x6] =	stream.linear.gather [hbm4b:s17+s0], $0x50, $0x38;
	[tilespmem:$0x1F810] =	vst v63  }
0xa0: {  	_ =	swait.ge [sflag:s10], $0x50  }
0xa1: {  	[sflag:s10] =	ssyncset.done $0x0  }
0xa2: {  	[sflag:s10] =	ssyncadd.s32 $0xFFFFFFB0  }
0xa3: {  	_ =	swait.ge [sflag:s10], $0x50  }
0xa4: {  	[sflag:s10] =	ssyncset.done $0x0  }
0xa5: {  	[sflag:s10] =	ssyncadd.s32 $0xFFFFFFB0  }
0xa6: {  	_ =	swait.ge [sflag:s10], $0x50  }
0xa7: {  	[sflag:s10] =	ssyncset.done $0x0  }
0xa8: {  	s20 =	simm.s32 $0x280;
	[sflag:s10] =	ssyncadd.s32 $0xFFFFFFB0  }
0xa9: {  	[tilespmem:s20], [sflag:$0x1] =	stream.indirect.gather [hbm4b:s29+s30], $0x40, s0, s30, $0xb8;
	[tilespmem:$0x1F810] =	vst v63  }
0xaa: {  	_ = 	snop  }
0xab: {  	[tilespmem:s11], [sflag:$0x1] =	stream.indirect.gather [hbm4b:s2+s30], $0x10, s0, s30, $0xb8;
	[tilespmem:$0x1F810] =	vst v63  }
0xac: {  	s21 =	simm.s32 $0x8480  }
0xad: {  	[tilespmem:s21], [sflag:$0x1] =	stream.indirect.gather [hbm4b:s2+s30], $0x10, s13, s30, $0xb8;
	[tilespmem:$0x1F810] =	vst v63  }
0xae: {  	_ =	swait.ge [sflag:s15], $0x1400  }
0xaf: {  	[sflag:s15] =	ssyncset.done $0x0  }
0xb0: {  	[sflag:s15] =	ssyncadd.s32 $0xFFFFEC00  }
0xb1: {  	_ =	swait.ge [sflag:s15], $0x500  }
0xb2: {  	[sflag:s15] =	ssyncset.done $0x0  }
0xb3: {  	[sflag:s15] =	ssyncadd.s32 $0xFFFFFB00  }
0xb4: {  	_ =	swait.ge [sflag:s15], $0x500  }
0xb5: {  	[sflag:s15] =	ssyncset.done $0x0  }
0xb6: {  	s25 =	simm.s32 $0x84A0;
	[sflag:s15] =	ssyncadd.s32 $0xFFFFFB00  }
0xb7: {  	v1 =	vld [tilespmem:s25+$0x10]  }
0xb8: {  	s31 =	simm.s32 $0x7AA0  }
0xb9: {  	v14 =	vld [tilespmem:s31+$0x10];
	_ =	sdelay $0x2  }
0xba: {  	v1 =	vperm.xlane v1, v2;
	_ =	sdelay $0x1  }
0xbb: {  	v1 =	vadd.f32 v1, v14  }
0xbc: {  	v14 =	vld [tilespmem:s25+$0xFFFFFFE0]  }
0xbd: {  	v22 =	vld [tilespmem:s25+$0xFFFFFFF0];
	v23 =	vmul.f32 $2.000000030e-01, v1  }
0xbe: {  	v24 =	vld [tilespmem:s31+$0xFFFFFFE0];
	vm0 =	vgt.f32 v1, $0.0e+00  }
0xbf: {  	v1 =	vsel vm0, v1, v23  }
0xc0: {  	v23 =	vld [tilespmem:s31+$0xFFFFFFF0];
	v1 =	vmul.f32 $1.442695020e+00, v1  }
0xc1: {  	v14 =	vperm.xlane v14, v2  }
0xc2: {  	v25 =	vld [tilespmem:s25+$0x0];
	(erf) = vpow2.f32 v1  }
0xc3: {  	v1 =	vperm.xlane v22, v2;
	v14 =	vadd.f32 v14, v24  }
0xc4: {  	v26 =	vld [tilespmem:s31+$0x0]  }
0xc5: {  	v1 =	vadd.f32 v1, v23;
	v23 =	vmul.f32 $2.000000030e-01, v14  }
0xc6: {  	vm10 =	vgt.f32 v14, $0.0e+00  }
0xc7: {  	v22 =	vperm.xlane v25, v2;
	v14 =	vsel vm10, v14, v23  }
0xc8: {  	v24 =	vmul.f32 $2.000000030e-01, v1;
	v14 =	vmul.f32 $1.442695020e+00, v14  }
0xc9: {  	v22 =	vadd.f32 v22, v26;
	vm11 =	vgt.f32 v1, $0.0e+00  }
0xca: {  	v1 =	vsel vm11, v1, v24;
	(erf) = vpow2.f32 v14  }
0xcb: {  	s16 =	simm.s32 $0x8EA0;
	v23 =	vmul.f32 $2.000000030e-01, v22;
	v1 =	vmul.f32 $1.442695020e+00, v1;
	v34 =	vpop (erf)  }
0xcc: {  	s17 =	simm.s32 $0x300;
	vm1 =	vgt.f32 v22, $0.0e+00;
	[tilespmem:s16+$0x10] =	vst v34  }
0xcd: {  	v22 =	vsel vm1, v22, v23;
	(erf) = vpow2.f32 v1;
	v1 =	vld [tilespmem:s17+$0x40]  }
0xce: {  	v14 =	vmul.f32 $1.442695020e+00, v22  }
0xcf: {  	s1 =	simm.s32 $0x180  }
0xd0: {  	(erf) = vpow2.f32 v14;
	v14 =	vor.u32 s1, v0  }
0xd1: {  	v23 =	vor.u32 s1, v4;
	v22 =	vperm.xlane v34, v3  }
0xd2: {  	v24 =	vunpack.i.l.bf16.f32 v1  }
0xd3: {  	v26 =	vpop (erf);
	v1 =	vunpack.i.u.bf16.f32 v1;
	v24 =	vmul.f32 v22, v24  }
0xd4: {  	[tilespmem:s16+$0xFFFFFFE0] =	vst v26;
	v1 =	vmul.f32 v22, v1  }
0xd5: {  	v30 =	vld [tilespmem:s17+$0xFFFFFF80];
	[tilespmem:v14+s22+$0x0] =	vst.idx.msk $0xffff, v24  }
0xd6: {  	[tilespmem:v23+s22+$0x0] =	vst.idx.msk $0xffff, v1  }
0xd7: {  	s20 =	simm.s32 $0x0;
	v31 =	vld [tilespmem:s17+$0x50]  }
0xd8: {  	v47 =	vor.u32 s1, v6;
	v25 =	vor.u32 s20, v0;
	v38 =	vpop (erf)  }
0xd9: {  	v49 =	vor.u32 s1, v7;
	v27 =	vor.u32 s20, v4;
	v14 =	vperm.xlane v26, v3;
	v40 =	vpop (erf);
	[tilespmem:s16+$0xFFFFFFF0] =	vst v38  }
0xda: {  	s21 =	simm.s32 $0x80;
	v48 =	vperm.xlane v34, v5;
	v32 =	vld [tilespmem:s17+$0xFFFFFFC0];
	[tilespmem:s16+$0x0] =	vst v40;
	v42 =	vunpack.i.u.bf16.f32 v30;
	v30 =	vunpack.i.l.bf16.f32 v30  }
0xdb: {  	v55 =	vperm.xlane v34, v8;
	v22 =	vor.u32 s21, v0;
	v41 =	vld [tilespmem:s17+$0x0];
	v30 =	vmul.f32 v14, v30  }
0xdc: {  	v43 =	vperm.xlane v26, v5;
	v14 =	vmul.f32 v14, v42;
	v57 =	vunpack.i.l.bf16.f32 v31  }
0xdd: {  	v24 =	vperm.xlane v38, v3;
	[tilespmem:v25+s22+$0x0] =	vst.idx.msk $0xffff, v30;
	v25 =	vunpack.i.u.bf16.f32 v31;
	v30 =	vmul.f32 v48, v57  }
0xde: {  	v29 =	vor.u32 s21, v4;
	v44 =	vperm.xlane v38, v5;
	[tilespmem:v27+s22+$0x0] =	vst.idx.msk $0xffff, v14;
	v14 =	vmul.f32 v48, v25  }
0xdf: {  	s31 =	simm.s32 $0x84E0;
	v53 =	vperm.xlane v38, v8;
	v23 =	vperm.xlane v40, v3;
	v58 =	vunpack.i.l.bf16.f32 v32;
	v60 =	vld [tilespmem:s17+$0xFFFFFF90];
	[tilespmem:v47+s22+$0x0] =	vst.idx.msk $0xffff, v30  }
0xe0: {  	v59 =	vmul.f32 v24, v58;
	v25 =	vunpack.i.u.bf16.f32 v32;
	v27 =	vunpack.i.l.bf16.f32 v41;
	[tilespmem:v49+s22+$0x0] =	vst.idx.msk $0xffff, v14;
	v14 =	vld [tilespmem:s31+$0x10]  }
0xe1: {  	v54 =	vor.u32 s1, v9;
	v24 =	vmul.f32 v24, v25;
	v25 =	vmul.f32 v23, v27;
	v27 =	vld [tilespmem:s17+$0x60]  }
0xe2: {  	s19 =	simm.s32 $0x7AE0;
	v35 =	vperm.xlane v40, v5;
	v17 =	vperm.xlane v40, v8;
	[tilespmem:v22+s22+$0x0] =	vst.idx.msk $0xffff, v59;
	v30 =	vunpack.i.u.bf16.f32 v41  }
0xe3: {  	v56 =	vor.u32 s1, v10;
	v22 =	vperm.xlane v40, v11;
	v47 =	vmul.f32 v23, v30;
	[tilespmem:v29+s22+$0x0] =	vst.idx.msk $0xffff, v24;
	v24 =	vld [tilespmem:s19+$0x10]  }
0xe4: {  	s25 =	simm.s32 $0x100;
	v62 =	vld [tilespmem:s31+$0xFFFFFFE0];
	v23 =	vperm.xlane v38, v11;
	v61 =	vunpack.i.u.bf16.f32 v60;
	v48 =	vunpack.i.l.bf16.f32 v60  }
0xe5: {  	v37 =	vor.u32 s25, v0;
	v58 =	vld [tilespmem:s31+$0x0];
	v40 =	vmul.f32 v43, v48;
	v38 =	vmul.f32 v43, v61  }
0xe6: {  	v57 =	vld [tilespmem:s31+$0xFFFFFFF0];
	v14 =	vperm.xlane v14, v2;
	v63 =	vunpack.i.l.bf16.f32 v27;
	v27 =	vunpack.i.u.bf16.f32 v27  }
0xe7: {  	v39 =	vor.u32 s25, v4;
	v48 =	vmul.f32 v55, v63;
	v43 =	vmul.f32 v55, v27;
	v55 =	vld [tilespmem:s19+$0xFFFFFFE0]  }
0xe8: {  	v52 =	vperm.xlane v26, v8;
	v29 =	vperm.xlane v26, v11;
	v26 =	vld [tilespmem:s17+$0xFFFFFFD0];
	v14 =	vadd.f32 v14, v24  }
0xe9: {  	v36 =	vor.u32 s20, v6;
	v46 =	vor.u32 s20, v7;
	v45 =	vor.u32 s21, v7;
	v59 =	vld [tilespmem:s19+$0xFFFFFFF0]  }
0xea: {  	v19 =	vor.u32 s21, v9;
	v49 =	vperm.xlane v62, v2;
	v60 =	vld [tilespmem:s19+$0x0];
	v32 =	vmul.f32 $2.000000030e-01, v14  }
0xeb: {  	v18 =	vor.u32 s21, v10;
	v1 =	vor.u32 s21, v6;
	[tilespmem:v37+s22+$0x0] =	vst.idx.msk $0xffff, v25;
	vm12 =	vgt.f32 v14, $0.0e+00  }
0xec: {  	v61 =	vperm.xlane v57, v2;
	v14 =	vsel vm12, v14, v32;
	v63 =	vadd.f32 v49, v55  }
0xed: {  	v62 =	vperm.xlane v58, v2;
	[tilespmem:v39+s22+$0x0] =	vst.idx.msk $0xffff, v47;
	v24 =	vunpack.i.u.bf16.f32 v26;
	v14 =	vmul.f32 $1.442695020e+00, v14  }
0xee: {  	[tilespmem:v36+s22+$0x0] =	vst.idx.msk $0xffff, v40;
	v26 =	vunpack.i.l.bf16.f32 v26;
	v49 =	vadd.f32 v61, v59;
	v51 =	vmul.f32 $2.000000030e-01, v63  }
0xef: {  	v50 =	vadd.f32 v62, v60;
	[tilespmem:v54+s22+$0x0] =	vst.idx.msk $0xffff, v48;
	(erf) = vpow2.f32 v14;
	vm13 =	vgt.f32 v63, $0.0e+00  }
0xf0: {  	v54 =	vmul.f32 v44, v26;
	[tilespmem:v56+s22+$0x0] =	vst.idx.msk $0xffff, v43;
	v55 =	vmul.f32 $2.000000030e-01, v49;
	v36 =	vsel vm13, v63, v51  }
0xf1: {  	[tilespmem:v46+s22+$0x0] =	vst.idx.msk $0xffff, v38;
	v58 =	vmul.f32 $2.000000030e-01, v50;
	v56 =	vld [tilespmem:s17+$0x70];
	vm14 =	vgt.f32 v49, $0.0e+00;
	v36 =	vmul.f32 $1.442695020e+00, v36  }
0xf2: {  	v43 =	vmul.f32 v44, v24;
	vm15 =	vgt.f32 v50, $0.0e+00;
	[tilespmem:v1+s22+$0x0] =	vst.idx.msk $0xffff, v54;
	v1 =	vld [tilespmem:s17+$0x10];
	v38 =	vsel vm14, v49, v55  }
0xf3: {  	v61 =	vsel vm15, v50, v58;
	v38 =	vmul.f32 $1.442695020e+00, v38;
	(erf) = vpow2.f32 v36  }
0xf4: {  	v33 =	vor.u32 s25, v6;
	v34 =	vperm.xlane v34, v11;
	[tilespmem:v45+s22+$0x0] =	vst.idx.msk $0xffff, v43;
	v43 =	vmul.f32 $1.442695020e+00, v61  }
0xf5: {  	v27 =	vor.u32 s21, v12;
	v14 =	vor.u32 s1, v12;
	(erf) = vpow2.f32 v38  }
0xf6: {  	v26 =	vor.u32 s21, v13;
	v59 =	vld [tilespmem:s17+$0xFFFFFFA0];
	v57 =	vunpack.i.l.bf16.f32 v56;
	(erf) = vpow2.f32 v43  }
0xf7: {  	v60 =	vld [tilespmem:s17+$0xFFFFFFE0];
	v62 =	vunpack.i.u.bf16.f32 v56;
	v63 =	vor.u32 s1, v13;
	v46 =	vunpack.i.u.bf16.f32 v1  }
0xf8: {  	s21 =	simm.s32 $0x8EE0;
	v1 =	vunpack.i.l.bf16.f32 v1;
	v40 =	vmul.f32 v34, v57;
	v44 =	vmul.f32 v34, v62;
	v34 =	vpop (erf)  }
0xf9: {  	s19 =	simm.s32 $0x400;
	v1 =	vmul.f32 v35, v1;
	[tilespmem:s21+$0x10] =	vst v34  }
0xfa: {  	v28 =	vor.u32 s25, v7;
	v42 =	vor.u32 s20, v9;
	v41 =	vor.u32 s20, v10;
	[tilespmem:v14+s22+$0x0] =	vst.idx.msk $0xffff, v40;
	v50 =	vld [tilespmem:s19+$0x40]  }
0xfb: {  	v46 =	vmul.f32 v35, v46;
	v37 =	vunpack.i.l.bf16.f32 v59;
	v35 =	vor.u32 s20, v13;
	[tilespmem:v33+s22+$0x0] =	vst.idx.msk $0xffff, v1  }
0xfc: {  	s1 =	simm.s32 $0x380;
	v54 =	vmul.f32 v52, v37;
	v48 =	vunpack.i.l.bf16.f32 v60;
	v36 =	vor.u32 s20, v12;
	s20 =	simm.s32 $0x300;
	[tilespmem:v63+s22+$0x0] =	vst.idx.msk $0xffff, v44;
	v58 =	vpop (erf)  }
0xfd: {  	v49 =	vunpack.i.u.bf16.f32 v60;
	v37 =	vor.u32 s1, v0;
	v1 =	vor.u32 s20, v4;
	[tilespmem:s21+$0xFFFFFFE0] =	vst v58  }
0xfe: {  	v55 =	vmul.f32 v53, v48;
	v40 =	vor.u32 s1, v4;
	v48 =	vperm.xlane v34, v3;
	v61 =	vpop (erf);
	[tilespmem:$0x1FFE0] =	vst v1  }
0xff: {  	v53 =	vmul.f32 v53, v49;
	v49 =	vunpack.i.l.bf16.f32 v50;
	v14 =	vpop (erf);
	[tilespmem:s21+$0xFFFFFFF0] =	vst v61  }
0x100: {  	v38 =	vunpack.i.u.bf16.f32 v50;
	v39 =	vmul.f32 v48, v49;
	[tilespmem:s21+$0x0] =	vst v14  }
0x101: {  	v62 =	vld [tilespmem:s19+$0xFFFFFF80];
	v33 =	vmul.f32 v48, v38;
	[tilespmem:v28+s22+$0x0] =	vst.idx.msk $0xffff, v46  }
0x102: {  	s0 =	simm.s32 $0x200;
	[tilespmem:v37+s22+$0x0] =	vst.idx.msk $0xffff, v39  }
0x103: {  	s11 =	simm.s32 $0x280;
	v32 =	vor.u32 s0, v0;
	v47 =	vunpack.i.u.bf16.f32 v59;
	v28 =	vor.u32 s0, v7;
	v30 =	vld [tilespmem:s19+$0xFFFFFFC0];
	[tilespmem:v40+s22+$0x0] =	vst.idx.msk $0xffff, v33  }
0x104: {  	v56 =	vor.u32 s0, v4;
	v52 =	vmul.f32 v52, v47;
	v60 =	vor.u32 s11, v4;
	v1 =	vld [tilespmem:s19+$0x0];
	[tilespmem:$0x1FFF0] =	vst v28  }
0x105: {  	v21 =	vor.u32 s20, v0;
	v44 =	vor.u32 s11, v0;
	v45 =	vperm.xlane v58, v3;
	[tilespmem:v42+s22+$0x0] =	vst.idx.msk $0xffff, v54  }
0x106: {  	v63 =	vperm.xlane v61, v3;
	v31 =	vperm.xlane v14, v3;
	v33 =	vld [tilespmem:s19+$0x50];
	v50 =	vunpack.i.l.bf16.f32 v62;
	[tilespmem:v19+s22+$0x0] =	vst.idx.msk $0xffff, v55  }
0x107: {  	v42 =	vunpack.i.u.bf16.f32 v62;
	v55 =	vor.u32 s1, v6;
	[tilespmem:v41+s22+$0x0] =	vst.idx.msk $0xffff, v52;
	v59 =	vmul.f32 v45, v50  }
0x108: {  	v62 =	vunpack.i.u.bf16.f32 v30;
	v30 =	vunpack.i.l.bf16.f32 v30;
	[tilespmem:v18+s22+$0x0] =	vst.idx.msk $0xffff, v53;
	v42 =	vmul.f32 v45, v42  }
0x109: {  	v54 =	vunpack.i.u.bf16.f32 v1;
	v1 =	vunpack.i.l.bf16.f32 v1;
	v30 =	vmul.f32 v63, v30;
	[tilespmem:v32+s22+$0x0] =	vst.idx.msk $0xffff, v59  }
0x10a: {  	v18 =	vperm.xlane v34, v5;
	v53 =	vor.u32 s1, v7;
	v19 =	vmul.f32 v63, v62;
	[tilespmem:v56+s22+$0x0] =	vst.idx.msk $0xffff, v42  }
0x10b: {  	v56 =	vmul.f32 v31, v1;
	[tilespmem:v44+s22+$0x0] =	vst.idx.msk $0xffff, v30;
	v46 =	vunpack.i.l.bf16.f32 v33  }
0x10c: {  	v33 =	vunpack.i.u.bf16.f32 v33;
	[tilespmem:v60+s22+$0x0] =	vst.idx.msk $0xffff, v19;
	v59 =	vmul.f32 v18, v46  }
0x10d: {  	v52 =	vld [tilespmem:s17+$0x20];
	v63 =	vmul.f32 v31, v54;
	v31 =	vmul.f32 v18, v33;
	[tilespmem:v21+s22+$0x0] =	vst.idx.msk $0xffff, v56  }
0x10e: {  	[tilespmem:v55+s22+$0x0] =	vst.idx.msk $0xffff, v59  }
0x10f: {  	v62 =	vld [tilespmem:s19+$0xFFFFFF90];
	[tilespmem:v53+s22+$0x0] =	vst.idx.msk $0xffff, v31  }
0x110: {  	v15 =	vor.u32 s25, v9;
	v1 =	vld [tilespmem:$0x1FFE0]  }
0x111: {  	v16 =	vor.u32 s25, v10  }
0x112: {  	v20 =	vor.u32 s0, v6;
	v57 =	vperm.xlane v58, v5;
	v18 =	vunpack.i.l.bf16.f32 v52  }
0x113: {  	v43 =	vperm.xlane v14, v5;
	v30 =	vunpack.i.u.bf16.f32 v52;
	v54 =	vmul.f32 v17, v18  }
0x114: {  	v28 =	vperm.xlane v14, v8;
	v59 =	vmul.f32 v17, v30;
	v18 =	vunpack.i.l.bf16.f32 v62  }
0x115: {  	v33 =	vperm.xlane v14, v11;
	[tilespmem:v15+s22+$0x0] =	vst.idx.msk $0xffff, v54;
	v14 =	vmul.f32 v57, v18  }
0x116: {  	[tilespmem:v16+s22+$0x0] =	vst.idx.msk $0xffff, v59  }
0x117: {  	[tilespmem:v20+s22+$0x0] =	vst.idx.msk $0xffff, v14  }
0x118: {  	v25 =	vor.u32 s25, v12;
	v24 =	vor.u32 s25, v13;
	v47 =	vor.u32 s11, v6;
	v50 =	vld [tilespmem:s17+$0xFFFFFFB0];
	[tilespmem:v1+s22+$0x0] =	vst.idx.msk $0xffff, v63  }
0x119: {  	v49 =	vperm.xlane v61, v5;
	v48 =	vor.u32 s11, v7;
	v38 =	vor.u32 s20, v7;
	v14 =	vld [tilespmem:$0x1FFF0]  }
0x11a: {  	v39 =	vor.u32 s20, v6;
	v37 =	vperm.xlane v61, v8;
	v40 =	vperm.xlane v58, v8;
	v51 =	vld [tilespmem:s17+$0xFFFFFFF0]  }
0x11b: {  	v41 =	vor.u32 s11, v9;
	v45 =	vor.u32 s0, v10;
	v32 =	vperm.xlane v61, v11;
	v17 =	vld [tilespmem:s19+$0x60]  }
0x11c: {  	s28 =	simm.s32 $0x8520;
	v42 =	vor.u32 s11, v10;
	v44 =	vperm.xlane v58, v11;
	v58 =	vor.u32 s1, v10;
	v52 =	vld [tilespmem:s19+$0xFFFFFFD0]  }
0x11d: {  	v46 =	vor.u32 s0, v9;
	v56 =	vunpack.i.u.bf16.f32 v50;
	v55 =	vld [tilespmem:s28+$0x10];
	v19 =	vunpack.i.u.bf16.f32 v62  }
0x11e: {  	s25 =	simm.s32 $0x7B20;
	v30 =	vor.u32 s20, v9;
	v53 =	vld [tilespmem:s28+$0xFFFFFFE0];
	v19 =	vmul.f32 v57, v19;
	v57 =	vor.u32 s1, v9  }
0x11f: {  	v61 =	vld [tilespmem:s25+$0x10];
	v31 =	vor.u32 s20, v10;
	v62 =	vperm.xlane v34, v8;
	v54 =	vunpack.i.l.bf16.f32 v50  }
0x120: {  	v50 =	vunpack.i.u.bf16.f32 v51;
	v51 =	vunpack.i.l.bf16.f32 v51;
	v59 =	vld [tilespmem:s28+$0xFFFFFFF0];
	v1 =	vunpack.i.l.bf16.f32 v17  }
0x121: {  	s3 =	simm.s32 $0xA0;
	s13 =	simm.s32 $0x8;
	s16 =	simm.s32 $0xC;
	v60 =	vld [tilespmem:s28+$0x0];
	v63 =	vunpack.i.u.bf16.f32 v52;
	v1 =	vmul.f32 v62, v1;
	[tilespmem:v14+s22+$0x0] =	vst.idx.msk $0xffff, v19;
	v14 =	vunpack.i.u.bf16.f32 v17  }
.LBB2_4:
0x122: {  	p1 =	slt.u32 s16, $0x4C;
	v15 =	vld [tilespmem:s25+$0xFFFFFFF0];
	v16 =	vperm.xlane v55, v2;
	v52 =	vunpack.i.l.bf16.f32 v52;
	v14 =	vmul.f32 v62, v14  }
0x123: {  	v55 =	vor.u32 s11, v12;
	v62 =	vperm.xlane v53, v2;
	v17 =	vld [tilespmem:s25+$0x0];
	v52 =	vmul.f32 v49, v52;
	[tilespmem:v57+s22+$0x0] =	vst.idx.msk $0xffff, v1  }
0x124: {  	v49 =	vmul.f32 v49, v63;
	v53 =	vor.u32 s11, v13;
	v1 =	vld [tilespmem:s25+$0xFFFFFFE0];
	v16 =	vadd.f32 v16, v61;
	[tilespmem:v58+s22+$0x0] =	vst.idx.msk $0xffff, v14  }
0x125: {  	v57 =	vmul.f32 v29, v54;
	v14 =	vperm.xlane v59, v2;
	[tilespmem:v47+s22+$0x0] =	vst.idx.msk $0xffff, v52;
	v52 =	vor.u32 s20, v12;
	v47 =	vld [tilespmem:s19+$0x70]  }
0x126: {  	v54 =	vor.u32 s20, v13;
	v58 =	vperm.xlane v60, v2;
	v59 =	vmul.f32 $2.000000030e-01, v16;
	[tilespmem:v48+s22+$0x0] =	vst.idx.msk $0xffff, v49;
	v48 =	vld [tilespmem:s19+$0x10]  }
0x127: {  	vm0 =	vgt.f32 v16, $0.0e+00;
	v14 =	vadd.f32 v14, v15;
	v15 =	vld [tilespmem:s19+$0xFFFFFFA0];
	[tilespmem:v36+s22+$0x0] =	vst.idx.msk $0xffff, v57;
	v36 =	vmul.f32 v29, v56  }
0x128: {  	v56 =	vor.u32 s1, v12;
	v29 =	vmovc v44;
	v17 =	vadd.f32 v58, v17;
	v16 =	vsel vm0, v16, v59;
	v49 =	vld [tilespmem:s19+$0xFFFFFFE0]  }
0x129: {  	v34 =	vperm.xlane v34, v11;
	v44 =	vor.u32 s1, v13;
	v16 =	vmul.f32 $1.442695020e+00, v16;
	[tilespmem:v35+s22+$0x0] =	vst.idx.msk $0xffff, v36;
	v35 =	vld [tilespmem:s17+$0x30];
	s17 =	smov.u32 s19  }
0x12a: {  	v1 =	vadd.f32 v62, v1;
	v36 =	vmul.f32 $2.000000030e-01, v14;
	v57 =	vunpack.i.l.bf16.f32 v47  }
0x12b: {  	(erf) = vpow2.f32 v16;
	v16 =	vunpack.i.u.bf16.f32 v47;
	v47 =	vmul.f32 v34, v57  }
0x12c: {  	vm0 =	vgt.f32 v1, $0.0e+00;
	v57 =	vmul.f32 $2.000000030e-01, v1;
	v16 =	vmul.f32 v34, v16  }
0x12d: {  	vm1 =	vgt.f32 v14, $0.0e+00;
	vm2 =	vgt.f32 v17, $0.0e+00;
	v34 =	vmul.f32 $2.000000030e-01, v17;
	[tilespmem:v56+s22+$0x0] =	vst.idx.msk $0xffff, v47  }
0x12e: {  	v14 =	vsel vm1, v14, v36;
	v36 =	vunpack.i.u.bf16.f32 v48;
	v1 =	vsel vm0, v1, v57;
	[tilespmem:v44+s22+$0x0] =	vst.idx.msk $0xffff, v16  }
0x12f: {  	v14 =	vmul.f32 $1.442695020e+00, v14;
	v1 =	vmul.f32 $1.442695020e+00, v1;
	v16 =	vsel vm2, v17, v34  }
0x130: {  	v36 =	vmul.f32 v43, v36;
	v17 =	vunpack.i.l.bf16.f32 v48;
	v16 =	vmul.f32 $1.442695020e+00, v16  }
0x131: {  	v17 =	vmul.f32 v43, v17;
	(erf) = vpow2.f32 v1;
	v1 =	vunpack.i.u.bf16.f32 v15  }
0x132: {  	(erf) = vpow2.f32 v14;
	v14 =	vunpack.i.l.bf16.f32 v15;
	v15 =	vunpack.i.u.bf16.f32 v49  }
0x133: {  	(erf) = vpow2.f32 v16;
	v14 =	vmul.f32 v40, v14;
	v16 =	vunpack.i.l.bf16.f32 v49;
	[tilespmem:v39+s22+$0x0] =	vst.idx.msk $0xffff, v17  }
0x134: {  	s21 =	sadd.s32 $0x40, s21;
	v1 =	vmul.f32 v40, v1;
	v17 =	vunpack.i.u.bf16.f32 v35;
	v34 =	vpop (erf);
	v16 =	vmul.f32 v37, v16;
	[tilespmem:v38+s22+$0x0] =	vst.idx.msk $0xffff, v36  }
0x135: {  	s19 =	sadd.s32 $0x100, s19;
	v15 =	vmul.f32 v37, v15;
	v35 =	vunpack.i.l.bf16.f32 v35;
	v37 =	vmul.f32 v23, v51;
	[tilespmem:s21+$0x10] =	vst v34;
	v44 =	vld [tilespmem:s17+$0x20]  }
0x136: {  	v36 =	vor.u32 s0, v12;
	v38 =	vld [tilespmem:s19+$0x40];
	[tilespmem:v46+s22+$0x0] =	vst.idx.msk $0xffff, v14;
	v14 =	vmul.f32 v23, v50;
	v46 =	vmul.f32 v22, v35  }
0x137: {  	v35 =	vor.u32 s0, v13;
	s0 =	sshll.u32 s13, $0x7;
	v23 =	vmovc v32;
	s13 =	smov.u32 s16;
	[tilespmem:v45+s22+$0x0] =	vst.idx.msk $0xffff, v1;
	v1 =	vmul.f32 v22, v17;
	v22 =	vmov v33  }
0x138: {  	v17 =	vor.u32 s0, v0;
	v32 =	vor.u32 s0, v4;
	v50 =	vor.u32 s0, v6;
	s11 =	sadd.s32 $0x80, s0;
	s20 =	sadd.s32 $0x100, s0;
	s1 =	sadd.s32 $0x180, s0;
	v51 =	vld [tilespmem:s17+$0xFFFFFFB0];
	[tilespmem:v41+s22+$0x0] =	vst.idx.msk $0xffff, v16  }
0x139: {  	v16 =	vor.u32 s11, v0;
	v33 =	vor.u32 s11, v4;
	v39 =	vor.u32 s1, v0;
	[tilespmem:v42+s22+$0x0] =	vst.idx.msk $0xffff, v15  }
0x13a: {  	v40 =	vperm.xlane v34, v3;
	v41 =	vor.u32 s1, v4;
	v15 =	vor.u32 s20, v0;
	v56 =	vpop (erf);
	v60 =	vld [tilespmem:s17+$0xFFFFFFF0];
	[tilespmem:v27+s22+$0x0] =	vst.idx.msk $0xffff, v37  }
0x13b: {  	v57 =	vor.u32 s20, v4;
	[tilespmem:s21+$0xFFFFFFE0] =	vst v56;
	v42 =	vperm.xlane v56, v3;
	v18 =	vunpack.i.l.bf16.f32 v38;
	v58 =	vpop (erf)  }
0x13c: {  	v37 =	vunpack.i.u.bf16.f32 v38;
	v45 =	vld [tilespmem:s19+$0xFFFFFF80];
	[tilespmem:s21+$0xFFFFFFF0] =	vst v58;
	v59 =	vperm.xlane v58, v3;
	v38 =	vmul.f32 v40, v18;
	v61 =	vpop (erf)  }
0x13d: {  	v47 =	vor.u32 s11, v6;
	v27 =	vmovc v55;
	v37 =	vmul.f32 v40, v37;
	v62 =	vld [tilespmem:s19+$0xFFFFFFC0];
	[tilespmem:s21+$0x0] =	vst v61;
	v63 =	vperm.xlane v61, v3  }
0x13e: {  	v48 =	vor.u32 s11, v7;
	v18 =	vperm.xlane v56, v5;
	v49 =	vperm.xlane v58, v5;
	v55 =	vld [tilespmem:s19+$0x0];
	[tilespmem:v39+s22+$0x0] =	vst.idx.msk $0xffff, v38  }
0x13f: {  	v43 =	vperm.xlane v61, v5;
	v39 =	vor.u32 s20, v6;
	v38 =	vor.u32 s20, v7;
	[tilespmem:v41+s22+$0x0] =	vst.idx.msk $0xffff, v37  }
0x140: {  	v19 =	vor.u32 s0, v7;
	v40 =	vperm.xlane v56, v8;
	v37 =	vperm.xlane v58, v8;
	v41 =	vld [tilespmem:s19+$0x50];
	[tilespmem:v26+s22+$0x0] =	vst.idx.msk $0xffff, v14  }
0x141: {  	v20 =	vperm.xlane v61, v8;
	v26 =	vmovc v53;
	v14 =	vunpack.i.u.bf16.f32 v45;
	v45 =	vunpack.i.l.bf16.f32 v45;
	[tilespmem:v25+s22+$0x0] =	vst.idx.msk $0xffff, v46  }
0x142: {  	v25 =	vmovc v52;
	v45 =	vmul.f32 v42, v45;
	v46 =	vunpack.i.u.bf16.f32 v62;
	v53 =	vunpack.i.l.bf16.f32 v62;
	[tilespmem:v24+s22+$0x0] =	vst.idx.msk $0xffff, v1  }
0x143: {  	v24 =	vmovc v54;
	v1 =	vunpack.i.u.bf16.f32 v55;
	v52 =	vunpack.i.l.bf16.f32 v55;
	v55 =	vor.u32 s1, v6  }
0x144: {  	v14 =	vmul.f32 v42, v14;
	[tilespmem:v17+s22+$0x0] =	vst.idx.msk $0xffff, v45;
	v17 =	vperm.xlane v34, v5;
	v45 =	vor.u32 s1, v7  }
0x145: {  	v42 =	vmul.f32 v59, v53;
	v53 =	vmul.f32 v59, v46;
	v46 =	vunpack.i.l.bf16.f32 v41  }
0x146: {  	[tilespmem:v32+s22+$0x0] =	vst.idx.msk $0xffff, v14;
	v14 =	vmul.f32 v63, v52;
	v32 =	vunpack.i.u.bf16.f32 v41;
	v46 =	vmul.f32 v17, v46  }
0x147: {  	v1 =	vmul.f32 v63, v1;
	v54 =	vld [tilespmem:s19+$0xFFFFFF90];
	[tilespmem:v16+s22+$0x0] =	vst.idx.msk $0xffff, v42;
	v16 =	vmul.f32 v17, v32;
	v17 =	vunpack.i.u.bf16.f32 v44  }
0x148: {  	v41 =	vor.u32 s11, v9;
	v32 =	vunpack.i.l.bf16.f32 v44;
	[tilespmem:v55+s22+$0x0] =	vst.idx.msk $0xffff, v46;
	v17 =	vmul.f32 v28, v17  }
0x149: {  	v59 =	vor.u32 s20, v9;
	v42 =	vor.u32 s11, v10;
	[tilespmem:v45+s22+$0x0] =	vst.idx.msk $0xffff, v16;
	v16 =	vmul.f32 v28, v32;
	v28 =	vmovc v20  }
0x14a: {  	v46 =	vor.u32 s0, v9;
	v45 =	vor.u32 s0, v10;
	v20 =	vor.u32 s20, v10;
	[tilespmem:v33+s22+$0x0] =	vst.idx.msk $0xffff, v53;
	v21 =	vld [tilespmem:s19+$0x60]  }
0x14b: {  	s28 =	sadd.s32 $0x40, s28;
	v44 =	vperm.xlane v56, v11;
	v56 =	vunpack.i.u.bf16.f32 v51;
	v32 =	vperm.xlane v58, v11;
	v52 =	vld [tilespmem:s19+$0xFFFFFFD0];
	[tilespmem:v15+s22+$0x0] =	vst.idx.msk $0xffff, v14  }
.Ltmp3:
0x14c: {  	v33 =	vperm.xlane v61, v11;
	v55 =	vld [tilespmem:s28+$0x10];
	v14 =	vunpack.i.u.bf16.f32 v54;
	v15 =	vunpack.i.l.bf16.f32 v54;
	[tilespmem:v57+s22+$0x0] =	vst.idx.msk $0xffff, v1;
	(pc) =	sbr.rel @p1 .LBB2_4-.Ltmp3, $4  }
0x14d: {  	s25 =	sadd.s32 $0x40, s25;
	v57 =	vor.u32 s1, v9;
	v53 =	vld [tilespmem:s28+$0xFFFFFFE0];
	v1 =	vmul.f32 v18, v15;
	v14 =	vmul.f32 v18, v14;
	[tilespmem:v30+s22+$0x0] =	vst.idx.msk $0xffff, v16  }
0x14e: {  	v62 =	vperm.xlane v34, v8;
	v58 =	vor.u32 s1, v10;
	v54 =	vunpack.i.l.bf16.f32 v51;
	v30 =	vmovc v59;
	v61 =	vld [tilespmem:s25+$0x10];
	[tilespmem:v31+s22+$0x0] =	vst.idx.msk $0xffff, v17  }
0x14f: {  	v51 =	vunpack.i.l.bf16.f32 v60;
	v31 =	vmovc v20;
	v59 =	vld [tilespmem:s28+$0xFFFFFFF0];
	[tilespmem:v50+s22+$0x0] =	vst.idx.msk $0xffff, v1;
	v1 =	vunpack.i.l.bf16.f32 v21;
	v50 =	vunpack.i.u.bf16.f32 v60  }
0x150: {  	s16 =	sadd.s32 $0x4, s16;
	v60 =	vld [tilespmem:s28+$0x0];
	[tilespmem:v19+s22+$0x0] =	vst.idx.msk $0xffff, v14;
	v63 =	vunpack.i.u.bf16.f32 v52;
	v14 =	vunpack.i.u.bf16.f32 v21;
	v1 =	vmul.f32 v62, v1  }
0x151: {  	v15 =	vperm.xlane v55, v2;
	_ =	sdelay $0x1  }
0x152: {  	v15 =	vadd.f32 v15, v61;
	_ =	sdelay $0x1  }
0x153: {  	v16 =	vmul.f32 $2.000000030e-01, v15  }
0x154: {  	vm0 =	vgt.f32 v15, $0.0e+00  }
0x155: {  	v17 =	vld [tilespmem:s25+$0xFFFFFFF0];
	v15 =	vsel vm0, v15, v16  }
0x156: {  	v14 =	vmul.f32 v62, v14;
	v55 =	vld [tilespmem:s25+$0x0];
	v15 =	vmul.f32 $1.442695020e+00, v15  }
0x157: {  	[tilespmem:v57+s22+$0x0] =	vst.idx.msk $0xffff, v1;
	v1 =	vld [tilespmem:s25+$0xFFFFFFE0]  }
0x158: {  	v21 =	vmul.f32 v49, v63;
	[tilespmem:v58+s22+$0x0] =	vst.idx.msk $0xffff, v14;
	(erf) = vpow2.f32 v15  }
0x159: {  	v57 =	vmul.f32 v29, v56;
	v18 =	vperm.xlane v59, v2;
	v19 =	vld [tilespmem:s19+$0x70]  }
0x15a: {  	v14 =	vunpack.i.l.bf16.f32 v52;
	v20 =	vperm.xlane v60, v2;
	v15 =	vperm.xlane v53, v2  }
0x15b: {  	v58 =	vperm.xlane v34, v11;
	v14 =	vmul.f32 v49, v14;
	v60 =	vld [tilespmem:s19+$0x10];
	v17 =	vadd.f32 v18, v17  }
0x15c: {  	v49 =	vmul.f32 v29, v54;
	v16 =	vadd.f32 v20, v55;
	v1 =	vadd.f32 v15, v1  }
0x15d: {  	v59 =	vor.u32 s1, v13;
	v61 =	vmul.f32 $2.000000030e-01, v17;
	vm1 =	vgt.f32 v17, $0.0e+00  }
0x15e: {  	[tilespmem:v47+s22+$0x0] =	vst.idx.msk $0xffff, v14;
	v62 =	vunpack.i.l.bf16.f32 v19;
	v14 =	vmul.f32 $2.000000030e-01, v16;
	v63 =	vmul.f32 $2.000000030e-01, v1  }
0x15f: {  	[tilespmem:v36+s22+$0x0] =	vst.idx.msk $0xffff, v49;
	v53 =	vmul.f32 v58, v62;
	v17 =	vsel vm1, v17, v61;
	vm14 =	vgt.f32 v1, $0.0e+00  }
0x160: {  	s13 =	sshll.u32 s13, $0x7;
	[tilespmem:v48+s22+$0x0] =	vst.idx.msk $0xffff, v21;
	v48 =	vld [tilespmem:s19+$0xFFFFFFA0];
	v49 =	vunpack.i.u.bf16.f32 v60;
	v15 =	vor.u32 s1, v12;
	v1 =	vsel vm14, v1, v63  }
0x161: {  	s16 =	sadd.s32 $0x40, s21;
	s25 =	sadd.s32 $0x180, s13;
	[tilespmem:v35+s22+$0x0] =	vst.idx.msk $0xffff, v57;
	v52 =	vunpack.i.l.bf16.f32 v60;
	v60 =	vmul.f32 v23, v51;
	v1 =	vmul.f32 $1.442695020e+00, v1;
	v47 =	vpop (erf)  }
0x162: {  	v55 =	vor.u32 s25, v0;
	v62 =	vmul.f32 v23, v50;
	v17 =	vmul.f32 $1.442695020e+00, v17;
	s1 =	sadd.s32 $0x100, s19;
	[tilespmem:s16+$0x10] =	vst v47  }
0x163: {  	v19 =	vunpack.i.u.bf16.f32 v19;
	vm15 =	vgt.f32 v16, $0.0e+00;
	[tilespmem:v27+s22+$0x0] =	vst.idx.msk $0xffff, v60;
	(erf) = vpow2.f32 v1;
	v1 =	vld [tilespmem:s1+$0x40]  }
0x164: {  	v19 =	vmul.f32 v58, v19;
	v14 =	vsel vm15, v16, v14;
	[tilespmem:v26+s22+$0x0] =	vst.idx.msk $0xffff, v62;
	(erf) = vpow2.f32 v17  }
0x165: {  	v14 =	vmul.f32 $1.442695020e+00, v14;
	v54 =	vunpack.i.l.bf16.f32 v48;
	[tilespmem:v15+s22+$0x0] =	vst.idx.msk $0xffff, v53;
	v15 =	vmul.f32 v43, v52  }
0x166: {  	v57 =	vor.u32 s25, v4;
	v16 =	vmul.f32 v43, v49;
	[tilespmem:v59+s22+$0x0] =	vst.idx.msk $0xffff, v19;
	v17 =	vmul.f32 v40, v54  }
0x167: {  	v56 =	vld [tilespmem:s19+$0xFFFFFFE0];
	[tilespmem:v39+s22+$0x0] =	vst.idx.msk $0xffff, v15;
	v15 =	vperm.xlane v47, v3;
	(erf) = vpow2.f32 v14;
	v14 =	vunpack.i.u.bf16.f32 v48  }
0x168: {  	v58 =	vld [tilespmem:s17+$0x30];
	[tilespmem:v38+s22+$0x0] =	vst.idx.msk $0xffff, v16;
	v14 =	vmul.f32 v40, v14;
	v59 =	vunpack.i.l.bf16.f32 v1  }
0x169: {  	[tilespmem:v46+s22+$0x0] =	vst.idx.msk $0xffff, v17;
	v1 =	vunpack.i.u.bf16.f32 v1;
	v16 =	vmul.f32 v15, v59  }
0x16a: {  	v34 =	vor.u32 s11, v12;
	[tilespmem:v45+s22+$0x0] =	vst.idx.msk $0xffff, v14;
	v1 =	vmul.f32 v15, v1  }
0x16b: {  	v29 =	vor.u32 s11, v13;
	v20 =	vor.u32 s13, v0;
	v21 =	vor.u32 s13, v4;
	[tilespmem:v55+s22+$0x0] =	vst.idx.msk $0xffff, v16  }
0x16c: {  	v23 =	vor.u32 s20, v12;
	v27 =	vor.u32 s13, v6;
	v15 =	vunpack.i.l.bf16.f32 v56;
	v35 =	vpop (erf);
	[tilespmem:v57+s22+$0x0] =	vst.idx.msk $0xffff, v1  }
0x16d: {  	v61 =	vunpack.i.l.bf16.f32 v58;
	v14 =	vunpack.i.u.bf16.f32 v56;
	[tilespmem:s16+$0xFFFFFFE0] =	vst v35;
	v36 =	vpop (erf);
	v1 =	vmul.f32 v37, v15;
	v16 =	vld [tilespmem:s1+$0x50]  }
0x16e: {  	v26 =	vor.u32 s25, v12;
	v18 =	vmul.f32 v22, v61;
	v14 =	vmul.f32 v37, v14;
	[tilespmem:s16+$0xFFFFFFF0] =	vst v36  }
0x16f: {  	v43 =	vor.u32 s25, v9;
	v19 =	vor.u32 s25, v10;
	v39 =	vor.u32 s0, v12;
	v63 =	vld [tilespmem:s1+$0xFFFFFF80];
	[tilespmem:v41+s22+$0x0] =	vst.idx.msk $0xffff, v1  }
0x170: {  	s28 =	sadd.s32 $0x80, s13;
	v38 =	vor.u32 s0, v13;
	v52 =	vperm.xlane v47, v5;
	[tilespmem:v42+s22+$0x0] =	vst.idx.msk $0xffff, v14;
	v14 =	vor.u32 s25, v6  }
0x171: {  	s31 =	sadd.s32 $0x100, s13;
	v54 =	vor.u32 s25, v7;
	v40 =	vor.u32 s28, v4;
	v15 =	vunpack.i.u.bf16.f32 v58;
	v37 =	vpop (erf);
	v53 =	vld [tilespmem:s1+$0xFFFFFFC0]  }
0x172: {  	v59 =	vor.u32 s31, v0;
	v15 =	vmul.f32 v22, v15;
	[tilespmem:s16+$0x0] =	vst v37;
	v55 =	vunpack.i.l.bf16.f32 v16  }
0x173: {  	[tilespmem:v25+s22+$0x0] =	vst.idx.msk $0xffff, v18;
	v56 =	vperm.xlane v35, v3;
	v57 =	vld [tilespmem:s1+$0x0];
	v16 =	vunpack.i.u.bf16.f32 v16;
	v58 =	vmul.f32 v52, v55  }
0x174: {  	v1 =	vor.u32 s28, v0;
	[tilespmem:v24+s22+$0x0] =	vst.idx.msk $0xffff, v15;
	v60 =	vunpack.i.l.bf16.f32 v63;
	v15 =	vmul.f32 v52, v16  }
0x175: {  	v61 =	vld [tilespmem:s19+$0x20];
	v62 =	vperm.xlane v36, v3;
	v22 =	vunpack.i.u.bf16.f32 v63;
	v63 =	vmul.f32 v56, v60;
	[tilespmem:v14+s22+$0x0] =	vst.idx.msk $0xffff, v58  }
0x176: {  	v49 =	vunpack.i.l.bf16.f32 v53;
	v22 =	vmul.f32 v56, v22;
	v17 =	vunpack.i.u.bf16.f32 v53;
	[tilespmem:v54+s22+$0x0] =	vst.idx.msk $0xffff, v15  }
0x177: {  	v18 =	vmul.f32 v62, v49;
	[tilespmem:v20+s22+$0x0] =	vst.idx.msk $0xffff, v63;
	v14 =	vor.u32 s31, v4;
	v15 =	vperm.xlane v37, v3;
	v50 =	vld [tilespmem:s1+$0x60]  }
0x178: {  	v45 =	vor.u32 s25, v13;
	v51 =	vunpack.i.l.bf16.f32 v57;
	v17 =	vmul.f32 v62, v17;
	[tilespmem:v21+s22+$0x0] =	vst.idx.msk $0xffff, v22  }
0x179: {  	v46 =	vperm.xlane v37, v5;
	v52 =	vunpack.i.u.bf16.f32 v57;
	[tilespmem:v1+s22+$0x0] =	vst.idx.msk $0xffff, v18;
	v54 =	vld [tilespmem:s1+$0xFFFFFF90];
	v53 =	vmul.f32 v15, v51  }
0x17a: {  	v55 =	vunpack.i.l.bf16.f32 v61;
	v16 =	vunpack.i.u.bf16.f32 v61;
	[tilespmem:v40+s22+$0x0] =	vst.idx.msk $0xffff, v17;
	v15 =	vmul.f32 v15, v52  }
0x17b: {  	v62 =	vor.u32 s28, v7;
	v56 =	vmul.f32 v28, v55;
	v58 =	vperm.xlane v47, v8;
	v57 =	vld [tilespmem:s1+$0xFFFFFFD0];
	[tilespmem:v59+s22+$0x0] =	vst.idx.msk $0xffff, v53  }
0x17c: {  	v16 =	vmul.f32 v28, v16;
	v1 =	vperm.xlane v35, v5;
	[tilespmem:v14+s22+$0x0] =	vst.idx.msk $0xffff, v15;
	v14 =	vunpack.i.l.bf16.f32 v50  }
0x17d: {  	[tilespmem:v30+s22+$0x0] =	vst.idx.msk $0xffff, v56;
	v15 =	vor.u32 s13, v7;
	v60 =	vunpack.i.u.bf16.f32 v50;
	v61 =	vld [tilespmem:s1+$0x10];
	v14 =	vmul.f32 v58, v14  }
0x17e: {  	v21 =	vor.u32 s28, v6;
	[tilespmem:v31+s22+$0x0] =	vst.idx.msk $0xffff, v16;
	v63 =	vunpack.i.l.bf16.f32 v54;
	v40 =	vmul.f32 v58, v60  }
0x17f: {  	v42 =	vld [tilespmem:s19+$0xFFFFFFB0];
	v59 =	vperm.xlane v36, v5;
	v48 =	vunpack.i.u.bf16.f32 v54;
	v28 =	vmul.f32 v1, v63;
	[tilespmem:v43+s22+$0x0] =	vst.idx.msk $0xffff, v14  }
0x180: {  	v1 =	vmul.f32 v1, v48;
	v49 =	vunpack.i.l.bf16.f32 v57;
	v14 =	vor.u32 s31, v6;
	[tilespmem:v19+s22+$0x0] =	vst.idx.msk $0xffff, v40  }
0x181: {  	v50 =	vor.u32 s31, v7;
	v18 =	vunpack.i.u.bf16.f32 v57;
	v51 =	vmul.f32 v59, v49;
	[tilespmem:v27+s22+$0x0] =	vst.idx.msk $0xffff, v28;
	v52 =	vld [tilespmem:s1+$0x70]  }
0x182: {  	v56 =	vperm.xlane v37, v8;
	[tilespmem:v15+s22+$0x0] =	vst.idx.msk $0xffff, v1;
	v1 =	vmul.f32 v59, v18;
	v15 =	vunpack.i.l.bf16.f32 v61  }
0x183: {  	v53 =	vperm.xlane v35, v8;
	[tilespmem:v21+s22+$0x0] =	vst.idx.msk $0xffff, v51;
	v55 =	vld [tilespmem:s1+$0xFFFFFFA0];
	v20 =	vunpack.i.u.bf16.f32 v61;
	v15 =	vmul.f32 v46, v15  }
0x184: {  	v54 =	vperm.xlane v36, v8;
	v57 =	vunpack.i.l.bf16.f32 v42;
	[tilespmem:v62+s22+$0x0] =	vst.idx.msk $0xffff, v1;
	v1 =	vmul.f32 v46, v20  }
0x185: {  	v17 =	vunpack.i.u.bf16.f32 v42;
	v58 =	vmul.f32 v44, v57;
	v60 =	vperm.xlane v47, v11;
	v59 =	vld [tilespmem:s1+$0xFFFFFFE0];
	[tilespmem:v14+s22+$0x0] =	vst.idx.msk $0xffff, v15  }
0x186: {  	v14 =	vor.u32 s13, v9;
	v15 =	vmul.f32 v44, v17;
	[tilespmem:v50+s22+$0x0] =	vst.idx.msk $0xffff, v1;
	v61 =	vunpack.i.l.bf16.f32 v52  }
0x187: {  	[tilespmem:v39+s22+$0x0] =	vst.idx.msk $0xffff, v58;
	v1 =	vor.u32 s13, v10;
	v62 =	vunpack.i.u.bf16.f32 v52;
	v63 =	vld [tilespmem:s1+$0x20];
	v17 =	vmul.f32 v60, v61  }
0x188: {  	v39 =	vor.u32 s28, v9;
	[tilespmem:v38+s22+$0x0] =	vst.idx.msk $0xffff, v15;
	v40 =	vunpack.i.l.bf16.f32 v55;
	v15 =	vmul.f32 v60, v62  }
0x189: {  	v41 =	vld [tilespmem:s19+$0xFFFFFFF0];
	v42 =	vor.u32 s28, v10;
	v43 =	vunpack.i.u.bf16.f32 v55;
	v16 =	vmul.f32 v53, v40;
	[tilespmem:v26+s22+$0x0] =	vst.idx.msk $0xffff, v17  }
0x18a: {  	v44 =	vor.u32 s31, v9;
	v17 =	vmul.f32 v53, v43;
	[tilespmem:v45+s22+$0x0] =	vst.idx.msk $0xffff, v15;
	v15 =	vunpack.i.l.bf16.f32 v59  }
0x18b: {  	v46 =	vor.u32 s31, v10;
	v22 =	vunpack.i.u.bf16.f32 v59;
	[tilespmem:v14+s22+$0x0] =	vst.idx.msk $0xffff, v16;
	v45 =	vld [tilespmem:s19+$0x30];
	v15 =	vmul.f32 v54, v15  }
0x18c: {  	v48 =	vor.u32 s28, v12;
	v47 =	vmul.f32 v54, v22;
	[tilespmem:v1+s22+$0x0] =	vst.idx.msk $0xffff, v17;
	v1 =	vunpack.i.l.bf16.f32 v63  }
0x18d: {  	v57 =	vperm.xlane v35, v11;
	v49 =	vld [tilespmem:s1+$0xFFFFFFB0];
	v1 =	vmul.f32 v56, v1;
	[tilespmem:v39+s22+$0x0] =	vst.idx.msk $0xffff, v15;
	v15 =	vunpack.i.u.bf16.f32 v63  }
0x18e: {  	v51 =	vunpack.i.l.bf16.f32 v41;
	v58 =	vperm.xlane v36, v11;
	[tilespmem:v42+s22+$0x0] =	vst.idx.msk $0xffff, v47;
	v15 =	vmul.f32 v56, v15  }
0x18f: {  	v52 =	vunpack.i.u.bf16.f32 v41;
	v14 =	vor.u32 s20, v13;
	v53 =	vmul.f32 v32, v51;
	[tilespmem:v44+s22+$0x0] =	vst.idx.msk $0xffff, v1;
	v55 =	vld [tilespmem:s1+$0xFFFFFFF0]  }
0x190: {  	v16 =	vmul.f32 v32, v52;
	v54 =	vor.u32 s13, v12;
	v56 =	vunpack.i.l.bf16.f32 v45;
	[tilespmem:v46+s22+$0x0] =	vst.idx.msk $0xffff, v15  }
0x191: {  	[tilespmem:v34+s22+$0x0] =	vst.idx.msk $0xffff, v53;
	v1 =	vor.u32 s13, v13;
	v26 =	vunpack.i.u.bf16.f32 v45;
	v19 =	vmul.f32 v33, v56;
	v15 =	vld [tilespmem:s1+$0x30]  }
0x192: {  	v50 =	vor.u32 s28, v13;
	[tilespmem:v29+s22+$0x0] =	vst.idx.msk $0xffff, v16;
	v26 =	vmul.f32 v33, v26;
	v59 =	vunpack.i.l.bf16.f32 v49  }
0x193: {  	v60 =	vperm.xlane v37, v11;
	v18 =	vunpack.i.u.bf16.f32 v49;
	[tilespmem:v23+s22+$0x0] =	vst.idx.msk $0xffff, v19;
	v16 =	vmul.f32 v57, v59  }
0x194: {  	v61 =	vor.u32 s31, v12;
	v18 =	vmul.f32 v57, v18;
	[tilespmem:v14+s22+$0x0] =	vst.idx.msk $0xffff, v26;
	v14 =	vunpack.i.l.bf16.f32 v55  }
0x195: {  	v62 =	vor.u32 s31, v13;
	v24 =	vunpack.i.u.bf16.f32 v55;
	[tilespmem:v54+s22+$0x0] =	vst.idx.msk $0xffff, v16;
	v14 =	vmul.f32 v58, v14  }
0x196: {  	[tilespmem:v1+s22+$0x0] =	vst.idx.msk $0xffff, v18;
	v63 =	vmul.f32 v58, v24;
	v1 =	vunpack.i.l.bf16.f32 v15  }
0x197: {  	v15 =	vunpack.i.u.bf16.f32 v15;
	v1 =	vmul.f32 v60, v1;
	[tilespmem:v48+s22+$0x0] =	vst.idx.msk $0xffff, v14  }
0x198: {  	v14 =	vmul.f32 v60, v15;
	[tilespmem:v50+s22+$0x0] =	vst.idx.msk $0xffff, v63  }
0x199: {  	[tilespmem:v61+s22+$0x0] =	vst.idx.msk $0xffff, v1  }
0x19a: {  	[tilespmem:v62+s22+$0x0] =	vst.idx.msk $0xffff, v14  }
0x19b: {  	v1 =	vld [tilespmem:$0x140]  }
0x19c: {  	v14 =	vld [tilespmem:$0x150]  }
0x19d: {  	v15 =	vld [tilespmem:$0x160]  }
0x19e: {  	v16 =	vld [tilespmem:$0x170]  }
0x19f: {  	v17 =	vld [tilespmem:$0x180]  }
0x1a0: {  	[tilespmem:$0x1E0] =	vst v1  }
0x1a1: {  	[tilespmem:$0x1F0] =	vst v14  }
0x1a2: {  	[tilespmem:$0x200] =	vst v15  }
0x1a3: {  	[tilespmem:$0x210] =	vst v16  }
0x1a4: {  	s11 =	rddreg [dreg:$0x2];
	s13 =	simm.s32 $0x1E0;
	[tilespmem:$0x220] =	vst v17  }
0x1a5: {  	[spmem:s11] =	stream.indirect.scatter.add.f32 [tilespmem:s22], [sflag:$0x3], $0x80, s13, s30, $0xb8;
	[tilespmem:$0x1F810] =	vst v63  }
0x1a6: {  	s16 =	simm.s32 $0x8E80  }
0x1a7: {  	[spmem:s4] =	stream.indirect.scatter.add.f32 [tilespmem:s16], [sflag:$0x3], $0x10, s13, s30, $0xb8;
	[tilespmem:$0x1F810] =	vst v63  }
0x1a8: {  	s17 =	rddreg [dreg:$0xd]  }
0x1a9: {  	[tilespmem:s6], [sflag:$0x5] =	stream.linear.gather [hbm4b:s17+s6], $0x50, $0x38;
	[tilespmem:$0x1F810] =	vst v63  }
0x1aa: {  	s19 =	rddreg [dreg:$0xe]  }
0x1ab: {  	[tilespmem:s3], [sflag:$0x5] =	stream.linear.gather [hbm4b:s19+s6], $0x50, $0x38;
	[tilespmem:$0x1F810] =	vst v63  }
0x1ac: {  	s21 =	simm.s32 $0x140;
	s20 =	rddreg [dreg:$0xf]  }
0x1ad: {  	[tilespmem:s21], [sflag:$0x5] =	stream.linear.gather [hbm4b:s20+s6], $0x50, $0x38;
	[tilespmem:$0x1F810] =	vst v63  }
0x1ae: {  	_ =	swait.ge [sflag:s18], $0x50  }
0x1af: {  	[sflag:s18] =	ssyncset.done $0x0  }
0x1b0: {  	[sflag:s18] =	ssyncadd.s32 $0xFFFFFFB0  }
0x1b1: {  	_ =	swait.ge [sflag:s18], $0x50  }
0x1b2: {  	[sflag:s18] =	ssyncset.done $0x0  }
0x1b3: {  	[sflag:s18] =	ssyncadd.s32 $0xFFFFFFB0  }
0x1b4: {  	_ =	swait.ge [sflag:s18], $0x50  }
0x1b5: {  	[sflag:s18] =	ssyncset.done $0x0  }
0x1b6: {  	s25 =	simm.s32 $0x1680;
	[sflag:s18] =	ssyncadd.s32 $0xFFFFFFB0  }
0x1b7: {  	[tilespmem:s25], [sflag:$0x2] =	stream.indirect.gather [hbm4b:s29+s30], $0x40, s30, s30, $0xb8;
	[tilespmem:$0x1F810] =	vst v63  }
0x1b8: {  	s28 =	simm.s32 $0x7F80  }
0x1b9: {  	[tilespmem:s28], [sflag:$0x2] =	stream.indirect.gather [hbm4b:s2+s30], $0x10, s30, s30, $0xb8;
	[tilespmem:$0x1F810] =	vst v63  }
0x1ba: {  	s31 =	simm.s32 $0x8980;
	s17 =	simm.s32 $0x1  }
0x1bb: {  	[tilespmem:s31], [sflag:$0x2] =	stream.indirect.gather [hbm4b:s2+s30], $0x10, s26, s30, $0xb8;
	[tilespmem:$0x1F810] =	vst v63  }
.LBB2_6:
0x1bc: {  	_ =	swait.ge [sflag:s24], $0x1400  }
0x1bd: {  	[sflag:s24] =	ssyncset.done $0x0  }
0x1be: {  	[sflag:s24] =	ssyncadd.s32 $0xFFFFEC00  }
0x1bf: {  	_ =	swait.ge [sflag:s24], $0x500  }
0x1c0: {  	[sflag:s24] =	ssyncset.done $0x0  }
0x1c1: {  	[sflag:s24] =	ssyncadd.s32 $0xFFFFFB00  }
0x1c2: {  	_ =	swait.ge [sflag:s24], $0x500  }
0x1c3: {  	[sflag:s24] =	ssyncset.done $0x0  }
0x1c4: {  	s0 =	simm.s32 $0x89A0;
	[sflag:s24] =	ssyncadd.s32 $0xFFFFFB00  }
0x1c5: {  	v1 =	vld [tilespmem:s0+$0x10]  }
0x1c6: {  	s1 =	simm.s32 $0x7FA0  }
0x1c7: {  	v14 =	vld [tilespmem:s1+$0x10];
	_ =	sdelay $0x2  }
0x1c8: {  	v1 =	vperm.xlane v1, v2;
	_ =	sdelay $0x1  }
0x1c9: {  	v1 =	vadd.f32 v1, v14  }
0x1ca: {  	v14 =	vld [tilespmem:s0+$0xFFFFFFE0]  }
0x1cb: {  	v16 =	vmul.f32 $2.000000030e-01, v1  }
0x1cc: {  	v17 =	vld [tilespmem:s1+$0xFFFFFFE0];
	vm0 =	vgt.f32 v1, $0.0e+00  }
0x1cd: {  	v15 =	vld [tilespmem:s0+$0xFFFFFFF0];
	v1 =	vsel vm0, v1, v16  }
0x1ce: {  	v1 =	vmul.f32 $1.442695020e+00, v1  }
0x1cf: {  	v49 =	vld [tilespmem:s1+$0xFFFFFFF0];
	v14 =	vperm.xlane v14, v2  }
0x1d0: {  	v18 =	vld [tilespmem:s0+$0x0];
	(erf) = vpow2.f32 v1  }
0x1d1: {  	v14 =	vadd.f32 v14, v17  }
0x1d2: {  	v19 =	vld [tilespmem:s1+$0x0];
	v1 =	vperm.xlane v15, v2  }
0x1d3: {  	v50 =	vmul.f32 $2.000000030e-01, v14  }
0x1d4: {  	v1 =	vadd.f32 v1, v49;
	vm10 =	vgt.f32 v14, $0.0e+00  }
0x1d5: {  	v15 =	vperm.xlane v18, v2;
	v14 =	vsel vm10, v14, v50  }
0x1d6: {  	v51 =	vmul.f32 $2.000000030e-01, v1;
	v14 =	vmul.f32 $1.442695020e+00, v14  }
0x1d7: {  	v15 =	vadd.f32 v15, v19;
	vm11 =	vgt.f32 v1, $0.0e+00  }
0x1d8: {  	v1 =	vsel vm11, v1, v51;
	(erf) = vpow2.f32 v14  }
0x1d9: {  	s16 =	simm.s32 $0x93A0;
	v52 =	vmul.f32 $2.000000030e-01, v15;
	v1 =	vmul.f32 $1.442695020e+00, v1;
	v34 =	vpop (erf)  }
0x1da: {  	s19 =	simm.s32 $0x1700;
	vm1 =	vgt.f32 v15, $0.0e+00;
	[tilespmem:s16+$0x10] =	vst v34  }
0x1db: {  	v15 =	vsel vm1, v15, v52;
	(erf) = vpow2.f32 v1;
	v1 =	vld [tilespmem:s19+$0x40]  }
0x1dc: {  	v14 =	vmul.f32 $1.442695020e+00, v15  }
0x1dd: {  	s1 =	simm.s32 $0x180  }
0x1de: {  	(erf) = vpow2.f32 v14;
	v14 =	vor.u32 s1, v0  }
0x1df: {  	v53 =	vor.u32 s1, v4;
	v15 =	vperm.xlane v34, v3  }
0x1e0: {  	s21 =	simm.s32 $0x0;
	v54 =	vunpack.i.l.bf16.f32 v1  }
0x1e1: {  	v55 =	vor.u32 s21, v0;
	v56 =	vpop (erf);
	v1 =	vunpack.i.u.bf16.f32 v1;
	v17 =	vmul.f32 v15, v54  }
0x1e2: {  	s13 =	simm.s32 $0x80;
	s11 =	simm.s32 $0x100;
	v20 =	vor.u32 s21, v4;
	v21 =	vor.u32 s21, v6;
	[tilespmem:s16+$0xFFFFFFE0] =	vst v56;
	v1 =	vmul.f32 v15, v1  }
0x1e3: {  	v22 =	vor.u32 s13, v4;
	v24 =	vor.u32 s11, v0;
	v38 =	vor.u32 s13, v7;
	v25 =	vld [tilespmem:s19+$0xFFFFFF80];
	[tilespmem:v14+s5+$0x0] =	vst.idx.msk $0xffff, v17  }
0x1e4: {  	v33 =	vor.u32 s11, v6;
	v28 =	vor.u32 s11, v7;
	v39 =	vor.u32 s21, v7;
	[tilespmem:v53+s5+$0x0] =	vst.idx.msk $0xffff, v1  }
0x1e5: {  	v43 =	vor.u32 s21, v9;
	v40 =	vor.u32 s1, v6;
	v42 =	vor.u32 s1, v7;
	v29 =	vld [tilespmem:s19+$0x50]  }
0x1e6: {  	v47 =	vor.u32 s1, v10;
	v50 =	vor.u32 s11, v9;
	v41 =	vperm.xlane v34, v5;
	v23 =	vpop (erf)  }
0x1e7: {  	v51 =	vor.u32 s11, v10;
	v46 =	vperm.xlane v34, v8;
	v14 =	vperm.xlane v56, v3;
	[tilespmem:s16+$0xFFFFFFF0] =	vst v23  }
0x1e8: {  	v36 =	vperm.xlane v56, v5;
	v27 =	vpop (erf);
	v30 =	vld [tilespmem:s19+$0xFFFFFFC0];
	v31 =	vunpack.i.u.bf16.f32 v25;
	v25 =	vunpack.i.l.bf16.f32 v25  }
0x1e9: {  	v15 =	vor.u32 s13, v0;
	v44 =	vperm.xlane v56, v8;
	[tilespmem:s16+$0x0] =	vst v27;
	v25 =	vmul.f32 v14, v25  }
0x1ea: {  	v26 =	vperm.xlane v23, v3;
	v32 =	vld [tilespmem:s19+$0x0];
	v14 =	vmul.f32 v14, v31;
	v31 =	vunpack.i.l.bf16.f32 v29  }
0x1eb: {  	v37 =	vperm.xlane v23, v5;
	[tilespmem:v55+s5+$0x0] =	vst.idx.msk $0xffff, v25;
	v58 =	vunpack.i.u.bf16.f32 v29;
	v25 =	vmul.f32 v41, v31  }
0x1ec: {  	v17 =	vor.u32 s11, v4;
	v45 =	vperm.xlane v23, v8;
	[tilespmem:v20+s5+$0x0] =	vst.idx.msk $0xffff, v14;
	v14 =	vmul.f32 v41, v58  }
0x1ed: {  	s25 =	simm.s32 $0x89E0;
	v23 =	vperm.xlane v23, v11;
	v1 =	vor.u32 s13, v6;
	v29 =	vunpack.i.l.bf16.f32 v30;
	v60 =	vld [tilespmem:s19+$0xFFFFFF90];
	[tilespmem:v40+s5+$0x0] =	vst.idx.msk $0xffff, v25  }
0x1ee: {  	v57 =	vperm.xlane v27, v3;
	v59 =	vunpack.i.u.bf16.f32 v30;
	v29 =	vmul.f32 v26, v29;
	[tilespmem:v42+s5+$0x0] =	vst.idx.msk $0xffff, v14;
	v14 =	vld [tilespmem:s25+$0x10]  }
0x1ef: {  	s20 =	simm.s32 $0x7FE0;
	v35 =	vperm.xlane v27, v5;
	v18 =	vmul.f32 v26, v59;
	v20 =	vunpack.i.l.bf16.f32 v32;
	v61 =	vld [tilespmem:s19+$0x60]  }
0x1f0: {  	v62 =	vld [tilespmem:s20+$0x10];
	v30 =	vor.u32 s13, v10;
	v31 =	vperm.xlane v27, v8;
	v20 =	vmul.f32 v57, v20;
	[tilespmem:v15+s5+$0x0] =	vst.idx.msk $0xffff, v29  }
0x1f1: {  	v25 =	vunpack.i.u.bf16.f32 v32;
	v32 =	vor.u32 s13, v9;
	v29 =	vperm.xlane v56, v11;
	v56 =	vld [tilespmem:s25+$0xFFFFFFE0];
	[tilespmem:v22+s5+$0x0] =	vst.idx.msk $0xffff, v18  }
0x1f2: {  	v15 =	vmul.f32 v57, v25;
	v42 =	vor.u32 s21, v10;
	v57 =	vor.u32 s1, v9;
	v63 =	vld [tilespmem:s19+$0xFFFFFFD0]  }
0x1f3: {  	v52 =	vld [tilespmem:s25+$0x0];
	v22 =	vperm.xlane v27, v11;
	v26 =	vunpack.i.l.bf16.f32 v60;
	v14 =	vperm.xlane v14, v2  }
0x1f4: {  	v48 =	vld [tilespmem:s25+$0xFFFFFFF0];
	v27 =	vor.u32 s13, v12;
	v49 =	vmul.f32 v36, v26;
	v26 =	vunpack.i.l.bf16.f32 v61  }
0x1f5: {  	v59 =	vld [tilespmem:s20+$0xFFFFFFE0];
	v25 =	vunpack.i.u.bf16.f32 v60;
	v26 =	vmul.f32 v46, v26;
	v14 =	vadd.f32 v14, v62  }
0x1f6: {  	[tilespmem:v24+s5+$0x0] =	vst.idx.msk $0xffff, v20;
	v24 =	vor.u32 s11, v13;
	v60 =	vld [tilespmem:s20+$0x0];
	v58 =	vmul.f32 v36, v25;
	v40 =	vperm.xlane v56, v2  }
0x1f7: {  	v53 =	vld [tilespmem:s20+$0xFFFFFFF0];
	v16 =	vunpack.i.u.bf16.f32 v61;
	v25 =	vunpack.i.u.bf16.f32 v63;
	[tilespmem:v57+s5+$0x0] =	vst.idx.msk $0xffff, v26;
	v26 =	vmul.f32 $2.000000030e-01, v14  }
0x1f8: {  	v19 =	vunpack.i.l.bf16.f32 v63;
	v63 =	vperm.xlane v52, v2;
	[tilespmem:v21+s5+$0x0] =	vst.idx.msk $0xffff, v49;
	vm12 =	vgt.f32 v14, $0.0e+00  }
0x1f9: {  	v21 =	vperm.xlane v34, v11;
	v16 =	vmul.f32 v46, v16;
	v14 =	vsel vm12, v14, v26  }
0x1fa: {  	[tilespmem:v17+s5+$0x0] =	vst.idx.msk $0xffff, v15;
	v20 =	vadd.f32 v40, v59;
	v62 =	vperm.xlane v48, v2;
	v14 =	vmul.f32 $1.442695020e+00, v14  }
0x1fb: {  	v36 =	vor.u32 s21, v12;
	v19 =	vmul.f32 v37, v19;
	[tilespmem:v39+s5+$0x0] =	vst.idx.msk $0xffff, v58;
	v46 =	vadd.f32 v63, v60  }
0x1fc: {  	v15 =	vadd.f32 v62, v53;
	v53 =	vld [tilespmem:s19+$0xFFFFFFA0];
	[tilespmem:v47+s5+$0x0] =	vst.idx.msk $0xffff, v16;
	v47 =	vmul.f32 $2.000000030e-01, v20;
	(erf) = vpow2.f32 v14  }
0x1fd: {  	v61 =	vmul.f32 v37, v25;
	v25 =	vor.u32 s13, v13;
	vm13 =	vgt.f32 v20, $0.0e+00;
	v41 =	vld [tilespmem:s19+$0x70]  }
0x1fe: {  	v52 =	vmul.f32 $2.000000030e-01, v46;
	v48 =	vmul.f32 $2.000000030e-01, v15;
	v20 =	vsel vm13, v20, v47  }
0x1ff: {  	[tilespmem:v1+s5+$0x0] =	vst.idx.msk $0xffff, v19;
	v1 =	vld [tilespmem:s19+$0x10];
	vm15 =	vgt.f32 v46, $0.0e+00;
	vm14 =	vgt.f32 v15, $0.0e+00;
	v54 =	vmul.f32 $1.442695020e+00, v20  }
0x200: {  	v17 =	vsel vm15, v46, v52;
	v15 =	vsel vm14, v15, v48;
	v14 =	vor.u32 s1, v12  }
0x201: {  	[tilespmem:v38+s5+$0x0] =	vst.idx.msk $0xffff, v61;
	v15 =	vmul.f32 $1.442695020e+00, v15;
	v16 =	vunpack.i.l.bf16.f32 v53;
	(erf) = vpow2.f32 v54  }
0x202: {  	v20 =	vld [tilespmem:s19+$0xFFFFFFE0];
	v17 =	vmul.f32 $1.442695020e+00, v17;
	v16 =	vmul.f32 v44, v16;
	v49 =	vunpack.i.l.bf16.f32 v41  }
0x203: {  	v57 =	vor.u32 s1, v13;
	(erf) = vpow2.f32 v15;
	v55 =	vmul.f32 v21, v49  }
0x204: {  	s0 =	simm.s32 $0x200;
	v15 =	vunpack.i.u.bf16.f32 v1;
	v1 =	vunpack.i.l.bf16.f32 v1;
	(erf) = vpow2.f32 v17;
	[tilespmem:v43+s5+$0x0] =	vst.idx.msk $0xffff, v16  }
0x205: {  	s25 =	simm.s32 $0x93E0;
	s13 =	simm.s32 $0x380;
	v60 =	vor.u32 s0, v6;
	v56 =	vunpack.i.u.bf16.f32 v41;
	v1 =	vmul.f32 v35, v1;
	[tilespmem:v14+s5+$0x0] =	vst.idx.msk $0xffff, v55;
	v34 =	vpop (erf)  }
0x206: {  	s20 =	simm.s32 $0x1800;
	v37 =	vor.u32 s13, v0;
	v40 =	vor.u32 s13, v4;
	v19 =	vmul.f32 v21, v56;
	[tilespmem:s25+$0x10] =	vst v34  }
0x207: {  	v26 =	vor.u32 s11, v12;
	s11 =	simm.s32 $0x280;
	v15 =	vmul.f32 v35, v15;
	v21 =	vunpack.i.l.bf16.f32 v20;
	[tilespmem:v33+s5+$0x0] =	vst.idx.msk $0xffff, v1;
	v59 =	vld [tilespmem:s20+$0x40]  }
0x208: {  	v18 =	vor.u32 s11, v0;
	v47 =	vor.u32 s11, v6;
	v21 =	vmul.f32 v45, v21;
	[tilespmem:v57+s5+$0x0] =	vst.idx.msk $0xffff, v19  }
0x209: {  	v48 =	vor.u32 s11, v7;
	v58 =	vunpack.i.u.bf16.f32 v53;
	v20 =	vunpack.i.u.bf16.f32 v20;
	[tilespmem:v28+s5+$0x0] =	vst.idx.msk $0xffff, v15  }
0x20a: {  	v17 =	vmul.f32 v44, v58;
	v35 =	vor.u32 s21, v13;
	v20 =	vmul.f32 v45, v20;
	[tilespmem:v32+s5+$0x0] =	vst.idx.msk $0xffff, v21;
	v52 =	vpop (erf)  }
0x20b: {  	v44 =	vor.u32 s0, v4;
	s21 =	simm.s32 $0x300;
	v43 =	vor.u32 s11, v10;
	v62 =	vperm.xlane v34, v3;
	[tilespmem:s25+$0xFFFFFFE0] =	vst v52  }
0x20c: {  	v53 =	vor.u32 s21, v4;
	v14 =	vor.u32 s0, v0;
	[tilespmem:v30+s5+$0x0] =	vst.idx.msk $0xffff, v20;
	v54 =	vpop (erf);
	v46 =	vld [tilespmem:s20+$0xFFFFFF80];
	v63 =	vunpack.i.l.bf16.f32 v59  }
0x20d: {  	v20 =	vperm.xlane v34, v5;
	[tilespmem:s25+$0xFFFFFFF0] =	vst v54;
	v57 =	vpop (erf);
	v38 =	vunpack.i.u.bf16.f32 v59;
	v39 =	vmul.f32 v62, v63  }
0x20e: {  	v1 =	vor.u32 s21, v0;
	v45 =	vperm.xlane v52, v3;
	v56 =	vld [tilespmem:s20+$0xFFFFFFC0];
	[tilespmem:s25+$0x0] =	vst v57;
	v33 =	vmul.f32 v62, v38  }
0x20f: {  	v19 =	vor.u32 s11, v4;
	v55 =	vperm.xlane v54, v3;
	v49 =	vperm.xlane v54, v5;
	[tilespmem:v37+s5+$0x0] =	vst.idx.msk $0xffff, v39  }
0x210: {  	v15 =	vor.u32 s0, v7;
	v58 =	vperm.xlane v57, v3;
	v41 =	vperm.xlane v57, v5;
	v61 =	vld [tilespmem:s20+$0x0];
	[tilespmem:v40+s5+$0x0] =	vst.idx.msk $0xffff, v33  }
0x211: {  	v28 =	vperm.xlane v57, v8;
	v16 =	vunpack.i.u.bf16.f32 v46;
	v46 =	vunpack.i.l.bf16.f32 v46;
	v33 =	vld [tilespmem:s20+$0x50]  }
0x212: {  	[tilespmem:v42+s5+$0x0] =	vst.idx.msk $0xffff, v17;
	v59 =	vperm.xlane v52, v5;
	v38 =	vor.u32 s21, v7;
	v42 =	vmul.f32 v45, v46  }
0x213: {  	v62 =	vunpack.i.u.bf16.f32 v56;
	v63 =	vunpack.i.l.bf16.f32 v56;
	v56 =	vor.u32 s13, v6  }
0x214: {  	v16 =	vmul.f32 v45, v16;
	v45 =	vor.u32 s13, v7;
	v46 =	vor.u32 s0, v9  }
0x215: {  	v37 =	vperm.xlane v54, v8;
	v21 =	vunpack.i.u.bf16.f32 v61;
	[tilespmem:v14+s5+$0x0] =	vst.idx.msk $0xffff, v42;
	v14 =	vmul.f32 v55, v63;
	v63 =	vld [tilespmem:s19+$0xFFFFFFB0]  }
0x216: {  	v17 =	vld [tilespmem:s19+$0x20];
	v32 =	vunpack.i.l.bf16.f32 v61;
	v55 =	vmul.f32 v55, v62;
	[tilespmem:v44+s5+$0x0] =	vst.idx.msk $0xffff, v16;
	v30 =	vunpack.i.l.bf16.f32 v33  }
0x217: {  	v40 =	vperm.xlane v52, v8;
	v62 =	vld [tilespmem:s20+$0xFFFFFF90];
	[tilespmem:v18+s5+$0x0] =	vst.idx.msk $0xffff, v14;
	v61 =	vunpack.i.u.bf16.f32 v33;
	v30 =	vmul.f32 v20, v30  }
0x218: {  	v39 =	vor.u32 s21, v6;
	v42 =	vperm.xlane v52, v11;
	[tilespmem:v19+s5+$0x0] =	vst.idx.msk $0xffff, v55;
	v61 =	vmul.f32 v20, v61  }
0x219: {  	v16 =	vmul.f32 v58, v32;
	v44 =	vor.u32 s11, v9;
	v14 =	vmul.f32 v58, v21;
	v21 =	vld [tilespmem:s19+$0xFFFFFFF0];
	[tilespmem:v56+s5+$0x0] =	vst.idx.msk $0xffff, v30  }
0x21a: {  	v32 =	vperm.xlane v54, v11;
	v58 =	vor.u32 s13, v10;
	v52 =	vld [tilespmem:s20+$0xFFFFFFD0];
	v54 =	vunpack.i.l.bf16.f32 v63;
	[tilespmem:v45+s5+$0x0] =	vst.idx.msk $0xffff, v61  }
0x21b: {  	v33 =	vperm.xlane v57, v11;
	v20 =	vunpack.i.u.bf16.f32 v17;
	v17 =	vunpack.i.l.bf16.f32 v17;
	v18 =	vld [tilespmem:s20+$0x60]  }
0x21c: {  	s31 =	simm.s32 $0x8A20;
	[tilespmem:v1+s5+$0x0] =	vst.idx.msk $0xffff, v16;
	v1 =	vunpack.i.u.bf16.f32 v62;
	v62 =	vunpack.i.l.bf16.f32 v62;
	v17 =	vmul.f32 v31, v17  }
0x21d: {  	v55 =	vld [tilespmem:s31+$0x10];
	[tilespmem:v53+s5+$0x0] =	vst.idx.msk $0xffff, v14;
	v57 =	vor.u32 s13, v9;
	v20 =	vmul.f32 v31, v20;
	v14 =	vmul.f32 v59, v62  }
0x21e: {  	s28 =	simm.s32 $0x8020;
	v53 =	vld [tilespmem:s31+$0xFFFFFFE0];
	v31 =	vor.u32 s21, v10;
	v1 =	vmul.f32 v59, v1;
	v62 =	vperm.xlane v34, v8;
	[tilespmem:v50+s5+$0x0] =	vst.idx.msk $0xffff, v17  }
0x21f: {  	v30 =	vor.u32 s21, v9;
	v56 =	vunpack.i.u.bf16.f32 v63;
	v63 =	vunpack.i.u.bf16.f32 v52;
	v61 =	vld [tilespmem:s28+$0x10];
	[tilespmem:v60+s5+$0x0] =	vst.idx.msk $0xffff, v14  }
0x220: {  	v59 =	vld [tilespmem:s31+$0xFFFFFFF0];
	v45 =	vor.u32 s0, v10;
	v50 =	vunpack.i.u.bf16.f32 v21;
	[tilespmem:v51+s5+$0x0] =	vst.idx.msk $0xffff, v20;
	v16 =	vunpack.i.l.bf16.f32 v18  }
0x221: {  	s16 =	simm.s32 $0xC;
	s1 =	simm.s32 $0x8;
	v60 =	vld [tilespmem:s31+$0x0];
	v51 =	vunpack.i.l.bf16.f32 v21;
	[tilespmem:v15+s5+$0x0] =	vst.idx.msk $0xffff, v1;
	v14 =	vunpack.i.u.bf16.f32 v18;
	v1 =	vmul.f32 v62, v16  }
.LBB2_7:
0x222: {  	p1 =	slt.u32 s16, $0x4C;
	v15 =	vld [tilespmem:s28+$0xFFFFFFF0];
	v16 =	vperm.xlane v55, v2;
	v17 =	vunpack.i.l.bf16.f32 v52;
	v14 =	vmul.f32 v62, v14  }
0x223: {  	v55 =	vor.u32 s11, v12;
	v18 =	vperm.xlane v53, v2;
	v19 =	vld [tilespmem:s28+$0x0];
	v17 =	vmul.f32 v49, v17;
	[tilespmem:v57+s5+$0x0] =	vst.idx.msk $0xffff, v1  }
0x224: {  	v20 =	vmul.f32 v49, v63;
	v53 =	vor.u32 s11, v13;
	v1 =	vld [tilespmem:s28+$0xFFFFFFE0];
	v16 =	vadd.f32 v16, v61;
	[tilespmem:v58+s5+$0x0] =	vst.idx.msk $0xffff, v14  }
0x225: {  	v52 =	vor.u32 s21, v12;
	v21 =	vmul.f32 v29, v54;
	v14 =	vperm.xlane v59, v2;
	[tilespmem:v47+s5+$0x0] =	vst.idx.msk $0xffff, v17;
	v17 =	vld [tilespmem:s20+$0x70]  }
0x226: {  	v54 =	vor.u32 s21, v13;
	v47 =	vperm.xlane v60, v2;
	v49 =	vmul.f32 $2.000000030e-01, v16;
	[tilespmem:v48+s5+$0x0] =	vst.idx.msk $0xffff, v20;
	v20 =	vld [tilespmem:s20+$0x10]  }
0x227: {  	vm0 =	vgt.f32 v16, $0.0e+00;
	v14 =	vadd.f32 v14, v15;
	v15 =	vld [tilespmem:s20+$0xFFFFFFA0];
	[tilespmem:v36+s5+$0x0] =	vst.idx.msk $0xffff, v21;
	v21 =	vmul.f32 v29, v56  }
0x228: {  	v29 =	vmovc v42;
	v19 =	vadd.f32 v47, v19;
	v16 =	vsel vm0, v16, v49;
	v36 =	vld [tilespmem:s20+$0xFFFFFFE0];
	v47 =	vor.u32 s13, v12  }
0x229: {  	v34 =	vperm.xlane v34, v11;
	v42 =	vor.u32 s13, v13;
	v16 =	vmul.f32 $1.442695020e+00, v16;
	[tilespmem:v35+s5+$0x0] =	vst.idx.msk $0xffff, v21;
	v21 =	vld [tilespmem:s19+$0x30];
	s19 =	smov.u32 s20  }
0x22a: {  	v1 =	vadd.f32 v18, v1;
	v18 =	vmul.f32 $2.000000030e-01, v14;
	v35 =	vunpack.i.l.bf16.f32 v17  }
0x22b: {  	(erf) = vpow2.f32 v16;
	v16 =	vunpack.i.u.bf16.f32 v17;
	v17 =	vmul.f32 v34, v35  }
0x22c: {  	vm0 =	vgt.f32 v1, $0.0e+00;
	v35 =	vmul.f32 $2.000000030e-01, v1;
	v16 =	vmul.f32 v34, v16  }
0x22d: {  	vm1 =	vgt.f32 v14, $0.0e+00;
	vm2 =	vgt.f32 v19, $0.0e+00;
	v34 =	vmul.f32 $2.000000030e-01, v19;
	[tilespmem:v47+s5+$0x0] =	vst.idx.msk $0xffff, v17  }
0x22e: {  	v14 =	vsel vm1, v14, v18;
	v1 =	vsel vm0, v1, v35;
	v17 =	vunpack.i.u.bf16.f32 v20;
	[tilespmem:v42+s5+$0x0] =	vst.idx.msk $0xffff, v16  }
0x22f: {  	v14 =	vmul.f32 $1.442695020e+00, v14;
	v1 =	vmul.f32 $1.442695020e+00, v1;
	v16 =	vsel vm2, v19, v34  }
0x230: {  	v18 =	vunpack.i.l.bf16.f32 v20;
	v17 =	vmul.f32 v41, v17;
	v16 =	vmul.f32 $1.442695020e+00, v16  }
0x231: {  	v18 =	vmul.f32 v41, v18;
	(erf) = vpow2.f32 v1;
	v1 =	vunpack.i.u.bf16.f32 v15  }
0x232: {  	(erf) = vpow2.f32 v14;
	v14 =	vunpack.i.l.bf16.f32 v15;
	v15 =	vunpack.i.u.bf16.f32 v36  }
0x233: {  	(erf) = vpow2.f32 v16;
	v14 =	vmul.f32 v40, v14;
	v16 =	vunpack.i.l.bf16.f32 v36;
	[tilespmem:v39+s5+$0x0] =	vst.idx.msk $0xffff, v18  }
0x234: {  	s25 =	sadd.s32 $0x40, s25;
	v1 =	vmul.f32 v40, v1;
	v34 =	vpop (erf);
	v16 =	vmul.f32 v37, v16;
	[tilespmem:v38+s5+$0x0] =	vst.idx.msk $0xffff, v17;
	v17 =	vunpack.i.u.bf16.f32 v21  }
0x235: {  	s20 =	sadd.s32 $0x100, s20;
	v19 =	vmul.f32 v23, v51;
	v20 =	vunpack.i.l.bf16.f32 v21;
	v15 =	vmul.f32 v37, v15;
	[tilespmem:s25+$0x10] =	vst v34;
	v18 =	vld [tilespmem:s19+$0x20]  }
0x236: {  	v20 =	vmul.f32 v22, v20;
	v36 =	vor.u32 s0, v12;
	v21 =	vld [tilespmem:s20+$0x40];
	[tilespmem:v46+s5+$0x0] =	vst.idx.msk $0xffff, v14;
	v14 =	vmul.f32 v23, v50  }
0x237: {  	v35 =	vor.u32 s0, v13;
	s0 =	sshll.u32 s1, $0x7;
	s1 =	smov.u32 s16;
	v23 =	vmovc v32;
	[tilespmem:v45+s5+$0x0] =	vst.idx.msk $0xffff, v1;
	v1 =	vmul.f32 v22, v17;
	v22 =	vmov v33  }
0x238: {  	s11 =	sadd.s32 $0x80, s0;
	s21 =	sadd.s32 $0x100, s0;
	s13 =	sadd.s32 $0x180, s0;
	v32 =	vor.u32 s0, v4;
	v50 =	vor.u32 s0, v6;
	v17 =	vor.u32 s0, v0;
	v51 =	vld [tilespmem:s19+$0xFFFFFFB0];
	[tilespmem:v44+s5+$0x0] =	vst.idx.msk $0xffff, v16  }
0x239: {  	v37 =	vor.u32 s13, v0;
	v33 =	vor.u32 s11, v4;
	v16 =	vor.u32 s11, v0;
	[tilespmem:v43+s5+$0x0] =	vst.idx.msk $0xffff, v15  }
0x23a: {  	v38 =	vperm.xlane v34, v3;
	v40 =	vor.u32 s13, v4;
	v15 =	vor.u32 s21, v0;
	v42 =	vpop (erf);
	v60 =	vld [tilespmem:s19+$0xFFFFFFF0];
	[tilespmem:v27+s5+$0x0] =	vst.idx.msk $0xffff, v19  }
0x23b: {  	v57 =	vor.u32 s21, v4;
	[tilespmem:s25+$0xFFFFFFE0] =	vst v42;
	v19 =	vperm.xlane v42, v3;
	v41 =	vunpack.i.l.bf16.f32 v21;
	v56 =	vpop (erf)  }
0x23c: {  	v21 =	vunpack.i.u.bf16.f32 v21;
	v43 =	vld [tilespmem:s20+$0xFFFFFF80];
	[tilespmem:s25+$0xFFFFFFF0] =	vst v56;
	v44 =	vperm.xlane v56, v3;
	v39 =	vmul.f32 v38, v41;
	v58 =	vpop (erf)  }
0x23d: {  	v47 =	vor.u32 s11, v6;
	v27 =	vmovc v55;
	v21 =	vmul.f32 v38, v21;
	v45 =	vld [tilespmem:s20+$0xFFFFFFC0];
	[tilespmem:s25+$0x0] =	vst v58;
	v46 =	vperm.xlane v58, v3  }
0x23e: {  	v48 =	vor.u32 s11, v7;
	v59 =	vperm.xlane v42, v5;
	v49 =	vperm.xlane v56, v5;
	v55 =	vld [tilespmem:s20+$0x0];
	[tilespmem:v37+s5+$0x0] =	vst.idx.msk $0xffff, v39  }
0x23f: {  	v38 =	vor.u32 s21, v7;
	v41 =	vperm.xlane v58, v5;
	v39 =	vor.u32 s21, v6;
	[tilespmem:v40+s5+$0x0] =	vst.idx.msk $0xffff, v21  }
0x240: {  	v37 =	vperm.xlane v56, v8;
	v21 =	vor.u32 s0, v7;
	v40 =	vperm.xlane v42, v8;
	v61 =	vld [tilespmem:s20+$0x50];
	[tilespmem:v25+s5+$0x0] =	vst.idx.msk $0xffff, v14  }
0x241: {  	v62 =	vperm.xlane v58, v8;
	v25 =	vmovc v53;
	v14 =	vunpack.i.u.bf16.f32 v43;
	v43 =	vunpack.i.l.bf16.f32 v43;
	[tilespmem:v26+s5+$0x0] =	vst.idx.msk $0xffff, v20  }
0x242: {  	v26 =	vmovc v52;
	v20 =	vmul.f32 v19, v43;
	v43 =	vunpack.i.u.bf16.f32 v45;
	v45 =	vunpack.i.l.bf16.f32 v45;
	[tilespmem:v24+s5+$0x0] =	vst.idx.msk $0xffff, v1  }
0x243: {  	v53 =	vor.u32 s13, v6;
	v24 =	vmovc v54;
	v1 =	vunpack.i.u.bf16.f32 v55;
	v52 =	vunpack.i.l.bf16.f32 v55  }
0x244: {  	v14 =	vmul.f32 v19, v14;
	v19 =	vor.u32 s13, v7;
	[tilespmem:v17+s5+$0x0] =	vst.idx.msk $0xffff, v20;
	v17 =	vperm.xlane v34, v5  }
0x245: {  	v54 =	vmul.f32 v44, v43;
	v20 =	vmul.f32 v44, v45;
	v43 =	vunpack.i.l.bf16.f32 v61  }
0x246: {  	[tilespmem:v32+s5+$0x0] =	vst.idx.msk $0xffff, v14;
	v14 =	vmul.f32 v46, v52;
	v32 =	vunpack.i.u.bf16.f32 v61;
	v43 =	vmul.f32 v17, v43  }
0x247: {  	v1 =	vmul.f32 v46, v1;
	v61 =	vld [tilespmem:s20+$0xFFFFFF90];
	[tilespmem:v16+s5+$0x0] =	vst.idx.msk $0xffff, v20;
	v16 =	vmul.f32 v17, v32;
	v17 =	vunpack.i.u.bf16.f32 v18  }
0x248: {  	v44 =	vor.u32 s11, v9;
	v18 =	vunpack.i.l.bf16.f32 v18;
	[tilespmem:v53+s5+$0x0] =	vst.idx.msk $0xffff, v43;
	v17 =	vmul.f32 v28, v17  }
0x249: {  	v20 =	vor.u32 s21, v9;
	v43 =	vor.u32 s11, v10;
	[tilespmem:v19+s5+$0x0] =	vst.idx.msk $0xffff, v16;
	v16 =	vmul.f32 v28, v18;
	v28 =	vmovc v62  }
0x24a: {  	v45 =	vor.u32 s0, v10;
	v46 =	vor.u32 s0, v9;
	v18 =	vor.u32 s21, v10;
	[tilespmem:v33+s5+$0x0] =	vst.idx.msk $0xffff, v54;
	v19 =	vld [tilespmem:s20+$0x60]  }
0x24b: {  	s31 =	sadd.s32 $0x40, s31;
	v42 =	vperm.xlane v42, v11;
	v32 =	vperm.xlane v56, v11;
	v56 =	vunpack.i.u.bf16.f32 v51;
	v52 =	vld [tilespmem:s20+$0xFFFFFFD0];
	[tilespmem:v15+s5+$0x0] =	vst.idx.msk $0xffff, v14  }
.Ltmp4:
0x24c: {  	v33 =	vperm.xlane v58, v11;
	v55 =	vld [tilespmem:s31+$0x10];
	v14 =	vunpack.i.u.bf16.f32 v61;
	v15 =	vunpack.i.l.bf16.f32 v61;
	[tilespmem:v57+s5+$0x0] =	vst.idx.msk $0xffff, v1;
	(pc) =	sbr.rel @p1 .LBB2_7-.Ltmp4, $4  }
0x24d: {  	s28 =	sadd.s32 $0x40, s28;
	v57 =	vor.u32 s13, v9;
	v53 =	vld [tilespmem:s31+$0xFFFFFFE0];
	v1 =	vmul.f32 v59, v15;
	v14 =	vmul.f32 v59, v14;
	[tilespmem:v30+s5+$0x0] =	vst.idx.msk $0xffff, v16  }
0x24e: {  	v62 =	vperm.xlane v34, v8;
	v58 =	vor.u32 s13, v10;
	v54 =	vunpack.i.l.bf16.f32 v51;
	v30 =	vmovc v20;
	v61 =	vld [tilespmem:s28+$0x10];
	[tilespmem:v31+s5+$0x0] =	vst.idx.msk $0xffff, v17  }
0x24f: {  	v51 =	vunpack.i.l.bf16.f32 v60;
	v31 =	vmovc v18;
	v59 =	vld [tilespmem:s31+$0xFFFFFFF0];
	[tilespmem:v50+s5+$0x0] =	vst.idx.msk $0xffff, v1;
	v1 =	vunpack.i.l.bf16.f32 v19;
	v50 =	vunpack.i.u.bf16.f32 v60  }
0x250: {  	s16 =	sadd.s32 $0x4, s16;
	v60 =	vld [tilespmem:s31+$0x0];
	[tilespmem:v21+s5+$0x0] =	vst.idx.msk $0xffff, v14;
	v63 =	vunpack.i.u.bf16.f32 v52;
	v14 =	vunpack.i.u.bf16.f32 v19;
	v1 =	vmul.f32 v62, v1  }
0x251: {  	v15 =	vperm.xlane v55, v2;
	_ =	sdelay $0x1  }
0x252: {  	v15 =	vadd.f32 v15, v61  }
0x253: {  	v19 =	vld [tilespmem:s28+$0xFFFFFFE0]  }
0x254: {  	v16 =	vmul.f32 $2.000000030e-01, v15  }
0x255: {  	v61 =	vld [tilespmem:s28+$0x0];
	vm0 =	vgt.f32 v15, $0.0e+00  }
0x256: {  	v18 =	vperm.xlane v53, v2;
	v15 =	vsel vm0, v15, v16  }
0x257: {  	[tilespmem:v57+s5+$0x0] =	vst.idx.msk $0xffff, v1;
	v1 =	vmul.f32 $1.442695020e+00, v15  }
0x258: {  	v14 =	vmul.f32 v62, v14;
	v20 =	vperm.xlane v60, v2;
	v18 =	vadd.f32 v18, v19  }
0x259: {  	v17 =	vld [tilespmem:s28+$0xFFFFFFF0];
	(erf) = vpow2.f32 v1  }
0x25a: {  	[tilespmem:v58+s5+$0x0] =	vst.idx.msk $0xffff, v14;
	v15 =	vunpack.i.l.bf16.f32 v52;
	v16 =	vadd.f32 v20, v61;
	v61 =	vmul.f32 $2.000000030e-01, v18  }
0x25b: {  	v21 =	vmul.f32 v49, v63;
	vm7 =	vgt.f32 v18, $0.0e+00;
	v14 =	vmul.f32 v49, v15;
	v15 =	vld [tilespmem:s20+$0x70]  }
0x25c: {  	v62 =	vmul.f32 v29, v54;
	v1 =	vperm.xlane v59, v2;
	v18 =	vsel vm7, v18, v61  }
0x25d: {  	v63 =	vmul.f32 v29, v56;
	v18 =	vmul.f32 $1.442695020e+00, v18  }
0x25e: {  	v29 =	vperm.xlane v34, v11;
	v57 =	vld [tilespmem:s20+$0x10];
	v58 =	vor.u32 s13, v13;
	[tilespmem:v36+s5+$0x0] =	vst.idx.msk $0xffff, v62;
	v1 =	vadd.f32 v1, v17  }
0x25f: {  	v20 =	vor.u32 s13, v12;
	v52 =	vmul.f32 v23, v51;
	[tilespmem:v47+s5+$0x0] =	vst.idx.msk $0xffff, v14;
	(erf) = vpow2.f32 v18  }
0x260: {  	[tilespmem:v48+s5+$0x0] =	vst.idx.msk $0xffff, v21;
	v21 =	vld [tilespmem:s20+$0xFFFFFFA0];
	v59 =	vmul.f32 $2.000000030e-01, v1;
	v60 =	vunpack.i.l.bf16.f32 v15;
	v15 =	vunpack.i.u.bf16.f32 v15  }
0x261: {  	[tilespmem:v35+s5+$0x0] =	vst.idx.msk $0xffff, v63;
	vm1 =	vgt.f32 v1, $0.0e+00;
	v14 =	vmul.f32 v29, v15;
	v15 =	vmul.f32 $2.000000030e-01, v16  }
0x262: {  	s25 =	sadd.s32 $0x40, s25;
	vm2 =	vgt.f32 v16, $0.0e+00;
	[tilespmem:v27+s5+$0x0] =	vst.idx.msk $0xffff, v52;
	v53 =	vmul.f32 v29, v60;
	v29 =	vld [tilespmem:s20+$0xFFFFFFE0];
	v1 =	vsel vm1, v1, v59;
	v36 =	vpop (erf)  }
0x263: {  	v63 =	vunpack.i.l.bf16.f32 v57;
	s13 =	sadd.s32 $0x100, s20;
	v15 =	vsel vm2, v16, v15;
	v1 =	vmul.f32 $1.442695020e+00, v1;
	[tilespmem:s25+$0x10] =	vst v36  }
0x264: {  	v62 =	vunpack.i.u.bf16.f32 v57;
	v17 =	vmul.f32 v41, v63;
	[tilespmem:v20+s5+$0x0] =	vst.idx.msk $0xffff, v53;
	v15 =	vmul.f32 $1.442695020e+00, v15;
	v35 =	vld [tilespmem:s13+$0x40]  }
0x265: {  	s1 =	sshll.u32 s1, $0x7;
	v16 =	vmul.f32 v41, v62;
	[tilespmem:v58+s5+$0x0] =	vst.idx.msk $0xffff, v14;
	v14 =	vunpack.i.l.bf16.f32 v21;
	(erf) = vpow2.f32 v1  }
0x266: {  	s16 =	sadd.s32 $0x180, s1;
	[tilespmem:v39+s5+$0x0] =	vst.idx.msk $0xffff, v17;
	v1 =	vunpack.i.u.bf16.f32 v21;
	v14 =	vmul.f32 v40, v14;
	(erf) = vpow2.f32 v15  }
0x267: {  	v41 =	vor.u32 s16, v0;
	[tilespmem:v38+s5+$0x0] =	vst.idx.msk $0xffff, v16;
	v15 =	vunpack.i.l.bf16.f32 v29;
	v1 =	vmul.f32 v40, v1  }
0x268: {  	v47 =	vld [tilespmem:s19+$0x30];
	v20 =	vor.u32 s16, v4;
	v48 =	vperm.xlane v36, v3;
	v15 =	vmul.f32 v37, v15;
	[tilespmem:v46+s5+$0x0] =	vst.idx.msk $0xffff, v14  }
0x269: {  	[tilespmem:v45+s5+$0x0] =	vst.idx.msk $0xffff, v1;
	v14 =	vunpack.i.l.bf16.f32 v35  }
0x26a: {  	v53 =	vmul.f32 v23, v50;
	v23 =	vpop (erf);
	[tilespmem:v44+s5+$0x0] =	vst.idx.msk $0xffff, v15;
	v1 =	vunpack.i.u.bf16.f32 v35;
	v14 =	vmul.f32 v48, v14  }
0x26b: {  	v49 =	vunpack.i.u.bf16.f32 v29;
	[tilespmem:s25+$0xFFFFFFE0] =	vst v23;
	v1 =	vmul.f32 v48, v1  }
0x26c: {  	v15 =	vmul.f32 v37, v49;
	v54 =	vld [tilespmem:s13+$0xFFFFFF80];
	[tilespmem:v41+s5+$0x0] =	vst.idx.msk $0xffff, v14  }
0x26d: {  	v34 =	vor.u32 s21, v12;
	v14 =	vunpack.i.u.bf16.f32 v47;
	[tilespmem:v20+s5+$0x0] =	vst.idx.msk $0xffff, v1;
	v1 =	vunpack.i.l.bf16.f32 v47  }
0x26e: {  	v55 =	vor.u32 s16, v6;
	s19 =	sadd.s32 $0x100, s1;
	[tilespmem:v43+s5+$0x0] =	vst.idx.msk $0xffff, v15;
	v14 =	vmul.f32 v22, v14;
	v15 =	vld [tilespmem:s13+$0x50];
	v1 =	vmul.f32 v22, v1;
	v22 =	vpop (erf)  }
0x26f: {  	v19 =	vor.u32 s0, v13;
	v56 =	vor.u32 s19, v0;
	v20 =	vor.u32 s1, v0;
	[tilespmem:s25+$0xFFFFFFF0] =	vst v22;
	v27 =	vpop (erf)  }
0x270: {  	v17 =	vor.u32 s0, v12;
	s0 =	sadd.s32 $0x80, s1;
	v21 =	vor.u32 s1, v4;
	v60 =	vperm.xlane v23, v3;
	v57 =	vld [tilespmem:s13+$0xFFFFFFC0];
	[tilespmem:s25+$0x0] =	vst v27  }
0x271: {  	v39 =	vor.u32 s0, v4;
	v59 =	vor.u32 s16, v7;
	[tilespmem:v26+s5+$0x0] =	vst.idx.msk $0xffff, v1;
	v26 =	vunpack.i.l.bf16.f32 v54  }
0x272: {  	[tilespmem:v25+s5+$0x0] =	vst.idx.msk $0xffff, v53;
	v58 =	vperm.xlane v36, v5;
	v16 =	vunpack.i.u.bf16.f32 v54;
	v63 =	vld [tilespmem:s13+$0x0];
	v26 =	vmul.f32 v60, v26  }
0x273: {  	v38 =	vor.u32 s0, v0;
	v16 =	vmul.f32 v60, v16;
	[tilespmem:v24+s5+$0x0] =	vst.idx.msk $0xffff, v14;
	v62 =	vunpack.i.l.bf16.f32 v15  }
0x274: {  	v25 =	vperm.xlane v22, v3;
	v14 =	vld [tilespmem:s20+$0x20];
	v1 =	vunpack.i.u.bf16.f32 v15;
	[tilespmem:v20+s5+$0x0] =	vst.idx.msk $0xffff, v26;
	v15 =	vmul.f32 v58, v62  }
0x275: {  	v61 =	vor.u32 s19, v4;
	v1 =	vmul.f32 v58, v1;
	[tilespmem:v21+s5+$0x0] =	vst.idx.msk $0xffff, v16;
	v51 =	vunpack.i.l.bf16.f32 v57  }
0x276: {  	v24 =	vperm.xlane v27, v3;
	v43 =	vunpack.i.u.bf16.f32 v57;
	[tilespmem:v55+s5+$0x0] =	vst.idx.msk $0xffff, v15;
	v20 =	vmul.f32 v25, v51  }
0x277: {  	v50 =	vor.u32 s0, v6;
	v53 =	vunpack.i.l.bf16.f32 v63;
	v25 =	vmul.f32 v25, v43;
	v55 =	vld [tilespmem:s13+$0xFFFFFF90];
	[tilespmem:v59+s5+$0x0] =	vst.idx.msk $0xffff, v1  }
0x278: {  	v29 =	vor.u32 s11, v13;
	v52 =	vunpack.i.u.bf16.f32 v63;
	v21 =	vmul.f32 v24, v53;
	v26 =	vld [tilespmem:s13+$0x60];
	[tilespmem:v38+s5+$0x0] =	vst.idx.msk $0xffff, v20  }
0x279: {  	v20 =	vmul.f32 v24, v52;
	v24 =	vunpack.i.u.bf16.f32 v14;
	v14 =	vunpack.i.l.bf16.f32 v14;
	[tilespmem:v39+s5+$0x0] =	vst.idx.msk $0xffff, v25  }
0x27a: {  	v37 =	vor.u32 s1, v6;
	v44 =	vperm.xlane v23, v11;
	v14 =	vmul.f32 v28, v14;
	[tilespmem:v56+s5+$0x0] =	vst.idx.msk $0xffff, v21  }
0x27b: {  	v15 =	vperm.xlane v23, v5;
	v25 =	vor.u32 s16, v9;
	v24 =	vmul.f32 v28, v24;
	[tilespmem:v61+s5+$0x0] =	vst.idx.msk $0xffff, v20  }
0x27c: {  	v21 =	vperm.xlane v36, v8;
	v56 =	vor.u32 s16, v10;
	v38 =	vld [tilespmem:s13+$0xFFFFFFD0];
	[tilespmem:v30+s5+$0x0] =	vst.idx.msk $0xffff, v14;
	v59 =	vunpack.i.l.bf16.f32 v55  }
0x27d: {  	v28 =	vor.u32 s1, v7;
	[tilespmem:v31+s5+$0x0] =	vst.idx.msk $0xffff, v24;
	v31 =	vmul.f32 v15, v59;
	v20 =	vunpack.i.l.bf16.f32 v26  }
0x27e: {  	v54 =	vor.u32 s0, v7;
	v14 =	vunpack.i.u.bf16.f32 v26;
	v26 =	vld [tilespmem:s13+$0x10];
	v20 =	vmul.f32 v21, v20  }
0x27f: {  	v60 =	vperm.xlane v27, v8;
	v24 =	vunpack.i.u.bf16.f32 v55;
	v14 =	vmul.f32 v21, v14;
	[tilespmem:v37+s5+$0x0] =	vst.idx.msk $0xffff, v31  }
0x280: {  	v58 =	vor.u32 s19, v6;
	v1 =	vperm.xlane v22, v5;
	v30 =	vld [tilespmem:s20+$0xFFFFFFB0];
	v15 =	vmul.f32 v15, v24;
	[tilespmem:v25+s5+$0x0] =	vst.idx.msk $0xffff, v20  }
0x281: {  	v57 =	vperm.xlane v27, v5;
	v21 =	vor.u32 s19, v7;
	v24 =	vunpack.i.l.bf16.f32 v38;
	[tilespmem:v56+s5+$0x0] =	vst.idx.msk $0xffff, v14  }
0x282: {  	[tilespmem:v28+s5+$0x0] =	vst.idx.msk $0xffff, v15;
	v28 =	vperm.xlane v36, v11;
	v25 =	vunpack.i.u.bf16.f32 v38;
	v24 =	vmul.f32 v1, v24;
	v31 =	vld [tilespmem:s13+$0x70]  }
0x283: {  	v20 =	vperm.xlane v23, v8;
	v61 =	vld [tilespmem:s13+$0xFFFFFFA0];
	v1 =	vmul.f32 v1, v25;
	v15 =	vunpack.i.l.bf16.f32 v26  }
0x284: {  	v38 =	vor.u32 s1, v10;
	[tilespmem:v50+s5+$0x0] =	vst.idx.msk $0xffff, v24;
	v24 =	vunpack.i.u.bf16.f32 v26;
	v15 =	vmul.f32 v57, v15  }
0x285: {  	v26 =	vunpack.i.l.bf16.f32 v30;
	[tilespmem:v54+s5+$0x0] =	vst.idx.msk $0xffff, v1;
	v1 =	vor.u32 s16, v12;
	v62 =	vmul.f32 v57, v24  }
0x286: {  	v25 =	vunpack.i.u.bf16.f32 v30;
	v24 =	vmul.f32 v42, v26;
	v26 =	vld [tilespmem:s13+$0xFFFFFFE0];
	[tilespmem:v58+s5+$0x0] =	vst.idx.msk $0xffff, v15;
	v15 =	vor.u32 s1, v9  }
0x287: {  	v30 =	vor.u32 s16, v13;
	v25 =	vmul.f32 v42, v25;
	[tilespmem:v21+s5+$0x0] =	vst.idx.msk $0xffff, v62;
	v63 =	vunpack.i.l.bf16.f32 v31  }
0x288: {  	v14 =	vperm.xlane v22, v8;
	[tilespmem:v17+s5+$0x0] =	vst.idx.msk $0xffff, v24;
	v40 =	vunpack.i.l.bf16.f32 v61;
	v24 =	vld [tilespmem:s13+$0x20];
	v21 =	vmul.f32 v28, v63  }
0x289: {  	[tilespmem:v19+s5+$0x0] =	vst.idx.msk $0xffff, v25;
	v41 =	vmul.f32 v20, v40;
	v39 =	vunpack.i.u.bf16.f32 v31;
	v31 =	vor.u32 s0, v9  }
0x28a: {  	v25 =	vld [tilespmem:s20+$0xFFFFFFF0];
	v17 =	vmul.f32 v28, v39;
	v28 =	vor.u32 s0, v10;
	[tilespmem:v1+s5+$0x0] =	vst.idx.msk $0xffff, v21;
	v1 =	vunpack.i.u.bf16.f32 v61  }
0x28b: {  	v42 =	vor.u32 s19, v9;
	v43 =	vunpack.i.l.bf16.f32 v26;
	[tilespmem:v15+s5+$0x0] =	vst.idx.msk $0xffff, v41;
	v1 =	vmul.f32 v20, v1  }
0x28c: {  	v26 =	vunpack.i.u.bf16.f32 v26;
	v21 =	vld [tilespmem:s20+$0x30];
	[tilespmem:v30+s5+$0x0] =	vst.idx.msk $0xffff, v17;
	v20 =	vor.u32 s19, v10;
	v17 =	vmul.f32 v14, v43  }
0x28d: {  	v35 =	vor.u32 s11, v12;
	v14 =	vmul.f32 v14, v26;
	[tilespmem:v38+s5+$0x0] =	vst.idx.msk $0xffff, v1;
	v1 =	vunpack.i.l.bf16.f32 v24  }
0x28e: {  	v47 =	vor.u32 s1, v12;
	v45 =	vunpack.i.u.bf16.f32 v24;
	[tilespmem:v31+s5+$0x0] =	vst.idx.msk $0xffff, v17;
	v18 =	vld [tilespmem:s13+$0xFFFFFFB0];
	v1 =	vmul.f32 v60, v1  }
0x28f: {  	v46 =	vperm.xlane v27, v11;
	v23 =	vunpack.i.l.bf16.f32 v25;
	[tilespmem:v28+s5+$0x0] =	vst.idx.msk $0xffff, v14;
	v14 =	vmul.f32 v60, v45  }
0x290: {  	v15 =	vor.u32 s21, v13;
	v23 =	vmul.f32 v32, v23;
	v24 =	vunpack.i.u.bf16.f32 v25;
	v25 =	vld [tilespmem:s13+$0xFFFFFFF0];
	[tilespmem:v42+s5+$0x0] =	vst.idx.msk $0xffff, v1  }
0x291: {  	v22 =	vperm.xlane v22, v11;
	v24 =	vmul.f32 v32, v24;
	v1 =	vunpack.i.l.bf16.f32 v21;
	[tilespmem:v20+s5+$0x0] =	vst.idx.msk $0xffff, v14  }
0x292: {  	[tilespmem:v35+s5+$0x0] =	vst.idx.msk $0xffff, v23;
	v14 =	vunpack.i.u.bf16.f32 v21;
	v1 =	vmul.f32 v33, v1;
	v20 =	vor.u32 s1, v13;
	v21 =	vld [tilespmem:s13+$0x30]  }
0x293: {  	v23 =	vor.u32 s0, v12;
	[tilespmem:v29+s5+$0x0] =	vst.idx.msk $0xffff, v24;
	v14 =	vmul.f32 v33, v14;
	v24 =	vunpack.i.l.bf16.f32 v18  }
0x294: {  	v26 =	vor.u32 s0, v13;
	[tilespmem:v34+s5+$0x0] =	vst.idx.msk $0xffff, v1;
	v1 =	vunpack.i.u.bf16.f32 v18;
	v48 =	vmul.f32 v44, v24  }
0x295: {  	v24 =	vor.u32 s19, v12;
	[tilespmem:v15+s5+$0x0] =	vst.idx.msk $0xffff, v14;
	v14 =	vunpack.i.l.bf16.f32 v25;
	v1 =	vmul.f32 v44, v1  }
0x296: {  	v15 =	vor.u32 s19, v13;
	v49 =	vunpack.i.u.bf16.f32 v25;
	v14 =	vmul.f32 v22, v14;
	[tilespmem:v47+s5+$0x0] =	vst.idx.msk $0xffff, v48  }
0x297: {  	v16 =	vmul.f32 v22, v49;
	[tilespmem:v20+s5+$0x0] =	vst.idx.msk $0xffff, v1;
	v1 =	vunpack.i.l.bf16.f32 v21  }
0x298: {  	v50 =	vunpack.i.u.bf16.f32 v21;
	[tilespmem:v23+s5+$0x0] =	vst.idx.msk $0xffff, v14;
	v1 =	vmul.f32 v46, v1  }
0x299: {  	v14 =	vmul.f32 v46, v50;
	[tilespmem:v26+s5+$0x0] =	vst.idx.msk $0xffff, v16  }
0x29a: {  	[tilespmem:v24+s5+$0x0] =	vst.idx.msk $0xffff, v1  }
0x29b: {  	[tilespmem:v15+s5+$0x0] =	vst.idx.msk $0xffff, v14  }
0x29c: {  	v1 =	vld [tilespmem:$0x190]  }
0x29d: {  	v14 =	vld [tilespmem:$0x1A0]  }
0x29e: {  	v15 =	vld [tilespmem:$0x1B0]  }
0x29f: {  	v16 =	vld [tilespmem:$0x1C0]  }
0x2a0: {  	v51 =	vld [tilespmem:$0x1D0]  }
0x2a1: {  	[tilespmem:$0x230] =	vst v1  }
0x2a2: {  	[tilespmem:$0x240] =	vst v14  }
0x2a3: {  	s19 =	smul.u32 $0xA0, s17;
	[tilespmem:$0x250] =	vst v15  }
0x2a4: {  	s16 =	rddreg [dreg:$0x6];
	[tilespmem:$0x260] =	vst v16  }
0x2a5: {  	s11 =	simm.s32 $0x230;
	s1 =	rddreg [dreg:$0x2];
	s0 =	sadd.s32 s19, s16;
	[tilespmem:$0x270] =	vst v51  }
0x2a6: {  	[spmem:s1] =	stream.indirect.scatter.add.f32 [tilespmem:s5], [sflag:$0x4], $0x80, s11, s30, $0xb8;
	[tilespmem:$0x1F810] =	vst v63  }
0x2a7: {  	s13 =	simm.s32 $0x9380;
	s0 =	sshrl.u32 s0, $0x3  }
0x2a8: {  	[spmem:s4] =	stream.indirect.scatter.add.f32 [tilespmem:s13], [sflag:$0x4], $0x10, s11, s30, $0xb8;
	[tilespmem:$0x1F810] =	vst v63  }
0x2a9: {  	s21 =	simm.s32 $0x0;
	s20 =	sadd.s32 s7, s0  }
0x2aa: {  	[tilespmem:s30], [sflag:$0x6] =	stream.linear.gather [hbm4b:s20+s21], $0x50, $0x38;
	[tilespmem:$0x1F810] =	vst v63  }
0x2ab: {  	s25 =	sadd.s32 s8, s0  }
0x2ac: {  	[tilespmem:s26], [sflag:$0x6] =	stream.linear.gather [hbm4b:s25+s21], $0x50, $0x38;
	[tilespmem:$0x1F810] =	vst v63  }
0x2ad: {  	s0 =	sadd.s32 s9, s0;
	s26 =	simm.s32 $0x190  }
0x2ae: {  	[tilespmem:s26], [sflag:$0x6] =	stream.linear.gather [hbm4b:s0+s21], $0x50, $0x38;
	[tilespmem:$0x1F810] =	vst v63  }
0x2af: {  	_ =	swait.ge [sflag:s12], $0x2800  }
0x2b0: {  	[sflag:s12] =	ssyncset.done $0x0  }
0x2b1: {  	[sflag:s12] =	ssyncadd.s32 $0xFFFFD800  }
0x2b2: {  	_ =	swait.ge [sflag:s12], $0x500  }
0x2b3: {  	[sflag:s12] =	ssyncset.done $0x0  }
0x2b4: {  	[sflag:s12] =	ssyncadd.s32 $0xFFFFFB00  }
0x2b5: {  	_ =	swait.ge [sflag:s10], $0x50  }
0x2b6: {  	[sflag:s10] =	ssyncset.done $0x0  }
0x2b7: {  	[sflag:s10] =	ssyncadd.s32 $0xFFFFFFB0  }
0x2b8: {  	_ =	swait.ge [sflag:s10], $0x50  }
0x2b9: {  	[sflag:s10] =	ssyncset.done $0x0  }
0x2ba: {  	[sflag:s10] =	ssyncadd.s32 $0xFFFFFFB0  }
0x2bb: {  	_ =	swait.ge [sflag:s10], $0x50  }
0x2bc: {  	[sflag:s10] =	ssyncset.done $0x0  }
0x2bd: {  	s1 =	simm.s32 $0x280;
	[sflag:s10] =	ssyncadd.s32 $0xFFFFFFB0  }
0x2be: {  	[tilespmem:s1], [sflag:$0x1] =	stream.indirect.gather [hbm4b:s29+s30], $0x40, s21, s30, $0xb8;
	[tilespmem:$0x1F810] =	vst v63  }
0x2bf: {  	s13 =	simm.s32 $0x7A80  }
0x2c0: {  	[tilespmem:s13], [sflag:$0x1] =	stream.indirect.gather [hbm4b:s2+s30], $0x10, s21, s30, $0xb8;
	[tilespmem:$0x1F810] =	vst v63  }
0x2c1: {  	s16 =	simm.s32 $0x8480  }
0x2c2: {  	[tilespmem:s16], [sflag:$0x1] =	stream.indirect.gather [hbm4b:s2+s30], $0x10, s3, s30, $0xb8;
	[tilespmem:$0x1F810] =	vst v63  }
0x2c3: {  	_ =	swait.ge [sflag:s15], $0x1400  }
0x2c4: {  	[sflag:s15] =	ssyncset.done $0x0  }
0x2c5: {  	[sflag:s15] =	ssyncadd.s32 $0xFFFFEC00  }
0x2c6: {  	_ =	swait.ge [sflag:s15], $0x500  }
0x2c7: {  	[sflag:s15] =	ssyncset.done $0x0  }
0x2c8: {  	[sflag:s15] =	ssyncadd.s32 $0xFFFFFB00  }
0x2c9: {  	_ =	swait.ge [sflag:s15], $0x500  }
0x2ca: {  	[sflag:s15] =	ssyncset.done $0x0  }
0x2cb: {  	s20 =	simm.s32 $0x84A0;
	[sflag:s15] =	ssyncadd.s32 $0xFFFFFB00  }
0x2cc: {  	v1 =	vld [tilespmem:s20+$0x10]  }
0x2cd: {  	s21 =	simm.s32 $0x7AA0  }
0x2ce: {  	v14 =	vld [tilespmem:s21+$0x10];
	_ =	sdelay $0x2  }
0x2cf: {  	v1 =	vperm.xlane v1, v2;
	_ =	sdelay $0x1  }
0x2d0: {  	v1 =	vadd.f32 v1, v14  }
0x2d1: {  	v14 =	vld [tilespmem:s20+$0xFFFFFFE0]  }
0x2d2: {  	v52 =	vmul.f32 $2.000000030e-01, v1  }
0x2d3: {  	v53 =	vld [tilespmem:s21+$0xFFFFFFE0];
	vm8 =	vgt.f32 v1, $0.0e+00  }
0x2d4: {  	v15 =	vld [tilespmem:s20+$0xFFFFFFF0];
	v1 =	vsel vm8, v1, v52  }
0x2d5: {  	v1 =	vmul.f32 $1.442695020e+00, v1  }
0x2d6: {  	v55 =	vld [tilespmem:s21+$0xFFFFFFF0];
	v14 =	vperm.xlane v14, v2  }
0x2d7: {  	v54 =	vld [tilespmem:s20+$0x0];
	(erf) = vpow2.f32 v1  }
0x2d8: {  	v14 =	vadd.f32 v14, v53  }
0x2d9: {  	v56 =	vld [tilespmem:s21+$0x0];
	v1 =	vperm.xlane v15, v2  }
0x2da: {  	v57 =	vmul.f32 $2.000000030e-01, v14  }
0x2db: {  	v1 =	vadd.f32 v1, v55;
	vm9 =	vgt.f32 v14, $0.0e+00  }
0x2dc: {  	v15 =	vperm.xlane v54, v2;
	v14 =	vsel vm9, v14, v57  }
0x2dd: {  	v58 =	vmul.f32 $2.000000030e-01, v1;
	v14 =	vmul.f32 $1.442695020e+00, v14  }
0x2de: {  	v15 =	vadd.f32 v15, v56;
	vm10 =	vgt.f32 v1, $0.0e+00  }
0x2df: {  	v1 =	vsel vm10, v1, v58;
	(erf) = vpow2.f32 v14  }
0x2e0: {  	s25 =	simm.s32 $0x8EA0;
	v59 =	vmul.f32 $2.000000030e-01, v15;
	v1 =	vmul.f32 $1.442695020e+00, v1;
	v34 =	vpop (erf)  }
0x2e1: {  	s20 =	simm.s32 $0x300;
	vm11 =	vgt.f32 v15, $0.0e+00;
	[tilespmem:s25+$0x10] =	vst v34  }
0x2e2: {  	v15 =	vsel vm11, v15, v59;
	(erf) = vpow2.f32 v1;
	v1 =	vld [tilespmem:s20+$0x40]  }
0x2e3: {  	v14 =	vmul.f32 $1.442695020e+00, v15  }
0x2e4: {  	s1 =	simm.s32 $0x180  }
0x2e5: {  	(erf) = vpow2.f32 v14;
	v14 =	vor.u32 s1, v0  }
0x2e6: {  	v60 =	vor.u32 s1, v4;
	v15 =	vperm.xlane v34, v3  }
0x2e7: {  	s11 =	simm.s32 $0x100;
	v61 =	vunpack.i.l.bf16.f32 v1  }
0x2e8: {  	v24 =	vor.u32 s11, v0;
	s21 =	simm.s32 $0x84E0;
	v63 =	vpop (erf);
	v1 =	vunpack.i.u.bf16.f32 v1;
	v17 =	vmul.f32 v15, v61  }
0x2e9: {  	v33 =	vor.u32 s11, v6;
	v28 =	vor.u32 s11, v7;
	s0 =	simm.s32 $0x0;
	v40 =	vld [tilespmem:s21+$0xFFFFFFE0];
	[tilespmem:s25+$0xFFFFFFE0] =	vst v63;
	v1 =	vmul.f32 v15, v1  }
0x2ea: {  	v50 =	vor.u32 s11, v9;
	v51 =	vor.u32 s11, v10;
	v62 =	vor.u32 s0, v0;
	v25 =	vld [tilespmem:s20+$0xFFFFFF80];
	[tilespmem:v14+s22+$0x0] =	vst.idx.msk $0xffff, v17  }
0x2eb: {  	v20 =	vor.u32 s0, v4;
	v21 =	vor.u32 s0, v6;
	v39 =	vor.u32 s0, v7;
	[tilespmem:v60+s22+$0x0] =	vst.idx.msk $0xffff, v1  }
0x2ec: {  	v42 =	vor.u32 s0, v9;
	v41 =	vor.u32 s0, v10;
	v45 =	vor.u32 s1, v9;
	s13 =	simm.s32 $0x80;
	v29 =	vld [tilespmem:s20+$0x50]  }
0x2ed: {  	v22 =	vor.u32 s13, v4;
	v38 =	vor.u32 s13, v7;
	v32 =	vor.u32 s13, v9  }
0x2ee: {  	v40 =	vperm.xlane v40, v2;
	v54 =	vor.u32 s1, v6;
	v23 =	vpop (erf);
	v14 =	vperm.xlane v63, v3  }
0x2ef: {  	v55 =	vperm.xlane v34, v5;
	[tilespmem:s25+$0xFFFFFFF0] =	vst v23;
	v31 =	vunpack.i.u.bf16.f32 v25;
	v25 =	vunpack.i.l.bf16.f32 v25  }
0x2f0: {  	v56 =	vor.u32 s1, v7;
	v36 =	vperm.xlane v63, v5;
	v27 =	vpop (erf);
	v30 =	vld [tilespmem:s20+$0xFFFFFFC0];
	v25 =	vmul.f32 v14, v25  }
0x2f1: {  	v43 =	vperm.xlane v63, v8;
	[tilespmem:s25+$0x0] =	vst v27;
	v14 =	vmul.f32 v14, v31;
	v31 =	vunpack.i.l.bf16.f32 v29  }
0x2f2: {  	v26 =	vperm.xlane v23, v3;
	v53 =	vld [tilespmem:s20+$0x0];
	[tilespmem:v62+s22+$0x0] =	vst.idx.msk $0xffff, v25;
	v57 =	vunpack.i.u.bf16.f32 v29;
	v25 =	vmul.f32 v55, v31  }
0x2f3: {  	v15 =	vor.u32 s13, v0;
	v37 =	vperm.xlane v23, v5;
	[tilespmem:v20+s22+$0x0] =	vst.idx.msk $0xffff, v14;
	v14 =	vmul.f32 v55, v57  }
0x2f4: {  	v17 =	vor.u32 s11, v4;
	v44 =	vperm.xlane v23, v8;
	v23 =	vperm.xlane v23, v11;
	v59 =	vld [tilespmem:s20+$0xFFFFFF90];
	[tilespmem:v54+s22+$0x0] =	vst.idx.msk $0xffff, v25  }
0x2f5: {  	v1 =	vor.u32 s13, v6;
	v52 =	vperm.xlane v27, v3;
	v58 =	vunpack.i.u.bf16.f32 v30;
	[tilespmem:v56+s22+$0x0] =	vst.idx.msk $0xffff, v14;
	v14 =	vld [tilespmem:s21+$0x10]  }
0x2f6: {  	v35 =	vperm.xlane v27, v5;
	s25 =	simm.s32 $0x7AE0;
	v29 =	vunpack.i.l.bf16.f32 v30;
	v18 =	vmul.f32 v26, v58;
	v60 =	vld [tilespmem:s20+$0x60]  }
0x2f7: {  	v61 =	vld [tilespmem:s25+$0x10];
	v62 =	vperm.xlane v34, v8;
	v20 =	vunpack.i.l.bf16.f32 v53;
	v29 =	vmul.f32 v26, v29  }
0x2f8: {  	v30 =	vor.u32 s13, v10;
	v58 =	vld [tilespmem:s21+$0x0];
	v31 =	vperm.xlane v27, v8;
	v20 =	vmul.f32 v52, v20  }
0x2f9: {  	v25 =	vunpack.i.u.bf16.f32 v53;
	[tilespmem:v15+s22+$0x0] =	vst.idx.msk $0xffff, v29;
	v29 =	vperm.xlane v63, v11;
	v63 =	vor.u32 s1, v10;
	v56 =	vld [tilespmem:s21+$0xFFFFFFF0]  }
0x2fa: {  	v15 =	vmul.f32 v52, v25;
	[tilespmem:v22+s22+$0x0] =	vst.idx.msk $0xffff, v18;
	v26 =	vunpack.i.l.bf16.f32 v59;
	v14 =	vperm.xlane v14, v2  }
0x2fb: {  	v22 =	vperm.xlane v27, v11;
	v19 =	vld [tilespmem:s20+$0xFFFFFFD0];
	v57 =	vmul.f32 v36, v26;
	v26 =	vunpack.i.l.bf16.f32 v60  }
0x2fc: {  	v25 =	vunpack.i.u.bf16.f32 v59;
	v59 =	vld [tilespmem:s25+$0xFFFFFFF0];
	v26 =	vmul.f32 v62, v26;
	v14 =	vadd.f32 v14, v61  }
0x2fd: {  	v27 =	vor.u32 s13, v12;
	[tilespmem:v24+s22+$0x0] =	vst.idx.msk $0xffff, v20;
	v24 =	vor.u32 s11, v13;
	v55 =	vperm.xlane v58, v2;
	v61 =	vld [tilespmem:s25+$0xFFFFFFE0]  }
0x2fe: {  	v54 =	vperm.xlane v56, v2;
	v16 =	vunpack.i.u.bf16.f32 v60;
	[tilespmem:v45+s22+$0x0] =	vst.idx.msk $0xffff, v26;
	v26 =	vmul.f32 $2.000000030e-01, v14  }
0x2ff: {  	[tilespmem:v17+s22+$0x0] =	vst.idx.msk $0xffff, v15;
	v60 =	vmul.f32 v36, v25;
	v16 =	vmul.f32 v62, v16;
	v62 =	vld [tilespmem:s25+$0x0];
	vm12 =	vgt.f32 v14, $0.0e+00  }
0x300: {  	v25 =	vunpack.i.u.bf16.f32 v19;
	v19 =	vunpack.i.l.bf16.f32 v19;
	[tilespmem:v21+s22+$0x0] =	vst.idx.msk $0xffff, v57;
	v14 =	vsel vm12, v14, v26  }
0x301: {  	v21 =	vperm.xlane v34, v11;
	v15 =	vadd.f32 v54, v59;
	[tilespmem:v63+s22+$0x0] =	vst.idx.msk $0xffff, v16;
	v14 =	vmul.f32 $1.442695020e+00, v14  }
0x302: {  	v19 =	vmul.f32 v37, v19;
	v63 =	vmul.f32 v37, v25;
	v45 =	vld [tilespmem:s20+$0x70];
	v20 =	vadd.f32 v40, v61  }
0x303: {  	v36 =	vor.u32 s0, v12;
	v58 =	vmul.f32 $2.000000030e-01, v15;
	(erf) = vpow2.f32 v14  }
0x304: {  	vm14 =	vgt.f32 v15, $0.0e+00;
	v56 =	vadd.f32 v55, v62;
	v57 =	vmul.f32 $2.000000030e-01, v20  }
0x305: {  	[tilespmem:v39+s22+$0x0] =	vst.idx.msk $0xffff, v60;
	v15 =	vsel vm14, v15, v58;
	v40 =	vor.u32 s1, v13;
	vm13 =	vgt.f32 v20, $0.0e+00  }
0x306: {  	v61 =	vld [tilespmem:s20+$0xFFFFFFA0];
	v14 =	vor.u32 s1, v12;
	v60 =	vmul.f32 $2.000000030e-01, v56;
	v20 =	vsel vm13, v20, v57  }
0x307: {  	[tilespmem:v1+s22+$0x0] =	vst.idx.msk $0xffff, v19;
	v1 =	vld [tilespmem:s20+$0x10];
	vm15 =	vgt.f32 v56, $0.0e+00;
	v59 =	vunpack.i.l.bf16.f32 v45;
	v62 =	vmul.f32 $1.442695020e+00, v20  }
0x308: {  	[tilespmem:v38+s22+$0x0] =	vst.idx.msk $0xffff, v63;
	v15 =	vmul.f32 $1.442695020e+00, v15;
	v17 =	vsel vm15, v56, v60;
	v63 =	vmul.f32 v21, v59  }
0x309: {  	v39 =	vunpack.i.u.bf16.f32 v45;
	v20 =	vld [tilespmem:s20+$0xFFFFFFE0];
	v17 =	vmul.f32 $1.442695020e+00, v17;
	(erf) = vpow2.f32 v62  }
0x30a: {  	v25 =	vor.u32 s11, v12;
	v19 =	vmul.f32 v21, v39;
	(erf) = vpow2.f32 v15  }
0x30b: {  	v26 =	vor.u32 s13, v13;
	v16 =	vunpack.i.l.bf16.f32 v61;
	[tilespmem:v14+s22+$0x0] =	vst.idx.msk $0xffff, v63;
	(erf) = vpow2.f32 v17  }
0x30c: {  	s11 =	simm.s32 $0x8EE0;
	s13 =	simm.s32 $0x280;
	s1 =	simm.s32 $0x380;
	v16 =	vmul.f32 v43, v16;
	v15 =	vunpack.i.u.bf16.f32 v1;
	v1 =	vunpack.i.l.bf16.f32 v1;
	[tilespmem:v40+s22+$0x0] =	vst.idx.msk $0xffff, v19;
	v34 =	vpop (erf)  }
0x30d: {  	s21 =	simm.s32 $0x400;
	s25 =	simm.s32 $0x200;
	v18 =	vor.u32 s13, v0;
	v37 =	vor.u32 s1, v0;
	v1 =	vmul.f32 v35, v1;
	[tilespmem:s11+$0x10] =	vst v34  }
0x30e: {  	v60 =	vor.u32 s25, v6;
	[tilespmem:v42+s22+$0x0] =	vst.idx.msk $0xffff, v16;
	v15 =	vmul.f32 v35, v15;
	v21 =	vunpack.i.l.bf16.f32 v20;
	v48 =	vld [tilespmem:s21+$0x40]  }
0x30f: {  	v47 =	vunpack.i.u.bf16.f32 v61;
	v20 =	vunpack.i.u.bf16.f32 v20;
	v21 =	vmul.f32 v44, v21;
	[tilespmem:v33+s22+$0x0] =	vst.idx.msk $0xffff, v1  }
0x310: {  	v14 =	vor.u32 s25, v0;
	v19 =	vor.u32 s13, v4;
	v20 =	vmul.f32 v44, v20;
	[tilespmem:v28+s22+$0x0] =	vst.idx.msk $0xffff, v15  }
0x311: {  	v40 =	vor.u32 s1, v4;
	v42 =	vor.u32 s13, v10;
	v17 =	vmul.f32 v43, v47;
	[tilespmem:v32+s22+$0x0] =	vst.idx.msk $0xffff, v21  }
0x312: {  	v35 =	vor.u32 s0, v13;
	s0 =	simm.s32 $0x300;
	v47 =	vor.u32 s13, v6;
	v49 =	vperm.xlane v34, v3;
	[tilespmem:v30+s22+$0x0] =	vst.idx.msk $0xffff, v20;
	v52 =	vpop (erf)  }
0x313: {  	v62 =	vor.u32 s0, v0;
	v53 =	vor.u32 s0, v4;
	[tilespmem:s11+$0xFFFFFFE0] =	vst v52;
	v54 =	vpop (erf);
	v61 =	vunpack.i.l.bf16.f32 v48  }
0x314: {  	v20 =	vperm.xlane v34, v5;
	v46 =	vld [tilespmem:s21+$0xFFFFFF80];
	[tilespmem:s11+$0xFFFFFFF0] =	vst v54;
	v38 =	vunpack.i.u.bf16.f32 v48;
	v57 =	vpop (erf);
	v39 =	vmul.f32 v49, v61  }
0x315: {  	v44 =	vor.u32 s25, v4;
	v45 =	vperm.xlane v52, v3;
	v56 =	vld [tilespmem:s21+$0xFFFFFFC0];
	[tilespmem:s11+$0x0] =	vst v57;
	v33 =	vmul.f32 v49, v38  }
0x316: {  	v15 =	vor.u32 s25, v7;
	v59 =	vperm.xlane v52, v5;
	v55 =	vperm.xlane v54, v3;
	[tilespmem:v37+s22+$0x0] =	vst.idx.msk $0xffff, v39  }
0x317: {  	v48 =	vor.u32 s13, v7;
	v58 =	vperm.xlane v57, v3;
	v49 =	vperm.xlane v54, v5;
	v61 =	vld [tilespmem:s21+$0x0];
	[tilespmem:v40+s22+$0x0] =	vst.idx.msk $0xffff, v33  }
0x318: {  	v43 =	vperm.xlane v57, v5;
	v38 =	vor.u32 s0, v7;
	v28 =	vperm.xlane v57, v8;
	v33 =	vld [tilespmem:s21+$0x50]  }
0x319: {  	v37 =	vperm.xlane v54, v8;
	v40 =	vperm.xlane v52, v8;
	v63 =	vunpack.i.l.bf16.f32 v46  }
0x31a: {  	[tilespmem:v41+s22+$0x0] =	vst.idx.msk $0xffff, v17;
	v16 =	vunpack.i.u.bf16.f32 v46;
	v17 =	vmul.f32 v45, v63;
	v41 =	vunpack.i.u.bf16.f32 v56  }
0x31b: {  	v46 =	vld [tilespmem:s20+$0x20];
	v63 =	vunpack.i.l.bf16.f32 v56;
	v56 =	vor.u32 s1, v6;
	v16 =	vmul.f32 v45, v16  }
0x31c: {  	v45 =	vor.u32 s1, v7;
	v21 =	vunpack.i.u.bf16.f32 v61;
	v32 =	vunpack.i.l.bf16.f32 v61  }
0x31d: {  	v1 =	vld [tilespmem:s20+$0xFFFFFFF0];
	[tilespmem:v14+s22+$0x0] =	vst.idx.msk $0xffff, v17;
	v14 =	vmul.f32 v55, v63;
	v17 =	vmul.f32 v55, v41;
	v30 =	vunpack.i.l.bf16.f32 v33  }
0x31e: {  	v63 =	vld [tilespmem:s20+$0xFFFFFFB0];
	v61 =	vmul.f32 v58, v32;
	[tilespmem:v44+s22+$0x0] =	vst.idx.msk $0xffff, v16;
	v55 =	vunpack.i.u.bf16.f32 v33;
	v30 =	vmul.f32 v20, v30  }
0x31f: {  	v39 =	vor.u32 s0, v6;
	v33 =	vld [tilespmem:s21+$0xFFFFFF90];
	[tilespmem:v18+s22+$0x0] =	vst.idx.msk $0xffff, v14;
	v14 =	vmul.f32 v58, v21;
	v58 =	vmul.f32 v20, v55  }
0x320: {  	v41 =	vor.u32 s13, v9;
	v32 =	vperm.xlane v54, v11;
	v21 =	vunpack.i.l.bf16.f32 v46;
	[tilespmem:v56+s22+$0x0] =	vst.idx.msk $0xffff, v30  }
0x321: {  	v44 =	vperm.xlane v52, v11;
	v20 =	vunpack.i.u.bf16.f32 v46;
	v18 =	vmul.f32 v31, v21;
	[tilespmem:v45+s22+$0x0] =	vst.idx.msk $0xffff, v58  }
0x322: {  	v46 =	vor.u32 s25, v9;
	[tilespmem:v19+s22+$0x0] =	vst.idx.msk $0xffff, v17;
	v20 =	vmul.f32 v31, v20;
	v31 =	vor.u32 s0, v10;
	v17 =	vld [tilespmem:s21+$0x60]  }
0x323: {  	s16 =	simm.s32 $0x8520;
	[tilespmem:v62+s22+$0x0] =	vst.idx.msk $0xffff, v61;
	v52 =	vld [tilespmem:s21+$0xFFFFFFD0];
	v30 =	vor.u32 s0, v9;
	v56 =	vunpack.i.u.bf16.f32 v63;
	v54 =	vunpack.i.l.bf16.f32 v63  }
0x324: {  	v55 =	vld [tilespmem:s16+$0x10];
	[tilespmem:v50+s22+$0x0] =	vst.idx.msk $0xffff, v18;
	v50 =	vunpack.i.u.bf16.f32 v1;
	v61 =	vunpack.i.u.bf16.f32 v33;
	v62 =	vunpack.i.l.bf16.f32 v33  }
0x325: {  	s31 =	simm.s32 $0x7B20;
	[tilespmem:v53+s22+$0x0] =	vst.idx.msk $0xffff, v14;
	v53 =	vld [tilespmem:s16+$0xFFFFFFE0];
	v33 =	vperm.xlane v57, v11;
	v57 =	vor.u32 s1, v9;
	v14 =	vmul.f32 v59, v62  }
0x326: {  	v58 =	vor.u32 s1, v10;
	[tilespmem:v51+s22+$0x0] =	vst.idx.msk $0xffff, v20;
	v16 =	vmul.f32 v59, v61;
	v61 =	vld [tilespmem:s31+$0x10];
	v62 =	vperm.xlane v34, v8  }
0x327: {  	v45 =	vor.u32 s25, v10;
	v51 =	vunpack.i.l.bf16.f32 v1;
	v59 =	vld [tilespmem:s16+$0xFFFFFFF0];
	[tilespmem:v60+s22+$0x0] =	vst.idx.msk $0xffff, v14;
	v18 =	vunpack.i.l.bf16.f32 v17  }
0x328: {  	s28 =	simm.s32 $0x8;
	s26 =	smov.u32 s29;
	s29 =	simm.s32 $0xC;
	v63 =	vunpack.i.u.bf16.f32 v52;
	v60 =	vld [tilespmem:s16+$0x0];
	[tilespmem:v15+s22+$0x0] =	vst.idx.msk $0xffff, v16;
	v14 =	vunpack.i.u.bf16.f32 v17;
	v1 =	vmul.f32 v62, v18  }
.LBB2_9:
0x329: {  	p1 =	slt.u32 s29, $0x4C;
	v15 =	vld [tilespmem:s31+$0xFFFFFFF0];
	v16 =	vperm.xlane v55, v2;
	v17 =	vunpack.i.l.bf16.f32 v52;
	v14 =	vmul.f32 v62, v14  }
0x32a: {  	v55 =	vor.u32 s13, v12;
	v18 =	vperm.xlane v53, v2;
	v19 =	vld [tilespmem:s31+$0x0];
	v17 =	vmul.f32 v49, v17;
	[tilespmem:v57+s22+$0x0] =	vst.idx.msk $0xffff, v1  }
0x32b: {  	v20 =	vmul.f32 v49, v63;
	v53 =	vor.u32 s13, v13;
	v1 =	vld [tilespmem:s31+$0xFFFFFFE0];
	v16 =	vadd.f32 v16, v61;
	[tilespmem:v58+s22+$0x0] =	vst.idx.msk $0xffff, v14  }
0x32c: {  	v52 =	vor.u32 s0, v12;
	v21 =	vmul.f32 v29, v54;
	v14 =	vperm.xlane v59, v2;
	[tilespmem:v47+s22+$0x0] =	vst.idx.msk $0xffff, v17;
	v17 =	vld [tilespmem:s21+$0x70]  }
0x32d: {  	v54 =	vor.u32 s0, v13;
	v47 =	vperm.xlane v60, v2;
	v49 =	vmul.f32 $2.000000030e-01, v16;
	[tilespmem:v48+s22+$0x0] =	vst.idx.msk $0xffff, v20;
	v20 =	vld [tilespmem:s21+$0x10]  }
0x32e: {  	vm0 =	vgt.f32 v16, $0.0e+00;
	v14 =	vadd.f32 v14, v15;
	v15 =	vld [tilespmem:s21+$0xFFFFFFA0];
	[tilespmem:v36+s22+$0x0] =	vst.idx.msk $0xffff, v21;
	v21 =	vmul.f32 v29, v56  }
0x32f: {  	v29 =	vmovc v44;
	v19 =	vadd.f32 v47, v19;
	v16 =	vsel vm0, v16, v49;
	v36 =	vld [tilespmem:s21+$0xFFFFFFE0];
	v47 =	vor.u32 s1, v12  }
0x330: {  	v34 =	vperm.xlane v34, v11;
	v44 =	vor.u32 s1, v13;
	v16 =	vmul.f32 $1.442695020e+00, v16;
	[tilespmem:v35+s22+$0x0] =	vst.idx.msk $0xffff, v21;
	v21 =	vld [tilespmem:s20+$0x30];
	s20 =	smov.u32 s21  }
0x331: {  	v1 =	vadd.f32 v18, v1;
	v18 =	vmul.f32 $2.000000030e-01, v14;
	v35 =	vunpack.i.l.bf16.f32 v17  }
0x332: {  	(erf) = vpow2.f32 v16;
	v16 =	vunpack.i.u.bf16.f32 v17;
	v17 =	vmul.f32 v34, v35  }
0x333: {  	vm0 =	vgt.f32 v1, $0.0e+00;
	v35 =	vmul.f32 $2.000000030e-01, v1;
	v16 =	vmul.f32 v34, v16  }
0x334: {  	vm1 =	vgt.f32 v14, $0.0e+00;
	vm2 =	vgt.f32 v19, $0.0e+00;
	v34 =	vmul.f32 $2.000000030e-01, v19;
	[tilespmem:v47+s22+$0x0] =	vst.idx.msk $0xffff, v17  }
0x335: {  	v14 =	vsel vm1, v14, v18;
	v1 =	vsel vm0, v1, v35;
	v17 =	vunpack.i.u.bf16.f32 v20;
	[tilespmem:v44+s22+$0x0] =	vst.idx.msk $0xffff, v16  }
0x336: {  	v14 =	vmul.f32 $1.442695020e+00, v14;
	v1 =	vmul.f32 $1.442695020e+00, v1;
	v16 =	vsel vm2, v19, v34  }
0x337: {  	v18 =	vunpack.i.l.bf16.f32 v20;
	v17 =	vmul.f32 v43, v17;
	v16 =	vmul.f32 $1.442695020e+00, v16  }
0x338: {  	v18 =	vmul.f32 v43, v18;
	(erf) = vpow2.f32 v1;
	v1 =	vunpack.i.u.bf16.f32 v15  }
0x339: {  	(erf) = vpow2.f32 v14;
	v14 =	vunpack.i.l.bf16.f32 v15;
	v15 =	vunpack.i.u.bf16.f32 v36  }
0x33a: {  	(erf) = vpow2.f32 v16;
	v14 =	vmul.f32 v40, v14;
	v16 =	vunpack.i.l.bf16.f32 v36;
	[tilespmem:v39+s22+$0x0] =	vst.idx.msk $0xffff, v18  }
0x33b: {  	s11 =	sadd.s32 $0x40, s11;
	v1 =	vmul.f32 v40, v1;
	v34 =	vpop (erf);
	v16 =	vmul.f32 v37, v16;
	[tilespmem:v38+s22+$0x0] =	vst.idx.msk $0xffff, v17;
	v17 =	vunpack.i.u.bf16.f32 v21  }
0x33c: {  	s21 =	sadd.s32 $0x100, s21;
	v19 =	vmul.f32 v23, v51;
	v20 =	vunpack.i.l.bf16.f32 v21;
	v15 =	vmul.f32 v37, v15;
	[tilespmem:s11+$0x10] =	vst v34;
	v18 =	vld [tilespmem:s20+$0x20]  }
0x33d: {  	v20 =	vmul.f32 v22, v20;
	v36 =	vor.u32 s25, v12;
	v21 =	vld [tilespmem:s21+$0x40];
	[tilespmem:v46+s22+$0x0] =	vst.idx.msk $0xffff, v14;
	v14 =	vmul.f32 v23, v50  }
0x33e: {  	v35 =	vor.u32 s25, v13;
	s25 =	sshll.u32 s28, $0x7;
	s28 =	smov.u32 s29;
	v23 =	vmovc v32;
	[tilespmem:v45+s22+$0x0] =	vst.idx.msk $0xffff, v1;
	v1 =	vmul.f32 v22, v17;
	v22 =	vmov v33  }
0x33f: {  	s13 =	sadd.s32 $0x80, s25;
	s0 =	sadd.s32 $0x100, s25;
	s1 =	sadd.s32 $0x180, s25;
	v32 =	vor.u32 s25, v4;
	v50 =	vor.u32 s25, v6;
	v17 =	vor.u32 s25, v0;
	v51 =	vld [tilespmem:s20+$0xFFFFFFB0];
	[tilespmem:v41+s22+$0x0] =	vst.idx.msk $0xffff, v16  }
0x340: {  	v37 =	vor.u32 s1, v0;
	v33 =	vor.u32 s13, v4;
	v16 =	vor.u32 s13, v0;
	[tilespmem:v42+s22+$0x0] =	vst.idx.msk $0xffff, v15  }
0x341: {  	v38 =	vperm.xlane v34, v3;
	v40 =	vor.u32 s1, v4;
	v15 =	vor.u32 s0, v0;
	v44 =	vpop (erf);
	v60 =	vld [tilespmem:s20+$0xFFFFFFF0];
	[tilespmem:v27+s22+$0x0] =	vst.idx.msk $0xffff, v19  }
0x342: {  	v57 =	vor.u32 s0, v4;
	[tilespmem:s11+$0xFFFFFFE0] =	vst v44;
	v19 =	vperm.xlane v44, v3;
	v43 =	vunpack.i.l.bf16.f32 v21;
	v56 =	vpop (erf)  }
0x343: {  	v21 =	vunpack.i.u.bf16.f32 v21;
	v41 =	vld [tilespmem:s21+$0xFFFFFF80];
	[tilespmem:s11+$0xFFFFFFF0] =	vst v56;
	v42 =	vperm.xlane v56, v3;
	v39 =	vmul.f32 v38, v43;
	v58 =	vpop (erf)  }
0x344: {  	v47 =	vor.u32 s13, v6;
	v27 =	vmovc v55;
	v21 =	vmul.f32 v38, v21;
	v45 =	vld [tilespmem:s21+$0xFFFFFFC0];
	[tilespmem:s11+$0x0] =	vst v58;
	v46 =	vperm.xlane v58, v3  }
0x345: {  	v48 =	vor.u32 s13, v7;
	v59 =	vperm.xlane v44, v5;
	v49 =	vperm.xlane v56, v5;
	v55 =	vld [tilespmem:s21+$0x0];
	[tilespmem:v37+s22+$0x0] =	vst.idx.msk $0xffff, v39  }
0x346: {  	v38 =	vor.u32 s0, v7;
	v43 =	vperm.xlane v58, v5;
	v39 =	vor.u32 s0, v6;
	[tilespmem:v40+s22+$0x0] =	vst.idx.msk $0xffff, v21  }
0x347: {  	v37 =	vperm.xlane v56, v8;
	v21 =	vor.u32 s25, v7;
	v40 =	vperm.xlane v44, v8;
	v61 =	vld [tilespmem:s21+$0x50];
	[tilespmem:v26+s22+$0x0] =	vst.idx.msk $0xffff, v14  }
0x348: {  	v62 =	vperm.xlane v58, v8;
	v26 =	vmovc v53;
	v14 =	vunpack.i.u.bf16.f32 v41;
	v41 =	vunpack.i.l.bf16.f32 v41;
	[tilespmem:v25+s22+$0x0] =	vst.idx.msk $0xffff, v20  }
0x349: {  	v25 =	vmovc v52;
	v20 =	vmul.f32 v19, v41;
	v41 =	vunpack.i.u.bf16.f32 v45;
	v45 =	vunpack.i.l.bf16.f32 v45;
	[tilespmem:v24+s22+$0x0] =	vst.idx.msk $0xffff, v1  }
0x34a: {  	v53 =	vor.u32 s1, v6;
	v24 =	vmovc v54;
	v1 =	vunpack.i.u.bf16.f32 v55;
	v52 =	vunpack.i.l.bf16.f32 v55  }
0x34b: {  	v14 =	vmul.f32 v19, v14;
	v19 =	vor.u32 s1, v7;
	[tilespmem:v17+s22+$0x0] =	vst.idx.msk $0xffff, v20;
	v17 =	vperm.xlane v34, v5  }
0x34c: {  	v54 =	vmul.f32 v42, v41;
	v20 =	vmul.f32 v42, v45;
	v41 =	vunpack.i.l.bf16.f32 v61  }
0x34d: {  	[tilespmem:v32+s22+$0x0] =	vst.idx.msk $0xffff, v14;
	v14 =	vmul.f32 v46, v52;
	v32 =	vunpack.i.u.bf16.f32 v61;
	v42 =	vmul.f32 v17, v41  }
0x34e: {  	v1 =	vmul.f32 v46, v1;
	v61 =	vld [tilespmem:s21+$0xFFFFFF90];
	[tilespmem:v16+s22+$0x0] =	vst.idx.msk $0xffff, v20;
	v16 =	vmul.f32 v17, v32;
	v17 =	vunpack.i.u.bf16.f32 v18  }
0x34f: {  	v41 =	vor.u32 s13, v9;
	v18 =	vunpack.i.l.bf16.f32 v18;
	[tilespmem:v53+s22+$0x0] =	vst.idx.msk $0xffff, v42;
	v17 =	vmul.f32 v28, v17  }
0x350: {  	v20 =	vor.u32 s0, v9;
	v42 =	vor.u32 s13, v10;
	[tilespmem:v19+s22+$0x0] =	vst.idx.msk $0xffff, v16;
	v16 =	vmul.f32 v28, v18;
	v28 =	vmovc v62  }
0x351: {  	v45 =	vor.u32 s25, v10;
	v46 =	vor.u32 s25, v9;
	v18 =	vor.u32 s0, v10;
	[tilespmem:v33+s22+$0x0] =	vst.idx.msk $0xffff, v54;
	v19 =	vld [tilespmem:s21+$0x60]  }
0x352: {  	s16 =	sadd.s32 $0x40, s16;
	v44 =	vperm.xlane v44, v11;
	v32 =	vperm.xlane v56, v11;
	v56 =	vunpack.i.u.bf16.f32 v51;
	v52 =	vld [tilespmem:s21+$0xFFFFFFD0];
	[tilespmem:v15+s22+$0x0] =	vst.idx.msk $0xffff, v14  }
.Ltmp5:
0x353: {  	v33 =	vperm.xlane v58, v11;
	v55 =	vld [tilespmem:s16+$0x10];
	v14 =	vunpack.i.u.bf16.f32 v61;
	v15 =	vunpack.i.l.bf16.f32 v61;
	[tilespmem:v57+s22+$0x0] =	vst.idx.msk $0xffff, v1;
	(pc) =	sbr.rel @p1 .LBB2_9-.Ltmp5, $4  }
0x354: {  	s31 =	sadd.s32 $0x40, s31;
	v57 =	vor.u32 s1, v9;
	v53 =	vld [tilespmem:s16+$0xFFFFFFE0];
	v1 =	vmul.f32 v59, v15;
	v14 =	vmul.f32 v59, v14;
	[tilespmem:v30+s22+$0x0] =	vst.idx.msk $0xffff, v16  }
0x355: {  	v62 =	vperm.xlane v34, v8;
	v58 =	vor.u32 s1, v10;
	v54 =	vunpack.i.l.bf16.f32 v51;
	v30 =	vmovc v20;
	v61 =	vld [tilespmem:s31+$0x10];
	[tilespmem:v31+s22+$0x0] =	vst.idx.msk $0xffff, v17  }
0x356: {  	v51 =	vunpack.i.l.bf16.f32 v60;
	v31 =	vmovc v18;
	v59 =	vld [tilespmem:s16+$0xFFFFFFF0];
	[tilespmem:v50+s22+$0x0] =	vst.idx.msk $0xffff, v1;
	v1 =	vunpack.i.l.bf16.f32 v19;
	v50 =	vunpack.i.u.bf16.f32 v60  }
0x357: {  	s29 =	sadd.s32 $0x4, s29;
	v60 =	vld [tilespmem:s16+$0x0];
	[tilespmem:v21+s22+$0x0] =	vst.idx.msk $0xffff, v14;
	v63 =	vunpack.i.u.bf16.f32 v52;
	v14 =	vunpack.i.u.bf16.f32 v19;
	v1 =	vmul.f32 v62, v1  }
0x358: {  	v15 =	vperm.xlane v55, v2;
	_ =	sdelay $0x1  }
0x359: {  	v15 =	vadd.f32 v15, v61;
	_ =	sdelay $0x1  }
0x35a: {  	v16 =	vmul.f32 $2.000000030e-01, v15  }
0x35b: {  	vm0 =	vgt.f32 v15, $0.0e+00  }
0x35c: {  	v17 =	vld [tilespmem:s31+$0xFFFFFFF0];
	v15 =	vsel vm0, v15, v16  }
0x35d: {  	v14 =	vmul.f32 v62, v14;
	v55 =	vld [tilespmem:s31+$0x0];
	v15 =	vmul.f32 $1.442695020e+00, v15  }
0x35e: {  	[tilespmem:v57+s22+$0x0] =	vst.idx.msk $0xffff, v1;
	v1 =	vld [tilespmem:s31+$0xFFFFFFE0]  }
0x35f: {  	v21 =	vmul.f32 v49, v63;
	[tilespmem:v58+s22+$0x0] =	vst.idx.msk $0xffff, v14;
	(erf) = vpow2.f32 v15  }
0x360: {  	v57 =	vmul.f32 v29, v56;
	v18 =	vperm.xlane v59, v2;
	v19 =	vld [tilespmem:s21+$0x70]  }
0x361: {  	v14 =	vunpack.i.l.bf16.f32 v52;
	v20 =	vperm.xlane v60, v2;
	v15 =	vperm.xlane v53, v2  }
0x362: {  	v58 =	vperm.xlane v34, v11;
	v14 =	vmul.f32 v49, v14;
	v60 =	vld [tilespmem:s21+$0x10];
	v17 =	vadd.f32 v18, v17  }
0x363: {  	v49 =	vmul.f32 v29, v54;
	v16 =	vadd.f32 v20, v55;
	v1 =	vadd.f32 v15, v1  }
0x364: {  	v59 =	vor.u32 s1, v13;
	v61 =	vmul.f32 $2.000000030e-01, v17;
	vm1 =	vgt.f32 v17, $0.0e+00  }
0x365: {  	[tilespmem:v47+s22+$0x0] =	vst.idx.msk $0xffff, v14;
	v62 =	vunpack.i.l.bf16.f32 v19;
	v14 =	vmul.f32 $2.000000030e-01, v16;
	v63 =	vmul.f32 $2.000000030e-01, v1  }
0x366: {  	[tilespmem:v36+s22+$0x0] =	vst.idx.msk $0xffff, v49;
	v53 =	vmul.f32 v58, v62;
	v17 =	vsel vm1, v17, v61;
	vm14 =	vgt.f32 v1, $0.0e+00  }
0x367: {  	s16 =	sadd.s32 $0x40, s11;
	s11 =	sshll.u32 s28, $0x7;
	[tilespmem:v48+s22+$0x0] =	vst.idx.msk $0xffff, v21;
	v48 =	vld [tilespmem:s21+$0xFFFFFFA0];
	v49 =	vunpack.i.u.bf16.f32 v60;
	v15 =	vor.u32 s1, v12;
	v1 =	vsel vm14, v1, v63  }
0x368: {  	s28 =	sadd.s32 $0x180, s11;
	[tilespmem:v35+s22+$0x0] =	vst.idx.msk $0xffff, v57;
	v52 =	vunpack.i.l.bf16.f32 v60;
	v60 =	vmul.f32 v23, v51;
	v1 =	vmul.f32 $1.442695020e+00, v1;
	v47 =	vpop (erf)  }
0x369: {  	v55 =	vor.u32 s28, v0;
	v62 =	vmul.f32 v23, v50;
	v17 =	vmul.f32 $1.442695020e+00, v17;
	s1 =	sadd.s32 $0x100, s21;
	[tilespmem:s16+$0x10] =	vst v47  }
0x36a: {  	v19 =	vunpack.i.u.bf16.f32 v19;
	vm15 =	vgt.f32 v16, $0.0e+00;
	[tilespmem:v27+s22+$0x0] =	vst.idx.msk $0xffff, v60;
	(erf) = vpow2.f32 v1;
	v1 =	vld [tilespmem:s1+$0x40]  }
0x36b: {  	v19 =	vmul.f32 v58, v19;
	v14 =	vsel vm15, v16, v14;
	[tilespmem:v26+s22+$0x0] =	vst.idx.msk $0xffff, v62;
	(erf) = vpow2.f32 v17  }
0x36c: {  	v14 =	vmul.f32 $1.442695020e+00, v14;
	v54 =	vunpack.i.l.bf16.f32 v48;
	[tilespmem:v15+s22+$0x0] =	vst.idx.msk $0xffff, v53;
	v15 =	vmul.f32 v43, v52  }
0x36d: {  	v57 =	vor.u32 s28, v4;
	v16 =	vmul.f32 v43, v49;
	[tilespmem:v59+s22+$0x0] =	vst.idx.msk $0xffff, v19;
	v17 =	vmul.f32 v40, v54  }
0x36e: {  	v56 =	vld [tilespmem:s21+$0xFFFFFFE0];
	[tilespmem:v39+s22+$0x0] =	vst.idx.msk $0xffff, v15;
	v15 =	vperm.xlane v47, v3;
	(erf) = vpow2.f32 v14;
	v14 =	vunpack.i.u.bf16.f32 v48  }
0x36f: {  	v58 =	vld [tilespmem:s20+$0x30];
	[tilespmem:v38+s22+$0x0] =	vst.idx.msk $0xffff, v16;
	v14 =	vmul.f32 v40, v14;
	v59 =	vunpack.i.l.bf16.f32 v1  }
0x370: {  	[tilespmem:v46+s22+$0x0] =	vst.idx.msk $0xffff, v17;
	v1 =	vunpack.i.u.bf16.f32 v1;
	v16 =	vmul.f32 v15, v59  }
0x371: {  	v34 =	vor.u32 s13, v12;
	[tilespmem:v45+s22+$0x0] =	vst.idx.msk $0xffff, v14;
	v1 =	vmul.f32 v15, v1  }
0x372: {  	v29 =	vor.u32 s13, v13;
	v20 =	vor.u32 s11, v0;
	v21 =	vor.u32 s11, v4;
	[tilespmem:v55+s22+$0x0] =	vst.idx.msk $0xffff, v16  }
0x373: {  	v23 =	vor.u32 s0, v12;
	v27 =	vor.u32 s11, v6;
	v15 =	vunpack.i.l.bf16.f32 v56;
	v35 =	vpop (erf);
	[tilespmem:v57+s22+$0x0] =	vst.idx.msk $0xffff, v1  }
0x374: {  	v61 =	vunpack.i.l.bf16.f32 v58;
	v14 =	vunpack.i.u.bf16.f32 v56;
	[tilespmem:s16+$0xFFFFFFE0] =	vst v35;
	v36 =	vpop (erf);
	v1 =	vmul.f32 v37, v15;
	v16 =	vld [tilespmem:s1+$0x50]  }
0x375: {  	v26 =	vor.u32 s28, v12;
	v18 =	vmul.f32 v22, v61;
	v14 =	vmul.f32 v37, v14;
	[tilespmem:s16+$0xFFFFFFF0] =	vst v36  }
0x376: {  	v43 =	vor.u32 s28, v9;
	v19 =	vor.u32 s28, v10;
	v39 =	vor.u32 s25, v12;
	v63 =	vld [tilespmem:s1+$0xFFFFFF80];
	[tilespmem:v41+s22+$0x0] =	vst.idx.msk $0xffff, v1  }
0x377: {  	v38 =	vor.u32 s25, v13;
	s25 =	sadd.s32 $0x80, s11;
	v52 =	vperm.xlane v47, v5;
	[tilespmem:v42+s22+$0x0] =	vst.idx.msk $0xffff, v14;
	v14 =	vor.u32 s28, v6  }
0x378: {  	s31 =	sadd.s32 $0x100, s11;
	v54 =	vor.u32 s28, v7;
	v40 =	vor.u32 s25, v4;
	v15 =	vunpack.i.u.bf16.f32 v58;
	v37 =	vpop (erf);
	v53 =	vld [tilespmem:s1+$0xFFFFFFC0]  }
0x379: {  	v59 =	vor.u32 s31, v0;
	v15 =	vmul.f32 v22, v15;
	[tilespmem:s16+$0x0] =	vst v37;
	v55 =	vunpack.i.l.bf16.f32 v16  }
0x37a: {  	[tilespmem:v25+s22+$0x0] =	vst.idx.msk $0xffff, v18;
	v56 =	vperm.xlane v35, v3;
	v57 =	vld [tilespmem:s1+$0x0];
	v16 =	vunpack.i.u.bf16.f32 v16;
	v58 =	vmul.f32 v52, v55  }
0x37b: {  	v1 =	vor.u32 s25, v0;
	[tilespmem:v24+s22+$0x0] =	vst.idx.msk $0xffff, v15;
	v60 =	vunpack.i.l.bf16.f32 v63;
	v15 =	vmul.f32 v52, v16  }
0x37c: {  	v61 =	vld [tilespmem:s21+$0x20];
	v62 =	vperm.xlane v36, v3;
	v22 =	vunpack.i.u.bf16.f32 v63;
	v63 =	vmul.f32 v56, v60;
	[tilespmem:v14+s22+$0x0] =	vst.idx.msk $0xffff, v58  }
0x37d: {  	v49 =	vunpack.i.l.bf16.f32 v53;
	v22 =	vmul.f32 v56, v22;
	v17 =	vunpack.i.u.bf16.f32 v53;
	[tilespmem:v54+s22+$0x0] =	vst.idx.msk $0xffff, v15  }
0x37e: {  	v18 =	vmul.f32 v62, v49;
	[tilespmem:v20+s22+$0x0] =	vst.idx.msk $0xffff, v63;
	v14 =	vor.u32 s31, v4;
	v15 =	vperm.xlane v37, v3;
	v50 =	vld [tilespmem:s1+$0x60]  }
0x37f: {  	v45 =	vor.u32 s28, v13;
	v51 =	vunpack.i.l.bf16.f32 v57;
	v17 =	vmul.f32 v62, v17;
	[tilespmem:v21+s22+$0x0] =	vst.idx.msk $0xffff, v22  }
0x380: {  	v46 =	vperm.xlane v37, v5;
	v52 =	vunpack.i.u.bf16.f32 v57;
	[tilespmem:v1+s22+$0x0] =	vst.idx.msk $0xffff, v18;
	v54 =	vld [tilespmem:s1+$0xFFFFFF90];
	v53 =	vmul.f32 v15, v51  }
0x381: {  	v55 =	vunpack.i.l.bf16.f32 v61;
	v16 =	vunpack.i.u.bf16.f32 v61;
	[tilespmem:v40+s22+$0x0] =	vst.idx.msk $0xffff, v17;
	v15 =	vmul.f32 v15, v52  }
0x382: {  	v62 =	vor.u32 s25, v7;
	v56 =	vmul.f32 v28, v55;
	v58 =	vperm.xlane v47, v8;
	v57 =	vld [tilespmem:s1+$0xFFFFFFD0];
	[tilespmem:v59+s22+$0x0] =	vst.idx.msk $0xffff, v53  }
0x383: {  	v16 =	vmul.f32 v28, v16;
	v1 =	vperm.xlane v35, v5;
	[tilespmem:v14+s22+$0x0] =	vst.idx.msk $0xffff, v15;
	v14 =	vunpack.i.l.bf16.f32 v50  }
0x384: {  	[tilespmem:v30+s22+$0x0] =	vst.idx.msk $0xffff, v56;
	v15 =	vor.u32 s11, v7;
	v60 =	vunpack.i.u.bf16.f32 v50;
	v61 =	vld [tilespmem:s1+$0x10];
	v14 =	vmul.f32 v58, v14  }
0x385: {  	v21 =	vor.u32 s25, v6;
	[tilespmem:v31+s22+$0x0] =	vst.idx.msk $0xffff, v16;
	v63 =	vunpack.i.l.bf16.f32 v54;
	v40 =	vmul.f32 v58, v60  }
0x386: {  	v42 =	vld [tilespmem:s21+$0xFFFFFFB0];
	v59 =	vperm.xlane v36, v5;
	v48 =	vunpack.i.u.bf16.f32 v54;
	v28 =	vmul.f32 v1, v63;
	[tilespmem:v43+s22+$0x0] =	vst.idx.msk $0xffff, v14  }
0x387: {  	v1 =	vmul.f32 v1, v48;
	v49 =	vunpack.i.l.bf16.f32 v57;
	v14 =	vor.u32 s31, v6;
	[tilespmem:v19+s22+$0x0] =	vst.idx.msk $0xffff, v40  }
0x388: {  	v50 =	vor.u32 s31, v7;
	v18 =	vunpack.i.u.bf16.f32 v57;
	v51 =	vmul.f32 v59, v49;
	[tilespmem:v27+s22+$0x0] =	vst.idx.msk $0xffff, v28;
	v52 =	vld [tilespmem:s1+$0x70]  }
0x389: {  	v56 =	vperm.xlane v37, v8;
	[tilespmem:v15+s22+$0x0] =	vst.idx.msk $0xffff, v1;
	v1 =	vmul.f32 v59, v18;
	v15 =	vunpack.i.l.bf16.f32 v61  }
0x38a: {  	v53 =	vperm.xlane v35, v8;
	[tilespmem:v21+s22+$0x0] =	vst.idx.msk $0xffff, v51;
	v55 =	vld [tilespmem:s1+$0xFFFFFFA0];
	v20 =	vunpack.i.u.bf16.f32 v61;
	v15 =	vmul.f32 v46, v15  }
0x38b: {  	v54 =	vperm.xlane v36, v8;
	v57 =	vunpack.i.l.bf16.f32 v42;
	[tilespmem:v62+s22+$0x0] =	vst.idx.msk $0xffff, v1;
	v1 =	vmul.f32 v46, v20  }
0x38c: {  	v17 =	vunpack.i.u.bf16.f32 v42;
	v58 =	vmul.f32 v44, v57;
	v60 =	vperm.xlane v47, v11;
	v59 =	vld [tilespmem:s1+$0xFFFFFFE0];
	[tilespmem:v14+s22+$0x0] =	vst.idx.msk $0xffff, v15  }
0x38d: {  	v14 =	vor.u32 s11, v9;
	v15 =	vmul.f32 v44, v17;
	[tilespmem:v50+s22+$0x0] =	vst.idx.msk $0xffff, v1;
	v61 =	vunpack.i.l.bf16.f32 v52  }
0x38e: {  	[tilespmem:v39+s22+$0x0] =	vst.idx.msk $0xffff, v58;
	v1 =	vor.u32 s11, v10;
	v62 =	vunpack.i.u.bf16.f32 v52;
	v63 =	vld [tilespmem:s1+$0x20];
	v17 =	vmul.f32 v60, v61  }
0x38f: {  	v39 =	vor.u32 s25, v9;
	[tilespmem:v38+s22+$0x0] =	vst.idx.msk $0xffff, v15;
	v40 =	vunpack.i.l.bf16.f32 v55;
	v15 =	vmul.f32 v60, v62  }
0x390: {  	v41 =	vld [tilespmem:s21+$0xFFFFFFF0];
	v42 =	vor.u32 s25, v10;
	v43 =	vunpack.i.u.bf16.f32 v55;
	v16 =	vmul.f32 v53, v40;
	[tilespmem:v26+s22+$0x0] =	vst.idx.msk $0xffff, v17  }
0x391: {  	v44 =	vor.u32 s31, v9;
	v17 =	vmul.f32 v53, v43;
	[tilespmem:v45+s22+$0x0] =	vst.idx.msk $0xffff, v15;
	v15 =	vunpack.i.l.bf16.f32 v59  }
0x392: {  	v46 =	vor.u32 s31, v10;
	v22 =	vunpack.i.u.bf16.f32 v59;
	[tilespmem:v14+s22+$0x0] =	vst.idx.msk $0xffff, v16;
	v45 =	vld [tilespmem:s21+$0x30];
	v15 =	vmul.f32 v54, v15  }
0x393: {  	v48 =	vor.u32 s25, v12;
	v47 =	vmul.f32 v54, v22;
	[tilespmem:v1+s22+$0x0] =	vst.idx.msk $0xffff, v17;
	v1 =	vunpack.i.l.bf16.f32 v63  }
0x394: {  	v57 =	vperm.xlane v35, v11;
	v49 =	vld [tilespmem:s1+$0xFFFFFFB0];
	v1 =	vmul.f32 v56, v1;
	[tilespmem:v39+s22+$0x0] =	vst.idx.msk $0xffff, v15;
	v15 =	vunpack.i.u.bf16.f32 v63  }
0x395: {  	v51 =	vunpack.i.l.bf16.f32 v41;
	v58 =	vperm.xlane v36, v11;
	[tilespmem:v42+s22+$0x0] =	vst.idx.msk $0xffff, v47;
	v15 =	vmul.f32 v56, v15  }
0x396: {  	v52 =	vunpack.i.u.bf16.f32 v41;
	v14 =	vor.u32 s0, v13;
	v53 =	vmul.f32 v32, v51;
	[tilespmem:v44+s22+$0x0] =	vst.idx.msk $0xffff, v1;
	v55 =	vld [tilespmem:s1+$0xFFFFFFF0]  }
0x397: {  	v16 =	vmul.f32 v32, v52;
	v54 =	vor.u32 s11, v12;
	v56 =	vunpack.i.l.bf16.f32 v45;
	[tilespmem:v46+s22+$0x0] =	vst.idx.msk $0xffff, v15  }
0x398: {  	[tilespmem:v34+s22+$0x0] =	vst.idx.msk $0xffff, v53;
	v1 =	vor.u32 s11, v13;
	v26 =	vunpack.i.u.bf16.f32 v45;
	v19 =	vmul.f32 v33, v56;
	v15 =	vld [tilespmem:s1+$0x30]  }
0x399: {  	v50 =	vor.u32 s25, v13;
	[tilespmem:v29+s22+$0x0] =	vst.idx.msk $0xffff, v16;
	v26 =	vmul.f32 v33, v26;
	v59 =	vunpack.i.l.bf16.f32 v49  }
0x39a: {  	v60 =	vperm.xlane v37, v11;
	v18 =	vunpack.i.u.bf16.f32 v49;
	[tilespmem:v23+s22+$0x0] =	vst.idx.msk $0xffff, v19;
	v16 =	vmul.f32 v57, v59  }
0x39b: {  	v61 =	vor.u32 s31, v12;
	v18 =	vmul.f32 v57, v18;
	[tilespmem:v14+s22+$0x0] =	vst.idx.msk $0xffff, v26;
	v14 =	vunpack.i.l.bf16.f32 v55  }
0x39c: {  	v62 =	vor.u32 s31, v13;
	v24 =	vunpack.i.u.bf16.f32 v55;
	[tilespmem:v54+s22+$0x0] =	vst.idx.msk $0xffff, v16;
	v14 =	vmul.f32 v58, v14  }
0x39d: {  	[tilespmem:v1+s22+$0x0] =	vst.idx.msk $0xffff, v18;
	v63 =	vmul.f32 v58, v24;
	v1 =	vunpack.i.l.bf16.f32 v15  }
0x39e: {  	v15 =	vunpack.i.u.bf16.f32 v15;
	v1 =	vmul.f32 v60, v1;
	[tilespmem:v48+s22+$0x0] =	vst.idx.msk $0xffff, v14  }
0x39f: {  	v14 =	vmul.f32 v60, v15;
	[tilespmem:v50+s22+$0x0] =	vst.idx.msk $0xffff, v63  }
0x3a0: {  	[tilespmem:v61+s22+$0x0] =	vst.idx.msk $0xffff, v1  }
0x3a1: {  	[tilespmem:v62+s22+$0x0] =	vst.idx.msk $0xffff, v14  }
0x3a2: {  	v1 =	vld [tilespmem:$0x140]  }
0x3a3: {  	v14 =	vld [tilespmem:$0x150]  }
0x3a4: {  	v15 =	vld [tilespmem:$0x160]  }
0x3a5: {  	v16 =	vld [tilespmem:$0x170]  }
0x3a6: {  	v17 =	vld [tilespmem:$0x180]  }
0x3a7: {  	[tilespmem:$0x1E0] =	vst v1  }
0x3a8: {  	[tilespmem:$0x1F0] =	vst v14  }
0x3a9: {  	[tilespmem:$0x200] =	vst v15  }
0x3aa: {  	s16 =	rddreg [dreg:$0x8];
	[tilespmem:$0x210] =	vst v16  }
0x3ab: {  	s11 =	simm.s32 $0x1E0;
	s1 =	rddreg [dreg:$0x2];
	s0 =	sadd.s32 s19, s16;
	[tilespmem:$0x220] =	vst v17  }
0x3ac: {  	[spmem:s1] =	stream.indirect.scatter.add.f32 [tilespmem:s22], [sflag:$0x3], $0x80, s11, s30, $0xb8;
	[tilespmem:$0x1F810] =	vst v63  }
0x3ad: {  	s13 =	simm.s32 $0x8E80;
	s0 =	sshrl.u32 s0, $0x3  }
0x3ae: {  	[spmem:s4] =	stream.indirect.scatter.add.f32 [tilespmem:s13], [sflag:$0x3], $0x10, s11, s30, $0xb8;
	[tilespmem:$0x1F810] =	vst v63  }
0x3af: {  	s19 =	sadd.s32 s7, s0  }
0x3b0: {  	[tilespmem:s6], [sflag:$0x5] =	stream.linear.gather [hbm4b:s19+s6], $0x50, $0x38;
	[tilespmem:$0x1F810] =	vst v63  }
0x3b1: {  	s20 =	sadd.s32 s8, s0  }
0x3b2: {  	[tilespmem:s3], [sflag:$0x5] =	stream.linear.gather [hbm4b:s20+s6], $0x50, $0x38;
	[tilespmem:$0x1F810] =	vst v63  }
0x3b3: {  	s21 =	simm.s32 $0x140;
	s0 =	sadd.s32 s9, s0  }
0x3b4: {  	[tilespmem:s21], [sflag:$0x5] =	stream.linear.gather [hbm4b:s0+s6], $0x50, $0x38;
	[tilespmem:$0x1F810] =	vst v63  }
0x3b5: {  	_ =	swait.ge [sflag:s14], $0x2800  }
0x3b6: {  	[sflag:s14] =	ssyncset.done $0x0  }
0x3b7: {  	[sflag:s14] =	ssyncadd.s32 $0xFFFFD800  }
0x3b8: {  	_ =	swait.ge [sflag:s14], $0x500  }
0x3b9: {  	[sflag:s14] =	ssyncset.done $0x0  }
0x3ba: {  	[sflag:s14] =	ssyncadd.s32 $0xFFFFFB00  }
0x3bb: {  	_ =	swait.ge [sflag:s18], $0x50  }
0x3bc: {  	[sflag:s18] =	ssyncset.done $0x0  }
0x3bd: {  	[sflag:s18] =	ssyncadd.s32 $0xFFFFFFB0  }
0x3be: {  	_ =	swait.ge [sflag:s18], $0x50  }
0x3bf: {  	[sflag:s18] =	ssyncset.done $0x0  }
0x3c0: {  	[sflag:s18] =	ssyncadd.s32 $0xFFFFFFB0  }
0x3c1: {  	_ =	swait.ge [sflag:s18], $0x50  }
0x3c2: {  	s17 =	sadd.s32 $0x1, s17;
	[sflag:s18] =	ssyncset.done $0x0  }
0x3c3: {  	p1 =	sne.s32 s17, $0x7C;
	s25 =	simm.s32 $0x1680;
	[sflag:s18] =	ssyncadd.s32 $0xFFFFFFB0  }
0x3c4: {  	[tilespmem:s25], [sflag:$0x2] =	stream.indirect.gather [hbm4b:s26+s30], $0x40, s30, s30, $0xb8;
	[tilespmem:$0x1F810] =	vst v63  }
.Ltmp6:
0x3c5: {  	_ = 	snop;
	(pc) =	sbr.rel @p1 .LBB2_6-.Ltmp6, $4  }
0x3c6: {  	s28 =	simm.s32 $0x7F80  }
0x3c7: {  	[tilespmem:s28], [sflag:$0x2] =	stream.indirect.gather [hbm4b:s2+s30], $0x10, s30, s30, $0xb8;
	[tilespmem:$0x1F810] =	vst v63  }
0x3c8: {  	s29 =	smov.u32 s26;
	s31 =	simm.s32 $0x8980;
	s26 =	simm.s32 $0xF0  }
0x3c9: {  	[tilespmem:s31], [sflag:$0x2] =	stream.indirect.gather [hbm4b:s2+s30], $0x10, s26, s30, $0xb8;
	[tilespmem:$0x1F810] =	vst v63  }
0x3ca: {  	_ =	swait.ge [sflag:s24], $0x1400  }
0x3cb: {  	[sflag:s24] =	ssyncset.done $0x0  }
0x3cc: {  	[sflag:s24] =	ssyncadd.s32 $0xFFFFEC00  }
0x3cd: {  	_ =	swait.ge [sflag:s24], $0x500  }
0x3ce: {  	[sflag:s24] =	ssyncset.done $0x0  }
0x3cf: {  	[sflag:s24] =	ssyncadd.s32 $0xFFFFFB00  }
0x3d0: {  	_ =	swait.ge [sflag:s24], $0x500  }
0x3d1: {  	[sflag:s24] =	ssyncset.done $0x0  }
0x3d2: {  	s0 =	simm.s32 $0x89A0;
	[sflag:s24] =	ssyncadd.s32 $0xFFFFFB00  }
0x3d3: {  	v1 =	vld [tilespmem:s0+$0x10]  }
0x3d4: {  	s1 =	simm.s32 $0x7FA0  }
0x3d5: {  	v14 =	vld [tilespmem:s1+$0x10];
	_ =	sdelay $0x2  }
0x3d6: {  	v1 =	vperm.xlane v1, v2;
	_ =	sdelay $0x1  }
0x3d7: {  	v1 =	vadd.f32 v1, v14  }
0x3d8: {  	v14 =	vld [tilespmem:s0+$0xFFFFFFE0]  }
0x3d9: {  	v16 =	vmul.f32 $2.000000030e-01, v1  }
0x3da: {  	v17 =	vld [tilespmem:s1+$0xFFFFFFE0];
	vm0 =	vgt.f32 v1, $0.0e+00  }
0x3db: {  	v15 =	vld [tilespmem:s0+$0xFFFFFFF0];
	v1 =	vsel vm0, v1, v16  }
0x3dc: {  	v1 =	vmul.f32 $1.442695020e+00, v1  }
0x3dd: {  	v49 =	vld [tilespmem:s1+$0xFFFFFFF0];
	v14 =	vperm.xlane v14, v2  }
0x3de: {  	v18 =	vld [tilespmem:s0+$0x0];
	(erf) = vpow2.f32 v1  }
0x3df: {  	v14 =	vadd.f32 v14, v17  }
0x3e0: {  	v19 =	vld [tilespmem:s1+$0x0];
	v1 =	vperm.xlane v15, v2  }
0x3e1: {  	v50 =	vmul.f32 $2.000000030e-01, v14  }
0x3e2: {  	v1 =	vadd.f32 v1, v49;
	vm10 =	vgt.f32 v14, $0.0e+00  }
0x3e3: {  	v15 =	vperm.xlane v18, v2;
	v14 =	vsel vm10, v14, v50  }
0x3e4: {  	v51 =	vmul.f32 $2.000000030e-01, v1;
	v14 =	vmul.f32 $1.442695020e+00, v14  }
0x3e5: {  	v15 =	vadd.f32 v15, v19;
	vm11 =	vgt.f32 v1, $0.0e+00  }
0x3e6: {  	v1 =	vsel vm11, v1, v51;
	(erf) = vpow2.f32 v14  }
0x3e7: {  	s16 =	simm.s32 $0x93A0;
	v52 =	vmul.f32 $2.000000030e-01, v15;
	v1 =	vmul.f32 $1.442695020e+00, v1;
	v34 =	vpop (erf)  }
0x3e8: {  	s17 =	simm.s32 $0x1700;
	vm1 =	vgt.f32 v15, $0.0e+00;
	[tilespmem:s16+$0x10] =	vst v34  }
0x3e9: {  	v15 =	vsel vm1, v15, v52;
	(erf) = vpow2.f32 v1;
	v1 =	vld [tilespmem:s17+$0x40]  }
0x3ea: {  	v14 =	vmul.f32 $1.442695020e+00, v15  }
0x3eb: {  	s21 =	simm.s32 $0x180  }
0x3ec: {  	(erf) = vpow2.f32 v14;
	v14 =	vor.u32 s21, v0  }
0x3ed: {  	v53 =	vor.u32 s21, v4;
	v15 =	vperm.xlane v34, v3  }
0x3ee: {  	s25 =	simm.s32 $0x0;
	v54 =	vunpack.i.l.bf16.f32 v1  }
0x3ef: {  	v55 =	vor.u32 s25, v0;
	v56 =	vpop (erf);
	v1 =	vunpack.i.u.bf16.f32 v1;
	v17 =	vmul.f32 v15, v54  }
0x3f0: {  	s13 =	simm.s32 $0x80;
	s11 =	simm.s32 $0x100;
	v20 =	vor.u32 s25, v4;
	v21 =	vor.u32 s25, v6;
	[tilespmem:s16+$0xFFFFFFE0] =	vst v56;
	v1 =	vmul.f32 v15, v1  }
0x3f1: {  	v22 =	vor.u32 s13, v4;
	v24 =	vor.u32 s11, v0;
	v38 =	vor.u32 s13, v7;
	v25 =	vld [tilespmem:s17+$0xFFFFFF80];
	[tilespmem:v14+s5+$0x0] =	vst.idx.msk $0xffff, v17  }
0x3f2: {  	v33 =	vor.u32 s11, v6;
	v28 =	vor.u32 s11, v7;
	v39 =	vor.u32 s25, v7;
	[tilespmem:v53+s5+$0x0] =	vst.idx.msk $0xffff, v1  }
0x3f3: {  	v40 =	vor.u32 s21, v6;
	v42 =	vor.u32 s21, v7;
	v43 =	vor.u32 s25, v9;
	v29 =	vld [tilespmem:s17+$0x50]  }
0x3f4: {  	v47 =	vor.u32 s21, v10;
	v50 =	vor.u32 s11, v9;
	v41 =	vperm.xlane v34, v5;
	v23 =	vpop (erf)  }
0x3f5: {  	v51 =	vor.u32 s11, v10;
	v46 =	vperm.xlane v34, v8;
	v14 =	vperm.xlane v56, v3;
	[tilespmem:s16+$0xFFFFFFF0] =	vst v23  }
0x3f6: {  	v36 =	vperm.xlane v56, v5;
	v27 =	vpop (erf);
	v30 =	vld [tilespmem:s17+$0xFFFFFFC0];
	v31 =	vunpack.i.u.bf16.f32 v25;
	v25 =	vunpack.i.l.bf16.f32 v25  }
0x3f7: {  	v15 =	vor.u32 s13, v0;
	v44 =	vperm.xlane v56, v8;
	[tilespmem:s16+$0x0] =	vst v27;
	v25 =	vmul.f32 v14, v25  }
0x3f8: {  	v26 =	vperm.xlane v23, v3;
	v32 =	vld [tilespmem:s17+$0x0];
	v14 =	vmul.f32 v14, v31;
	v31 =	vunpack.i.l.bf16.f32 v29  }
0x3f9: {  	v37 =	vperm.xlane v23, v5;
	[tilespmem:v55+s5+$0x0] =	vst.idx.msk $0xffff, v25;
	v58 =	vunpack.i.u.bf16.f32 v29;
	v25 =	vmul.f32 v41, v31  }
0x3fa: {  	v17 =	vor.u32 s11, v4;
	v45 =	vperm.xlane v23, v8;
	[tilespmem:v20+s5+$0x0] =	vst.idx.msk $0xffff, v14;
	v14 =	vmul.f32 v41, v58  }
0x3fb: {  	s31 =	simm.s32 $0x89E0;
	v23 =	vperm.xlane v23, v11;
	v1 =	vor.u32 s13, v6;
	v29 =	vunpack.i.l.bf16.f32 v30;
	v60 =	vld [tilespmem:s17+$0xFFFFFF90];
	[tilespmem:v40+s5+$0x0] =	vst.idx.msk $0xffff, v25  }
0x3fc: {  	v57 =	vperm.xlane v27, v3;
	v59 =	vunpack.i.u.bf16.f32 v30;
	v29 =	vmul.f32 v26, v29;
	[tilespmem:v42+s5+$0x0] =	vst.idx.msk $0xffff, v14;
	v14 =	vld [tilespmem:s31+$0x10]  }
0x3fd: {  	s19 =	simm.s32 $0x7FE0;
	v35 =	vperm.xlane v27, v5;
	v18 =	vmul.f32 v26, v59;
	v20 =	vunpack.i.l.bf16.f32 v32;
	v61 =	vld [tilespmem:s17+$0x60]  }
0x3fe: {  	v62 =	vld [tilespmem:s19+$0x10];
	v30 =	vor.u32 s13, v10;
	v31 =	vperm.xlane v27, v8;
	v20 =	vmul.f32 v57, v20;
	[tilespmem:v15+s5+$0x0] =	vst.idx.msk $0xffff, v29  }
0x3ff: {  	v25 =	vunpack.i.u.bf16.f32 v32;
	v32 =	vor.u32 s13, v9;
	v29 =	vperm.xlane v56, v11;
	v56 =	vld [tilespmem:s31+$0xFFFFFFE0];
	[tilespmem:v22+s5+$0x0] =	vst.idx.msk $0xffff, v18  }
0x400: {  	v15 =	vmul.f32 v57, v25;
	v42 =	vor.u32 s25, v10;
	v57 =	vor.u32 s21, v9;
	v63 =	vld [tilespmem:s17+$0xFFFFFFD0]  }
0x401: {  	v52 =	vld [tilespmem:s31+$0x0];
	v22 =	vperm.xlane v27, v11;
	v26 =	vunpack.i.l.bf16.f32 v60;
	v14 =	vperm.xlane v14, v2  }
0x402: {  	v48 =	vld [tilespmem:s31+$0xFFFFFFF0];
	v27 =	vor.u32 s13, v12;
	v49 =	vmul.f32 v36, v26;
	v26 =	vunpack.i.l.bf16.f32 v61  }
0x403: {  	v59 =	vld [tilespmem:s19+$0xFFFFFFE0];
	v25 =	vunpack.i.u.bf16.f32 v60;
	v26 =	vmul.f32 v46, v26;
	v14 =	vadd.f32 v14, v62  }
0x404: {  	[tilespmem:v24+s5+$0x0] =	vst.idx.msk $0xffff, v20;
	v24 =	vor.u32 s11, v13;
	v60 =	vld [tilespmem:s19+$0x0];
	v58 =	vmul.f32 v36, v25;
	v40 =	vperm.xlane v56, v2  }
0x405: {  	v53 =	vld [tilespmem:s19+$0xFFFFFFF0];
	v16 =	vunpack.i.u.bf16.f32 v61;
	v25 =	vunpack.i.u.bf16.f32 v63;
	[tilespmem:v57+s5+$0x0] =	vst.idx.msk $0xffff, v26;
	v26 =	vmul.f32 $2.000000030e-01, v14  }
0x406: {  	v19 =	vunpack.i.l.bf16.f32 v63;
	v63 =	vperm.xlane v52, v2;
	[tilespmem:v21+s5+$0x0] =	vst.idx.msk $0xffff, v49;
	vm12 =	vgt.f32 v14, $0.0e+00  }
0x407: {  	v21 =	vperm.xlane v34, v11;
	v16 =	vmul.f32 v46, v16;
	v14 =	vsel vm12, v14, v26  }
0x408: {  	[tilespmem:v17+s5+$0x0] =	vst.idx.msk $0xffff, v15;
	v20 =	vadd.f32 v40, v59;
	v62 =	vperm.xlane v48, v2;
	v14 =	vmul.f32 $1.442695020e+00, v14  }
0x409: {  	v36 =	vor.u32 s25, v12;
	v19 =	vmul.f32 v37, v19;
	[tilespmem:v39+s5+$0x0] =	vst.idx.msk $0xffff, v58;
	v46 =	vadd.f32 v63, v60  }
0x40a: {  	v15 =	vadd.f32 v62, v53;
	v53 =	vld [tilespmem:s17+$0xFFFFFFA0];
	[tilespmem:v47+s5+$0x0] =	vst.idx.msk $0xffff, v16;
	v47 =	vmul.f32 $2.000000030e-01, v20;
	(erf) = vpow2.f32 v14  }
0x40b: {  	v61 =	vmul.f32 v37, v25;
	v25 =	vor.u32 s13, v13;
	vm13 =	vgt.f32 v20, $0.0e+00;
	v41 =	vld [tilespmem:s17+$0x70]  }
0x40c: {  	v52 =	vmul.f32 $2.000000030e-01, v46;
	v48 =	vmul.f32 $2.000000030e-01, v15;
	v20 =	vsel vm13, v20, v47  }
0x40d: {  	[tilespmem:v1+s5+$0x0] =	vst.idx.msk $0xffff, v19;
	v1 =	vld [tilespmem:s17+$0x10];
	vm15 =	vgt.f32 v46, $0.0e+00;
	vm14 =	vgt.f32 v15, $0.0e+00;
	v54 =	vmul.f32 $1.442695020e+00, v20  }
0x40e: {  	v17 =	vsel vm15, v46, v52;
	v15 =	vsel vm14, v15, v48;
	v14 =	vor.u32 s21, v12  }
0x40f: {  	[tilespmem:v38+s5+$0x0] =	vst.idx.msk $0xffff, v61;
	v15 =	vmul.f32 $1.442695020e+00, v15;
	v16 =	vunpack.i.l.bf16.f32 v53;
	(erf) = vpow2.f32 v54  }
0x410: {  	v20 =	vld [tilespmem:s17+$0xFFFFFFE0];
	v17 =	vmul.f32 $1.442695020e+00, v17;
	v16 =	vmul.f32 v44, v16;
	v49 =	vunpack.i.l.bf16.f32 v41  }
0x411: {  	v57 =	vor.u32 s21, v13;
	(erf) = vpow2.f32 v15;
	v55 =	vmul.f32 v21, v49  }
0x412: {  	s20 =	simm.s32 $0x200;
	v15 =	vunpack.i.u.bf16.f32 v1;
	v1 =	vunpack.i.l.bf16.f32 v1;
	(erf) = vpow2.f32 v17;
	[tilespmem:v43+s5+$0x0] =	vst.idx.msk $0xffff, v16  }
0x413: {  	s13 =	simm.s32 $0x380;
	v60 =	vor.u32 s20, v6;
	s21 =	simm.s32 $0x93E0;
	v56 =	vunpack.i.u.bf16.f32 v41;
	v1 =	vmul.f32 v35, v1;
	[tilespmem:v14+s5+$0x0] =	vst.idx.msk $0xffff, v55;
	v34 =	vpop (erf)  }
0x414: {  	s19 =	simm.s32 $0x1800;
	v37 =	vor.u32 s13, v0;
	v40 =	vor.u32 s13, v4;
	v19 =	vmul.f32 v21, v56;
	[tilespmem:s21+$0x10] =	vst v34  }
0x415: {  	v26 =	vor.u32 s11, v12;
	s11 =	simm.s32 $0x280;
	v15 =	vmul.f32 v35, v15;
	v21 =	vunpack.i.l.bf16.f32 v20;
	[tilespmem:v33+s5+$0x0] =	vst.idx.msk $0xffff, v1;
	v59 =	vld [tilespmem:s19+$0x40]  }
0x416: {  	v18 =	vor.u32 s11, v0;
	v47 =	vor.u32 s11, v6;
	v21 =	vmul.f32 v45, v21;
	[tilespmem:v57+s5+$0x0] =	vst.idx.msk $0xffff, v19  }
0x417: {  	s0 =	simm.s32 $0x300;
	v48 =	vor.u32 s11, v7;
	v58 =	vunpack.i.u.bf16.f32 v53;
	v20 =	vunpack.i.u.bf16.f32 v20;
	[tilespmem:v28+s5+$0x0] =	vst.idx.msk $0xffff, v15  }
0x418: {  	v53 =	vor.u32 s0, v4;
	v17 =	vmul.f32 v44, v58;
	v20 =	vmul.f32 v45, v20;
	[tilespmem:v32+s5+$0x0] =	vst.idx.msk $0xffff, v21;
	v52 =	vpop (erf)  }
0x419: {  	v35 =	vor.u32 s25, v13;
	v44 =	vor.u32 s20, v4;
	v62 =	vperm.xlane v34, v3;
	[tilespmem:s21+$0xFFFFFFE0] =	vst v52  }
0x41a: {  	v43 =	vor.u32 s11, v10;
	v14 =	vor.u32 s20, v0;
	[tilespmem:v30+s5+$0x0] =	vst.idx.msk $0xffff, v20;
	v54 =	vpop (erf);
	v46 =	vld [tilespmem:s19+$0xFFFFFF80];
	v63 =	vunpack.i.l.bf16.f32 v59  }
0x41b: {  	v20 =	vperm.xlane v34, v5;
	[tilespmem:s21+$0xFFFFFFF0] =	vst v54;
	v57 =	vpop (erf);
	v38 =	vunpack.i.u.bf16.f32 v59;
	v39 =	vmul.f32 v62, v63  }
0x41c: {  	v1 =	vor.u32 s0, v0;
	v45 =	vperm.xlane v52, v3;
	v56 =	vld [tilespmem:s19+$0xFFFFFFC0];
	[tilespmem:s21+$0x0] =	vst v57;
	v33 =	vmul.f32 v62, v38  }
0x41d: {  	v19 =	vor.u32 s11, v4;
	v55 =	vperm.xlane v54, v3;
	v49 =	vperm.xlane v54, v5;
	[tilespmem:v37+s5+$0x0] =	vst.idx.msk $0xffff, v39  }
0x41e: {  	v15 =	vor.u32 s20, v7;
	v58 =	vperm.xlane v57, v3;
	v41 =	vperm.xlane v57, v5;
	v61 =	vld [tilespmem:s19+$0x0];
	[tilespmem:v40+s5+$0x0] =	vst.idx.msk $0xffff, v33  }
0x41f: {  	v28 =	vperm.xlane v57, v8;
	v16 =	vunpack.i.u.bf16.f32 v46;
	v46 =	vunpack.i.l.bf16.f32 v46;
	v33 =	vld [tilespmem:s19+$0x50]  }
0x420: {  	[tilespmem:v42+s5+$0x0] =	vst.idx.msk $0xffff, v17;
	v59 =	vperm.xlane v52, v5;
	v38 =	vor.u32 s0, v7;
	v42 =	vmul.f32 v45, v46  }
0x421: {  	v62 =	vunpack.i.u.bf16.f32 v56;
	v63 =	vunpack.i.l.bf16.f32 v56;
	v56 =	vor.u32 s13, v6  }
0x422: {  	v16 =	vmul.f32 v45, v16;
	v45 =	vor.u32 s13, v7;
	v46 =	vor.u32 s20, v9  }
0x423: {  	v37 =	vperm.xlane v54, v8;
	v21 =	vunpack.i.u.bf16.f32 v61;
	[tilespmem:v14+s5+$0x0] =	vst.idx.msk $0xffff, v42;
	v14 =	vmul.f32 v55, v63;
	v63 =	vld [tilespmem:s17+$0xFFFFFFB0]  }
0x424: {  	v17 =	vld [tilespmem:s17+$0x20];
	v32 =	vunpack.i.l.bf16.f32 v61;
	v55 =	vmul.f32 v55, v62;
	[tilespmem:v44+s5+$0x0] =	vst.idx.msk $0xffff, v16;
	v30 =	vunpack.i.l.bf16.f32 v33  }
0x425: {  	v40 =	vperm.xlane v52, v8;
	v62 =	vld [tilespmem:s19+$0xFFFFFF90];
	[tilespmem:v18+s5+$0x0] =	vst.idx.msk $0xffff, v14;
	v61 =	vunpack.i.u.bf16.f32 v33;
	v30 =	vmul.f32 v20, v30  }
0x426: {  	v39 =	vor.u32 s0, v6;
	v42 =	vperm.xlane v52, v11;
	[tilespmem:v19+s5+$0x0] =	vst.idx.msk $0xffff, v55;
	v61 =	vmul.f32 v20, v61  }
0x427: {  	v16 =	vmul.f32 v58, v32;
	v44 =	vor.u32 s11, v9;
	v14 =	vmul.f32 v58, v21;
	v21 =	vld [tilespmem:s17+$0xFFFFFFF0];
	[tilespmem:v56+s5+$0x0] =	vst.idx.msk $0xffff, v30  }
0x428: {  	v32 =	vperm.xlane v54, v11;
	v58 =	vor.u32 s13, v10;
	v52 =	vld [tilespmem:s19+$0xFFFFFFD0];
	v54 =	vunpack.i.l.bf16.f32 v63;
	[tilespmem:v45+s5+$0x0] =	vst.idx.msk $0xffff, v61  }
0x429: {  	v33 =	vperm.xlane v57, v11;
	v20 =	vunpack.i.u.bf16.f32 v17;
	v17 =	vunpack.i.l.bf16.f32 v17;
	v18 =	vld [tilespmem:s19+$0x60]  }
0x42a: {  	s16 =	simm.s32 $0x8A20;
	[tilespmem:v1+s5+$0x0] =	vst.idx.msk $0xffff, v16;
	v1 =	vunpack.i.u.bf16.f32 v62;
	v62 =	vunpack.i.l.bf16.f32 v62;
	v17 =	vmul.f32 v31, v17  }
0x42b: {  	v55 =	vld [tilespmem:s16+$0x10];
	[tilespmem:v53+s5+$0x0] =	vst.idx.msk $0xffff, v14;
	v57 =	vor.u32 s13, v9;
	v20 =	vmul.f32 v31, v20;
	v14 =	vmul.f32 v59, v62  }
0x42c: {  	s25 =	simm.s32 $0x8020;
	v53 =	vld [tilespmem:s16+$0xFFFFFFE0];
	v31 =	vor.u32 s0, v10;
	v1 =	vmul.f32 v59, v1;
	v62 =	vperm.xlane v34, v8;
	[tilespmem:v50+s5+$0x0] =	vst.idx.msk $0xffff, v17  }
0x42d: {  	v30 =	vor.u32 s0, v9;
	v56 =	vunpack.i.u.bf16.f32 v63;
	v63 =	vunpack.i.u.bf16.f32 v52;
	v61 =	vld [tilespmem:s25+$0x10];
	[tilespmem:v60+s5+$0x0] =	vst.idx.msk $0xffff, v14  }
0x42e: {  	v59 =	vld [tilespmem:s16+$0xFFFFFFF0];
	v45 =	vor.u32 s20, v10;
	v50 =	vunpack.i.u.bf16.f32 v21;
	[tilespmem:v51+s5+$0x0] =	vst.idx.msk $0xffff, v20;
	v16 =	vunpack.i.l.bf16.f32 v18  }
0x42f: {  	s28 =	simm.s32 $0xC;
	s1 =	simm.s32 $0x8;
	v60 =	vld [tilespmem:s16+$0x0];
	v51 =	vunpack.i.l.bf16.f32 v21;
	[tilespmem:v15+s5+$0x0] =	vst.idx.msk $0xffff, v1;
	v14 =	vunpack.i.u.bf16.f32 v18;
	v1 =	vmul.f32 v62, v16  }
.LBB2_12:
0x430: {  	p1 =	slt.u32 s28, $0x4C;
	v15 =	vld [tilespmem:s25+$0xFFFFFFF0];
	v16 =	vperm.xlane v55, v2;
	v17 =	vunpack.i.l.bf16.f32 v52;
	v14 =	vmul.f32 v62, v14  }
0x431: {  	v55 =	vor.u32 s11, v12;
	v18 =	vperm.xlane v53, v2;
	v19 =	vld [tilespmem:s25+$0x0];
	v17 =	vmul.f32 v49, v17;
	[tilespmem:v57+s5+$0x0] =	vst.idx.msk $0xffff, v1  }
0x432: {  	v20 =	vmul.f32 v49, v63;
	v53 =	vor.u32 s11, v13;
	v1 =	vld [tilespmem:s25+$0xFFFFFFE0];
	v16 =	vadd.f32 v16, v61;
	[tilespmem:v58+s5+$0x0] =	vst.idx.msk $0xffff, v14  }
0x433: {  	v52 =	vor.u32 s0, v12;
	v21 =	vmul.f32 v29, v54;
	v14 =	vperm.xlane v59, v2;
	[tilespmem:v47+s5+$0x0] =	vst.idx.msk $0xffff, v17;
	v17 =	vld [tilespmem:s19+$0x70]  }
0x434: {  	v54 =	vor.u32 s0, v13;
	v47 =	vperm.xlane v60, v2;
	v49 =	vmul.f32 $2.000000030e-01, v16;
	[tilespmem:v48+s5+$0x0] =	vst.idx.msk $0xffff, v20;
	v20 =	vld [tilespmem:s19+$0x10]  }
0x435: {  	vm0 =	vgt.f32 v16, $0.0e+00;
	v14 =	vadd.f32 v14, v15;
	v15 =	vld [tilespmem:s19+$0xFFFFFFA0];
	[tilespmem:v36+s5+$0x0] =	vst.idx.msk $0xffff, v21;
	v21 =	vmul.f32 v29, v56  }
0x436: {  	v29 =	vmovc v42;
	v19 =	vadd.f32 v47, v19;
	v16 =	vsel vm0, v16, v49;
	v36 =	vld [tilespmem:s19+$0xFFFFFFE0];
	v47 =	vor.u32 s13, v12  }
0x437: {  	v34 =	vperm.xlane v34, v11;
	v42 =	vor.u32 s13, v13;
	v16 =	vmul.f32 $1.442695020e+00, v16;
	[tilespmem:v35+s5+$0x0] =	vst.idx.msk $0xffff, v21;
	v21 =	vld [tilespmem:s17+$0x30];
	s17 =	smov.u32 s19  }
0x438: {  	v1 =	vadd.f32 v18, v1;
	v18 =	vmul.f32 $2.000000030e-01, v14;
	v35 =	vunpack.i.l.bf16.f32 v17  }
0x439: {  	(erf) = vpow2.f32 v16;
	v16 =	vunpack.i.u.bf16.f32 v17;
	v17 =	vmul.f32 v34, v35  }
0x43a: {  	vm0 =	vgt.f32 v1, $0.0e+00;
	v35 =	vmul.f32 $2.000000030e-01, v1;
	v16 =	vmul.f32 v34, v16  }
0x43b: {  	vm1 =	vgt.f32 v14, $0.0e+00;
	vm2 =	vgt.f32 v19, $0.0e+00;
	v34 =	vmul.f32 $2.000000030e-01, v19;
	[tilespmem:v47+s5+$0x0] =	vst.idx.msk $0xffff, v17  }
0x43c: {  	v14 =	vsel vm1, v14, v18;
	v1 =	vsel vm0, v1, v35;
	v17 =	vunpack.i.u.bf16.f32 v20;
	[tilespmem:v42+s5+$0x0] =	vst.idx.msk $0xffff, v16  }
0x43d: {  	v14 =	vmul.f32 $1.442695020e+00, v14;
	v1 =	vmul.f32 $1.442695020e+00, v1;
	v16 =	vsel vm2, v19, v34  }
0x43e: {  	v18 =	vunpack.i.l.bf16.f32 v20;
	v17 =	vmul.f32 v41, v17;
	v16 =	vmul.f32 $1.442695020e+00, v16  }
0x43f: {  	v18 =	vmul.f32 v41, v18;
	(erf) = vpow2.f32 v1;
	v1 =	vunpack.i.u.bf16.f32 v15  }
0x440: {  	(erf) = vpow2.f32 v14;
	v14 =	vunpack.i.l.bf16.f32 v15;
	v15 =	vunpack.i.u.bf16.f32 v36  }
0x441: {  	(erf) = vpow2.f32 v16;
	v14 =	vmul.f32 v40, v14;
	v16 =	vunpack.i.l.bf16.f32 v36;
	[tilespmem:v39+s5+$0x0] =	vst.idx.msk $0xffff, v18  }
0x442: {  	s21 =	sadd.s32 $0x40, s21;
	v1 =	vmul.f32 v40, v1;
	v34 =	vpop (erf);
	v16 =	vmul.f32 v37, v16;
	[tilespmem:v38+s5+$0x0] =	vst.idx.msk $0xffff, v17;
	v17 =	vunpack.i.u.bf16.f32 v21  }
0x443: {  	s19 =	sadd.s32 $0x100, s19;
	v19 =	vmul.f32 v23, v51;
	v20 =	vunpack.i.l.bf16.f32 v21;
	v15 =	vmul.f32 v37, v15;
	[tilespmem:s21+$0x10] =	vst v34;
	v18 =	vld [tilespmem:s17+$0x20]  }
0x444: {  	v20 =	vmul.f32 v22, v20;
	v36 =	vor.u32 s20, v12;
	v21 =	vld [tilespmem:s19+$0x40];
	[tilespmem:v46+s5+$0x0] =	vst.idx.msk $0xffff, v14;
	v14 =	vmul.f32 v23, v50  }
0x445: {  	v35 =	vor.u32 s20, v13;
	s20 =	sshll.u32 s1, $0x7;
	s1 =	smov.u32 s28;
	v23 =	vmovc v32;
	[tilespmem:v45+s5+$0x0] =	vst.idx.msk $0xffff, v1;
	v1 =	vmul.f32 v22, v17;
	v22 =	vmov v33  }
0x446: {  	s11 =	sadd.s32 $0x80, s20;
	s0 =	sadd.s32 $0x100, s20;
	s13 =	sadd.s32 $0x180, s20;
	v32 =	vor.u32 s20, v4;
	v50 =	vor.u32 s20, v6;
	v17 =	vor.u32 s20, v0;
	v51 =	vld [tilespmem:s17+$0xFFFFFFB0];
	[tilespmem:v44+s5+$0x0] =	vst.idx.msk $0xffff, v16  }
0x447: {  	v37 =	vor.u32 s13, v0;
	v33 =	vor.u32 s11, v4;
	v16 =	vor.u32 s11, v0;
	[tilespmem:v43+s5+$0x0] =	vst.idx.msk $0xffff, v15  }
0x448: {  	v38 =	vperm.xlane v34, v3;
	v40 =	vor.u32 s13, v4;
	v15 =	vor.u32 s0, v0;
	v42 =	vpop (erf);
	v60 =	vld [tilespmem:s17+$0xFFFFFFF0];
	[tilespmem:v27+s5+$0x0] =	vst.idx.msk $0xffff, v19  }
0x449: {  	v57 =	vor.u32 s0, v4;
	[tilespmem:s21+$0xFFFFFFE0] =	vst v42;
	v19 =	vperm.xlane v42, v3;
	v41 =	vunpack.i.l.bf16.f32 v21;
	v56 =	vpop (erf)  }
0x44a: {  	v21 =	vunpack.i.u.bf16.f32 v21;
	v43 =	vld [tilespmem:s19+$0xFFFFFF80];
	[tilespmem:s21+$0xFFFFFFF0] =	vst v56;
	v44 =	vperm.xlane v56, v3;
	v39 =	vmul.f32 v38, v41;
	v58 =	vpop (erf)  }
0x44b: {  	v47 =	vor.u32 s11, v6;
	v27 =	vmovc v55;
	v21 =	vmul.f32 v38, v21;
	v45 =	vld [tilespmem:s19+$0xFFFFFFC0];
	[tilespmem:s21+$0x0] =	vst v58;
	v46 =	vperm.xlane v58, v3  }
0x44c: {  	v48 =	vor.u32 s11, v7;
	v59 =	vperm.xlane v42, v5;
	v49 =	vperm.xlane v56, v5;
	v55 =	vld [tilespmem:s19+$0x0];
	[tilespmem:v37+s5+$0x0] =	vst.idx.msk $0xffff, v39  }
0x44d: {  	v38 =	vor.u32 s0, v7;
	v41 =	vperm.xlane v58, v5;
	v39 =	vor.u32 s0, v6;
	[tilespmem:v40+s5+$0x0] =	vst.idx.msk $0xffff, v21  }
0x44e: {  	v37 =	vperm.xlane v56, v8;
	v21 =	vor.u32 s20, v7;
	v40 =	vperm.xlane v42, v8;
	v61 =	vld [tilespmem:s19+$0x50];
	[tilespmem:v25+s5+$0x0] =	vst.idx.msk $0xffff, v14  }
0x44f: {  	v62 =	vperm.xlane v58, v8;
	v25 =	vmovc v53;
	v14 =	vunpack.i.u.bf16.f32 v43;
	v43 =	vunpack.i.l.bf16.f32 v43;
	[tilespmem:v26+s5+$0x0] =	vst.idx.msk $0xffff, v20  }
0x450: {  	v26 =	vmovc v52;
	v20 =	vmul.f32 v19, v43;
	v43 =	vunpack.i.u.bf16.f32 v45;
	v45 =	vunpack.i.l.bf16.f32 v45;
	[tilespmem:v24+s5+$0x0] =	vst.idx.msk $0xffff, v1  }
0x451: {  	v53 =	vor.u32 s13, v6;
	v24 =	vmovc v54;
	v1 =	vunpack.i.u.bf16.f32 v55;
	v52 =	vunpack.i.l.bf16.f32 v55  }
0x452: {  	v14 =	vmul.f32 v19, v14;
	v19 =	vor.u32 s13, v7;
	[tilespmem:v17+s5+$0x0] =	vst.idx.msk $0xffff, v20;
	v17 =	vperm.xlane v34, v5  }
0x453: {  	v54 =	vmul.f32 v44, v43;
	v20 =	vmul.f32 v44, v45;
	v43 =	vunpack.i.l.bf16.f32 v61  }
0x454: {  	[tilespmem:v32+s5+$0x0] =	vst.idx.msk $0xffff, v14;
	v14 =	vmul.f32 v46, v52;
	v32 =	vunpack.i.u.bf16.f32 v61;
	v43 =	vmul.f32 v17, v43  }
0x455: {  	v1 =	vmul.f32 v46, v1;
	v61 =	vld [tilespmem:s19+$0xFFFFFF90];
	[tilespmem:v16+s5+$0x0] =	vst.idx.msk $0xffff, v20;
	v16 =	vmul.f32 v17, v32;
	v17 =	vunpack.i.u.bf16.f32 v18  }
0x456: {  	v44 =	vor.u32 s11, v9;
	v18 =	vunpack.i.l.bf16.f32 v18;
	[tilespmem:v53+s5+$0x0] =	vst.idx.msk $0xffff, v43;
	v17 =	vmul.f32 v28, v17  }
0x457: {  	v20 =	vor.u32 s0, v9;
	v43 =	vor.u32 s11, v10;
	[tilespmem:v19+s5+$0x0] =	vst.idx.msk $0xffff, v16;
	v16 =	vmul.f32 v28, v18;
	v28 =	vmovc v62  }
0x458: {  	v45 =	vor.u32 s20, v10;
	v46 =	vor.u32 s20, v9;
	v18 =	vor.u32 s0, v10;
	[tilespmem:v33+s5+$0x0] =	vst.idx.msk $0xffff, v54;
	v19 =	vld [tilespmem:s19+$0x60]  }
0x459: {  	s16 =	sadd.s32 $0x40, s16;
	v42 =	vperm.xlane v42, v11;
	v32 =	vperm.xlane v56, v11;
	v56 =	vunpack.i.u.bf16.f32 v51;
	v52 =	vld [tilespmem:s19+$0xFFFFFFD0];
	[tilespmem:v15+s5+$0x0] =	vst.idx.msk $0xffff, v14  }
.Ltmp7:
0x45a: {  	v33 =	vperm.xlane v58, v11;
	v55 =	vld [tilespmem:s16+$0x10];
	v14 =	vunpack.i.u.bf16.f32 v61;
	v15 =	vunpack.i.l.bf16.f32 v61;
	[tilespmem:v57+s5+$0x0] =	vst.idx.msk $0xffff, v1;
	(pc) =	sbr.rel @p1 .LBB2_12-.Ltmp7, $4  }
0x45b: {  	s25 =	sadd.s32 $0x40, s25;
	v57 =	vor.u32 s13, v9;
	v53 =	vld [tilespmem:s16+$0xFFFFFFE0];
	v1 =	vmul.f32 v59, v15;
	v14 =	vmul.f32 v59, v14;
	[tilespmem:v30+s5+$0x0] =	vst.idx.msk $0xffff, v16  }
0x45c: {  	v62 =	vperm.xlane v34, v8;
	v58 =	vor.u32 s13, v10;
	v54 =	vunpack.i.l.bf16.f32 v51;
	v30 =	vmovc v20;
	v61 =	vld [tilespmem:s25+$0x10];
	[tilespmem:v31+s5+$0x0] =	vst.idx.msk $0xffff, v17  }
0x45d: {  	v51 =	vunpack.i.l.bf16.f32 v60;
	v31 =	vmovc v18;
	v59 =	vld [tilespmem:s16+$0xFFFFFFF0];
	[tilespmem:v50+s5+$0x0] =	vst.idx.msk $0xffff, v1;
	v1 =	vunpack.i.l.bf16.f32 v19;
	v50 =	vunpack.i.u.bf16.f32 v60  }
0x45e: {  	s28 =	sadd.s32 $0x4, s28;
	v60 =	vld [tilespmem:s16+$0x0];
	[tilespmem:v21+s5+$0x0] =	vst.idx.msk $0xffff, v14;
	v63 =	vunpack.i.u.bf16.f32 v52;
	v14 =	vunpack.i.u.bf16.f32 v19;
	v1 =	vmul.f32 v62, v1  }
0x45f: {  	v15 =	vperm.xlane v55, v2;
	_ =	sdelay $0x1  }
0x460: {  	v15 =	vadd.f32 v15, v61  }
0x461: {  	v19 =	vld [tilespmem:s25+$0xFFFFFFE0]  }
0x462: {  	v16 =	vmul.f32 $2.000000030e-01, v15  }
0x463: {  	v61 =	vld [tilespmem:s25+$0x0];
	vm0 =	vgt.f32 v15, $0.0e+00  }
0x464: {  	v18 =	vperm.xlane v53, v2;
	v15 =	vsel vm0, v15, v16  }
0x465: {  	[tilespmem:v57+s5+$0x0] =	vst.idx.msk $0xffff, v1;
	v1 =	vmul.f32 $1.442695020e+00, v15  }
0x466: {  	v14 =	vmul.f32 v62, v14;
	v20 =	vperm.xlane v60, v2;
	v18 =	vadd.f32 v18, v19  }
0x467: {  	v17 =	vld [tilespmem:s25+$0xFFFFFFF0];
	(erf) = vpow2.f32 v1  }
0x468: {  	[tilespmem:v58+s5+$0x0] =	vst.idx.msk $0xffff, v14;
	v15 =	vunpack.i.l.bf16.f32 v52;
	v16 =	vadd.f32 v20, v61;
	v61 =	vmul.f32 $2.000000030e-01, v18  }
0x469: {  	v21 =	vmul.f32 v49, v63;
	vm7 =	vgt.f32 v18, $0.0e+00;
	v14 =	vmul.f32 v49, v15;
	v15 =	vld [tilespmem:s19+$0x70]  }
0x46a: {  	v62 =	vmul.f32 v29, v54;
	v1 =	vperm.xlane v59, v2;
	v18 =	vsel vm7, v18, v61  }
0x46b: {  	v63 =	vmul.f32 v29, v56;
	v18 =	vmul.f32 $1.442695020e+00, v18  }
0x46c: {  	v29 =	vperm.xlane v34, v11;
	v57 =	vld [tilespmem:s19+$0x10];
	v58 =	vor.u32 s13, v13;
	[tilespmem:v36+s5+$0x0] =	vst.idx.msk $0xffff, v62;
	v1 =	vadd.f32 v1, v17  }
0x46d: {  	v20 =	vor.u32 s13, v12;
	v52 =	vmul.f32 v23, v51;
	[tilespmem:v47+s5+$0x0] =	vst.idx.msk $0xffff, v14;
	(erf) = vpow2.f32 v18  }
0x46e: {  	[tilespmem:v48+s5+$0x0] =	vst.idx.msk $0xffff, v21;
	v21 =	vld [tilespmem:s19+$0xFFFFFFA0];
	v59 =	vmul.f32 $2.000000030e-01, v1;
	v60 =	vunpack.i.l.bf16.f32 v15;
	v15 =	vunpack.i.u.bf16.f32 v15  }
0x46f: {  	[tilespmem:v35+s5+$0x0] =	vst.idx.msk $0xffff, v63;
	vm1 =	vgt.f32 v1, $0.0e+00;
	v14 =	vmul.f32 v29, v15;
	v15 =	vmul.f32 $2.000000030e-01, v16  }
0x470: {  	s21 =	sadd.s32 $0x40, s21;
	vm2 =	vgt.f32 v16, $0.0e+00;
	[tilespmem:v27+s5+$0x0] =	vst.idx.msk $0xffff, v52;
	v53 =	vmul.f32 v29, v60;
	v29 =	vld [tilespmem:s19+$0xFFFFFFE0];
	v1 =	vsel vm1, v1, v59;
	v36 =	vpop (erf)  }
0x471: {  	v63 =	vunpack.i.l.bf16.f32 v57;
	s13 =	sadd.s32 $0x100, s19;
	v15 =	vsel vm2, v16, v15;
	v1 =	vmul.f32 $1.442695020e+00, v1;
	[tilespmem:s21+$0x10] =	vst v36  }
0x472: {  	v62 =	vunpack.i.u.bf16.f32 v57;
	v17 =	vmul.f32 v41, v63;
	[tilespmem:v20+s5+$0x0] =	vst.idx.msk $0xffff, v53;
	v15 =	vmul.f32 $1.442695020e+00, v15;
	v35 =	vld [tilespmem:s13+$0x40]  }
0x473: {  	s1 =	sshll.u32 s1, $0x7;
	v16 =	vmul.f32 v41, v62;
	[tilespmem:v58+s5+$0x0] =	vst.idx.msk $0xffff, v14;
	v14 =	vunpack.i.l.bf16.f32 v21;
	(erf) = vpow2.f32 v1  }
0x474: {  	s31 =	sadd.s32 $0x180, s1;
	[tilespmem:v39+s5+$0x0] =	vst.idx.msk $0xffff, v17;
	v1 =	vunpack.i.u.bf16.f32 v21;
	v14 =	vmul.f32 v40, v14;
	(erf) = vpow2.f32 v15  }
0x475: {  	v41 =	vor.u32 s31, v0;
	[tilespmem:v38+s5+$0x0] =	vst.idx.msk $0xffff, v16;
	v15 =	vunpack.i.l.bf16.f32 v29;
	v1 =	vmul.f32 v40, v1  }
0x476: {  	v47 =	vld [tilespmem:s17+$0x30];
	v20 =	vor.u32 s31, v4;
	v48 =	vperm.xlane v36, v3;
	v15 =	vmul.f32 v37, v15;
	[tilespmem:v46+s5+$0x0] =	vst.idx.msk $0xffff, v14  }
0x477: {  	[tilespmem:v45+s5+$0x0] =	vst.idx.msk $0xffff, v1;
	v14 =	vunpack.i.l.bf16.f32 v35  }
0x478: {  	v53 =	vmul.f32 v23, v50;
	v23 =	vpop (erf);
	[tilespmem:v44+s5+$0x0] =	vst.idx.msk $0xffff, v15;
	v1 =	vunpack.i.u.bf16.f32 v35;
	v14 =	vmul.f32 v48, v14  }
0x479: {  	v49 =	vunpack.i.u.bf16.f32 v29;
	[tilespmem:s21+$0xFFFFFFE0] =	vst v23;
	v1 =	vmul.f32 v48, v1  }
0x47a: {  	v15 =	vmul.f32 v37, v49;
	v54 =	vld [tilespmem:s13+$0xFFFFFF80];
	[tilespmem:v41+s5+$0x0] =	vst.idx.msk $0xffff, v14  }
0x47b: {  	v34 =	vor.u32 s0, v12;
	v14 =	vunpack.i.u.bf16.f32 v47;
	[tilespmem:v20+s5+$0x0] =	vst.idx.msk $0xffff, v1;
	v1 =	vunpack.i.l.bf16.f32 v47  }
0x47c: {  	v55 =	vor.u32 s31, v6;
	s17 =	sadd.s32 $0x100, s1;
	[tilespmem:v43+s5+$0x0] =	vst.idx.msk $0xffff, v15;
	v14 =	vmul.f32 v22, v14;
	v15 =	vld [tilespmem:s13+$0x50];
	v1 =	vmul.f32 v22, v1;
	v22 =	vpop (erf)  }
0x47d: {  	v19 =	vor.u32 s20, v13;
	v56 =	vor.u32 s17, v0;
	v20 =	vor.u32 s1, v0;
	[tilespmem:s21+$0xFFFFFFF0] =	vst v22;
	v27 =	vpop (erf)  }
0x47e: {  	s16 =	sadd.s32 $0x80, s1;
	v61 =	vor.u32 s17, v4;
	v21 =	vor.u32 s1, v4;
	v60 =	vperm.xlane v23, v3;
	v57 =	vld [tilespmem:s13+$0xFFFFFFC0];
	[tilespmem:s21+$0x0] =	vst v27  }
0x47f: {  	v39 =	vor.u32 s16, v4;
	v59 =	vor.u32 s31, v7;
	[tilespmem:v26+s5+$0x0] =	vst.idx.msk $0xffff, v1;
	v26 =	vunpack.i.l.bf16.f32 v54  }
0x480: {  	[tilespmem:v25+s5+$0x0] =	vst.idx.msk $0xffff, v53;
	v58 =	vperm.xlane v36, v5;
	v16 =	vunpack.i.u.bf16.f32 v54;
	v63 =	vld [tilespmem:s13+$0x0];
	v26 =	vmul.f32 v60, v26  }
0x481: {  	v38 =	vor.u32 s16, v0;
	v16 =	vmul.f32 v60, v16;
	[tilespmem:v24+s5+$0x0] =	vst.idx.msk $0xffff, v14;
	v62 =	vunpack.i.l.bf16.f32 v15  }
0x482: {  	v25 =	vperm.xlane v22, v3;
	v14 =	vld [tilespmem:s19+$0x20];
	v1 =	vunpack.i.u.bf16.f32 v15;
	[tilespmem:v20+s5+$0x0] =	vst.idx.msk $0xffff, v26;
	v15 =	vmul.f32 v58, v62  }
0x483: {  	v17 =	vor.u32 s20, v12;
	v1 =	vmul.f32 v58, v1;
	[tilespmem:v21+s5+$0x0] =	vst.idx.msk $0xffff, v16;
	v51 =	vunpack.i.l.bf16.f32 v57  }
0x484: {  	v24 =	vperm.xlane v27, v3;
	v43 =	vunpack.i.u.bf16.f32 v57;
	[tilespmem:v55+s5+$0x0] =	vst.idx.msk $0xffff, v15;
	v20 =	vmul.f32 v25, v51  }
0x485: {  	v50 =	vor.u32 s16, v6;
	v53 =	vunpack.i.l.bf16.f32 v63;
	v25 =	vmul.f32 v25, v43;
	v55 =	vld [tilespmem:s13+$0xFFFFFF90];
	[tilespmem:v59+s5+$0x0] =	vst.idx.msk $0xffff, v1  }
0x486: {  	v29 =	vor.u32 s11, v13;
	v52 =	vunpack.i.u.bf16.f32 v63;
	v21 =	vmul.f32 v24, v53;
	v26 =	vld [tilespmem:s13+$0x60];
	[tilespmem:v38+s5+$0x0] =	vst.idx.msk $0xffff, v20  }
0x487: {  	v20 =	vmul.f32 v24, v52;
	v24 =	vunpack.i.u.bf16.f32 v14;
	v14 =	vunpack.i.l.bf16.f32 v14;
	[tilespmem:v39+s5+$0x0] =	vst.idx.msk $0xffff, v25  }
0x488: {  	v37 =	vor.u32 s1, v6;
	v44 =	vperm.xlane v23, v11;
	v14 =	vmul.f32 v28, v14;
	[tilespmem:v56+s5+$0x0] =	vst.idx.msk $0xffff, v21  }
0x489: {  	v15 =	vperm.xlane v23, v5;
	v25 =	vor.u32 s31, v9;
	v24 =	vmul.f32 v28, v24;
	[tilespmem:v61+s5+$0x0] =	vst.idx.msk $0xffff, v20  }
0x48a: {  	v21 =	vperm.xlane v36, v8;
	v56 =	vor.u32 s31, v10;
	v38 =	vld [tilespmem:s13+$0xFFFFFFD0];
	[tilespmem:v30+s5+$0x0] =	vst.idx.msk $0xffff, v14;
	v59 =	vunpack.i.l.bf16.f32 v55  }
0x48b: {  	v28 =	vor.u32 s1, v7;
	[tilespmem:v31+s5+$0x0] =	vst.idx.msk $0xffff, v24;
	v31 =	vmul.f32 v15, v59;
	v20 =	vunpack.i.l.bf16.f32 v26  }
0x48c: {  	v54 =	vor.u32 s16, v7;
	v14 =	vunpack.i.u.bf16.f32 v26;
	v26 =	vld [tilespmem:s13+$0x10];
	v20 =	vmul.f32 v21, v20  }
0x48d: {  	v60 =	vperm.xlane v27, v8;
	v24 =	vunpack.i.u.bf16.f32 v55;
	v14 =	vmul.f32 v21, v14;
	[tilespmem:v37+s5+$0x0] =	vst.idx.msk $0xffff, v31  }
0x48e: {  	v58 =	vor.u32 s17, v6;
	v1 =	vperm.xlane v22, v5;
	v30 =	vld [tilespmem:s19+$0xFFFFFFB0];
	v15 =	vmul.f32 v15, v24;
	[tilespmem:v25+s5+$0x0] =	vst.idx.msk $0xffff, v20  }
0x48f: {  	v57 =	vperm.xlane v27, v5;
	v21 =	vor.u32 s17, v7;
	v24 =	vunpack.i.l.bf16.f32 v38;
	[tilespmem:v56+s5+$0x0] =	vst.idx.msk $0xffff, v14  }
0x490: {  	[tilespmem:v28+s5+$0x0] =	vst.idx.msk $0xffff, v15;
	v28 =	vperm.xlane v36, v11;
	v25 =	vunpack.i.u.bf16.f32 v38;
	v24 =	vmul.f32 v1, v24;
	v31 =	vld [tilespmem:s13+$0x70]  }
0x491: {  	v20 =	vperm.xlane v23, v8;
	v61 =	vld [tilespmem:s13+$0xFFFFFFA0];
	v1 =	vmul.f32 v1, v25;
	v15 =	vunpack.i.l.bf16.f32 v26  }
0x492: {  	v38 =	vor.u32 s1, v10;
	[tilespmem:v50+s5+$0x0] =	vst.idx.msk $0xffff, v24;
	v24 =	vunpack.i.u.bf16.f32 v26;
	v15 =	vmul.f32 v57, v15  }
0x493: {  	v26 =	vunpack.i.l.bf16.f32 v30;
	[tilespmem:v54+s5+$0x0] =	vst.idx.msk $0xffff, v1;
	v1 =	vor.u32 s31, v12;
	v62 =	vmul.f32 v57, v24  }
0x494: {  	v25 =	vunpack.i.u.bf16.f32 v30;
	v24 =	vmul.f32 v42, v26;
	v26 =	vld [tilespmem:s13+$0xFFFFFFE0];
	[tilespmem:v58+s5+$0x0] =	vst.idx.msk $0xffff, v15;
	v15 =	vor.u32 s1, v9  }
0x495: {  	v30 =	vor.u32 s31, v13;
	v25 =	vmul.f32 v42, v25;
	[tilespmem:v21+s5+$0x0] =	vst.idx.msk $0xffff, v62;
	v63 =	vunpack.i.l.bf16.f32 v31  }
0x496: {  	v14 =	vperm.xlane v22, v8;
	[tilespmem:v17+s5+$0x0] =	vst.idx.msk $0xffff, v24;
	v40 =	vunpack.i.l.bf16.f32 v61;
	v24 =	vld [tilespmem:s13+$0x20];
	v21 =	vmul.f32 v28, v63  }
0x497: {  	[tilespmem:v19+s5+$0x0] =	vst.idx.msk $0xffff, v25;
	v41 =	vmul.f32 v20, v40;
	v39 =	vunpack.i.u.bf16.f32 v31;
	v31 =	vor.u32 s16, v9  }
0x498: {  	v25 =	vld [tilespmem:s19+$0xFFFFFFF0];
	v17 =	vmul.f32 v28, v39;
	v28 =	vor.u32 s16, v10;
	[tilespmem:v1+s5+$0x0] =	vst.idx.msk $0xffff, v21;
	v1 =	vunpack.i.u.bf16.f32 v61  }
0x499: {  	v42 =	vor.u32 s17, v9;
	v43 =	vunpack.i.l.bf16.f32 v26;
	[tilespmem:v15+s5+$0x0] =	vst.idx.msk $0xffff, v41;
	v1 =	vmul.f32 v20, v1  }
0x49a: {  	v26 =	vunpack.i.u.bf16.f32 v26;
	v21 =	vld [tilespmem:s19+$0x30];
	[tilespmem:v30+s5+$0x0] =	vst.idx.msk $0xffff, v17;
	v20 =	vor.u32 s17, v10;
	v17 =	vmul.f32 v14, v43  }
0x49b: {  	v35 =	vor.u32 s11, v12;
	v14 =	vmul.f32 v14, v26;
	[tilespmem:v38+s5+$0x0] =	vst.idx.msk $0xffff, v1;
	v1 =	vunpack.i.l.bf16.f32 v24  }
0x49c: {  	v47 =	vor.u32 s1, v12;
	v45 =	vunpack.i.u.bf16.f32 v24;
	[tilespmem:v31+s5+$0x0] =	vst.idx.msk $0xffff, v17;
	v18 =	vld [tilespmem:s13+$0xFFFFFFB0];
	v1 =	vmul.f32 v60, v1  }
0x49d: {  	v46 =	vperm.xlane v27, v11;
	v23 =	vunpack.i.l.bf16.f32 v25;
	[tilespmem:v28+s5+$0x0] =	vst.idx.msk $0xffff, v14;
	v14 =	vmul.f32 v60, v45  }
0x49e: {  	v15 =	vor.u32 s0, v13;
	v23 =	vmul.f32 v32, v23;
	v24 =	vunpack.i.u.bf16.f32 v25;
	v25 =	vld [tilespmem:s13+$0xFFFFFFF0];
	[tilespmem:v42+s5+$0x0] =	vst.idx.msk $0xffff, v1  }
0x49f: {  	v22 =	vperm.xlane v22, v11;
	v24 =	vmul.f32 v32, v24;
	v1 =	vunpack.i.l.bf16.f32 v21;
	[tilespmem:v20+s5+$0x0] =	vst.idx.msk $0xffff, v14  }
0x4a0: {  	[tilespmem:v35+s5+$0x0] =	vst.idx.msk $0xffff, v23;
	v14 =	vunpack.i.u.bf16.f32 v21;
	v1 =	vmul.f32 v33, v1;
	v20 =	vor.u32 s1, v13;
	v21 =	vld [tilespmem:s13+$0x30]  }
0x4a1: {  	v23 =	vor.u32 s16, v12;
	[tilespmem:v29+s5+$0x0] =	vst.idx.msk $0xffff, v24;
	v14 =	vmul.f32 v33, v14;
	v24 =	vunpack.i.l.bf16.f32 v18  }
0x4a2: {  	v26 =	vor.u32 s16, v13;
	[tilespmem:v34+s5+$0x0] =	vst.idx.msk $0xffff, v1;
	v1 =	vunpack.i.u.bf16.f32 v18;
	v48 =	vmul.f32 v44, v24  }
0x4a3: {  	v24 =	vor.u32 s17, v12;
	[tilespmem:v15+s5+$0x0] =	vst.idx.msk $0xffff, v14;
	v14 =	vunpack.i.l.bf16.f32 v25;
	v1 =	vmul.f32 v44, v1  }
0x4a4: {  	v15 =	vor.u32 s17, v13;
	v49 =	vunpack.i.u.bf16.f32 v25;
	v14 =	vmul.f32 v22, v14;
	[tilespmem:v47+s5+$0x0] =	vst.idx.msk $0xffff, v48  }
0x4a5: {  	v16 =	vmul.f32 v22, v49;
	[tilespmem:v20+s5+$0x0] =	vst.idx.msk $0xffff, v1;
	v1 =	vunpack.i.l.bf16.f32 v21  }
0x4a6: {  	v50 =	vunpack.i.u.bf16.f32 v21;
	[tilespmem:v23+s5+$0x0] =	vst.idx.msk $0xffff, v14;
	v1 =	vmul.f32 v46, v1  }
0x4a7: {  	v14 =	vmul.f32 v46, v50;
	[tilespmem:v26+s5+$0x0] =	vst.idx.msk $0xffff, v16  }
0x4a8: {  	[tilespmem:v24+s5+$0x0] =	vst.idx.msk $0xffff, v1  }
0x4a9: {  	[tilespmem:v15+s5+$0x0] =	vst.idx.msk $0xffff, v14  }
0x4aa: {  	v1 =	vld [tilespmem:$0x190]  }
0x4ab: {  	v14 =	vld [tilespmem:$0x1A0]  }
0x4ac: {  	v15 =	vld [tilespmem:$0x1B0]  }
0x4ad: {  	v16 =	vld [tilespmem:$0x1C0]  }
0x4ae: {  	v51 =	vld [tilespmem:$0x1D0]  }
0x4af: {  	[tilespmem:$0x230] =	vst v1  }
0x4b0: {  	[tilespmem:$0x240] =	vst v14  }
0x4b1: {  	[tilespmem:$0x250] =	vst v15  }
0x4b2: {  	[tilespmem:$0x260] =	vst v16  }
0x4b3: {  	s20 =	simm.s32 $0x230;
	s19 =	rddreg [dreg:$0x2];
	[tilespmem:$0x270] =	vst v51  }
0x4b4: {  	[spmem:s19] =	stream.indirect.scatter.add.f32 [tilespmem:s5], [sflag:$0x4], $0x80, s20, s30, $0xb8;
	[tilespmem:$0x1F810] =	vst v63  }
0x4b5: {  	s21 =	simm.s32 $0x9380  }
0x4b6: {  	[spmem:s4] =	stream.indirect.scatter.add.f32 [tilespmem:s21], [sflag:$0x4], $0x10, s20, s30, $0xb8;
	[tilespmem:$0x1F810] =	vst v63  }
0x4b7: {  	s25 =	simm.s32 $0x0;
	s31 =	rddreg [dreg:$0x10]  }
0x4b8: {  	[tilespmem:s30], [sflag:$0x6] =	stream.linear.gather [hbm4b:s31+s25], $0x50, $0x38;
	[tilespmem:$0x1F810] =	vst v63  }
0x4b9: {  	s11 =	rddreg [dreg:$0x11]  }
0x4ba: {  	[tilespmem:s26], [sflag:$0x6] =	stream.linear.gather [hbm4b:s11+s25], $0x50, $0x38;
	[tilespmem:$0x1F810] =	vst v63  }
0x4bb: {  	s16 =	simm.s32 $0x190;
	s13 =	rddreg [dreg:$0x12]  }
0x4bc: {  	[tilespmem:s16], [sflag:$0x6] =	stream.linear.gather [hbm4b:s13+s25], $0x50, $0x38;
	[tilespmem:$0x1F810] =	vst v63  }
0x4bd: {  	_ =	swait.ge [sflag:s12], $0x2800  }
0x4be: {  	[sflag:s12] =	ssyncset.done $0x0  }
0x4bf: {  	[sflag:s12] =	ssyncadd.s32 $0xFFFFD800  }
0x4c0: {  	_ =	swait.ge [sflag:s12], $0x500  }
0x4c1: {  	[sflag:s12] =	ssyncset.done $0x0  }
0x4c2: {  	[sflag:s12] =	ssyncadd.s32 $0xFFFFFB00  }
0x4c3: {  	_ =	swait.ge [sflag:s10], $0x50  }
0x4c4: {  	[sflag:s10] =	ssyncset.done $0x0  }
0x4c5: {  	[sflag:s10] =	ssyncadd.s32 $0xFFFFFFB0  }
0x4c6: {  	_ =	swait.ge [sflag:s10], $0x50  }
0x4c7: {  	[sflag:s10] =	ssyncset.done $0x0  }
0x4c8: {  	[sflag:s10] =	ssyncadd.s32 $0xFFFFFFB0  }
0x4c9: {  	_ =	swait.ge [sflag:s10], $0x50  }
0x4ca: {  	[sflag:s10] =	ssyncset.done $0x0  }
0x4cb: {  	s17 =	simm.s32 $0x280;
	[sflag:s10] =	ssyncadd.s32 $0xFFFFFFB0  }
0x4cc: {  	[tilespmem:s17], [sflag:$0x1] =	stream.indirect.gather [hbm4b:s29+s30], $0x40, s25, s30, $0xb8;
	[tilespmem:$0x1F810] =	vst v63  }
0x4cd: {  	s19 =	simm.s32 $0x7A80  }
0x4ce: {  	[tilespmem:s19], [sflag:$0x1] =	stream.indirect.gather [hbm4b:s2+s30], $0x10, s25, s30, $0xb8;
	[tilespmem:$0x1F810] =	vst v63  }
0x4cf: {  	s20 =	simm.s32 $0x8480  }
0x4d0: {  	[tilespmem:s20], [sflag:$0x1] =	stream.indirect.gather [hbm4b:s2+s30], $0x10, s3, s30, $0xb8;
	[tilespmem:$0x1F810] =	vst v63  }
0x4d1: {  	_ =	swait.ge [sflag:s15], $0x1400  }
0x4d2: {  	[sflag:s15] =	ssyncset.done $0x0  }
0x4d3: {  	[sflag:s15] =	ssyncadd.s32 $0xFFFFEC00  }
0x4d4: {  	_ =	swait.ge [sflag:s15], $0x500  }
0x4d5: {  	[sflag:s15] =	ssyncset.done $0x0  }
0x4d6: {  	[sflag:s15] =	ssyncadd.s32 $0xFFFFFB00  }
0x4d7: {  	_ =	swait.ge [sflag:s15], $0x500  }
0x4d8: {  	[sflag:s15] =	ssyncset.done $0x0  }
0x4d9: {  	s21 =	simm.s32 $0x84A0;
	[sflag:s15] =	ssyncadd.s32 $0xFFFFFB00  }
0x4da: {  	v1 =	vld [tilespmem:s21+$0x10]  }
0x4db: {  	s25 =	simm.s32 $0x7AA0  }
0x4dc: {  	v14 =	vld [tilespmem:s25+$0x10];
	_ =	sdelay $0x2  }
0x4dd: {  	v1 =	vperm.xlane v1, v2;
	_ =	sdelay $0x1  }
0x4de: {  	v1 =	vadd.f32 v1, v14  }
0x4df: {  	v14 =	vld [tilespmem:s21+$0xFFFFFFE0]  }
0x4e0: {  	v52 =	vmul.f32 $2.000000030e-01, v1  }
0x4e1: {  	v53 =	vld [tilespmem:s25+$0xFFFFFFE0];
	vm8 =	vgt.f32 v1, $0.0e+00  }
0x4e2: {  	v15 =	vld [tilespmem:s21+$0xFFFFFFF0];
	v1 =	vsel vm8, v1, v52  }
0x4e3: {  	v1 =	vmul.f32 $1.442695020e+00, v1  }
0x4e4: {  	v55 =	vld [tilespmem:s25+$0xFFFFFFF0];
	v14 =	vperm.xlane v14, v2  }
0x4e5: {  	v54 =	vld [tilespmem:s21+$0x0];
	(erf) = vpow2.f32 v1  }
0x4e6: {  	v14 =	vadd.f32 v14, v53  }
0x4e7: {  	v56 =	vld [tilespmem:s25+$0x0];
	v1 =	vperm.xlane v15, v2  }
0x4e8: {  	v57 =	vmul.f32 $2.000000030e-01, v14  }
0x4e9: {  	v1 =	vadd.f32 v1, v55;
	vm9 =	vgt.f32 v14, $0.0e+00  }
0x4ea: {  	v15 =	vperm.xlane v54, v2;
	v14 =	vsel vm9, v14, v57  }
0x4eb: {  	v58 =	vmul.f32 $2.000000030e-01, v1;
	v14 =	vmul.f32 $1.442695020e+00, v14  }
0x4ec: {  	v15 =	vadd.f32 v15, v56;
	vm10 =	vgt.f32 v1, $0.0e+00  }
0x4ed: {  	v1 =	vsel vm10, v1, v58;
	(erf) = vpow2.f32 v14  }
0x4ee: {  	s31 =	simm.s32 $0x8EA0;
	v59 =	vmul.f32 $2.000000030e-01, v15;
	v1 =	vmul.f32 $1.442695020e+00, v1;
	v34 =	vpop (erf)  }
0x4ef: {  	s17 =	simm.s32 $0x300;
	vm11 =	vgt.f32 v15, $0.0e+00;
	[tilespmem:s31+$0x10] =	vst v34  }
0x4f0: {  	v15 =	vsel vm11, v15, v59;
	(erf) = vpow2.f32 v1;
	v1 =	vld [tilespmem:s17+$0x40]  }
0x4f1: {  	v14 =	vmul.f32 $1.442695020e+00, v15  }
0x4f2: {  	s0 =	simm.s32 $0x180  }
0x4f3: {  	(erf) = vpow2.f32 v14;
	v14 =	vor.u32 s0, v0  }
0x4f4: {  	v60 =	vor.u32 s0, v4;
	s25 =	simm.s32 $0x84E0;
	v15 =	vperm.xlane v34, v3  }
0x4f5: {  	v40 =	vld [tilespmem:s25+$0xFFFFFFE0];
	v61 =	vunpack.i.l.bf16.f32 v1  }
0x4f6: {  	v41 =	vor.u32 s0, v9;
	s3 =	simm.s32 $0x0;
	v63 =	vpop (erf);
	v1 =	vunpack.i.u.bf16.f32 v1;
	v17 =	vmul.f32 v15, v61  }
0x4f7: {  	s20 =	simm.s32 $0x80;
	v62 =	vor.u32 s3, v0;
	v20 =	vor.u32 s3, v4;
	[tilespmem:s31+$0xFFFFFFE0] =	vst v63;
	v1 =	vmul.f32 v15, v1  }
0x4f8: {  	v21 =	vor.u32 s3, v6;
	v22 =	vor.u32 s20, v4;
	v38 =	vor.u32 s20, v7;
	v25 =	vld [tilespmem:s17+$0xFFFFFF80];
	[tilespmem:v14+s22+$0x0] =	vst.idx.msk $0xffff, v17  }
0x4f9: {  	v39 =	vor.u32 s3, v7;
	v32 =	vor.u32 s20, v9;
	v43 =	vor.u32 s3, v9;
	s21 =	simm.s32 $0x100;
	[tilespmem:v60+s22+$0x0] =	vst.idx.msk $0xffff, v1  }
0x4fa: {  	v42 =	vor.u32 s3, v10;
	v40 =	vperm.xlane v40, v2;
	v24 =	vor.u32 s21, v0;
	v29 =	vld [tilespmem:s17+$0x50]  }
0x4fb: {  	v33 =	vor.u32 s21, v6;
	v28 =	vor.u32 s21, v7;
	v50 =	vor.u32 s21, v9  }
0x4fc: {  	v51 =	vor.u32 s21, v10;
	v54 =	vor.u32 s0, v6;
	v23 =	vpop (erf);
	v14 =	vperm.xlane v63, v3  }
0x4fd: {  	v55 =	vperm.xlane v34, v5;
	[tilespmem:s31+$0xFFFFFFF0] =	vst v23;
	v31 =	vunpack.i.u.bf16.f32 v25;
	v25 =	vunpack.i.l.bf16.f32 v25  }
0x4fe: {  	v56 =	vor.u32 s0, v7;
	v36 =	vperm.xlane v63, v5;
	v27 =	vpop (erf);
	v30 =	vld [tilespmem:s17+$0xFFFFFFC0];
	v25 =	vmul.f32 v14, v25  }
0x4ff: {  	v44 =	vperm.xlane v63, v8;
	[tilespmem:s31+$0x0] =	vst v27;
	v14 =	vmul.f32 v14, v31;
	v31 =	vunpack.i.l.bf16.f32 v29  }
0x500: {  	v26 =	vperm.xlane v23, v3;
	v53 =	vld [tilespmem:s17+$0x0];
	[tilespmem:v62+s22+$0x0] =	vst.idx.msk $0xffff, v25;
	v57 =	vunpack.i.u.bf16.f32 v29;
	v25 =	vmul.f32 v55, v31  }
0x501: {  	v15 =	vor.u32 s20, v0;
	v37 =	vperm.xlane v23, v5;
	[tilespmem:v20+s22+$0x0] =	vst.idx.msk $0xffff, v14;
	v14 =	vmul.f32 v55, v57  }
0x502: {  	v17 =	vor.u32 s21, v4;
	v45 =	vperm.xlane v23, v8;
	v23 =	vperm.xlane v23, v11;
	v59 =	vld [tilespmem:s17+$0xFFFFFF90];
	[tilespmem:v54+s22+$0x0] =	vst.idx.msk $0xffff, v25  }
0x503: {  	v1 =	vor.u32 s20, v6;
	v52 =	vperm.xlane v27, v3;
	v29 =	vunpack.i.l.bf16.f32 v30;
	[tilespmem:v56+s22+$0x0] =	vst.idx.msk $0xffff, v14;
	v14 =	vld [tilespmem:s25+$0x10]  }
0x504: {  	v35 =	vperm.xlane v27, v5;
	s31 =	simm.s32 $0x7AE0;
	v58 =	vunpack.i.u.bf16.f32 v30;
	v29 =	vmul.f32 v26, v29;
	v60 =	vld [tilespmem:s17+$0x60]  }
0x505: {  	v61 =	vld [tilespmem:s31+$0x10];
	v18 =	vmul.f32 v26, v58;
	v62 =	vperm.xlane v34, v8;
	v20 =	vunpack.i.l.bf16.f32 v53  }
0x506: {  	v30 =	vor.u32 s20, v10;
	v31 =	vperm.xlane v27, v8;
	v20 =	vmul.f32 v52, v20;
	[tilespmem:v15+s22+$0x0] =	vst.idx.msk $0xffff, v29;
	v56 =	vld [tilespmem:s25+$0xFFFFFFF0]  }
0x507: {  	v58 =	vld [tilespmem:s25+$0x0];
	v25 =	vunpack.i.u.bf16.f32 v53;
	v29 =	vperm.xlane v63, v11;
	v63 =	vor.u32 s0, v10;
	[tilespmem:v22+s22+$0x0] =	vst.idx.msk $0xffff, v18  }
0x508: {  	v15 =	vmul.f32 v52, v25;
	v19 =	vld [tilespmem:s17+$0xFFFFFFD0];
	v26 =	vunpack.i.l.bf16.f32 v59;
	v14 =	vperm.xlane v14, v2  }
0x509: {  	v25 =	vunpack.i.u.bf16.f32 v59;
	v59 =	vld [tilespmem:s31+$0xFFFFFFF0];
	v57 =	vmul.f32 v36, v26;
	v26 =	vunpack.i.l.bf16.f32 v60  }
0x50a: {  	v22 =	vperm.xlane v27, v11;
	v26 =	vmul.f32 v62, v26;
	v14 =	vadd.f32 v14, v61  }
0x50b: {  	v27 =	vor.u32 s20, v12;
	[tilespmem:v24+s22+$0x0] =	vst.idx.msk $0xffff, v20;
	v54 =	vperm.xlane v56, v2;
	v16 =	vunpack.i.u.bf16.f32 v60;
	v61 =	vld [tilespmem:s31+$0xFFFFFFE0]  }
0x50c: {  	v24 =	vor.u32 s21, v13;
	v16 =	vmul.f32 v62, v16;
	v62 =	vld [tilespmem:s31+$0x0];
	[tilespmem:v41+s22+$0x0] =	vst.idx.msk $0xffff, v26;
	v26 =	vmul.f32 $2.000000030e-01, v14  }
0x50d: {  	v55 =	vperm.xlane v58, v2;
	[tilespmem:v17+s22+$0x0] =	vst.idx.msk $0xffff, v15;
	v60 =	vmul.f32 v36, v25;
	vm12 =	vgt.f32 v14, $0.0e+00  }
0x50e: {  	v25 =	vunpack.i.u.bf16.f32 v19;
	[tilespmem:v21+s22+$0x0] =	vst.idx.msk $0xffff, v57;
	v15 =	vadd.f32 v54, v59;
	v14 =	vsel vm12, v14, v26  }
0x50f: {  	v19 =	vunpack.i.l.bf16.f32 v19;
	v21 =	vperm.xlane v34, v11;
	[tilespmem:v63+s22+$0x0] =	vst.idx.msk $0xffff, v16;
	v14 =	vmul.f32 $1.442695020e+00, v14  }
0x510: {  	v19 =	vmul.f32 v37, v19;
	v58 =	vmul.f32 $2.000000030e-01, v15;
	v41 =	vld [tilespmem:s17+$0x70];
	v20 =	vadd.f32 v40, v61  }
0x511: {  	[tilespmem:v39+s22+$0x0] =	vst.idx.msk $0xffff, v60;
	vm14 =	vgt.f32 v15, $0.0e+00;
	v56 =	vadd.f32 v55, v62;
	(erf) = vpow2.f32 v14  }
0x512: {  	v63 =	vmul.f32 v37, v25;
	v61 =	vld [tilespmem:s17+$0xFFFFFFA0];
	v15 =	vsel vm14, v15, v58;
	v57 =	vmul.f32 $2.000000030e-01, v20  }
0x513: {  	v15 =	vmul.f32 $1.442695020e+00, v15;
	vm13 =	vgt.f32 v20, $0.0e+00;
	v60 =	vmul.f32 $2.000000030e-01, v56  }
0x514: {  	v14 =	vor.u32 s0, v12;
	vm15 =	vgt.f32 v56, $0.0e+00;
	v20 =	vsel vm13, v20, v57  }
0x515: {  	[tilespmem:v1+s22+$0x0] =	vst.idx.msk $0xffff, v19;
	v1 =	vld [tilespmem:s17+$0x10];
	v59 =	vunpack.i.l.bf16.f32 v41;
	v17 =	vsel vm15, v56, v60;
	v62 =	vmul.f32 $1.442695020e+00, v20  }
0x516: {  	[tilespmem:v38+s22+$0x0] =	vst.idx.msk $0xffff, v63;
	v40 =	vunpack.i.u.bf16.f32 v41;
	v41 =	vor.u32 s0, v13;
	v63 =	vmul.f32 v21, v59  }
0x517: {  	s11 =	simm.s32 $0x280;
	v20 =	vld [tilespmem:s17+$0xFFFFFFE0];
	v17 =	vmul.f32 $1.442695020e+00, v17;
	v16 =	vunpack.i.l.bf16.f32 v61;
	(erf) = vpow2.f32 v62  }
0x518: {  	v18 =	vor.u32 s11, v0;
	v16 =	vmul.f32 v44, v16;
	(erf) = vpow2.f32 v15  }
0x519: {  	v36 =	vor.u32 s3, v12;
	v26 =	vor.u32 s21, v12;
	[tilespmem:v14+s22+$0x0] =	vst.idx.msk $0xffff, v63;
	(erf) = vpow2.f32 v17  }
0x51a: {  	s13 =	simm.s32 $0x380;
	s21 =	simm.s32 $0x8EE0;
	v19 =	vmul.f32 v21, v40;
	v15 =	vunpack.i.u.bf16.f32 v1;
	v1 =	vunpack.i.l.bf16.f32 v1;
	[tilespmem:v43+s22+$0x0] =	vst.idx.msk $0xffff, v16;
	v34 =	vpop (erf)  }
0x51b: {  	s19 =	simm.s32 $0x400;
	v25 =	vor.u32 s20, v13;
	s20 =	simm.s32 $0x200;
	v37 =	vor.u32 s13, v0;
	v1 =	vmul.f32 v35, v1;
	[tilespmem:s21+$0x10] =	vst v34  }
0x51c: {  	v60 =	vor.u32 s20, v6;
	v15 =	vmul.f32 v35, v15;
	[tilespmem:v41+s22+$0x0] =	vst.idx.msk $0xffff, v19;
	v21 =	vunpack.i.l.bf16.f32 v20;
	v48 =	vld [tilespmem:s19+$0x40]  }
0x51d: {  	s0 =	simm.s32 $0x300;
	v47 =	vunpack.i.u.bf16.f32 v61;
	v20 =	vunpack.i.u.bf16.f32 v20;
	v21 =	vmul.f32 v45, v21;
	[tilespmem:v33+s22+$0x0] =	vst.idx.msk $0xffff, v1  }
0x51e: {  	v40 =	vor.u32 s13, v4;
	v53 =	vor.u32 s0, v4;
	v20 =	vmul.f32 v45, v20;
	[tilespmem:v28+s22+$0x0] =	vst.idx.msk $0xffff, v15  }
0x51f: {  	v14 =	vor.u32 s20, v0;
	v62 =	vor.u32 s0, v0;
	v43 =	vor.u32 s11, v10;
	[tilespmem:v32+s22+$0x0] =	vst.idx.msk $0xffff, v21  }
0x520: {  	v17 =	vmul.f32 v44, v47;
	v35 =	vor.u32 s3, v13;
	v49 =	vperm.xlane v34, v3;
	[tilespmem:v30+s22+$0x0] =	vst.idx.msk $0xffff, v20;
	v52 =	vpop (erf)  }
0x521: {  	v44 =	vor.u32 s20, v4;
	v19 =	vor.u32 s11, v4;
	[tilespmem:s21+$0xFFFFFFE0] =	vst v52;
	v54 =	vpop (erf);
	v61 =	vunpack.i.l.bf16.f32 v48  }
0x522: {  	v20 =	vperm.xlane v34, v5;
	v46 =	vld [tilespmem:s19+$0xFFFFFF80];
	[tilespmem:s21+$0xFFFFFFF0] =	vst v54;
	v38 =	vunpack.i.u.bf16.f32 v48;
	v57 =	vpop (erf);
	v39 =	vmul.f32 v49, v61  }
0x523: {  	v47 =	vor.u32 s11, v6;
	v45 =	vperm.xlane v52, v3;
	v56 =	vld [tilespmem:s19+$0xFFFFFFC0];
	[tilespmem:s21+$0x0] =	vst v57;
	v33 =	vmul.f32 v49, v38  }
0x524: {  	v15 =	vor.u32 s20, v7;
	v59 =	vperm.xlane v52, v5;
	v55 =	vperm.xlane v54, v3;
	[tilespmem:v37+s22+$0x0] =	vst.idx.msk $0xffff, v39  }
0x525: {  	v48 =	vor.u32 s11, v7;
	v58 =	vperm.xlane v57, v3;
	v49 =	vperm.xlane v54, v5;
	v61 =	vld [tilespmem:s19+$0x0];
	[tilespmem:v40+s22+$0x0] =	vst.idx.msk $0xffff, v33  }
0x526: {  	v41 =	vperm.xlane v57, v5;
	v38 =	vor.u32 s0, v7;
	v28 =	vperm.xlane v57, v8;
	v33 =	vld [tilespmem:s19+$0x50]  }
0x527: {  	v37 =	vperm.xlane v54, v8;
	v40 =	vperm.xlane v52, v8;
	v63 =	vunpack.i.l.bf16.f32 v46  }
0x528: {  	[tilespmem:v42+s22+$0x0] =	vst.idx.msk $0xffff, v17;
	v16 =	vunpack.i.u.bf16.f32 v46;
	v17 =	vmul.f32 v45, v63;
	v42 =	vunpack.i.u.bf16.f32 v56  }
0x529: {  	v46 =	vld [tilespmem:s17+$0x20];
	v63 =	vunpack.i.l.bf16.f32 v56;
	v56 =	vor.u32 s13, v6;
	v16 =	vmul.f32 v45, v16  }
0x52a: {  	v45 =	vor.u32 s13, v7;
	v21 =	vunpack.i.u.bf16.f32 v61;
	v32 =	vunpack.i.l.bf16.f32 v61  }
0x52b: {  	v1 =	vld [tilespmem:s17+$0xFFFFFFF0];
	[tilespmem:v14+s22+$0x0] =	vst.idx.msk $0xffff, v17;
	v14 =	vmul.f32 v55, v63;
	v17 =	vmul.f32 v55, v42;
	v30 =	vunpack.i.l.bf16.f32 v33  }
0x52c: {  	v63 =	vld [tilespmem:s17+$0xFFFFFFB0];
	v61 =	vmul.f32 v58, v32;
	[tilespmem:v44+s22+$0x0] =	vst.idx.msk $0xffff, v16;
	v55 =	vunpack.i.u.bf16.f32 v33;
	v30 =	vmul.f32 v20, v30  }
0x52d: {  	v39 =	vor.u32 s0, v6;
	v33 =	vld [tilespmem:s19+$0xFFFFFF90];
	[tilespmem:v18+s22+$0x0] =	vst.idx.msk $0xffff, v14;
	v14 =	vmul.f32 v58, v21;
	v58 =	vmul.f32 v20, v55  }
0x52e: {  	v42 =	vperm.xlane v52, v11;
	v32 =	vperm.xlane v54, v11;
	v21 =	vunpack.i.l.bf16.f32 v46;
	[tilespmem:v56+s22+$0x0] =	vst.idx.msk $0xffff, v30  }
0x52f: {  	v44 =	vor.u32 s11, v9;
	v20 =	vunpack.i.u.bf16.f32 v46;
	v18 =	vmul.f32 v31, v21;
	[tilespmem:v45+s22+$0x0] =	vst.idx.msk $0xffff, v58  }
0x530: {  	v46 =	vor.u32 s20, v9;
	[tilespmem:v19+s22+$0x0] =	vst.idx.msk $0xffff, v17;
	v20 =	vmul.f32 v31, v20;
	v31 =	vor.u32 s0, v10;
	v17 =	vld [tilespmem:s19+$0x60]  }
0x531: {  	s16 =	simm.s32 $0x8520;
	[tilespmem:v62+s22+$0x0] =	vst.idx.msk $0xffff, v61;
	v52 =	vld [tilespmem:s19+$0xFFFFFFD0];
	v30 =	vor.u32 s0, v9;
	v56 =	vunpack.i.u.bf16.f32 v63;
	v54 =	vunpack.i.l.bf16.f32 v63  }
0x532: {  	v55 =	vld [tilespmem:s16+$0x10];
	[tilespmem:v50+s22+$0x0] =	vst.idx.msk $0xffff, v18;
	v50 =	vunpack.i.u.bf16.f32 v1;
	v61 =	vunpack.i.u.bf16.f32 v33;
	v62 =	vunpack.i.l.bf16.f32 v33  }
0x533: {  	s25 =	simm.s32 $0x7B20;
	[tilespmem:v53+s22+$0x0] =	vst.idx.msk $0xffff, v14;
	v53 =	vld [tilespmem:s16+$0xFFFFFFE0];
	v33 =	vperm.xlane v57, v11;
	v57 =	vor.u32 s13, v9;
	v14 =	vmul.f32 v59, v62  }
0x534: {  	v58 =	vor.u32 s13, v10;
	[tilespmem:v51+s22+$0x0] =	vst.idx.msk $0xffff, v20;
	v16 =	vmul.f32 v59, v61;
	v61 =	vld [tilespmem:s25+$0x10];
	v62 =	vperm.xlane v34, v8  }
0x535: {  	v45 =	vor.u32 s20, v10;
	v51 =	vunpack.i.l.bf16.f32 v1;
	v59 =	vld [tilespmem:s16+$0xFFFFFFF0];
	[tilespmem:v60+s22+$0x0] =	vst.idx.msk $0xffff, v14;
	v18 =	vunpack.i.l.bf16.f32 v17  }
0x536: {  	s28 =	simm.s32 $0xC;
	s1 =	simm.s32 $0x8;
	v63 =	vunpack.i.u.bf16.f32 v52;
	v60 =	vld [tilespmem:s16+$0x0];
	[tilespmem:v15+s22+$0x0] =	vst.idx.msk $0xffff, v16;
	v14 =	vunpack.i.u.bf16.f32 v17;
	v1 =	vmul.f32 v62, v18  }
.LBB2_14:
0x537: {  	p1 =	slt.u32 s28, $0x4C;
	v15 =	vld [tilespmem:s25+$0xFFFFFFF0];
	v16 =	vperm.xlane v55, v2;
	v17 =	vunpack.i.l.bf16.f32 v52;
	v14 =	vmul.f32 v62, v14  }
0x538: {  	v55 =	vor.u32 s11, v12;
	v18 =	vperm.xlane v53, v2;
	v19 =	vld [tilespmem:s25+$0x0];
	v17 =	vmul.f32 v49, v17;
	[tilespmem:v57+s22+$0x0] =	vst.idx.msk $0xffff, v1  }
0x539: {  	v20 =	vmul.f32 v49, v63;
	v53 =	vor.u32 s11, v13;
	v1 =	vld [tilespmem:s25+$0xFFFFFFE0];
	v16 =	vadd.f32 v16, v61;
	[tilespmem:v58+s22+$0x0] =	vst.idx.msk $0xffff, v14  }
0x53a: {  	v52 =	vor.u32 s0, v12;
	v21 =	vmul.f32 v29, v54;
	v14 =	vperm.xlane v59, v2;
	[tilespmem:v47+s22+$0x0] =	vst.idx.msk $0xffff, v17;
	v17 =	vld [tilespmem:s19+$0x70]  }
0x53b: {  	v54 =	vor.u32 s0, v13;
	v47 =	vperm.xlane v60, v2;
	v49 =	vmul.f32 $2.000000030e-01, v16;
	[tilespmem:v48+s22+$0x0] =	vst.idx.msk $0xffff, v20;
	v20 =	vld [tilespmem:s19+$0x10]  }
0x53c: {  	vm0 =	vgt.f32 v16, $0.0e+00;
	v14 =	vadd.f32 v14, v15;
	v15 =	vld [tilespmem:s19+$0xFFFFFFA0];
	[tilespmem:v36+s22+$0x0] =	vst.idx.msk $0xffff, v21;
	v21 =	vmul.f32 v29, v56  }
0x53d: {  	v29 =	vmovc v42;
	v19 =	vadd.f32 v47, v19;
	v16 =	vsel vm0, v16, v49;
	v36 =	vld [tilespmem:s19+$0xFFFFFFE0];
	v47 =	vor.u32 s13, v12  }
0x53e: {  	v34 =	vperm.xlane v34, v11;
	v42 =	vor.u32 s13, v13;
	v16 =	vmul.f32 $1.442695020e+00, v16;
	[tilespmem:v35+s22+$0x0] =	vst.idx.msk $0xffff, v21;
	v21 =	vld [tilespmem:s17+$0x30];
	s17 =	smov.u32 s19  }
0x53f: {  	v1 =	vadd.f32 v18, v1;
	v18 =	vmul.f32 $2.000000030e-01, v14;
	v35 =	vunpack.i.l.bf16.f32 v17  }
0x540: {  	(erf) = vpow2.f32 v16;
	v16 =	vunpack.i.u.bf16.f32 v17;
	v17 =	vmul.f32 v34, v35  }
0x541: {  	vm0 =	vgt.f32 v1, $0.0e+00;
	v35 =	vmul.f32 $2.000000030e-01, v1;
	v16 =	vmul.f32 v34, v16  }
0x542: {  	vm1 =	vgt.f32 v14, $0.0e+00;
	vm2 =	vgt.f32 v19, $0.0e+00;
	v34 =	vmul.f32 $2.000000030e-01, v19;
	[tilespmem:v47+s22+$0x0] =	vst.idx.msk $0xffff, v17  }
0x543: {  	v14 =	vsel vm1, v14, v18;
	v1 =	vsel vm0, v1, v35;
	v17 =	vunpack.i.u.bf16.f32 v20;
	[tilespmem:v42+s22+$0x0] =	vst.idx.msk $0xffff, v16  }
0x544: {  	v14 =	vmul.f32 $1.442695020e+00, v14;
	v1 =	vmul.f32 $1.442695020e+00, v1;
	v16 =	vsel vm2, v19, v34  }
0x545: {  	v18 =	vunpack.i.l.bf16.f32 v20;
	v17 =	vmul.f32 v41, v17;
	v16 =	vmul.f32 $1.442695020e+00, v16  }
0x546: {  	v18 =	vmul.f32 v41, v18;
	(erf) = vpow2.f32 v1;
	v1 =	vunpack.i.u.bf16.f32 v15  }
0x547: {  	(erf) = vpow2.f32 v14;
	v14 =	vunpack.i.l.bf16.f32 v15;
	v15 =	vunpack.i.u.bf16.f32 v36  }
0x548: {  	(erf) = vpow2.f32 v16;
	v14 =	vmul.f32 v40, v14;
	v16 =	vunpack.i.l.bf16.f32 v36;
	[tilespmem:v39+s22+$0x0] =	vst.idx.msk $0xffff, v18  }
0x549: {  	s21 =	sadd.s32 $0x40, s21;
	v1 =	vmul.f32 v40, v1;
	v34 =	vpop (erf);
	v16 =	vmul.f32 v37, v16;
	[tilespmem:v38+s22+$0x0] =	vst.idx.msk $0xffff, v17;
	v17 =	vunpack.i.u.bf16.f32 v21  }
0x54a: {  	s19 =	sadd.s32 $0x100, s19;
	v19 =	vmul.f32 v23, v51;
	v20 =	vunpack.i.l.bf16.f32 v21;
	v15 =	vmul.f32 v37, v15;
	[tilespmem:s21+$0x10] =	vst v34;
	v18 =	vld [tilespmem:s17+$0x20]  }
0x54b: {  	v20 =	vmul.f32 v22, v20;
	v36 =	vor.u32 s20, v12;
	v21 =	vld [tilespmem:s19+$0x40];
	[tilespmem:v46+s22+$0x0] =	vst.idx.msk $0xffff, v14;
	v14 =	vmul.f32 v23, v50  }
0x54c: {  	v35 =	vor.u32 s20, v13;
	s20 =	sshll.u32 s1, $0x7;
	s1 =	smov.u32 s28;
	v23 =	vmovc v32;
	[tilespmem:v45+s22+$0x0] =	vst.idx.msk $0xffff, v1;
	v1 =	vmul.f32 v22, v17;
	v22 =	vmov v33  }
0x54d: {  	s11 =	sadd.s32 $0x80, s20;
	s0 =	sadd.s32 $0x100, s20;
	s13 =	sadd.s32 $0x180, s20;
	v32 =	vor.u32 s20, v4;
	v50 =	vor.u32 s20, v6;
	v17 =	vor.u32 s20, v0;
	v51 =	vld [tilespmem:s17+$0xFFFFFFB0];
	[tilespmem:v44+s22+$0x0] =	vst.idx.msk $0xffff, v16  }
0x54e: {  	v37 =	vor.u32 s13, v0;
	v33 =	vor.u32 s11, v4;
	v16 =	vor.u32 s11, v0;
	[tilespmem:v43+s22+$0x0] =	vst.idx.msk $0xffff, v15  }
0x54f: {  	v38 =	vperm.xlane v34, v3;
	v40 =	vor.u32 s13, v4;
	v15 =	vor.u32 s0, v0;
	v42 =	vpop (erf);
	v60 =	vld [tilespmem:s17+$0xFFFFFFF0];
	[tilespmem:v27+s22+$0x0] =	vst.idx.msk $0xffff, v19  }
0x550: {  	v57 =	vor.u32 s0, v4;
	[tilespmem:s21+$0xFFFFFFE0] =	vst v42;
	v19 =	vperm.xlane v42, v3;
	v41 =	vunpack.i.l.bf16.f32 v21;
	v56 =	vpop (erf)  }
0x551: {  	v21 =	vunpack.i.u.bf16.f32 v21;
	v43 =	vld [tilespmem:s19+$0xFFFFFF80];
	[tilespmem:s21+$0xFFFFFFF0] =	vst v56;
	v44 =	vperm.xlane v56, v3;
	v39 =	vmul.f32 v38, v41;
	v58 =	vpop (erf)  }
0x552: {  	v47 =	vor.u32 s11, v6;
	v27 =	vmovc v55;
	v21 =	vmul.f32 v38, v21;
	v45 =	vld [tilespmem:s19+$0xFFFFFFC0];
	[tilespmem:s21+$0x0] =	vst v58;
	v46 =	vperm.xlane v58, v3  }
0x553: {  	v48 =	vor.u32 s11, v7;
	v59 =	vperm.xlane v42, v5;
	v49 =	vperm.xlane v56, v5;
	v55 =	vld [tilespmem:s19+$0x0];
	[tilespmem:v37+s22+$0x0] =	vst.idx.msk $0xffff, v39  }
0x554: {  	v38 =	vor.u32 s0, v7;
	v41 =	vperm.xlane v58, v5;
	v39 =	vor.u32 s0, v6;
	[tilespmem:v40+s22+$0x0] =	vst.idx.msk $0xffff, v21  }
0x555: {  	v37 =	vperm.xlane v56, v8;
	v21 =	vor.u32 s20, v7;
	v40 =	vperm.xlane v42, v8;
	v61 =	vld [tilespmem:s19+$0x50];
	[tilespmem:v25+s22+$0x0] =	vst.idx.msk $0xffff, v14  }
0x556: {  	v62 =	vperm.xlane v58, v8;
	v25 =	vmovc v53;
	v14 =	vunpack.i.u.bf16.f32 v43;
	v43 =	vunpack.i.l.bf16.f32 v43;
	[tilespmem:v26+s22+$0x0] =	vst.idx.msk $0xffff, v20  }
0x557: {  	v26 =	vmovc v52;
	v20 =	vmul.f32 v19, v43;
	v43 =	vunpack.i.u.bf16.f32 v45;
	v45 =	vunpack.i.l.bf16.f32 v45;
	[tilespmem:v24+s22+$0x0] =	vst.idx.msk $0xffff, v1  }
0x558: {  	v53 =	vor.u32 s13, v6;
	v24 =	vmovc v54;
	v1 =	vunpack.i.u.bf16.f32 v55;
	v52 =	vunpack.i.l.bf16.f32 v55  }
0x559: {  	v14 =	vmul.f32 v19, v14;
	v19 =	vor.u32 s13, v7;
	[tilespmem:v17+s22+$0x0] =	vst.idx.msk $0xffff, v20;
	v17 =	vperm.xlane v34, v5  }
0x55a: {  	v54 =	vmul.f32 v44, v43;
	v20 =	vmul.f32 v44, v45;
	v43 =	vunpack.i.l.bf16.f32 v61  }
0x55b: {  	[tilespmem:v32+s22+$0x0] =	vst.idx.msk $0xffff, v14;
	v14 =	vmul.f32 v46, v52;
	v32 =	vunpack.i.u.bf16.f32 v61;
	v43 =	vmul.f32 v17, v43  }
0x55c: {  	v1 =	vmul.f32 v46, v1;
	v61 =	vld [tilespmem:s19+$0xFFFFFF90];
	[tilespmem:v16+s22+$0x0] =	vst.idx.msk $0xffff, v20;
	v16 =	vmul.f32 v17, v32;
	v17 =	vunpack.i.u.bf16.f32 v18  }
0x55d: {  	v44 =	vor.u32 s11, v9;
	v18 =	vunpack.i.l.bf16.f32 v18;
	[tilespmem:v53+s22+$0x0] =	vst.idx.msk $0xffff, v43;
	v17 =	vmul.f32 v28, v17  }
0x55e: {  	v20 =	vor.u32 s0, v9;
	v43 =	vor.u32 s11, v10;
	[tilespmem:v19+s22+$0x0] =	vst.idx.msk $0xffff, v16;
	v16 =	vmul.f32 v28, v18;
	v28 =	vmovc v62  }
0x55f: {  	v45 =	vor.u32 s20, v10;
	v46 =	vor.u32 s20, v9;
	v18 =	vor.u32 s0, v10;
	[tilespmem:v33+s22+$0x0] =	vst.idx.msk $0xffff, v54;
	v19 =	vld [tilespmem:s19+$0x60]  }
0x560: {  	s16 =	sadd.s32 $0x40, s16;
	v42 =	vperm.xlane v42, v11;
	v32 =	vperm.xlane v56, v11;
	v56 =	vunpack.i.u.bf16.f32 v51;
	v52 =	vld [tilespmem:s19+$0xFFFFFFD0];
	[tilespmem:v15+s22+$0x0] =	vst.idx.msk $0xffff, v14  }
.Ltmp8:
0x561: {  	v33 =	vperm.xlane v58, v11;
	v55 =	vld [tilespmem:s16+$0x10];
	v14 =	vunpack.i.u.bf16.f32 v61;
	v15 =	vunpack.i.l.bf16.f32 v61;
	[tilespmem:v57+s22+$0x0] =	vst.idx.msk $0xffff, v1;
	(pc) =	sbr.rel @p1 .LBB2_14-.Ltmp8, $4  }
0x562: {  	s25 =	sadd.s32 $0x40, s25;
	v57 =	vor.u32 s13, v9;
	v53 =	vld [tilespmem:s16+$0xFFFFFFE0];
	v1 =	vmul.f32 v59, v15;
	v14 =	vmul.f32 v59, v14;
	[tilespmem:v30+s22+$0x0] =	vst.idx.msk $0xffff, v16  }
0x563: {  	v62 =	vperm.xlane v34, v8;
	v58 =	vor.u32 s13, v10;
	v54 =	vunpack.i.l.bf16.f32 v51;
	v30 =	vmovc v20;
	v61 =	vld [tilespmem:s25+$0x10];
	[tilespmem:v31+s22+$0x0] =	vst.idx.msk $0xffff, v17  }
0x564: {  	v51 =	vunpack.i.l.bf16.f32 v60;
	v31 =	vmovc v18;
	v59 =	vld [tilespmem:s16+$0xFFFFFFF0];
	[tilespmem:v50+s22+$0x0] =	vst.idx.msk $0xffff, v1;
	v1 =	vunpack.i.l.bf16.f32 v19;
	v50 =	vunpack.i.u.bf16.f32 v60  }
0x565: {  	s28 =	sadd.s32 $0x4, s28;
	v60 =	vld [tilespmem:s16+$0x0];
	[tilespmem:v21+s22+$0x0] =	vst.idx.msk $0xffff, v14;
	v63 =	vunpack.i.u.bf16.f32 v52;
	v14 =	vunpack.i.u.bf16.f32 v19;
	v1 =	vmul.f32 v62, v1  }
0x566: {  	v15 =	vperm.xlane v55, v2;
	_ =	sdelay $0x1  }
0x567: {  	v15 =	vadd.f32 v15, v61  }
0x568: {  	v19 =	vld [tilespmem:s25+$0xFFFFFFE0]  }
0x569: {  	v16 =	vmul.f32 $2.000000030e-01, v15  }
0x56a: {  	v61 =	vld [tilespmem:s25+$0x0];
	vm0 =	vgt.f32 v15, $0.0e+00  }
0x56b: {  	v18 =	vperm.xlane v53, v2;
	v15 =	vsel vm0, v15, v16  }
0x56c: {  	[tilespmem:v57+s22+$0x0] =	vst.idx.msk $0xffff, v1;
	v1 =	vmul.f32 $1.442695020e+00, v15  }
0x56d: {  	v14 =	vmul.f32 v62, v14;
	v20 =	vperm.xlane v60, v2;
	v18 =	vadd.f32 v18, v19  }
0x56e: {  	v17 =	vld [tilespmem:s25+$0xFFFFFFF0];
	(erf) = vpow2.f32 v1  }
0x56f: {  	[tilespmem:v58+s22+$0x0] =	vst.idx.msk $0xffff, v14;
	v15 =	vunpack.i.l.bf16.f32 v52;
	v16 =	vadd.f32 v20, v61;
	v61 =	vmul.f32 $2.000000030e-01, v18  }
0x570: {  	v21 =	vmul.f32 v49, v63;
	vm7 =	vgt.f32 v18, $0.0e+00;
	v14 =	vmul.f32 v49, v15;
	v15 =	vld [tilespmem:s19+$0x70]  }
0x571: {  	v62 =	vmul.f32 v29, v54;
	v1 =	vperm.xlane v59, v2;
	v18 =	vsel vm7, v18, v61  }
0x572: {  	v63 =	vmul.f32 v29, v56;
	v18 =	vmul.f32 $1.442695020e+00, v18  }
0x573: {  	v29 =	vperm.xlane v34, v11;
	v57 =	vld [tilespmem:s19+$0x10];
	v58 =	vor.u32 s13, v13;
	[tilespmem:v36+s22+$0x0] =	vst.idx.msk $0xffff, v62;
	v1 =	vadd.f32 v1, v17  }
0x574: {  	v20 =	vor.u32 s13, v12;
	v52 =	vmul.f32 v23, v51;
	[tilespmem:v47+s22+$0x0] =	vst.idx.msk $0xffff, v14;
	(erf) = vpow2.f32 v18  }
0x575: {  	[tilespmem:v48+s22+$0x0] =	vst.idx.msk $0xffff, v21;
	v21 =	vld [tilespmem:s19+$0xFFFFFFA0];
	v59 =	vmul.f32 $2.000000030e-01, v1;
	v60 =	vunpack.i.l.bf16.f32 v15;
	v15 =	vunpack.i.u.bf16.f32 v15  }
0x576: {  	[tilespmem:v35+s22+$0x0] =	vst.idx.msk $0xffff, v63;
	vm1 =	vgt.f32 v1, $0.0e+00;
	v14 =	vmul.f32 v29, v15;
	v15 =	vmul.f32 $2.000000030e-01, v16  }
0x577: {  	s21 =	sadd.s32 $0x40, s21;
	vm2 =	vgt.f32 v16, $0.0e+00;
	[tilespmem:v27+s22+$0x0] =	vst.idx.msk $0xffff, v52;
	v53 =	vmul.f32 v29, v60;
	v29 =	vld [tilespmem:s19+$0xFFFFFFE0];
	v1 =	vsel vm1, v1, v59;
	v36 =	vpop (erf)  }
0x578: {  	v63 =	vunpack.i.l.bf16.f32 v57;
	s13 =	sadd.s32 $0x100, s19;
	v15 =	vsel vm2, v16, v15;
	v1 =	vmul.f32 $1.442695020e+00, v1;
	[tilespmem:s21+$0x10] =	vst v36  }
0x579: {  	v62 =	vunpack.i.u.bf16.f32 v57;
	v17 =	vmul.f32 v41, v63;
	[tilespmem:v20+s22+$0x0] =	vst.idx.msk $0xffff, v53;
	v15 =	vmul.f32 $1.442695020e+00, v15;
	v35 =	vld [tilespmem:s13+$0x40]  }
0x57a: {  	s1 =	sshll.u32 s1, $0x7;
	v16 =	vmul.f32 v41, v62;
	[tilespmem:v58+s22+$0x0] =	vst.idx.msk $0xffff, v14;
	v14 =	vunpack.i.l.bf16.f32 v21;
	(erf) = vpow2.f32 v1  }
0x57b: {  	s31 =	sadd.s32 $0x180, s1;
	[tilespmem:v39+s22+$0x0] =	vst.idx.msk $0xffff, v17;
	v1 =	vunpack.i.u.bf16.f32 v21;
	v14 =	vmul.f32 v40, v14;
	(erf) = vpow2.f32 v15  }
0x57c: {  	v41 =	vor.u32 s31, v0;
	[tilespmem:v38+s22+$0x0] =	vst.idx.msk $0xffff, v16;
	v15 =	vunpack.i.l.bf16.f32 v29;
	v1 =	vmul.f32 v40, v1  }
0x57d: {  	v47 =	vld [tilespmem:s17+$0x30];
	v20 =	vor.u32 s31, v4;
	v48 =	vperm.xlane v36, v3;
	v15 =	vmul.f32 v37, v15;
	[tilespmem:v46+s22+$0x0] =	vst.idx.msk $0xffff, v14  }
0x57e: {  	[tilespmem:v45+s22+$0x0] =	vst.idx.msk $0xffff, v1;
	v14 =	vunpack.i.l.bf16.f32 v35  }
0x57f: {  	v53 =	vmul.f32 v23, v50;
	v23 =	vpop (erf);
	[tilespmem:v44+s22+$0x0] =	vst.idx.msk $0xffff, v15;
	v1 =	vunpack.i.u.bf16.f32 v35;
	v14 =	vmul.f32 v48, v14  }
0x580: {  	v49 =	vunpack.i.u.bf16.f32 v29;
	[tilespmem:s21+$0xFFFFFFE0] =	vst v23;
	v1 =	vmul.f32 v48, v1  }
0x581: {  	v15 =	vmul.f32 v37, v49;
	v54 =	vld [tilespmem:s13+$0xFFFFFF80];
	[tilespmem:v41+s22+$0x0] =	vst.idx.msk $0xffff, v14  }
0x582: {  	v34 =	vor.u32 s0, v12;
	v14 =	vunpack.i.u.bf16.f32 v47;
	[tilespmem:v20+s22+$0x0] =	vst.idx.msk $0xffff, v1;
	v1 =	vunpack.i.l.bf16.f32 v47  }
0x583: {  	s3 =	sadd.s32 $0x100, s1;
	v55 =	vor.u32 s31, v6;
	[tilespmem:v43+s22+$0x0] =	vst.idx.msk $0xffff, v15;
	v14 =	vmul.f32 v22, v14;
	v15 =	vld [tilespmem:s13+$0x50];
	v1 =	vmul.f32 v22, v1;
	v22 =	vpop (erf)  }
0x584: {  	v56 =	vor.u32 s3, v0;
	v19 =	vor.u32 s20, v13;
	v20 =	vor.u32 s1, v0;
	[tilespmem:s21+$0xFFFFFFF0] =	vst v22;
	v27 =	vpop (erf)  }
0x585: {  	s16 =	sadd.s32 $0x80, s1;
	v61 =	vor.u32 s3, v4;
	v21 =	vor.u32 s1, v4;
	v60 =	vperm.xlane v23, v3;
	v57 =	vld [tilespmem:s13+$0xFFFFFFC0];
	[tilespmem:s21+$0x0] =	vst v27  }
0x586: {  	v39 =	vor.u32 s16, v4;
	v59 =	vor.u32 s31, v7;
	[tilespmem:v26+s22+$0x0] =	vst.idx.msk $0xffff, v1;
	v26 =	vunpack.i.l.bf16.f32 v54  }
0x587: {  	[tilespmem:v25+s22+$0x0] =	vst.idx.msk $0xffff, v53;
	v58 =	vperm.xlane v36, v5;
	v16 =	vunpack.i.u.bf16.f32 v54;
	v63 =	vld [tilespmem:s13+$0x0];
	v26 =	vmul.f32 v60, v26  }
0x588: {  	v38 =	vor.u32 s16, v0;
	v16 =	vmul.f32 v60, v16;
	[tilespmem:v24+s22+$0x0] =	vst.idx.msk $0xffff, v14;
	v62 =	vunpack.i.l.bf16.f32 v15  }
0x589: {  	v25 =	vperm.xlane v22, v3;
	v14 =	vld [tilespmem:s19+$0x20];
	v1 =	vunpack.i.u.bf16.f32 v15;
	[tilespmem:v20+s22+$0x0] =	vst.idx.msk $0xffff, v26;
	v15 =	vmul.f32 v58, v62  }
0x58a: {  	v17 =	vor.u32 s20, v12;
	v1 =	vmul.f32 v58, v1;
	[tilespmem:v21+s22+$0x0] =	vst.idx.msk $0xffff, v16;
	v51 =	vunpack.i.l.bf16.f32 v57  }
0x58b: {  	v24 =	vperm.xlane v27, v3;
	v43 =	vunpack.i.u.bf16.f32 v57;
	[tilespmem:v55+s22+$0x0] =	vst.idx.msk $0xffff, v15;
	v20 =	vmul.f32 v25, v51  }
0x58c: {  	v50 =	vor.u32 s16, v6;
	v53 =	vunpack.i.l.bf16.f32 v63;
	v25 =	vmul.f32 v25, v43;
	v55 =	vld [tilespmem:s13+$0xFFFFFF90];
	[tilespmem:v59+s22+$0x0] =	vst.idx.msk $0xffff, v1  }
0x58d: {  	v29 =	vor.u32 s11, v13;
	v52 =	vunpack.i.u.bf16.f32 v63;
	v21 =	vmul.f32 v24, v53;
	v26 =	vld [tilespmem:s13+$0x60];
	[tilespmem:v38+s22+$0x0] =	vst.idx.msk $0xffff, v20  }
0x58e: {  	v20 =	vmul.f32 v24, v52;
	v24 =	vunpack.i.u.bf16.f32 v14;
	v14 =	vunpack.i.l.bf16.f32 v14;
	[tilespmem:v39+s22+$0x0] =	vst.idx.msk $0xffff, v25  }
0x58f: {  	v37 =	vor.u32 s1, v6;
	v44 =	vperm.xlane v23, v11;
	v14 =	vmul.f32 v28, v14;
	[tilespmem:v56+s22+$0x0] =	vst.idx.msk $0xffff, v21  }
0x590: {  	v15 =	vperm.xlane v23, v5;
	v25 =	vor.u32 s31, v9;
	v24 =	vmul.f32 v28, v24;
	[tilespmem:v61+s22+$0x0] =	vst.idx.msk $0xffff, v20  }
0x591: {  	v21 =	vperm.xlane v36, v8;
	v56 =	vor.u32 s31, v10;
	v38 =	vld [tilespmem:s13+$0xFFFFFFD0];
	[tilespmem:v30+s22+$0x0] =	vst.idx.msk $0xffff, v14;
	v59 =	vunpack.i.l.bf16.f32 v55  }
0x592: {  	v28 =	vor.u32 s1, v7;
	[tilespmem:v31+s22+$0x0] =	vst.idx.msk $0xffff, v24;
	v31 =	vmul.f32 v15, v59;
	v20 =	vunpack.i.l.bf16.f32 v26  }
0x593: {  	v54 =	vor.u32 s16, v7;
	v14 =	vunpack.i.u.bf16.f32 v26;
	v26 =	vld [tilespmem:s13+$0x10];
	v20 =	vmul.f32 v21, v20  }
0x594: {  	v60 =	vperm.xlane v27, v8;
	v24 =	vunpack.i.u.bf16.f32 v55;
	v14 =	vmul.f32 v21, v14;
	[tilespmem:v37+s22+$0x0] =	vst.idx.msk $0xffff, v31  }
0x595: {  	v58 =	vor.u32 s3, v6;
	v1 =	vperm.xlane v22, v5;
	v30 =	vld [tilespmem:s19+$0xFFFFFFB0];
	v15 =	vmul.f32 v15, v24;
	[tilespmem:v25+s22+$0x0] =	vst.idx.msk $0xffff, v20  }
0x596: {  	v57 =	vperm.xlane v27, v5;
	v21 =	vor.u32 s3, v7;
	v24 =	vunpack.i.l.bf16.f32 v38;
	[tilespmem:v56+s22+$0x0] =	vst.idx.msk $0xffff, v14  }
0x597: {  	[tilespmem:v28+s22+$0x0] =	vst.idx.msk $0xffff, v15;
	v28 =	vperm.xlane v36, v11;
	v25 =	vunpack.i.u.bf16.f32 v38;
	v24 =	vmul.f32 v1, v24;
	v31 =	vld [tilespmem:s13+$0x70]  }
0x598: {  	v20 =	vperm.xlane v23, v8;
	v61 =	vld [tilespmem:s13+$0xFFFFFFA0];
	v1 =	vmul.f32 v1, v25;
	v15 =	vunpack.i.l.bf16.f32 v26  }
0x599: {  	v38 =	vor.u32 s1, v10;
	[tilespmem:v50+s22+$0x0] =	vst.idx.msk $0xffff, v24;
	v24 =	vunpack.i.u.bf16.f32 v26;
	v15 =	vmul.f32 v57, v15  }
0x59a: {  	v26 =	vunpack.i.l.bf16.f32 v30;
	[tilespmem:v54+s22+$0x0] =	vst.idx.msk $0xffff, v1;
	v1 =	vor.u32 s31, v12;
	v62 =	vmul.f32 v57, v24  }
0x59b: {  	v25 =	vunpack.i.u.bf16.f32 v30;
	v24 =	vmul.f32 v42, v26;
	v26 =	vld [tilespmem:s13+$0xFFFFFFE0];
	[tilespmem:v58+s22+$0x0] =	vst.idx.msk $0xffff, v15;
	v15 =	vor.u32 s1, v9  }
0x59c: {  	v30 =	vor.u32 s31, v13;
	v25 =	vmul.f32 v42, v25;
	[tilespmem:v21+s22+$0x0] =	vst.idx.msk $0xffff, v62;
	v63 =	vunpack.i.l.bf16.f32 v31  }
0x59d: {  	v14 =	vperm.xlane v22, v8;
	[tilespmem:v17+s22+$0x0] =	vst.idx.msk $0xffff, v24;
	v40 =	vunpack.i.l.bf16.f32 v61;
	v24 =	vld [tilespmem:s13+$0x20];
	v21 =	vmul.f32 v28, v63  }
0x59e: {  	[tilespmem:v19+s22+$0x0] =	vst.idx.msk $0xffff, v25;
	v41 =	vmul.f32 v20, v40;
	v39 =	vunpack.i.u.bf16.f32 v31;
	v31 =	vor.u32 s16, v9  }
0x59f: {  	v25 =	vld [tilespmem:s19+$0xFFFFFFF0];
	v17 =	vmul.f32 v28, v39;
	v28 =	vor.u32 s16, v10;
	[tilespmem:v1+s22+$0x0] =	vst.idx.msk $0xffff, v21;
	v1 =	vunpack.i.u.bf16.f32 v61  }
0x5a0: {  	v42 =	vor.u32 s3, v9;
	v43 =	vunpack.i.l.bf16.f32 v26;
	[tilespmem:v15+s22+$0x0] =	vst.idx.msk $0xffff, v41;
	v1 =	vmul.f32 v20, v1  }
0x5a1: {  	v26 =	vunpack.i.u.bf16.f32 v26;
	v21 =	vld [tilespmem:s19+$0x30];
	[tilespmem:v30+s22+$0x0] =	vst.idx.msk $0xffff, v17;
	v20 =	vor.u32 s3, v10;
	v17 =	vmul.f32 v14, v43  }
0x5a2: {  	v35 =	vor.u32 s11, v12;
	v14 =	vmul.f32 v14, v26;
	[tilespmem:v38+s22+$0x0] =	vst.idx.msk $0xffff, v1;
	v1 =	vunpack.i.l.bf16.f32 v24  }
0x5a3: {  	v47 =	vor.u32 s1, v12;
	v45 =	vunpack.i.u.bf16.f32 v24;
	[tilespmem:v31+s22+$0x0] =	vst.idx.msk $0xffff, v17;
	v18 =	vld [tilespmem:s13+$0xFFFFFFB0];
	v1 =	vmul.f32 v60, v1  }
0x5a4: {  	v46 =	vperm.xlane v27, v11;
	v23 =	vunpack.i.l.bf16.f32 v25;
	[tilespmem:v28+s22+$0x0] =	vst.idx.msk $0xffff, v14;
	v14 =	vmul.f32 v60, v45  }
0x5a5: {  	v15 =	vor.u32 s0, v13;
	v23 =	vmul.f32 v32, v23;
	v24 =	vunpack.i.u.bf16.f32 v25;
	v25 =	vld [tilespmem:s13+$0xFFFFFFF0];
	[tilespmem:v42+s22+$0x0] =	vst.idx.msk $0xffff, v1  }
0x5a6: {  	v22 =	vperm.xlane v22, v11;
	v24 =	vmul.f32 v32, v24;
	v1 =	vunpack.i.l.bf16.f32 v21;
	[tilespmem:v20+s22+$0x0] =	vst.idx.msk $0xffff, v14  }
0x5a7: {  	[tilespmem:v35+s22+$0x0] =	vst.idx.msk $0xffff, v23;
	v14 =	vunpack.i.u.bf16.f32 v21;
	v1 =	vmul.f32 v33, v1;
	v20 =	vor.u32 s1, v13;
	v21 =	vld [tilespmem:s13+$0x30]  }
0x5a8: {  	v23 =	vor.u32 s16, v12;
	[tilespmem:v29+s22+$0x0] =	vst.idx.msk $0xffff, v24;
	v14 =	vmul.f32 v33, v14;
	v24 =	vunpack.i.l.bf16.f32 v18  }
0x5a9: {  	v26 =	vor.u32 s16, v13;
	[tilespmem:v34+s22+$0x0] =	vst.idx.msk $0xffff, v1;
	v1 =	vunpack.i.u.bf16.f32 v18;
	v48 =	vmul.f32 v44, v24  }
0x5aa: {  	v24 =	vor.u32 s3, v12;
	[tilespmem:v15+s22+$0x0] =	vst.idx.msk $0xffff, v14;
	v14 =	vunpack.i.l.bf16.f32 v25;
	v1 =	vmul.f32 v44, v1  }
0x5ab: {  	v15 =	vor.u32 s3, v13;
	v49 =	vunpack.i.u.bf16.f32 v25;
	v14 =	vmul.f32 v22, v14;
	[tilespmem:v47+s22+$0x0] =	vst.idx.msk $0xffff, v48  }
0x5ac: {  	v16 =	vmul.f32 v22, v49;
	[tilespmem:v20+s22+$0x0] =	vst.idx.msk $0xffff, v1;
	v1 =	vunpack.i.l.bf16.f32 v21  }
0x5ad: {  	v50 =	vunpack.i.u.bf16.f32 v21;
	[tilespmem:v23+s22+$0x0] =	vst.idx.msk $0xffff, v14;
	v1 =	vmul.f32 v46, v1  }
0x5ae: {  	v14 =	vmul.f32 v46, v50;
	[tilespmem:v26+s22+$0x0] =	vst.idx.msk $0xffff, v16  }
0x5af: {  	[tilespmem:v24+s22+$0x0] =	vst.idx.msk $0xffff, v1  }
0x5b0: {  	[tilespmem:v15+s22+$0x0] =	vst.idx.msk $0xffff, v14  }
0x5b1: {  	v1 =	vld [tilespmem:$0x140]  }
0x5b2: {  	v14 =	vld [tilespmem:$0x150]  }
0x5b3: {  	v15 =	vld [tilespmem:$0x160]  }
0x5b4: {  	v16 =	vld [tilespmem:$0x170]  }
0x5b5: {  	v51 =	vld [tilespmem:$0x180]  }
0x5b6: {  	[tilespmem:$0x1E0] =	vst v1  }
0x5b7: {  	[tilespmem:$0x1F0] =	vst v14  }
0x5b8: {  	[tilespmem:$0x200] =	vst v15  }
0x5b9: {  	[tilespmem:$0x210] =	vst v16  }
0x5ba: {  	s11 =	rddreg [dreg:$0x2];
	s13 =	simm.s32 $0x1E0;
	[tilespmem:$0x220] =	vst v51  }
0x5bb: {  	[spmem:s11] =	stream.indirect.scatter.add.f32 [tilespmem:s22], [sflag:$0x3], $0x80, s13, s30, $0xb8;
	[tilespmem:$0x1F810] =	vst v63  }
0x5bc: {  	s16 =	simm.s32 $0x8E80  }
0x5bd: {  	[spmem:s4] =	stream.indirect.scatter.add.f32 [tilespmem:s16], [sflag:$0x3], $0x10, s13, s30, $0xb8;
	[tilespmem:$0x1F810] =	vst v63  }
0x5be: {  	_ =	swait.ge [sflag:s14], $0x2800  }
0x5bf: {  	[sflag:s14] =	ssyncset.done $0x0  }
0x5c0: {  	[sflag:s14] =	ssyncadd.s32 $0xFFFFD800  }
0x5c1: {  	_ =	swait.ge [sflag:s14], $0x500  }
0x5c2: {  	[sflag:s14] =	ssyncset.done $0x0  }
0x5c3: {  	[sflag:s14] =	ssyncadd.s32 $0xFFFFFB00  }
0x5c4: {  	_ =	swait.ge [sflag:s18], $0x50  }
0x5c5: {  	[sflag:s18] =	ssyncset.done $0x0  }
0x5c6: {  	[sflag:s18] =	ssyncadd.s32 $0xFFFFFFB0  }
0x5c7: {  	_ =	swait.ge [sflag:s18], $0x50  }
0x5c8: {  	[sflag:s18] =	ssyncset.done $0x0  }
0x5c9: {  	[sflag:s18] =	ssyncadd.s32 $0xFFFFFFB0  }
0x5ca: {  	_ =	swait.ge [sflag:s18], $0x50  }
0x5cb: {  	[sflag:s18] =	ssyncset.done $0x0  }
0x5cc: {  	s17 =	simm.s32 $0x1680;
	[sflag:s18] =	ssyncadd.s32 $0xFFFFFFB0  }
0x5cd: {  	[tilespmem:s17], [sflag:$0x2] =	stream.indirect.gather [hbm4b:s29+s30], $0x40, s30, s30, $0xb8;
	[tilespmem:$0x1F810] =	vst v63  }
0x5ce: {  	s19 =	simm.s32 $0x7F80  }
0x5cf: {  	[tilespmem:s19], [sflag:$0x2] =	stream.indirect.gather [hbm4b:s2+s30], $0x10, s30, s30, $0xb8;
	[tilespmem:$0x1F810] =	vst v63  }
0x5d0: {  	s20 =	simm.s32 $0x8980  }
0x5d1: {  	[tilespmem:s20], [sflag:$0x2] =	stream.indirect.gather [hbm4b:s2+s30], $0x10, s26, s30, $0xb8;
	[tilespmem:$0x1F810] =	vst v63  }
0x5d2: {  	_ =	swait.ge [sflag:s24], $0x1400  }
0x5d3: {  	[sflag:s24] =	ssyncset.done $0x0  }
0x5d4: {  	[sflag:s24] =	ssyncadd.s32 $0xFFFFEC00  }
0x5d5: {  	_ =	swait.ge [sflag:s24], $0x500  }
0x5d6: {  	[sflag:s24] =	ssyncset.done $0x0  }
0x5d7: {  	[sflag:s24] =	ssyncadd.s32 $0xFFFFFB00  }
0x5d8: {  	_ =	swait.ge [sflag:s24], $0x500  }
0x5d9: {  	[sflag:s24] =	ssyncset.done $0x0  }
0x5da: {  	s21 =	simm.s32 $0x89A0;
	[sflag:s24] =	ssyncadd.s32 $0xFFFFFB00  }
0x5db: {  	v1 =	vld [tilespmem:s21+$0x10]  }
0x5dc: {  	s25 =	simm.s32 $0x7FA0  }
0x5dd: {  	v14 =	vld [tilespmem:s25+$0x10];
	_ =	sdelay $0x2  }
0x5de: {  	v1 =	vperm.xlane v1, v2;
	_ =	sdelay $0x1  }
0x5df: {  	v1 =	vadd.f32 v1, v14  }
0x5e0: {  	v14 =	vld [tilespmem:s21+$0xFFFFFFE0]  }
0x5e1: {  	v52 =	vmul.f32 $2.000000030e-01, v1  }
0x5e2: {  	v53 =	vld [tilespmem:s25+$0xFFFFFFE0];
	vm8 =	vgt.f32 v1, $0.0e+00  }
0x5e3: {  	v15 =	vld [tilespmem:s21+$0xFFFFFFF0];
	v1 =	vsel vm8, v1, v52  }
0x5e4: {  	v1 =	vmul.f32 $1.442695020e+00, v1  }
0x5e5: {  	v55 =	vld [tilespmem:s25+$0xFFFFFFF0];
	v14 =	vperm.xlane v14, v2  }
0x5e6: {  	v54 =	vld [tilespmem:s21+$0x0];
	(erf) = vpow2.f32 v1  }
0x5e7: {  	v14 =	vadd.f32 v14, v53  }
0x5e8: {  	v56 =	vld [tilespmem:s25+$0x0];
	v1 =	vperm.xlane v15, v2  }
0x5e9: {  	v57 =	vmul.f32 $2.000000030e-01, v14  }
0x5ea: {  	v1 =	vadd.f32 v1, v55;
	vm9 =	vgt.f32 v14, $0.0e+00  }
0x5eb: {  	v15 =	vperm.xlane v54, v2;
	v14 =	vsel vm9, v14, v57  }
0x5ec: {  	v58 =	vmul.f32 $2.000000030e-01, v1;
	v14 =	vmul.f32 $1.442695020e+00, v14  }
0x5ed: {  	v15 =	vadd.f32 v15, v56;
	vm10 =	vgt.f32 v1, $0.0e+00  }
0x5ee: {  	v1 =	vsel vm10, v1, v58;
	(erf) = vpow2.f32 v14  }
0x5ef: {  	s31 =	simm.s32 $0x93A0;
	v59 =	vmul.f32 $2.000000030e-01, v15;
	v1 =	vmul.f32 $1.442695020e+00, v1;
	v34 =	vpop (erf)  }
0x5f0: {  	s17 =	simm.s32 $0x1700;
	vm11 =	vgt.f32 v15, $0.0e+00;
	[tilespmem:s31+$0x10] =	vst v34  }
0x5f1: {  	v15 =	vsel vm11, v15, v59;
	(erf) = vpow2.f32 v1;
	v1 =	vld [tilespmem:s17+$0x40]  }
0x5f2: {  	v14 =	vmul.f32 $1.442695020e+00, v15  }
0x5f3: {  	s0 =	simm.s32 $0x180  }
0x5f4: {  	(erf) = vpow2.f32 v14;
	v14 =	vor.u32 s0, v0  }
0x5f5: {  	v60 =	vor.u32 s0, v4;
	s25 =	simm.s32 $0x89E0;
	v15 =	vperm.xlane v34, v3  }
0x5f6: {  	v40 =	vld [tilespmem:s25+$0xFFFFFFE0];
	v61 =	vunpack.i.l.bf16.f32 v1  }
0x5f7: {  	v41 =	vor.u32 s0, v9;
	s3 =	simm.s32 $0x0;
	v63 =	vpop (erf);
	v1 =	vunpack.i.u.bf16.f32 v1;
	v17 =	vmul.f32 v15, v61  }
0x5f8: {  	v62 =	vor.u32 s3, v0;
	v39 =	vor.u32 s3, v7;
	[tilespmem:s31+$0xFFFFFFE0] =	vst v63;
	v1 =	vmul.f32 v15, v1  }
0x5f9: {  	v43 =	vor.u32 s3, v9;
	v42 =	vor.u32 s3, v10;
	v20 =	vor.u32 s3, v4;
	s20 =	simm.s32 $0x80;
	v25 =	vld [tilespmem:s17+$0xFFFFFF80];
	[tilespmem:v14+s5+$0x0] =	vst.idx.msk $0xffff, v17  }
0x5fa: {  	v21 =	vor.u32 s3, v6;
	v22 =	vor.u32 s20, v4;
	v38 =	vor.u32 s20, v7;
	s21 =	simm.s32 $0x100;
	[tilespmem:v60+s5+$0x0] =	vst.idx.msk $0xffff, v1  }
0x5fb: {  	v32 =	vor.u32 s20, v9;
	v40 =	vperm.xlane v40, v2;
	v24 =	vor.u32 s21, v0;
	v29 =	vld [tilespmem:s17+$0x50]  }
0x5fc: {  	v33 =	vor.u32 s21, v6;
	v28 =	vor.u32 s21, v7;
	v50 =	vor.u32 s21, v9  }
0x5fd: {  	v51 =	vor.u32 s21, v10;
	v54 =	vor.u32 s0, v6;
	v23 =	vpop (erf);
	v14 =	vperm.xlane v63, v3  }
0x5fe: {  	v55 =	vperm.xlane v34, v5;
	[tilespmem:s31+$0xFFFFFFF0] =	vst v23;
	v31 =	vunpack.i.u.bf16.f32 v25;
	v25 =	vunpack.i.l.bf16.f32 v25  }
0x5ff: {  	v56 =	vor.u32 s0, v7;
	v36 =	vperm.xlane v63, v5;
	v27 =	vpop (erf);
	v30 =	vld [tilespmem:s17+$0xFFFFFFC0];
	v25 =	vmul.f32 v14, v25  }
0x600: {  	v44 =	vperm.xlane v63, v8;
	[tilespmem:s31+$0x0] =	vst v27;
	v14 =	vmul.f32 v14, v31;
	v31 =	vunpack.i.l.bf16.f32 v29  }
0x601: {  	v26 =	vperm.xlane v23, v3;
	v53 =	vld [tilespmem:s17+$0x0];
	[tilespmem:v62+s5+$0x0] =	vst.idx.msk $0xffff, v25;
	v57 =	vunpack.i.u.bf16.f32 v29;
	v25 =	vmul.f32 v55, v31  }
0x602: {  	v15 =	vor.u32 s20, v0;
	v37 =	vperm.xlane v23, v5;
	[tilespmem:v20+s5+$0x0] =	vst.idx.msk $0xffff, v14;
	v14 =	vmul.f32 v55, v57  }
0x603: {  	v17 =	vor.u32 s21, v4;
	v45 =	vperm.xlane v23, v8;
	v23 =	vperm.xlane v23, v11;
	v59 =	vld [tilespmem:s17+$0xFFFFFF90];
	[tilespmem:v54+s5+$0x0] =	vst.idx.msk $0xffff, v25  }
0x604: {  	v1 =	vor.u32 s20, v6;
	v52 =	vperm.xlane v27, v3;
	v29 =	vunpack.i.l.bf16.f32 v30;
	[tilespmem:v56+s5+$0x0] =	vst.idx.msk $0xffff, v14;
	v14 =	vld [tilespmem:s25+$0x10]  }
0x605: {  	v35 =	vperm.xlane v27, v5;
	s31 =	simm.s32 $0x7FE0;
	v58 =	vunpack.i.u.bf16.f32 v30;
	v29 =	vmul.f32 v26, v29;
	v60 =	vld [tilespmem:s17+$0x60]  }
0x606: {  	v61 =	vld [tilespmem:s31+$0x10];
	v18 =	vmul.f32 v26, v58;
	v62 =	vperm.xlane v34, v8;
	v20 =	vunpack.i.l.bf16.f32 v53  }
0x607: {  	v30 =	vor.u32 s20, v10;
	v31 =	vperm.xlane v27, v8;
	v20 =	vmul.f32 v52, v20;
	[tilespmem:v15+s5+$0x0] =	vst.idx.msk $0xffff, v29;
	v56 =	vld [tilespmem:s25+$0xFFFFFFF0]  }
0x608: {  	v58 =	vld [tilespmem:s25+$0x0];
	v25 =	vunpack.i.u.bf16.f32 v53;
	v29 =	vperm.xlane v63, v11;
	v63 =	vor.u32 s0, v10;
	[tilespmem:v22+s5+$0x0] =	vst.idx.msk $0xffff, v18  }
0x609: {  	v15 =	vmul.f32 v52, v25;
	v19 =	vld [tilespmem:s17+$0xFFFFFFD0];
	v26 =	vunpack.i.l.bf16.f32 v59;
	v14 =	vperm.xlane v14, v2  }
0x60a: {  	v25 =	vunpack.i.u.bf16.f32 v59;
	v59 =	vld [tilespmem:s31+$0xFFFFFFF0];
	v57 =	vmul.f32 v36, v26;
	v26 =	vunpack.i.l.bf16.f32 v60  }
0x60b: {  	v22 =	vperm.xlane v27, v11;
	v26 =	vmul.f32 v62, v26;
	v14 =	vadd.f32 v14, v61  }
0x60c: {  	v27 =	vor.u32 s20, v12;
	[tilespmem:v24+s5+$0x0] =	vst.idx.msk $0xffff, v20;
	v54 =	vperm.xlane v56, v2;
	v16 =	vunpack.i.u.bf16.f32 v60;
	v61 =	vld [tilespmem:s31+$0xFFFFFFE0]  }
0x60d: {  	v24 =	vor.u32 s21, v13;
	v16 =	vmul.f32 v62, v16;
	v62 =	vld [tilespmem:s31+$0x0];
	[tilespmem:v41+s5+$0x0] =	vst.idx.msk $0xffff, v26;
	v26 =	vmul.f32 $2.000000030e-01, v14  }
0x60e: {  	v55 =	vperm.xlane v58, v2;
	[tilespmem:v17+s5+$0x0] =	vst.idx.msk $0xffff, v15;
	v60 =	vmul.f32 v36, v25;
	vm12 =	vgt.f32 v14, $0.0e+00  }
0x60f: {  	v25 =	vunpack.i.u.bf16.f32 v19;
	[tilespmem:v21+s5+$0x0] =	vst.idx.msk $0xffff, v57;
	v15 =	vadd.f32 v54, v59;
	v14 =	vsel vm12, v14, v26  }
0x610: {  	v19 =	vunpack.i.l.bf16.f32 v19;
	v21 =	vperm.xlane v34, v11;
	[tilespmem:v63+s5+$0x0] =	vst.idx.msk $0xffff, v16;
	v14 =	vmul.f32 $1.442695020e+00, v14  }
0x611: {  	v19 =	vmul.f32 v37, v19;
	v58 =	vmul.f32 $2.000000030e-01, v15;
	v41 =	vld [tilespmem:s17+$0x70];
	v20 =	vadd.f32 v40, v61  }
0x612: {  	[tilespmem:v39+s5+$0x0] =	vst.idx.msk $0xffff, v60;
	vm14 =	vgt.f32 v15, $0.0e+00;
	v56 =	vadd.f32 v55, v62;
	(erf) = vpow2.f32 v14  }
0x613: {  	v63 =	vmul.f32 v37, v25;
	v61 =	vld [tilespmem:s17+$0xFFFFFFA0];
	v15 =	vsel vm14, v15, v58;
	v57 =	vmul.f32 $2.000000030e-01, v20  }
0x614: {  	v15 =	vmul.f32 $1.442695020e+00, v15;
	vm13 =	vgt.f32 v20, $0.0e+00;
	v60 =	vmul.f32 $2.000000030e-01, v56  }
0x615: {  	v14 =	vor.u32 s0, v12;
	vm15 =	vgt.f32 v56, $0.0e+00;
	v20 =	vsel vm13, v20, v57  }
0x616: {  	[tilespmem:v1+s5+$0x0] =	vst.idx.msk $0xffff, v19;
	v1 =	vld [tilespmem:s17+$0x10];
	v59 =	vunpack.i.l.bf16.f32 v41;
	v17 =	vsel vm15, v56, v60;
	v62 =	vmul.f32 $1.442695020e+00, v20  }
0x617: {  	[tilespmem:v38+s5+$0x0] =	vst.idx.msk $0xffff, v63;
	v40 =	vunpack.i.u.bf16.f32 v41;
	v41 =	vor.u32 s0, v13;
	v63 =	vmul.f32 v21, v59  }
0x618: {  	s11 =	simm.s32 $0x280;
	v20 =	vld [tilespmem:s17+$0xFFFFFFE0];
	v17 =	vmul.f32 $1.442695020e+00, v17;
	v16 =	vunpack.i.l.bf16.f32 v61;
	(erf) = vpow2.f32 v62  }
0x619: {  	v18 =	vor.u32 s11, v0;
	v16 =	vmul.f32 v44, v16;
	(erf) = vpow2.f32 v15  }
0x61a: {  	v36 =	vor.u32 s3, v12;
	v26 =	vor.u32 s21, v12;
	[tilespmem:v14+s5+$0x0] =	vst.idx.msk $0xffff, v63;
	(erf) = vpow2.f32 v17  }
0x61b: {  	s13 =	simm.s32 $0x380;
	s21 =	simm.s32 $0x93E0;
	v19 =	vmul.f32 v21, v40;
	v15 =	vunpack.i.u.bf16.f32 v1;
	v1 =	vunpack.i.l.bf16.f32 v1;
	[tilespmem:v43+s5+$0x0] =	vst.idx.msk $0xffff, v16;
	v34 =	vpop (erf)  }
0x61c: {  	s19 =	simm.s32 $0x1800;
	v25 =	vor.u32 s20, v13;
	s20 =	simm.s32 $0x200;
	v37 =	vor.u32 s13, v0;
	v1 =	vmul.f32 v35, v1;
	[tilespmem:s21+$0x10] =	vst v34  }
0x61d: {  	v60 =	vor.u32 s20, v6;
	v15 =	vmul.f32 v35, v15;
	[tilespmem:v41+s5+$0x0] =	vst.idx.msk $0xffff, v19;
	v21 =	vunpack.i.l.bf16.f32 v20;
	v48 =	vld [tilespmem:s19+$0x40]  }
0x61e: {  	s0 =	simm.s32 $0x300;
	v47 =	vunpack.i.u.bf16.f32 v61;
	v20 =	vunpack.i.u.bf16.f32 v20;
	v21 =	vmul.f32 v45, v21;
	[tilespmem:v33+s5+$0x0] =	vst.idx.msk $0xffff, v1  }
0x61f: {  	v40 =	vor.u32 s13, v4;
	v53 =	vor.u32 s0, v4;
	v20 =	vmul.f32 v45, v20;
	[tilespmem:v28+s5+$0x0] =	vst.idx.msk $0xffff, v15  }
0x620: {  	v14 =	vor.u32 s20, v0;
	v62 =	vor.u32 s0, v0;
	v43 =	vor.u32 s11, v10;
	[tilespmem:v32+s5+$0x0] =	vst.idx.msk $0xffff, v21  }
0x621: {  	v17 =	vmul.f32 v44, v47;
	v35 =	vor.u32 s3, v13;
	v49 =	vperm.xlane v34, v3;
	[tilespmem:v30+s5+$0x0] =	vst.idx.msk $0xffff, v20;
	v52 =	vpop (erf)  }
0x622: {  	v44 =	vor.u32 s20, v4;
	v19 =	vor.u32 s11, v4;
	[tilespmem:s21+$0xFFFFFFE0] =	vst v52;
	v54 =	vpop (erf);
	v61 =	vunpack.i.l.bf16.f32 v48  }
0x623: {  	v20 =	vperm.xlane v34, v5;
	v46 =	vld [tilespmem:s19+$0xFFFFFF80];
	[tilespmem:s21+$0xFFFFFFF0] =	vst v54;
	v38 =	vunpack.i.u.bf16.f32 v48;
	v57 =	vpop (erf);
	v39 =	vmul.f32 v49, v61  }
0x624: {  	v47 =	vor.u32 s11, v6;
	v45 =	vperm.xlane v52, v3;
	v56 =	vld [tilespmem:s19+$0xFFFFFFC0];
	[tilespmem:s21+$0x0] =	vst v57;
	v33 =	vmul.f32 v49, v38  }
0x625: {  	v15 =	vor.u32 s20, v7;
	v59 =	vperm.xlane v52, v5;
	v55 =	vperm.xlane v54, v3;
	[tilespmem:v37+s5+$0x0] =	vst.idx.msk $0xffff, v39  }
0x626: {  	v48 =	vor.u32 s11, v7;
	v58 =	vperm.xlane v57, v3;
	v49 =	vperm.xlane v54, v5;
	v61 =	vld [tilespmem:s19+$0x0];
	[tilespmem:v40+s5+$0x0] =	vst.idx.msk $0xffff, v33  }
0x627: {  	v41 =	vperm.xlane v57, v5;
	v38 =	vor.u32 s0, v7;
	v28 =	vperm.xlane v57, v8;
	v33 =	vld [tilespmem:s19+$0x50]  }
0x628: {  	v37 =	vperm.xlane v54, v8;
	v40 =	vperm.xlane v52, v8;
	v63 =	vunpack.i.l.bf16.f32 v46  }
0x629: {  	[tilespmem:v42+s5+$0x0] =	vst.idx.msk $0xffff, v17;
	v16 =	vunpack.i.u.bf16.f32 v46;
	v17 =	vmul.f32 v45, v63;
	v42 =	vunpack.i.u.bf16.f32 v56  }
0x62a: {  	v46 =	vld [tilespmem:s17+$0x20];
	v63 =	vunpack.i.l.bf16.f32 v56;
	v56 =	vor.u32 s13, v6;
	v16 =	vmul.f32 v45, v16  }
0x62b: {  	v45 =	vor.u32 s13, v7;
	v21 =	vunpack.i.u.bf16.f32 v61;
	v32 =	vunpack.i.l.bf16.f32 v61  }
0x62c: {  	v1 =	vld [tilespmem:s17+$0xFFFFFFF0];
	[tilespmem:v14+s5+$0x0] =	vst.idx.msk $0xffff, v17;
	v14 =	vmul.f32 v55, v63;
	v17 =	vmul.f32 v55, v42;
	v30 =	vunpack.i.l.bf16.f32 v33  }
0x62d: {  	v63 =	vld [tilespmem:s17+$0xFFFFFFB0];
	v61 =	vmul.f32 v58, v32;
	[tilespmem:v44+s5+$0x0] =	vst.idx.msk $0xffff, v16;
	v55 =	vunpack.i.u.bf16.f32 v33;
	v30 =	vmul.f32 v20, v30  }
0x62e: {  	v39 =	vor.u32 s0, v6;
	v33 =	vld [tilespmem:s19+$0xFFFFFF90];
	[tilespmem:v18+s5+$0x0] =	vst.idx.msk $0xffff, v14;
	v14 =	vmul.f32 v58, v21;
	v58 =	vmul.f32 v20, v55  }
0x62f: {  	v42 =	vperm.xlane v52, v11;
	v32 =	vperm.xlane v54, v11;
	v21 =	vunpack.i.l.bf16.f32 v46;
	[tilespmem:v56+s5+$0x0] =	vst.idx.msk $0xffff, v30  }
0x630: {  	v44 =	vor.u32 s11, v9;
	v20 =	vunpack.i.u.bf16.f32 v46;
	v18 =	vmul.f32 v31, v21;
	[tilespmem:v45+s5+$0x0] =	vst.idx.msk $0xffff, v58  }
0x631: {  	v46 =	vor.u32 s20, v9;
	[tilespmem:v19+s5+$0x0] =	vst.idx.msk $0xffff, v17;
	v20 =	vmul.f32 v31, v20;
	v31 =	vor.u32 s0, v10;
	v17 =	vld [tilespmem:s19+$0x60]  }
0x632: {  	s16 =	simm.s32 $0x8A20;
	[tilespmem:v62+s5+$0x0] =	vst.idx.msk $0xffff, v61;
	v52 =	vld [tilespmem:s19+$0xFFFFFFD0];
	v30 =	vor.u32 s0, v9;
	v56 =	vunpack.i.u.bf16.f32 v63;
	v54 =	vunpack.i.l.bf16.f32 v63  }
0x633: {  	v55 =	vld [tilespmem:s16+$0x10];
	[tilespmem:v50+s5+$0x0] =	vst.idx.msk $0xffff, v18;
	v50 =	vunpack.i.u.bf16.f32 v1;
	v61 =	vunpack.i.u.bf16.f32 v33;
	v62 =	vunpack.i.l.bf16.f32 v33  }
0x634: {  	s25 =	simm.s32 $0x8020;
	[tilespmem:v53+s5+$0x0] =	vst.idx.msk $0xffff, v14;
	v53 =	vld [tilespmem:s16+$0xFFFFFFE0];
	v33 =	vperm.xlane v57, v11;
	v57 =	vor.u32 s13, v9;
	v14 =	vmul.f32 v59, v62  }
0x635: {  	v58 =	vor.u32 s13, v10;
	[tilespmem:v51+s5+$0x0] =	vst.idx.msk $0xffff, v20;
	v16 =	vmul.f32 v59, v61;
	v61 =	vld [tilespmem:s25+$0x10];
	v62 =	vperm.xlane v34, v8  }
0x636: {  	v45 =	vor.u32 s20, v10;
	v51 =	vunpack.i.l.bf16.f32 v1;
	v59 =	vld [tilespmem:s16+$0xFFFFFFF0];
	[tilespmem:v60+s5+$0x0] =	vst.idx.msk $0xffff, v14;
	v18 =	vunpack.i.l.bf16.f32 v17  }
0x637: {  	s28 =	simm.s32 $0xC;
	s1 =	simm.s32 $0x8;
	v63 =	vunpack.i.u.bf16.f32 v52;
	v60 =	vld [tilespmem:s16+$0x0];
	[tilespmem:v15+s5+$0x0] =	vst.idx.msk $0xffff, v16;
	v14 =	vunpack.i.u.bf16.f32 v17;
	v1 =	vmul.f32 v62, v18  }
.LBB2_16:
0x638: {  	p1 =	slt.u32 s28, $0x4C;
	v15 =	vld [tilespmem:s25+$0xFFFFFFF0];
	v16 =	vperm.xlane v55, v2;
	v17 =	vunpack.i.l.bf16.f32 v52;
	v14 =	vmul.f32 v62, v14  }
0x639: {  	v55 =	vor.u32 s11, v12;
	v18 =	vperm.xlane v53, v2;
	v19 =	vld [tilespmem:s25+$0x0];
	v17 =	vmul.f32 v49, v17;
	[tilespmem:v57+s5+$0x0] =	vst.idx.msk $0xffff, v1  }
0x63a: {  	v20 =	vmul.f32 v49, v63;
	v53 =	vor.u32 s11, v13;
	v1 =	vld [tilespmem:s25+$0xFFFFFFE0];
	v16 =	vadd.f32 v16, v61;
	[tilespmem:v58+s5+$0x0] =	vst.idx.msk $0xffff, v14  }
0x63b: {  	v52 =	vor.u32 s0, v12;
	v21 =	vmul.f32 v29, v54;
	v14 =	vperm.xlane v59, v2;
	[tilespmem:v47+s5+$0x0] =	vst.idx.msk $0xffff, v17;
	v17 =	vld [tilespmem:s19+$0x70]  }
0x63c: {  	v54 =	vor.u32 s0, v13;
	v47 =	vperm.xlane v60, v2;
	v49 =	vmul.f32 $2.000000030e-01, v16;
	[tilespmem:v48+s5+$0x0] =	vst.idx.msk $0xffff, v20;
	v20 =	vld [tilespmem:s19+$0x10]  }
0x63d: {  	vm0 =	vgt.f32 v16, $0.0e+00;
	v14 =	vadd.f32 v14, v15;
	v15 =	vld [tilespmem:s19+$0xFFFFFFA0];
	[tilespmem:v36+s5+$0x0] =	vst.idx.msk $0xffff, v21;
	v21 =	vmul.f32 v29, v56  }
0x63e: {  	v29 =	vmovc v42;
	v19 =	vadd.f32 v47, v19;
	v16 =	vsel vm0, v16, v49;
	v36 =	vld [tilespmem:s19+$0xFFFFFFE0];
	v47 =	vor.u32 s13, v12  }
0x63f: {  	v34 =	vperm.xlane v34, v11;
	v42 =	vor.u32 s13, v13;
	v16 =	vmul.f32 $1.442695020e+00, v16;
	[tilespmem:v35+s5+$0x0] =	vst.idx.msk $0xffff, v21;
	v21 =	vld [tilespmem:s17+$0x30];
	s17 =	smov.u32 s19  }
0x640: {  	v1 =	vadd.f32 v18, v1;
	v18 =	vmul.f32 $2.000000030e-01, v14;
	v35 =	vunpack.i.l.bf16.f32 v17  }
0x641: {  	(erf) = vpow2.f32 v16;
	v16 =	vunpack.i.u.bf16.f32 v17;
	v17 =	vmul.f32 v34, v35  }
0x642: {  	vm0 =	vgt.f32 v1, $0.0e+00;
	v35 =	vmul.f32 $2.000000030e-01, v1;
	v16 =	vmul.f32 v34, v16  }
0x643: {  	vm1 =	vgt.f32 v14, $0.0e+00;
	vm2 =	vgt.f32 v19, $0.0e+00;
	v34 =	vmul.f32 $2.000000030e-01, v19;
	[tilespmem:v47+s5+$0x0] =	vst.idx.msk $0xffff, v17  }
0x644: {  	v14 =	vsel vm1, v14, v18;
	v1 =	vsel vm0, v1, v35;
	v17 =	vunpack.i.u.bf16.f32 v20;
	[tilespmem:v42+s5+$0x0] =	vst.idx.msk $0xffff, v16  }
0x645: {  	v14 =	vmul.f32 $1.442695020e+00, v14;
	v1 =	vmul.f32 $1.442695020e+00, v1;
	v16 =	vsel vm2, v19, v34  }
0x646: {  	v18 =	vunpack.i.l.bf16.f32 v20;
	v17 =	vmul.f32 v41, v17;
	v16 =	vmul.f32 $1.442695020e+00, v16  }
0x647: {  	v18 =	vmul.f32 v41, v18;
	(erf) = vpow2.f32 v1;
	v1 =	vunpack.i.u.bf16.f32 v15  }
0x648: {  	(erf) = vpow2.f32 v14;
	v14 =	vunpack.i.l.bf16.f32 v15;
	v15 =	vunpack.i.u.bf16.f32 v36  }
0x649: {  	(erf) = vpow2.f32 v16;
	v14 =	vmul.f32 v40, v14;
	v16 =	vunpack.i.l.bf16.f32 v36;
	[tilespmem:v39+s5+$0x0] =	vst.idx.msk $0xffff, v18  }
0x64a: {  	s21 =	sadd.s32 $0x40, s21;
	v1 =	vmul.f32 v40, v1;
	v34 =	vpop (erf);
	v16 =	vmul.f32 v37, v16;
	[tilespmem:v38+s5+$0x0] =	vst.idx.msk $0xffff, v17;
	v17 =	vunpack.i.u.bf16.f32 v21  }
0x64b: {  	s19 =	sadd.s32 $0x100, s19;
	v19 =	vmul.f32 v23, v51;
	v20 =	vunpack.i.l.bf16.f32 v21;
	v15 =	vmul.f32 v37, v15;
	[tilespmem:s21+$0x10] =	vst v34;
	v18 =	vld [tilespmem:s17+$0x20]  }
0x64c: {  	v20 =	vmul.f32 v22, v20;
	v36 =	vor.u32 s20, v12;
	v21 =	vld [tilespmem:s19+$0x40];
	[tilespmem:v46+s5+$0x0] =	vst.idx.msk $0xffff, v14;
	v14 =	vmul.f32 v23, v50  }
0x64d: {  	v35 =	vor.u32 s20, v13;
	s20 =	sshll.u32 s1, $0x7;
	s1 =	smov.u32 s28;
	v23 =	vmovc v32;
	[tilespmem:v45+s5+$0x0] =	vst.idx.msk $0xffff, v1;
	v1 =	vmul.f32 v22, v17;
	v22 =	vmov v33  }
0x64e: {  	s11 =	sadd.s32 $0x80, s20;
	s0 =	sadd.s32 $0x100, s20;
	s13 =	sadd.s32 $0x180, s20;
	v32 =	vor.u32 s20, v4;
	v50 =	vor.u32 s20, v6;
	v17 =	vor.u32 s20, v0;
	v51 =	vld [tilespmem:s17+$0xFFFFFFB0];
	[tilespmem:v44+s5+$0x0] =	vst.idx.msk $0xffff, v16  }
0x64f: {  	v37 =	vor.u32 s13, v0;
	v33 =	vor.u32 s11, v4;
	v16 =	vor.u32 s11, v0;
	[tilespmem:v43+s5+$0x0] =	vst.idx.msk $0xffff, v15  }
0x650: {  	v38 =	vperm.xlane v34, v3;
	v40 =	vor.u32 s13, v4;
	v15 =	vor.u32 s0, v0;
	v42 =	vpop (erf);
	v60 =	vld [tilespmem:s17+$0xFFFFFFF0];
	[tilespmem:v27+s5+$0x0] =	vst.idx.msk $0xffff, v19  }
0x651: {  	v57 =	vor.u32 s0, v4;
	[tilespmem:s21+$0xFFFFFFE0] =	vst v42;
	v19 =	vperm.xlane v42, v3;
	v41 =	vunpack.i.l.bf16.f32 v21;
	v56 =	vpop (erf)  }
0x652: {  	v21 =	vunpack.i.u.bf16.f32 v21;
	v43 =	vld [tilespmem:s19+$0xFFFFFF80];
	[tilespmem:s21+$0xFFFFFFF0] =	vst v56;
	v44 =	vperm.xlane v56, v3;
	v39 =	vmul.f32 v38, v41;
	v58 =	vpop (erf)  }
0x653: {  	v47 =	vor.u32 s11, v6;
	v27 =	vmovc v55;
	v21 =	vmul.f32 v38, v21;
	v45 =	vld [tilespmem:s19+$0xFFFFFFC0];
	[tilespmem:s21+$0x0] =	vst v58;
	v46 =	vperm.xlane v58, v3  }
0x654: {  	v48 =	vor.u32 s11, v7;
	v59 =	vperm.xlane v42, v5;
	v49 =	vperm.xlane v56, v5;
	v55 =	vld [tilespmem:s19+$0x0];
	[tilespmem:v37+s5+$0x0] =	vst.idx.msk $0xffff, v39  }
0x655: {  	v38 =	vor.u32 s0, v7;
	v41 =	vperm.xlane v58, v5;
	v39 =	vor.u32 s0, v6;
	[tilespmem:v40+s5+$0x0] =	vst.idx.msk $0xffff, v21  }
0x656: {  	v37 =	vperm.xlane v56, v8;
	v21 =	vor.u32 s20, v7;
	v40 =	vperm.xlane v42, v8;
	v61 =	vld [tilespmem:s19+$0x50];
	[tilespmem:v25+s5+$0x0] =	vst.idx.msk $0xffff, v14  }
0x657: {  	v62 =	vperm.xlane v58, v8;
	v25 =	vmovc v53;
	v14 =	vunpack.i.u.bf16.f32 v43;
	v43 =	vunpack.i.l.bf16.f32 v43;
	[tilespmem:v26+s5+$0x0] =	vst.idx.msk $0xffff, v20  }
0x658: {  	v26 =	vmovc v52;
	v20 =	vmul.f32 v19, v43;
	v43 =	vunpack.i.u.bf16.f32 v45;
	v45 =	vunpack.i.l.bf16.f32 v45;
	[tilespmem:v24+s5+$0x0] =	vst.idx.msk $0xffff, v1  }
0x659: {  	v53 =	vor.u32 s13, v6;
	v24 =	vmovc v54;
	v1 =	vunpack.i.u.bf16.f32 v55;
	v52 =	vunpack.i.l.bf16.f32 v55  }
0x65a: {  	v14 =	vmul.f32 v19, v14;
	v19 =	vor.u32 s13, v7;
	[tilespmem:v17+s5+$0x0] =	vst.idx.msk $0xffff, v20;
	v17 =	vperm.xlane v34, v5  }
0x65b: {  	v54 =	vmul.f32 v44, v43;
	v20 =	vmul.f32 v44, v45;
	v43 =	vunpack.i.l.bf16.f32 v61  }
0x65c: {  	[tilespmem:v32+s5+$0x0] =	vst.idx.msk $0xffff, v14;
	v14 =	vmul.f32 v46, v52;
	v32 =	vunpack.i.u.bf16.f32 v61;
	v43 =	vmul.f32 v17, v43  }
0x65d: {  	v1 =	vmul.f32 v46, v1;
	v61 =	vld [tilespmem:s19+$0xFFFFFF90];
	[tilespmem:v16+s5+$0x0] =	vst.idx.msk $0xffff, v20;
	v16 =	vmul.f32 v17, v32;
	v17 =	vunpack.i.u.bf16.f32 v18  }
0x65e: {  	v44 =	vor.u32 s11, v9;
	v18 =	vunpack.i.l.bf16.f32 v18;
	[tilespmem:v53+s5+$0x0] =	vst.idx.msk $0xffff, v43;
	v17 =	vmul.f32 v28, v17  }
0x65f: {  	v20 =	vor.u32 s0, v9;
	v43 =	vor.u32 s11, v10;
	[tilespmem:v19+s5+$0x0] =	vst.idx.msk $0xffff, v16;
	v16 =	vmul.f32 v28, v18;
	v28 =	vmovc v62  }
0x660: {  	v45 =	vor.u32 s20, v10;
	v46 =	vor.u32 s20, v9;
	v18 =	vor.u32 s0, v10;
	[tilespmem:v33+s5+$0x0] =	vst.idx.msk $0xffff, v54;
	v19 =	vld [tilespmem:s19+$0x60]  }
0x661: {  	s16 =	sadd.s32 $0x40, s16;
	v42 =	vperm.xlane v42, v11;
	v32 =	vperm.xlane v56, v11;
	v56 =	vunpack.i.u.bf16.f32 v51;
	v52 =	vld [tilespmem:s19+$0xFFFFFFD0];
	[tilespmem:v15+s5+$0x0] =	vst.idx.msk $0xffff, v14  }
.Ltmp9:
0x662: {  	v33 =	vperm.xlane v58, v11;
	v55 =	vld [tilespmem:s16+$0x10];
	v14 =	vunpack.i.u.bf16.f32 v61;
	v15 =	vunpack.i.l.bf16.f32 v61;
	[tilespmem:v57+s5+$0x0] =	vst.idx.msk $0xffff, v1;
	(pc) =	sbr.rel @p1 .LBB2_16-.Ltmp9, $4  }
0x663: {  	s25 =	sadd.s32 $0x40, s25;
	v57 =	vor.u32 s13, v9;
	v53 =	vld [tilespmem:s16+$0xFFFFFFE0];
	v1 =	vmul.f32 v59, v15;
	v14 =	vmul.f32 v59, v14;
	[tilespmem:v30+s5+$0x0] =	vst.idx.msk $0xffff, v16  }
0x664: {  	v62 =	vperm.xlane v34, v8;
	v58 =	vor.u32 s13, v10;
	v54 =	vunpack.i.l.bf16.f32 v51;
	v30 =	vmovc v20;
	v61 =	vld [tilespmem:s25+$0x10];
	[tilespmem:v31+s5+$0x0] =	vst.idx.msk $0xffff, v17  }
0x665: {  	v51 =	vunpack.i.l.bf16.f32 v60;
	v31 =	vmovc v18;
	v59 =	vld [tilespmem:s16+$0xFFFFFFF0];
	[tilespmem:v50+s5+$0x0] =	vst.idx.msk $0xffff, v1;
	v1 =	vunpack.i.l.bf16.f32 v19;
	v50 =	vunpack.i.u.bf16.f32 v60  }
0x666: {  	s28 =	sadd.s32 $0x4, s28;
	v60 =	vld [tilespmem:s16+$0x0];
	[tilespmem:v21+s5+$0x0] =	vst.idx.msk $0xffff, v14;
	v63 =	vunpack.i.u.bf16.f32 v52;
	v14 =	vunpack.i.u.bf16.f32 v19;
	v1 =	vmul.f32 v62, v1  }
0x667: {  	v15 =	vperm.xlane v55, v2;
	_ =	sdelay $0x1  }
0x668: {  	v15 =	vadd.f32 v15, v61;
	_ =	sdelay $0x1  }
0x669: {  	v16 =	vmul.f32 $2.000000030e-01, v15  }
0x66a: {  	vm0 =	vgt.f32 v15, $0.0e+00  }
0x66b: {  	v19 =	vld [tilespmem:s25+$0xFFFFFFE0];
	v15 =	vsel vm0, v15, v16  }
0x66c: {  	v55 =	vld [tilespmem:s25+$0x0];
	[tilespmem:v57+s5+$0x0] =	vst.idx.msk $0xffff, v1;
	v1 =	vmul.f32 $1.442695020e+00, v15  }
0x66d: {  	v14 =	vmul.f32 v62, v14  }
0x66e: {  	v18 =	vperm.xlane v53, v2;
	(erf) = vpow2.f32 v1  }
0x66f: {  	v17 =	vld [tilespmem:s25+$0xFFFFFFF0];
	[tilespmem:v58+s5+$0x0] =	vst.idx.msk $0xffff, v14;
	v20 =	vperm.xlane v60, v2;
	v15 =	vunpack.i.l.bf16.f32 v52  }
0x670: {  	v18 =	vadd.f32 v18, v19;
	v14 =	vmul.f32 v49, v15;
	v15 =	vld [tilespmem:s19+$0x70]  }
0x671: {  	v21 =	vmul.f32 v49, v63;
	v57 =	vperm.xlane v34, v11;
	v16 =	vadd.f32 v20, v55  }
0x672: {  	v58 =	vld [tilespmem:s19+$0x10];
	v20 =	vor.u32 s13, v12;
	v62 =	vmul.f32 $2.000000030e-01, v18;
	v1 =	vperm.xlane v59, v2  }
0x673: {  	vm15 =	vgt.f32 v18, $0.0e+00;
	v49 =	vmul.f32 v29, v54;
	vm2 =	vgt.f32 v16, $0.0e+00  }
0x674: {  	v59 =	vor.u32 s13, v13;
	v18 =	vsel vm15, v18, v62;
	[tilespmem:v47+s5+$0x0] =	vst.idx.msk $0xffff, v14;
	v1 =	vadd.f32 v1, v17  }
0x675: {  	v63 =	vld [tilespmem:s19+$0xFFFFFFA0];
	[tilespmem:v36+s5+$0x0] =	vst.idx.msk $0xffff, v49;
	v18 =	vmul.f32 $1.442695020e+00, v18;
	v17 =	vmul.f32 v29, v56;
	v61 =	vunpack.i.l.bf16.f32 v15  }
0x676: {  	[tilespmem:v48+s5+$0x0] =	vst.idx.msk $0xffff, v21;
	v60 =	vmul.f32 $2.000000030e-01, v1;
	v15 =	vunpack.i.u.bf16.f32 v15;
	v53 =	vmul.f32 v57, v61  }
0x677: {  	s28 =	sadd.s32 $0x40, s21;
	v49 =	vunpack.i.l.bf16.f32 v58;
	[tilespmem:v35+s5+$0x0] =	vst.idx.msk $0xffff, v17;
	v14 =	vmul.f32 v57, v15;
	v15 =	vmul.f32 $2.000000030e-01, v16;
	v36 =	vpop (erf)  }
0x678: {  	s31 =	sadd.s32 $0x100, s19;
	v47 =	vld [tilespmem:s19+$0xFFFFFFE0];
	vm1 =	vgt.f32 v1, $0.0e+00;
	v17 =	vmul.f32 v41, v49;
	(erf) = vpow2.f32 v18;
	[tilespmem:s28+$0x10] =	vst v36  }
0x679: {  	s1 =	sshll.u32 s1, $0x7;
	v48 =	vunpack.i.u.bf16.f32 v58;
	v1 =	vsel vm1, v1, v60;
	v15 =	vsel vm2, v16, v15;
	[tilespmem:v20+s5+$0x0] =	vst.idx.msk $0xffff, v53;
	v52 =	vld [tilespmem:s31+$0x40]  }
0x67a: {  	s3 =	sadd.s32 $0x180, s1;
	v1 =	vmul.f32 $1.442695020e+00, v1;
	v16 =	vmul.f32 v41, v48;
	[tilespmem:v59+s5+$0x0] =	vst.idx.msk $0xffff, v14;
	v14 =	vunpack.i.l.bf16.f32 v63  }
0x67b: {  	v54 =	vor.u32 s3, v0;
	v15 =	vmul.f32 $1.442695020e+00, v15;
	v14 =	vmul.f32 v40, v14  }
0x67c: {  	[tilespmem:v39+s5+$0x0] =	vst.idx.msk $0xffff, v17;
	(erf) = vpow2.f32 v1;
	v1 =	vunpack.i.u.bf16.f32 v63;
	v56 =	vperm.xlane v36, v3  }
0x67d: {  	[tilespmem:v38+s5+$0x0] =	vst.idx.msk $0xffff, v16;
	(erf) = vpow2.f32 v15;
	v15 =	vunpack.i.l.bf16.f32 v47;
	v1 =	vmul.f32 v40, v1  }
0x67e: {  	v57 =	vor.u32 s3, v4;
	[tilespmem:v46+s5+$0x0] =	vst.idx.msk $0xffff, v14;
	v15 =	vmul.f32 v37, v15;
	v14 =	vunpack.i.l.bf16.f32 v52  }
0x67f: {  	[tilespmem:v45+s5+$0x0] =	vst.idx.msk $0xffff, v1;
	v14 =	vmul.f32 v56, v14  }
0x680: {  	v55 =	vld [tilespmem:s17+$0x30];
	v60 =	vmul.f32 v23, v50;
	[tilespmem:v44+s5+$0x0] =	vst.idx.msk $0xffff, v15;
	v1 =	vunpack.i.u.bf16.f32 v52  }
0x681: {  	v58 =	vunpack.i.u.bf16.f32 v47;
	v59 =	vmul.f32 v23, v51;
	v1 =	vmul.f32 v56, v1;
	v23 =	vpop (erf);
	[tilespmem:v54+s5+$0x0] =	vst.idx.msk $0xffff, v14  }
0x682: {  	v15 =	vmul.f32 v37, v58;
	[tilespmem:s28+$0xFFFFFFE0] =	vst v23  }
0x683: {  	v34 =	vor.u32 s0, v12;
	[tilespmem:v57+s5+$0x0] =	vst.idx.msk $0xffff, v1;
	v61 =	vld [tilespmem:s31+$0xFFFFFF80]  }
0x684: {  	v19 =	vor.u32 s20, v13;
	v62 =	vor.u32 s3, v6;
	[tilespmem:v43+s5+$0x0] =	vst.idx.msk $0xffff, v15;
	v15 =	vld [tilespmem:s31+$0x50]  }
0x685: {  	v29 =	vor.u32 s11, v13;
	[tilespmem:v27+s5+$0x0] =	vst.idx.msk $0xffff, v59;
	v14 =	vunpack.i.u.bf16.f32 v55;
	v1 =	vunpack.i.l.bf16.f32 v55  }
0x686: {  	v20 =	vor.u32 s1, v0;
	[tilespmem:v25+s5+$0x0] =	vst.idx.msk $0xffff, v60;
	v14 =	vmul.f32 v22, v14;
	v1 =	vmul.f32 v22, v1;
	v22 =	vpop (erf)  }
0x687: {  	v21 =	vor.u32 s1, v4;
	v35 =	vor.u32 s11, v12;
	v54 =	vperm.xlane v23, v3;
	[tilespmem:s28+$0xFFFFFFF0] =	vst v22;
	v27 =	vpop (erf)  }
0x688: {  	v53 =	vor.u32 s3, v7;
	v52 =	vperm.xlane v36, v5;
	v63 =	vld [tilespmem:s31+$0xFFFFFFC0];
	[tilespmem:s28+$0x0] =	vst v27;
	v58 =	vunpack.i.l.bf16.f32 v61  }
0x689: {  	s16 =	sadd.s32 $0x80, s1;
	v17 =	vor.u32 s20, v12;
	[tilespmem:v26+s5+$0x0] =	vst.idx.msk $0xffff, v1;
	v55 =	vunpack.i.l.bf16.f32 v15;
	v26 =	vmul.f32 v54, v58  }
0x68a: {  	v39 =	vor.u32 s16, v4;
	v57 =	vld [tilespmem:s31+$0x0];
	[tilespmem:v24+s5+$0x0] =	vst.idx.msk $0xffff, v14;
	v1 =	vunpack.i.u.bf16.f32 v15;
	v15 =	vmul.f32 v52, v55  }
0x68b: {  	s20 =	sadd.s32 $0x100, s1;
	v38 =	vor.u32 s16, v0;
	v14 =	vld [tilespmem:s19+$0x20];
	v16 =	vunpack.i.u.bf16.f32 v61;
	v1 =	vmul.f32 v52, v1;
	[tilespmem:v20+s5+$0x0] =	vst.idx.msk $0xffff, v26  }
0x68c: {  	v41 =	vor.u32 s20, v0;
	v56 =	vperm.xlane v22, v3;
	v16 =	vmul.f32 v54, v16;
	[tilespmem:v62+s5+$0x0] =	vst.idx.msk $0xffff, v15  }
0x68d: {  	v47 =	vor.u32 s20, v4;
	v37 =	vor.u32 s1, v6;
	v60 =	vunpack.i.l.bf16.f32 v63;
	[tilespmem:v53+s5+$0x0] =	vst.idx.msk $0xffff, v1  }
0x68e: {  	v59 =	vperm.xlane v27, v3;
	v43 =	vunpack.i.u.bf16.f32 v63;
	v61 =	vmul.f32 v56, v60;
	[tilespmem:v21+s5+$0x0] =	vst.idx.msk $0xffff, v16;
	v62 =	vld [tilespmem:s31+$0x60]  }
0x68f: {  	v54 =	vperm.xlane v36, v8;
	v48 =	vunpack.i.l.bf16.f32 v57;
	v25 =	vmul.f32 v56, v43;
	v50 =	vld [tilespmem:s31+$0xFFFFFF90]  }
0x690: {  	v52 =	vunpack.i.u.bf16.f32 v14;
	v14 =	vunpack.i.l.bf16.f32 v14;
	v49 =	vmul.f32 v59, v48;
	[tilespmem:v38+s5+$0x0] =	vst.idx.msk $0xffff, v61  }
0x691: {  	v63 =	vunpack.i.u.bf16.f32 v57;
	v53 =	vor.u32 s3, v9;
	v14 =	vmul.f32 v28, v14;
	[tilespmem:v39+s5+$0x0] =	vst.idx.msk $0xffff, v25  }
0x692: {  	v58 =	vor.u32 s1, v7;
	v55 =	vor.u32 s3, v10;
	v51 =	vmul.f32 v59, v63;
	[tilespmem:v41+s5+$0x0] =	vst.idx.msk $0xffff, v49  }
0x693: {  	v15 =	vperm.xlane v23, v5;
	v24 =	vmul.f32 v28, v52;
	[tilespmem:v30+s5+$0x0] =	vst.idx.msk $0xffff, v14;
	v38 =	vld [tilespmem:s31+$0xFFFFFFD0];
	v57 =	vunpack.i.l.bf16.f32 v62  }
0x694: {  	v60 =	vld [tilespmem:s19+$0xFFFFFFB0];
	[tilespmem:v47+s5+$0x0] =	vst.idx.msk $0xffff, v51;
	v14 =	vunpack.i.u.bf16.f32 v62;
	v62 =	vunpack.i.l.bf16.f32 v50;
	v20 =	vmul.f32 v54, v57  }
0x695: {  	v18 =	vor.u32 s16, v6;
	v46 =	vperm.xlane v23, v8;
	[tilespmem:v31+s5+$0x0] =	vst.idx.msk $0xffff, v24;
	v59 =	vld [tilespmem:s31+$0x10];
	v45 =	vmul.f32 v15, v62  }
0x696: {  	v56 =	vperm.xlane v27, v5;
	v43 =	vunpack.i.u.bf16.f32 v50;
	v14 =	vmul.f32 v54, v14;
	[tilespmem:v53+s5+$0x0] =	vst.idx.msk $0xffff, v20  }
0x697: {  	v16 =	vor.u32 s16, v7;
	v1 =	vperm.xlane v22, v5;
	v15 =	vmul.f32 v15, v43;
	[tilespmem:v37+s5+$0x0] =	vst.idx.msk $0xffff, v45  }
0x698: {  	v63 =	vor.u32 s20, v7;
	v61 =	vor.u32 s20, v6;
	v47 =	vunpack.i.l.bf16.f32 v38;
	[tilespmem:v55+s5+$0x0] =	vst.idx.msk $0xffff, v14  }
0x699: {  	v41 =	vor.u32 s16, v10;
	v48 =	vunpack.i.u.bf16.f32 v38;
	v24 =	vmul.f32 v1, v47;
	[tilespmem:v58+s5+$0x0] =	vst.idx.msk $0xffff, v15;
	v49 =	vld [tilespmem:s31+$0x70]  }
0x69a: {  	v51 =	vunpack.i.u.bf16.f32 v60;
	v1 =	vmul.f32 v1, v48;
	v15 =	vunpack.i.l.bf16.f32 v59;
	v52 =	vld [tilespmem:s31+$0xFFFFFFA0]  }
0x69b: {  	v25 =	vmul.f32 v42, v51;
	v53 =	vunpack.i.u.bf16.f32 v59;
	[tilespmem:v18+s5+$0x0] =	vst.idx.msk $0xffff, v24;
	v15 =	vmul.f32 v56, v15  }
0x69c: {  	v54 =	vunpack.i.l.bf16.f32 v60;
	v55 =	vmul.f32 v56, v53;
	[tilespmem:v16+s5+$0x0] =	vst.idx.msk $0xffff, v1;
	v1 =	vor.u32 s3, v12  }
0x69d: {  	v58 =	vperm.xlane v36, v11;
	v56 =	vmul.f32 v42, v54;
	v57 =	vld [tilespmem:s31+$0xFFFFFFE0];
	[tilespmem:v61+s5+$0x0] =	vst.idx.msk $0xffff, v15;
	v15 =	vor.u32 s1, v9  }
0x69e: {  	v40 =	vld [tilespmem:s19+$0xFFFFFFF0];
	v50 =	vperm.xlane v27, v8;
	v59 =	vor.u32 s3, v13;
	[tilespmem:v63+s5+$0x0] =	vst.idx.msk $0xffff, v55;
	v60 =	vunpack.i.l.bf16.f32 v49  }
0x69f: {  	v61 =	vor.u32 s1, v10;
	[tilespmem:v17+s5+$0x0] =	vst.idx.msk $0xffff, v56;
	v36 =	vld [tilespmem:s31+$0x20];
	v39 =	vunpack.i.l.bf16.f32 v52;
	v63 =	vmul.f32 v58, v60  }
0x6a0: {  	v38 =	vor.u32 s16, v9;
	[tilespmem:v19+s5+$0x0] =	vst.idx.msk $0xffff, v25;
	v62 =	vunpack.i.u.bf16.f32 v49;
	v42 =	vmul.f32 v46, v39  }
0x6a1: {  	v14 =	vperm.xlane v22, v8;
	v17 =	vmul.f32 v58, v62;
	[tilespmem:v1+s5+$0x0] =	vst.idx.msk $0xffff, v63;
	v1 =	vunpack.i.u.bf16.f32 v52  }
0x6a2: {  	v43 =	vor.u32 s20, v9;
	v44 =	vunpack.i.l.bf16.f32 v57;
	[tilespmem:v15+s5+$0x0] =	vst.idx.msk $0xffff, v42;
	v1 =	vmul.f32 v46, v1  }
0x6a3: {  	v45 =	vor.u32 s20, v10;
	v26 =	vunpack.i.u.bf16.f32 v57;
	[tilespmem:v59+s5+$0x0] =	vst.idx.msk $0xffff, v17;
	v46 =	vld [tilespmem:s19+$0x30];
	v17 =	vmul.f32 v14, v44  }
0x6a4: {  	v51 =	vunpack.i.u.bf16.f32 v40;
	v14 =	vmul.f32 v14, v26;
	[tilespmem:v61+s5+$0x0] =	vst.idx.msk $0xffff, v1;
	v1 =	vunpack.i.l.bf16.f32 v36  }
0x6a5: {  	v47 =	vperm.xlane v23, v11;
	v48 =	vunpack.i.u.bf16.f32 v36;
	[tilespmem:v38+s5+$0x0] =	vst.idx.msk $0xffff, v17;
	v18 =	vld [tilespmem:s31+$0xFFFFFFB0];
	v1 =	vmul.f32 v50, v1  }
0x6a6: {  	v22 =	vperm.xlane v22, v11;
	v49 =	vunpack.i.l.bf16.f32 v40;
	[tilespmem:v41+s5+$0x0] =	vst.idx.msk $0xffff, v14;
	v14 =	vmul.f32 v50, v48  }
0x6a7: {  	v53 =	vor.u32 s1, v12;
	v23 =	vmul.f32 v32, v49;
	v15 =	vor.u32 s0, v13;
	v52 =	vld [tilespmem:s31+$0xFFFFFFF0];
	[tilespmem:v43+s5+$0x0] =	vst.idx.msk $0xffff, v1  }
0x6a8: {  	v24 =	vmul.f32 v32, v51;
	v54 =	vor.u32 s1, v13;
	v1 =	vunpack.i.l.bf16.f32 v46;
	[tilespmem:v45+s5+$0x0] =	vst.idx.msk $0xffff, v14  }
0x6a9: {  	v56 =	vor.u32 s16, v12;
	[tilespmem:v35+s5+$0x0] =	vst.idx.msk $0xffff, v23;
	v14 =	vunpack.i.u.bf16.f32 v46;
	v1 =	vmul.f32 v33, v1;
	v55 =	vld [tilespmem:s31+$0x30]  }
0x6aa: {  	v58 =	vor.u32 s16, v13;
	[tilespmem:v29+s5+$0x0] =	vst.idx.msk $0xffff, v24;
	v14 =	vmul.f32 v33, v14;
	v57 =	vunpack.i.l.bf16.f32 v18  }
0x6ab: {  	v60 =	vor.u32 s20, v12;
	[tilespmem:v34+s5+$0x0] =	vst.idx.msk $0xffff, v1;
	v1 =	vunpack.i.u.bf16.f32 v18;
	v59 =	vmul.f32 v47, v57  }
0x6ac: {  	v50 =	vperm.xlane v27, v11;
	[tilespmem:v15+s5+$0x0] =	vst.idx.msk $0xffff, v14;
	v14 =	vunpack.i.l.bf16.f32 v52;
	v1 =	vmul.f32 v47, v1  }
0x6ad: {  	v15 =	vor.u32 s20, v13;
	v61 =	vunpack.i.u.bf16.f32 v52;
	v14 =	vmul.f32 v22, v14;
	[tilespmem:v53+s5+$0x0] =	vst.idx.msk $0xffff, v59  }
0x6ae: {  	v16 =	vmul.f32 v22, v61;
	[tilespmem:v54+s5+$0x0] =	vst.idx.msk $0xffff, v1;
	v1 =	vunpack.i.l.bf16.f32 v55  }
0x6af: {  	v62 =	vunpack.i.u.bf16.f32 v55;
	[tilespmem:v56+s5+$0x0] =	vst.idx.msk $0xffff, v14;
	v1 =	vmul.f32 v50, v1  }
0x6b0: {  	v14 =	vmul.f32 v50, v62;
	[tilespmem:v58+s5+$0x0] =	vst.idx.msk $0xffff, v16  }
0x6b1: {  	[tilespmem:v60+s5+$0x0] =	vst.idx.msk $0xffff, v1  }
0x6b2: {  	[tilespmem:v15+s5+$0x0] =	vst.idx.msk $0xffff, v14  }
0x6b3: {  	v1 =	vld [tilespmem:$0x190]  }
0x6b4: {  	v14 =	vld [tilespmem:$0x1A0]  }
0x6b5: {  	v15 =	vld [tilespmem:$0x1B0]  }
0x6b6: {  	v16 =	vld [tilespmem:$0x1C0]  }
0x6b7: {  	v63 =	vld [tilespmem:$0x1D0]  }
0x6b8: {  	[tilespmem:$0x230] =	vst v1  }
0x6b9: {  	[tilespmem:$0x240] =	vst v14  }
0x6ba: {  	[tilespmem:$0x250] =	vst v15  }
0x6bb: {  	[tilespmem:$0x260] =	vst v16  }
0x6bc: {  	s25 =	rddreg [dreg:$0x2];
	s28 =	simm.s32 $0x230;
	[tilespmem:$0x270] =	vst v63  }
0x6bd: {  	[spmem:s25] =	stream.indirect.scatter.add.f32 [tilespmem:s5], [sflag:$0x4], $0x80, s28, s30, $0xb8;
	[tilespmem:$0x1F810] =	vst v63  }
0x6be: {  	s31 =	simm.s32 $0x9380  }
0x6bf: {  	[spmem:s4] =	stream.indirect.scatter.add.f32 [tilespmem:s31], [sflag:$0x4], $0x10, s28, s30, $0xb8;
	[tilespmem:$0x1F810] =	vst v63  }
0x6c0: {  	_ =	swait.ge [sflag:s12], $0x2800  }
0x6c1: {  	[sflag:s12] =	ssyncset.done $0x0  }
0x6c2: {  	[sflag:s12] =	ssyncadd.s32 $0xFFFFD800  }
0x6c3: {  	_ =	swait.ge [sflag:s12], $0x500  }
0x6c4: {  	[sflag:s12] =	ssyncset.done $0x0  }
0x6c5: {  	[sflag:s12] =	ssyncadd.s32 $0xFFFFFB00  }
0x6c6: {  	_ =	swait.ge [sflag:s14], $0x2800  }
0x6c7: {  	[sflag:s14] =	ssyncset.done $0x0  }
0x6c8: {  	[sflag:s14] =	ssyncadd.s32 $0xFFFFD800  }
.Ltmp10:
0x6c9: {  	_ =	swait.ge [sflag:s14], $0x500;
	(pc) =	sbr.rel .LBB2_18-.Ltmp10, $4  }
0x6ca: {  	[sflag:s14] =	ssyncset.done $0x0  }
0x6cb: {  	v51 =	vimm.s32 $0x4;
	v49 =	vimm.s32 $0x2;
	v48 =	vimm.s32 $0x1;
	[sflag:s14] =	ssyncadd.s32 $0xFFFFFB00  }
0x6cc: {  	s21 =	simm.s32 $0x7;
	v46 =	vimm.f32 $0.0e+00;
	v47 =	vimm.s32 $0x0;
	v52 =	vimm.s32 $0x5;
	[bflag:$0x0] =	sbarrier.arrive $0xFFFF  }
0x6cd: {  	s0 =	simm.s32 $0x0;
	s19 =	stileid.u32;
	v53 =	vimm.s32 $0x6;
	v54 =	vimm.s32 $0x7;
	v50 =	vimm.s32 $0x3;
	s20 =	rddreg [dreg:$0x13]  }
.LBB2_22:
0x6ce: {  	s0 =	sadd.s32 $0x1, s0  }
0x6cf: {  	p1 =	sne.s32 s0, $0x8  }
.Ltmp11:
0x6d0: {  	_ = 	snop;
	(pc) =	sbr.rel @!p1 .LBB2_23-.Ltmp11, $1  }
0x6d1: {  	_ =	sdelay $0x3  }
.LBB2_18:
0x6d2: {  	s1 =	sshll.u32 s0, $0x4  }
0x6d3: {  	s17 =	sor.u32 s19, s1  }
0x6d4: {  	p1 =	sgt.u32 s17, $0x7C  }
.Ltmp12:
0x6d5: {  	_ = 	snop;
	(pc) =	sbr.rel @p1 .LBB2_22-.Ltmp12, $1  }
0x6d6: {  	_ =	sdelay $0x3  }
0x6d7: {  	s1 =	smul.u32 $0xA000, s17;
	_ =	sdelay $0x1  }
0x6d8: {  	s3 =	rddreg [dreg:$0x2];
	s1 =	sshra.s32 s1, $0x2  }
0x6d9: {  	s28 =	smul.u32 $0x1400, s17;
	s1 =	sadd.s32 s1, s3  }
0x6da: {  	[tilespmem:s22], [sflag:$0x8] =	stream.linear.gather [spmem:s1], $0x2800, $0x38;
	[tilespmem:$0x1F810] =	vst v63  }
0x6db: {  	_ =	swait.ge [sflag:s23], $0x2800  }
0x6dc: {  	s1 =	sshra.s32 s28, $0x2;
	[sflag:s23] =	ssyncset.done $0x0  }
0x6dd: {  	s11 =	simm.s32 $0x7A80;
	s1 =	sadd.s32 s1, s4;
	[sflag:s23] =	ssyncadd.s32 $0xFFFFD800  }
0x6de: {  	[tilespmem:s11], [sflag:$0x8] =	stream.linear.gather [spmem:s1], $0x500, $0x38;
	[tilespmem:$0x1F810] =	vst v63  }
0x6df: {  	_ =	swait.ge [sflag:s23], $0x500  }
0x6e0: {  	[sflag:s23] =	ssyncset.done $0x0  }
0x6e1: {  	s31 =	simm.s32 $0x7A90;
	[sflag:s23] =	ssyncadd.s32 $0xFFFFFB00  }
0x6e2: {  	v1 =	vld [tilespmem:s31+$0x0]  }
0x6e3: {  	v14 =	vld [tilespmem:s31+$0xFFFFFFF0];
	_ =	sdelay $0x4  }
0x6e4: {  	vm0 =	veq.f32 v1, $0.0e+00;
	vm1 =	veq.f32 v14, $0.0e+00  }
0x6e5: {  	v1 =	vsel vm0, $0x3F800000, v1;
	v14 =	vsel vm1, $0x3F800000, v14  }
0x6e6: {  	v15 =	vperm.xlane v1, v48;
	v16 =	vperm.xlane v14, v48  }
0x6e7: {  	v17 =	vperm.xlane v14, v47;
	v38 =	vperm.xlane v14, v49  }
0x6e8: {  	v39 =	vperm.xlane v1, v49;
	(erf) = vrcp.f32 v15  }
0x6e9: {  	v15 =	vperm.xlane v14, v50;
	(erf) = vrcp.f32 v16  }
0x6ea: {  	v40 =	vperm.xlane v1, v50;
	(erf) = vrcp.f32 v17  }
0x6eb: {  	v41 =	vperm.xlane v1, v51;
	(erf) = vrcp.f32 v15  }
0x6ec: {  	v15 =	vperm.xlane v1, v47;
	(erf) = vrcp.f32 v38  }
0x6ed: {  	s11 =	simm.s32 $0x2B00;
	v43 =	vperm.xlane v14, v51;
	(erf) = vrcp.f32 v39  }
0x6ee: {  	v18 =	vld [tilespmem:s11+$0xFFFFFF90];
	(erf) = vrcp.f32 v15;
	v15 =	vperm.xlane v1, v52  }
0x6ef: {  	v21 =	vld [tilespmem:s11+$0x10];
	v19 =	vperm.xlane v1, v53;
	(erf) = vrcp.f32 v40  }
0x6f0: {  	v42 =	vld [tilespmem:s11+$0xFFFFFF80];
	v22 =	vperm.xlane v14, v53;
	(erf) = vrcp.f32 v41  }
0x6f1: {  	v1 =	vperm.xlane v1, v54;
	v20 =	vpop (erf);
	(erf) = vrcp.f32 v15  }
0x6f2: {  	v28 =	vld [tilespmem:s11+$0xFFFFFFB0];
	v24 =	vperm.xlane v14, v54;
	v15 =	vpop (erf);
	(erf) = vrcp.f32 v19  }
0x6f3: {  	v23 =	vld [tilespmem:s11+$0xFFFFFFA0];
	v14 =	vperm.xlane v14, v52;
	v44 =	vpop (erf);
	(erf) = vrcp.f32 v1  }
0x6f4: {  	v20 =	vmul.f32 v20, v21;
	v1 =	vld [tilespmem:s11+$0x0];
	v15 =	vmul.f32 v15, v18;
	v26 =	vpop (erf)  }
0x6f5: {  	v45 =	vld [tilespmem:s11+$0x40];
	v16 =	vmul.f32 v44, v42;
	(erf) = vrcp.f32 v43;
	v55 =	vpop (erf)  }
0x6f6: {  	v30 =	vld [tilespmem:s11+$0x60];
	v58 =	vmin.f32 v20, $0.0e+00;
	vm3 =	vgt.f32 v20, $0.0e+00;
	(erf) = vrcp.f32 v22;
	v27 =	vpop (erf)  }
0x6f7: {  	v21 =	vld [tilespmem:s11+$0x50];
	vm2 =	vgt.f32 v15, $0.0e+00;
	v17 =	vmul.f32 $1.442695020e+00, v58;
	v32 =	vmul.f32 v26, v28;
	v22 =	vpop (erf)  }
0x6f8: {  	v31 =	vld [tilespmem:s11+$0xFFFFFFE0];
	v56 =	vmin.f32 v16, $0.0e+00;
	(erf) = vrcp.f32 v14;
	v25 =	vmul.f32 v55, v23;
	v14 =	vpop (erf)  }
0x6f9: {  	v23 =	vmin.f32 v15, $0.0e+00;
	v18 =	vmul.f32 $1.442695020e+00, v56;
	v22 =	vmul.f32 v22, v1;
	v1 =	vld [tilespmem:s11+$0x20];
	v57 =	vpop (erf)  }
0x6fa: {  	v35 =	vld [tilespmem:s11+$0x70];
	vm1 =	vgt.f32 v16, $0.0e+00;
	(erf) = vrcp.f32 v24;
	v60 =	vmul.f32 $1.442695020e+00, v23;
	v59 =	vpop (erf)  }
0x6fb: {  	v33 =	vld [tilespmem:s11+$0x30];
	v63 =	vmin.f32 v32, $0.0e+00;
	(erf) = vpow2.f32 v18;
	v29 =	vmul.f32 v57, v45;
	v61 =	vpop (erf)  }
0x6fc: {  	v38 =	vld [tilespmem:s11+$0xFFFFFFC0];
	v23 =	vmul.f32 v59, v21;
	v21 =	vmin.f32 v22, $0.0e+00;
	v34 =	vpop (erf);
	(erf) = vpow2.f32 v60  }
0x6fd: {  	vm6 =	vgt.f32 v32, $0.0e+00;
	v24 =	vmul.f32 v61, v30;
	v21 =	vmul.f32 $1.442695020e+00, v21  }
0x6fe: {  	v37 =	vld [tilespmem:s11+$0xFFFFFFD0];
	v36 =	vmin.f32 v25, $0.0e+00;
	v62 =	vpop (erf);
	(erf) = vpow2.f32 v17;
	v26 =	vmul.f32 v27, v1  }
0x6ff: {  	v1 =	vmin.f32 v29, $0.0e+00;
	v30 =	vmul.f32 v34, v35;
	v17 =	vmul.f32 $1.442695020e+00, v63;
	v43 =	vpop (erf)  }
0x700: {  	v44 =	vld [tilespmem:s11+$0xFFFFFFF0];
	vm0 =	vgt.f32 v23, $0.0e+00;
	v1 =	vmul.f32 $1.442695020e+00, v1;
	v28 =	vmul.f32 v43, v31  }
0x701: {  	v31 =	vmul.f32 v14, v33;
	v45 =	vmin.f32 v26, $0.0e+00;
	v33 =	vmul.f32 v62, v38  }
0x702: {  	v14 =	vmin.f32 v24, $0.0e+00;
	v27 =	vpop (erf);
	v40 =	vmul.f32 $1.442695020e+00, v45;
	(erf) = vpow2.f32 v1  }
0x703: {  	v56 =	vmin.f32 v30, $0.0e+00;
	v27 =	vmul.f32 v27, v37;
	(erf) = vpow2.f32 v21  }
0x704: {  	v57 =	vmin.f32 v23, $0.0e+00;
	v55 =	vpop (erf);
	v38 =	vmul.f32 $1.442695020e+00, v14;
	v18 =	vmul.f32 $1.442695020e+00, v56  }
0x705: {  	v39 =	vmin.f32 v28, $0.0e+00;
	v35 =	vmul.f32 v55, v44;
	v1 =	vpop (erf);
	(erf) = vpow2.f32 v40  }
0x706: {  	v61 =	vmin.f32 v33, $0.0e+00;
	v60 =	vmul.f32 $1.442695020e+00, v39;
	v1 =	vadd.f32 $-1.000000000e+00, v1  }
0x707: {  	v21 =	vmin.f32 v27, $0.0e+00;
	v62 =	vmul.f32 $1.442695020e+00, v61;
	v39 =	vmul.f32 $1.442695020e+00, v57;
	v58 =	vpop (erf)  }
0x708: {  	v40 =	vmin.f32 v35, $0.0e+00;
	(erf) = vpow2.f32 v60;
	v1 =	vsel vm1, v16, v1;
	v14 =	vpop (erf)  }
0x709: {  	(erf) = vpow2.f32 v18;
	v59 =	vadd.f32 $-1.000000000e+00, v58;
	v14 =	vadd.f32 $-1.000000000e+00, v14  }
0x70a: {  	v63 =	vmul.f32 $1.442695020e+00, v21;
	vm1 =	vgt.f32 v22, $0.0e+00;
	(erf) = vpow2.f32 v62  }
0x70b: {  	[tilespmem:s11+$0xFFFFFF80] =	vst v1;
	v15 =	vsel vm2, v15, v59;
	vm2 =	vgt.f32 v27, $0.0e+00;
	v14 =	vsel vm3, v20, v14;
	v37 =	vpop (erf)  }
0x70c: {  	v20 =	vmin.f32 v31, $0.0e+00;
	vm3 =	vgt.f32 v25, $0.0e+00;
	[tilespmem:s11+$0xFFFFFF90] =	vst v15;
	(erf) = vpow2.f32 v17;
	v1 =	vpop (erf)  }
0x70d: {  	s13 =	simm.s32 $0x0;
	s16 =	simm.s32 $0x7AB0;
	s1 =	simm.s32 $0x2B00;
	[tilespmem:s11+$0x10] =	vst v14;
	(erf) = vpow2.f32 v63;
	v34 =	vadd.f32 $-1.000000000e+00, v1;
	v1 =	vmul.f32 $1.442695020e+00, v20  }
.LBB2_20:
0x70e: {  	v14 =	vld [tilespmem:s16+$0x0];
	s13 =	sadd.s32 $0x2, s13;
	v15 =	vmul.f32 $1.442695020e+00, v36;
	vm4 =	vgt.f32 v29, $0.0e+00;
	v16 =	vadd.f32 $-1.000000000e+00, v37;
	s11 =	sadd.s32 $0x100, s11;
	v17 =	vpop (erf)  }
0x70f: {  	v19 =	vmul.f32 $1.442695020e+00, v40;
	vm5 =	vgt.f32 v26, $0.0e+00;
	v18 =	vld [tilespmem:s16+$0xFFFFFFF0];
	p1 =	slt.u32 s13, $0x4E;
	(erf) = vpow2.f32 v1  }
0x710: {  	vm9 =	vgt.f32 v31, $0.0e+00;
	v29 =	vsel vm4, v29, v16;
	(erf) = vpow2.f32 v15  }
0x711: {  	vm8 =	vgt.f32 v33, $0.0e+00;
	vm7 =	vgt.f32 v30, $0.0e+00;
	v1 =	vpop (erf);
	(erf) = vpow2.f32 v38  }
0x712: {  	v15 =	vadd.f32 $-1.000000000e+00, v17;
	vm4 =	vgt.f32 v24, $0.0e+00;
	(erf) = vpow2.f32 v19  }
0x713: {  	vm11 =	vgt.f32 v35, $0.0e+00;
	vm10 =	veq.f32 v14, $0.0e+00;
	(erf) = vpow2.f32 v39;
	v16 =	vpop (erf)  }
0x714: {  	vm12 =	veq.f32 v18, $0.0e+00;
	v14 =	vsel vm10, $0x3F800000, v14;
	v16 =	vadd.f32 $-1.000000000e+00, v16;
	v17 =	vpop (erf)  }
0x715: {  	vm10 =	vgt.f32 v28, $0.0e+00;
	v18 =	vsel vm12, $0x3F800000, v18;
	v19 =	vperm.xlane v14, v48;
	v20 =	vpop (erf)  }
0x716: {  	v21 =	vperm.xlane v18, v47;
	v36 =	vperm.xlane v18, v48;
	v41 =	vadd.f32 $-1.000000000e+00, v20;
	v37 =	vpop (erf)  }
0x717: {  	v1 =	vadd.f32 $-1.000000000e+00, v1;
	v38 =	vperm.xlane v18, v49;
	v39 =	vperm.xlane v18, v50  }
0x718: {  	v40 =	vperm.xlane v18, v51;
	(erf) = vrcp.f32 v19;
	v19 =	vsel vm6, v32, v41;
	v20 =	vpop (erf)  }
0x719: {  	v32 =	vperm.xlane v14, v47;
	(erf) = vrcp.f32 v36;
	[tilespmem:s1+$0xFFFFFFB0] =	vst v19;
	v19 =	vadd.f32 $-1.000000000e+00, v20;
	v20 =	vpop (erf)  }
0x71a: {  	v36 =	vperm.xlane v14, v49;
	(erf) = vrcp.f32 v21;
	v20 =	vadd.f32 $-1.000000000e+00, v20;
	v21 =	vpop (erf)  }
0x71b: {  	v41 =	vperm.xlane v14, v50;
	(erf) = vrcp.f32 v39;
	v39 =	vadd.f32 $-1.000000000e+00, v37;
	v37 =	vpop (erf)  }
0x71c: {  	v42 =	vperm.xlane v14, v51;
	(erf) = vrcp.f32 v38;
	v37 =	vadd.f32 $-1.000000000e+00, v37;
	v38 =	vpop (erf)  }
0x71d: {  	v43 =	vperm.xlane v14, v52;
	v21 =	vadd.f32 $-1.000000000e+00, v21;
	(erf) = vrcp.f32 v36  }
0x71e: {  	v44 =	vperm.xlane v14, v53;
	v17 =	vadd.f32 $-1.000000000e+00, v17;
	v36 =	vld [tilespmem:s11+$0xFFFFFF90];
	(erf) = vrcp.f32 v32  }
0x71f: {  	v14 =	vperm.xlane v14, v54;
	v35 =	vsel vm11, v35, v37;
	v32 =	vld [tilespmem:s11+$0xFFFFFF80];
	(erf) = vrcp.f32 v41  }
0x720: {  	v37 =	vsel vm9, v31, v19;
	v41 =	vperm.xlane v18, v53;
	v45 =	vld [tilespmem:s11+$0x10];
	(erf) = vrcp.f32 v42;
	[tilespmem:s1+$0xFFFFFFF0] =	vst v35  }
0x721: {  	v33 =	vsel vm8, v33, v17;
	v35 =	vperm.xlane v18, v54;
	v31 =	vld [tilespmem:s11+$0xFFFFFFA0];
	v42 =	vpop (erf);
	(erf) = vrcp.f32 v43;
	[tilespmem:s1+$0x30] =	vst v37  }
0x722: {  	v16 =	vsel vm7, v30, v16;
	v18 =	vperm.xlane v18, v52;
	v19 =	vpop (erf);
	(erf) = vrcp.f32 v44;
	[tilespmem:s1+$0xFFFFFFC0] =	vst v33  }
0x723: {  	v1 =	vsel vm10, v28, v1;
	v37 =	vmul.f32 v19, v36;
	v17 =	vpop (erf);
	(erf) = vrcp.f32 v14  }
0x724: {  	v14 =	vmul.f32 v17, v32;
	v17 =	vld [tilespmem:s11+$0x0];
	v19 =	vpop (erf);
	(erf) = vrcp.f32 v40;
	[tilespmem:s1+$0xFFFFFFE0] =	vst v1;
	v1 =	vadd.f32 $-1.000000000e+00, v38  }
0x725: {  	v20 =	vsel vm3, v25, v20;
	v33 =	vsel vm1, v22, v34;
	v28 =	vld [tilespmem:s11+$0x40];
	v30 =	vpop (erf);
	(erf) = vrcp.f32 v41;
	[tilespmem:s1+$0x70] =	vst v16  }
0x726: {  	v15 =	vsel vm5, v26, v15;
	v34 =	vmul.f32 v42, v45;
	v16 =	vmin.f32 v14, $0.0e+00;
	v32 =	vld [tilespmem:s11+$0x50];
	v38 =	vpop (erf);
	[tilespmem:s1+$0xFFFFFFA0] =	vst v20  }
0x727: {  	v22 =	vsel vm2, v27, v39;
	v36 =	vmul.f32 $1.442695020e+00, v16;
	v20 =	vld [tilespmem:s11+$0xFFFFFFB0];
	(erf) = vrcp.f32 v18;
	v18 =	vpop (erf);
	[tilespmem:s1+$0x20] =	vst v15  }
0x728: {  	v15 =	vmin.f32 v37, $0.0e+00;
	v26 =	vmin.f32 v34, $0.0e+00;
	v27 =	vld [tilespmem:s11+$0x60];
	(erf) = vrcp.f32 v35;
	v35 =	vpop (erf);
	[tilespmem:s1+$0xFFFFFFD0] =	vst v22  }
0x729: {  	v25 =	vmul.f32 v30, v31;
	v1 =	vsel vm0, v23, v1;
	v22 =	vmul.f32 v18, v17;
	v17 =	vld [tilespmem:s11+$0x30];
	v18 =	vpop (erf);
	[tilespmem:s1+$0x40] =	vst v29  }
0x72a: {  	v30 =	vld [tilespmem:s11+$0x20];
	v29 =	vmul.f32 v18, v28;
	(erf) = vpow2.f32 v36;
	v16 =	vpop (erf);
	[tilespmem:s1+$0x50] =	vst v1;
	v1 =	vsel vm4, v24, v21  }
0x72b: {  	vm2 =	vgt.f32 v37, $0.0e+00;
	v21 =	vmul.f32 $1.442695020e+00, v15;
	v18 =	vld [tilespmem:s11+$0xFFFFFFE0];
	v23 =	vmul.f32 v16, v32;
	v16 =	vpop (erf);
	[tilespmem:s1+$0x60] =	vst v1  }
0x72c: {  	v1 =	vmin.f32 v22, $0.0e+00;
	v32 =	vmul.f32 v19, v20;
	v19 =	vmul.f32 $1.442695020e+00, v26;
	v20 =	vpop (erf);
	[tilespmem:s1+$0x0] =	vst v33;
	s1 =	smov.u32 s11  }
0x72d: {  	vm0 =	vgt.f32 v23, $0.0e+00;
	v24 =	vmul.f32 v16, v27;
	v16 =	vld [tilespmem:s11+$0x70];
	(erf) = vpow2.f32 v21;
	v15 =	vpop (erf)  }
0x72e: {  	v36 =	vmin.f32 v25, $0.0e+00;
	v21 =	vmin.f32 v32, $0.0e+00;
	v27 =	vpop (erf);
	(erf) = vpow2.f32 v19  }
0x72f: {  	vm3 =	vgt.f32 v34, $0.0e+00;
	v19 =	vld [tilespmem:s11+$0xFFFFFFD0];
	v26 =	vmul.f32 v38, v30;
	v30 =	vmin.f32 v29, $0.0e+00  }
0x730: {  	v31 =	vmul.f32 v35, v17;
	v17 =	vmin.f32 v24, $0.0e+00;
	v33 =	vld [tilespmem:s11+$0xFFFFFFC0];
	v28 =	vmul.f32 v27, v18;
	v18 =	vpop (erf)  }
0x731: {  	v38 =	vmul.f32 $1.442695020e+00, v30;
	v35 =	vld [tilespmem:s11+$0xFFFFFFF0];
	v27 =	vmin.f32 v26, $0.0e+00;
	v39 =	vpop (erf)  }
0x732: {  	v1 =	vmul.f32 $1.442695020e+00, v1;
	v40 =	vmin.f32 v28, $0.0e+00;
	v30 =	vmul.f32 v20, v16  }
0x733: {  	vm1 =	vgt.f32 v14, $0.0e+00;
	v16 =	vmul.f32 $1.442695020e+00, v27;
	v20 =	vpop (erf);
	(erf) = vpow2.f32 v38  }
0x734: {  	v27 =	vmul.f32 v18, v19;
	(erf) = vpow2.f32 v1  }
0x735: {  	v1 =	vadd.f32 $-1.000000000e+00, v20;
	v33 =	vmul.f32 v15, v33;
	v15 =	vmin.f32 v30, $0.0e+00  }
0x736: {  	v19 =	vmin.f32 v23, $0.0e+00;
	v18 =	vmin.f32 v27, $0.0e+00;
	v35 =	vmul.f32 v39, v35;
	v20 =	vpop (erf)  }
0x737: {  	v38 =	vmul.f32 $1.442695020e+00, v17;
	v1 =	vsel vm1, v14, v1;
	v14 =	vpop (erf);
	(erf) = vpow2.f32 v16  }
0x738: {  	v16 =	vmul.f32 $1.442695020e+00, v40;
	[tilespmem:s11+$0xFFFFFF80] =	vst v1;
	v1 =	vadd.f32 $-1.000000000e+00, v20;
	v14 =	vadd.f32 $-1.000000000e+00, v14  }
0x739: {  	vm1 =	vgt.f32 v22, $0.0e+00;
	v15 =	vmul.f32 $1.442695020e+00, v15;
	v17 =	vmin.f32 v33, $0.0e+00  }
0x73a: {  	v1 =	vsel vm2, v37, v1;
	v14 =	vsel vm3, v34, v14;
	(erf) = vpow2.f32 v16  }
.Ltmp13:
0x73b: {  	v20 =	vmul.f32 $1.442695020e+00, v17;
	v40 =	vmin.f32 v35, $0.0e+00;
	v16 =	vmin.f32 v31, $0.0e+00;
	[tilespmem:s11+$0xFFFFFF90] =	vst v1;
	(pc) =	sbr.rel @p1 .LBB2_20-.Ltmp13, $4  }
0x73c: {  	vm6 =	vgt.f32 v32, $0.0e+00;
	v17 =	vmul.f32 $1.442695020e+00, v21;
	[tilespmem:s11+$0x10] =	vst v14;
	v37 =	vpop (erf);
	(erf) = vpow2.f32 v15  }
0x73d: {  	vm3 =	vgt.f32 v25, $0.0e+00;
	v14 =	vmul.f32 $1.442695020e+00, v18;
	(erf) = vpow2.f32 v20;
	v1 =	vpop (erf)  }
0x73e: {  	v39 =	vmul.f32 $1.442695020e+00, v19;
	v34 =	vadd.f32 $-1.000000000e+00, v1;
	(erf) = vpow2.f32 v17  }
0x73f: {  	s16 =	sadd.s32 $0x20, s16;
	vm2 =	vgt.f32 v27, $0.0e+00;
	v1 =	vmul.f32 $1.442695020e+00, v16;
	(erf) = vpow2.f32 v14  }
0x740: {  	v14 =	vmul.f32 $1.442695020e+00, v36  }
0x741: {  	(erf) = vpow2.f32 v1;
	v1 =	vmul.f32 $1.442695020e+00, v40;
	_ =	sdelay $0x1  }
0x742: {  	(erf) = vpow2.f32 v14  }
0x743: {  	(erf) = vpow2.f32 v38;
	v14 =	vpop (erf)  }
0x744: {  	(erf) = vpow2.f32 v1;
	v1 =	vpop (erf);
	v14 =	vadd.f32 $-1.000000000e+00, v14  }
0x745: {  	vm13 =	vgt.f32 v26, $0.0e+00;
	(erf) = vpow2.f32 v39;
	v15 =	vpop (erf);
	v1 =	vadd.f32 $-1.000000000e+00, v1  }
0x746: {  	vm11 =	vgt.f32 v28, $0.0e+00;
	v16 =	vpop (erf);
	v15 =	vadd.f32 $-1.000000000e+00, v15;
	v14 =	vsel vm13, v26, v14  }
0x747: {  	vm12 =	vgt.f32 v30, $0.0e+00;
	v17 =	vpop (erf);
	v16 =	vadd.f32 $-1.000000000e+00, v16;
	v1 =	vsel vm11, v28, v1;
	[tilespmem:s1+$0x20] =	vst v14  }
0x748: {  	vm10 =	vgt.f32 v33, $0.0e+00;
	v18 =	vpop (erf);
	v17 =	vadd.f32 $-1.000000000e+00, v17;
	v15 =	vsel vm12, v30, v15;
	[tilespmem:s1+$0xFFFFFFE0] =	vst v1  }
0x749: {  	v16 =	vsel vm10, v33, v16;
	v1 =	vadd.f32 $-1.000000000e+00, v18;
	[tilespmem:s1+$0x70] =	vst v15  }
0x74a: {  	v19 =	vpop (erf);
	v15 =	vadd.f32 $-1.000000000e+00, v37;
	v17 =	vsel vm6, v32, v17;
	[tilespmem:s1+$0xFFFFFFC0] =	vst v16  }
0x74b: {  	vm14 =	vgt.f32 v29, $0.0e+00;
	v20 =	vpop (erf);
	v19 =	vadd.f32 $-1.000000000e+00, v19;
	[tilespmem:s1+$0xFFFFFFB0] =	vst v17;
	v1 =	vsel vm2, v27, v1  }
0x74c: {  	vm5 =	vgt.f32 v31, $0.0e+00;
	v21 =	vpop (erf);
	v14 =	vsel vm14, v29, v15;
	[tilespmem:s1+$0xFFFFFFD0] =	vst v1  }
0x74d: {  	v60 =	vadd.f32 $-1.000000000e+00, v20;
	v57 =	vpop (erf);
	v59 =	vsel vm5, v31, v19;
	[tilespmem:s1+$0x40] =	vst v14  }
0x74e: {  	v14 =	vsel vm1, v22, v34;
	v36 =	vadd.f32 $-1.000000000e+00, v57;
	[tilespmem:s1+$0x30] =	vst v59;
	v62 =	vpop (erf)  }
0x74f: {  	vm4 =	vgt.f32 v35, $0.0e+00;
	v61 =	vsel vm3, v25, v60;
	[tilespmem:s1+$0x0] =	vst v14;
	v63 =	vadd.f32 $-1.000000000e+00, v62  }
0x750: {  	v15 =	vadd.f32 $-1.000000000e+00, v21;
	[tilespmem:s1+$0xFFFFFFA0] =	vst v61;
	v58 =	vsel vm4, v35, v36  }
0x751: {  	vm15 =	vgt.f32 v24, $0.0e+00;
	s11 =	smul.u32 $0x500, s17;
	[tilespmem:s1+$0xFFFFFFF0] =	vst v58;
	v1 =	vsel vm0, v23, v63  }
0x752: {  	[tilespmem:s1+$0x50] =	vst v1;
	v1 =	vsel vm15, v24, v15  }
.Ltmp14:
0x753: {  	s31 =	sadd.s32 s20, s11;
	[tilespmem:s1+$0x60] =	vst v1;
	(pc) =	sbr.rel .LBB2_22-.Ltmp14, $4  }
0x754: {  	[hbm4b:s31+s6] =	stream.linear.scatter [tilespmem:s22], [sflag:$0x7], $0x2800, $0x38;
	[tilespmem:$0x1F810] =	vst v63  }
0x755: {  	_ =	swait.ge [sflag:s21], $0x2800  }
0x756: {  	[sflag:s21] =	ssyncset.done $0x0  }
0x757: {  	[sflag:s21] =	ssyncadd.s32 $0xFFFFD800  }
.LBB2_24:
0x758: {  	_ =	sfence.sel $0x180000  }
0x759: {  	[bflag:$0x0] =	sbarrier.arrive $0xFFFF  }
0x75a: {  	_ =	strace $0x90000047  }
0x75b: {  	[bflag:$0x2] =	sbarrier.arrive $0xFFFF  }
0x75c: {  	p0 =	sne.s32 s19, $0x0;
	s0 =	rddreg [dreg:$0x4]  }
0x75d: {  	s0 =	sadd.s32 @!p0 $0x100000, s0  }
0x75e: {  	[sflag:s0] =	ssyncadd.tile.s32 @!p0 $0x1;
	_ =	shalt  }
.Lfunc_end2:
_tile_overlayer_lowered:
.L_overlay_start_2:
0x75f: {  	(tag) =	ssettag $0x2  }
0x760: {  	s0 =	rddreg [dreg:$0x0];
	s2 =	stileid.u32  }
0x761: {  	s1 =	rddreg [dreg:$0x1];
	p0 =	sne.s32 s2, $0x0  }
0x762: {  	s3 =	rddreg [dreg:$0x2];
	[bflag:$0x3] =	sbarrier.arrive $0xFFFF;
	s2 =	simm.s32 @!p0 $0x1C07  }
0x763: {  	[timem:s3], [sflag:s2] =	dma.local @!p0 [hbm:s0], s1  }
0x764: {  	s0 =	simm.s32 @!p0 $0x7  }
0x765: {  	_ =	swait.ge @!p0 [sflag:s0], s1  }
0x766: {  	s1 =	ssub.s32 @!p0 $0x0, s1;
	[sflag:s0] =	ssyncset.done @!p0 $0x0  }
0x767: {  	[sflag:s0] =	ssyncadd.s32 @!p0 s1  }
0x768: {  	[bflag:$0x3] =	sbarrier.arrive $0xFFFF  }
0x769: {  	_ =	shalt  }

</sc_bundles>
